<compile_context>
chip_gen: v7x
topology: tpu7x:2x2x1
jax: 0.10.2.dev20260603
libtpu: 0.0.44.dev20260713+nightly
codegen_flags: <defaults>
</compile_context>

<pallas_src>
import jax
import jax.numpy as jnp
from jax import lax
from jax.experimental import pallas as pl
from jax.experimental.pallas import tpu as pltpu
from jax.experimental.pallas import tpu_sc as plsc

N = 10000
E = 320000
D = 128
HID = 256

NC, NS = 2, 16
NW = NC * NS
EPW = E // NW
CH = 80
NCH = EPW // CH
NP = 10240
RPT = NP // NS

_SC_PARAMS = pltpu.CompilerParams(use_tc_tiling_on_sc=False)

_MESH = plsc.VectorSubcoreMesh(
    core_axis_name="c", subcore_axis_name="s", num_cores=NC, num_subcores=NS
)


_SL = 4
_LAG = 2


def _sums_body(table, edges, zrow, sums_out, acc, idx, rows, *sems):
    gsem, ssem = sems[:_SL], sems[_SL:]
    c = lax.axis_index("c")
    s = lax.axis_index("s")
    wid = c * NS + s
    rbase = s * RPT
    pltpu.sync_copy(zrow, acc.at[pl.ds(rbase, RPT)])
    plsc.subcore_barrier()

    ebase = wid * EPW

    def fire_gather(slot, j):
        pltpu.sync_copy(edges.at[:, pl.ds(ebase + j * CH, CH)], idx.at[slot])
        pltpu.async_copy(table.at[idx.at[slot, 0]], rows.at[slot], gsem[slot])

    def wait_gather(slot):
        pltpu.make_async_copy(table.at[idx.at[slot, 0]], rows.at[slot],
                              gsem[slot]).wait()

    def fire_scatter(slot):
        pltpu.async_copy(rows.at[slot], acc.at[idx.at[slot, 1]], ssem[slot],
                         add=True)

    def wait_scatter(slot):
        pltpu.make_async_copy(rows.at[slot], acc.at[idx.at[slot, 1]],
                              ssem[slot]).wait()

    def step(jg, k, reclaim, scatter):
        if reclaim:
            wait_scatter(k)
        fire_gather(k, jg)
        if scatter:
            k2 = (k - _LAG) % _SL
            wait_gather(k2)
            fire_scatter(k2)

    for j in range(_SL):
        step(j, j, False, j >= _LAG)

    def body(i, carry):
        jbase = _SL + _SL * i
        for k in range(_SL):
            step(jbase + k, k, True, True)
        return carry

    lax.fori_loop(0, NCH // _SL - 1, body, 0)

    for jg in range(_SL * (NCH // _SL), NCH):
        step(jg, jg % _SL, True, True)
    for m in range(NCH - _LAG, NCH):
        k2 = m % _SL
        wait_gather(k2)
        fire_scatter(k2)
    for k in range(_SL):
        wait_scatter(k)

    plsc.subcore_barrier()
    obase = c * NP + rbase
    pltpu.sync_copy(acc.at[pl.ds(rbase, RPT)], sums_out.at[pl.ds(obase, RPT)])


_sc_sums = pl.kernel(
    _sums_body,
    out_type=jax.ShapeDtypeStruct((NC * NP, D), jnp.float32),
    mesh=_MESH,
    scratch_types=[
        pltpu.VMEM_SHARED((NP, D), jnp.float32),
        pltpu.VMEM((_SL, 2, CH), jnp.int32),
        pltpu.VMEM((_SL, CH, D), jnp.float32),
    ] + [pltpu.SemaphoreType.DMA] * (2 * _SL),
    compiler_params=_SC_PARAMS,
)


def _cnts_body(edges, zcnt, ones_h, cnts_out, cacc, didx, ones_v, *ssem):
    c = lax.axis_index("c")
    s = lax.axis_index("s")
    wid = c * NS + s
    rbase = s * RPT
    pltpu.sync_copy(zcnt, cacc.at[pl.ds(rbase, RPT)])
    pltpu.sync_copy(ones_h, ones_v)
    plsc.subcore_barrier()

    ebase = wid * EPW

    isem, ssem = ssem[:_SL], ssem[_SL:]

    def fire_iload(k, j):
        pltpu.async_copy(edges.at[1, pl.ds(ebase + j * CH, CH)], didx.at[k],
                         isem[k])

    def step(j, k, reclaim, scatter):
        if reclaim:
            pltpu.make_async_copy(ones_v, cacc.at[didx.at[k]], ssem[k]).wait()
        fire_iload(k, j)
        if scatter:
            k2 = (k - _LAG) % _SL
            pltpu.make_async_copy(edges.at[1, pl.ds(0, CH)], didx.at[k2],
                                  isem[k2]).wait()
            pltpu.async_copy(ones_v, cacc.at[didx.at[k2]], ssem[k2], add=True)

    for j in range(_SL):
        step(j, j, False, j >= _LAG)

    def body(i, carry):
        jbase = _SL + _SL * i
        for k in range(_SL):
            step(jbase + k, k, True, True)
        return carry

    lax.fori_loop(0, NCH // _SL - 1, body, 0)
    for jg in range(_SL * (NCH // _SL), NCH):
        step(jg, jg % _SL, True, True)
    for m in range(NCH - _LAG, NCH):
        k2 = m % _SL
        pltpu.make_async_copy(edges.at[1, pl.ds(0, CH)], didx.at[k2],
                              isem[k2]).wait()
        pltpu.async_copy(ones_v, cacc.at[didx.at[k2]], ssem[k2], add=True)
    for k in range(_SL):
        pltpu.make_async_copy(ones_v, cacc.at[didx.at[k]], ssem[k]).wait()

    plsc.subcore_barrier()
    obase = c * NP + rbase
    pltpu.sync_copy(cacc.at[pl.ds(rbase, RPT)], cnts_out.at[pl.ds(obase, RPT)])


_sc_cnts = pl.kernel(
    _cnts_body,
    out_type=jax.ShapeDtypeStruct((NC * NP, 16), jnp.float32),
    mesh=_MESH,
    scratch_types=[
        pltpu.VMEM_SHARED((NP, 16), jnp.float32),
        pltpu.VMEM((_SL, CH), jnp.int32),
        pltpu.VMEM((CH, 16), jnp.float32),
    ] + [pltpu.SemaphoreType.DMA] * (2 * _SL),
    compiler_params=_SC_PARAMS,
)



_R = 400


def _tc1_body(x, sums, cnts, w1l, b1, w1r, w2l, h_out, t_out):
    cnt = cnts[0] + cnts[1]
    deg = jnp.maximum(cnt[:, 0:1], 1.0)
    agg = (sums[0] + sums[1]) / deg
    h = agg @ w1l[...] + x[...] @ w1r[...] + b1[...]
    h = jnp.maximum(h, 0.0)
    h_out[...] = h
    t_out[...] = h @ w2l[...]


def _tc2_body(h, sums, cnts, w2r, b2, out):
    cnt = cnts[0] + cnts[1]
    deg = jnp.maximum(cnt[:, 0:1], 1.0)
    agg = (sums[0] + sums[1]) / deg
    out[...] = agg + h[...] @ w2r[...] + b2[...]


_tc1 = pl.pallas_call(
    _tc1_body,
    grid=(N // _R,),
    in_specs=[
        pl.BlockSpec((_R, D), lambda i: (i, 0)),
        pl.BlockSpec((NC, _R, D), lambda i: (0, i, 0)),
        pl.BlockSpec((NC, _R, 16), lambda i: (0, i, 0)),
        pl.BlockSpec((D, HID), lambda i: (0, 0)),
        pl.BlockSpec((1, HID), lambda i: (0, 0)),
        pl.BlockSpec((D, HID), lambda i: (0, 0)),
        pl.BlockSpec((HID, D), lambda i: (0, 0)),
    ],
    out_specs=[
        pl.BlockSpec((_R, HID), lambda i: (i, 0)),
        pl.BlockSpec((_R, D), lambda i: (i, 0)),
    ],
    out_shape=[
        jax.ShapeDtypeStruct((N, HID), jnp.float32),
        jax.ShapeDtypeStruct((N, D), jnp.float32),
    ],
)

_tc2 = pl.pallas_call(
    _tc2_body,
    grid=(N // _R,),
    in_specs=[
        pl.BlockSpec((_R, HID), lambda i: (i, 0)),
        pl.BlockSpec((NC, _R, D), lambda i: (0, i, 0)),
        pl.BlockSpec((NC, _R, 16), lambda i: (0, i, 0)),
        pl.BlockSpec((HID, D), lambda i: (0, 0)),
        pl.BlockSpec((1, D), lambda i: (0, 0)),
    ],
    out_specs=pl.BlockSpec((_R, D), lambda i: (i, 0)),
    out_shape=jax.ShapeDtypeStruct((N, D), jnp.float32),
)


def kernel(x, edge_index, W1_l, b1, W1_r, W2_l, b2, W2_r):
    zrow = jnp.zeros((RPT, D), jnp.float32)
    zcnt = jnp.zeros((RPT, 16), jnp.float32)
    ones_h = jnp.ones((CH, 16), jnp.float32)

    sums1 = _sc_sums(x, edge_index, zrow).reshape(NC, NP, D)
    cnts = _sc_cnts(edge_index, zcnt, ones_h).reshape(NC, NP, 16)

    h, t = _tc1(x, sums1, cnts, W1_l.T, b1.reshape(1, HID), W1_r.T, W2_l.T)

    sums2 = _sc_sums(t, edge_index, zrow).reshape(NC, NP, D)

    out = _tc2(h, sums2, cnts, W2_r.T, b2.reshape(1, D))
    return out

# --- scband reference (transcript-rebuilt; emitter-appended) ---
"""Pipeline reference for scband-unsup-sage-69844758167861 (READ-ONLY COPY).

The authoritative reference and input builder live on the scoring server;
editing this copy changes nothing except your own understanding.
"""

import jax, jax.numpy as jnp
import numpy as np

N = 10000
E = 320000
IN_DIM = 128
HID_DIM = 256
OUT_DIM = 128


def setup_inputs(seed: int = 0) -> dict:
    key = jax.random.key(seed)
    ks = jax.random.split(key, 8)
    x = jax.random.normal(ks[0], (N, IN_DIM), dtype=jnp.float32)
    edge_index = jax.random.randint(ks[1], (2, E), 0, N, dtype=jnp.int32)
    # SAGEConv layer 1 params (lin_l has bias, lin_r no bias, per PyG defaults)
    W1_l = jax.random.normal(ks[2], (HID_DIM, IN_DIM), dtype=jnp.float32) * (1.0 / np.sqrt(IN_DIM))
    b1 = jnp.zeros((HID_DIM,), dtype=jnp.float32)
    W1_r = jax.random.normal(ks[3], (HID_DIM, IN_DIM), dtype=jnp.float32) * (1.0 / np.sqrt(IN_DIM))
    # SAGEConv layer 2 params
    W2_l = jax.random.normal(ks[4], (OUT_DIM, HID_DIM), dtype=jnp.float32) * (1.0 / np.sqrt(HID_DIM))
    b2 = jnp.zeros((OUT_DIM,), dtype=jnp.float32)
    W2_r = jax.random.normal(ks[5], (OUT_DIM, HID_DIM), dtype=jnp.float32) * (1.0 / np.sqrt(HID_DIM))
    return {"x": x, "edge_index": edge_index, "W1_l": W1_l, "b1": b1, "W1_r": W1_r,
            "W2_l": W2_l, "b2": b2, "W2_r": W2_r}


def _sage_conv(x, edge_index, W_l, b_l, W_r):
    # PyG SAGEConv: out = lin_l(mean_{j in N(i)} x_j) + lin_r(x_i)
    src = edge_index[0]
    dst = edge_index[1]
    msg = jnp.take(x, src, axis=0)                      # gather: [E, d]
    agg = jax.ops.segment_sum(msg, dst, num_segments=N)  # scatter-add
    cnt = jax.ops.segment_sum(jnp.ones((edge_index.shape[1],), x.dtype), dst, num_segments=N)
    agg = agg / jnp.clip(cnt, 1.0)[:, None]              # mean aggregation
    return agg @ W_l.T + b_l + x @ W_r.T


def reference(x, edge_index, W1_l, b1, W1_r, W2_l, b2, W2_r):
    # encode(): conv1 -> relu -> conv2
    h = _sage_conv(x, edge_index, W1_l, b1, W1_r)
    h = jax.nn.relu(h)
    out = _sage_conv(h, edge_index, W2_l, b2, W2_r)
    return out

if __name__ == "__main__":
    import jax
    _d = setup_inputs()
    print(jax.jit(kernel)(*tuple(_d.values())))

</pallas_src>

<mosaic_0001>
#map = affine_map<(d0, d1) -> (0, 0)>
module attributes {stable_mosaic.version = 14 : i64} {
  func.func @_sums_body(%arg0: i32, %arg1: i32, %arg2: memref<10000x128xf32, #tpu.memory_space<hbm>>, %arg3: memref<2x320000xi32, #tpu.memory_space<hbm>>, %arg4: memref<640x128xf32, #tpu.memory_space<hbm>>, %arg5: memref<20480x128xf32, #tpu.memory_space<hbm>>, %arg6: memref<10240x128xf32, #tpu.memory_space<vmem_shared>>, %arg7: memref<4x2x80xi32, #tpu.memory_space<vmem>>, %arg8: memref<4x80x128xf32, #tpu.memory_space<vmem>>, %arg9: memref<!tpu.dma_semaphore, #tpu.memory_space<semaphore_mem>>, %arg10: memref<!tpu.dma_semaphore, #tpu.memory_space<semaphore_mem>>, %arg11: memref<!tpu.dma_semaphore, #tpu.memory_space<semaphore_mem>>, %arg12: memref<!tpu.dma_semaphore, #tpu.memory_space<semaphore_mem>>, %arg13: memref<!tpu.dma_semaphore, #tpu.memory_space<semaphore_mem>>, %arg14: memref<!tpu.dma_semaphore, #tpu.memory_space<semaphore_mem>>, %arg15: memref<!tpu.dma_semaphore, #tpu.memory_space<semaphore_mem>>, %arg16: memref<!tpu.dma_semaphore, #tpu.memory_space<semaphore_mem>>) attributes {dimension_semantics = [#tpu.dimension_semantics<core_parallel>, #tpu.dimension_semantics<subcore_parallel>], iteration_bounds = array<i64: 2, 16>, scalar_prefetch = 0 : i64, scratch_operands = 11 : i64, tpu.core_type = #tpu.core_type<sc_vector_subcore>, window_params = [{transform_indices = #map}, {transform_indices = #map}, {transform_indices = #map}, {transform_indices = #map}]} {
    %mul3A = arith.constant 16 : i32
    %mul3A_0 = arith.muli %arg0, %mul3A : i32
    %add3A = arith.addi %mul3A_0, %arg1 : i32
    %mul3A_1 = arith.constant 640 : i32
    %mul3A_2 = arith.muli %arg1, %mul3A_1 : i32
    "tpu.region"() ({
      %run_scoped3A_286 = tpu.sem_alloc : memref<!tpu.dma_semaphore, #tpu.memory_space<semaphore_mem>>
      %dma_start3A_287 = arith.constant 0 : i32
      %dma_start3A_288 = tpu.memref_slice %arg6[%mul3A_2, %dma_start3A_287] : memref<10240x128xf32, #tpu.memory_space<vmem_shared>> -> memref<640x128xf32, #tpu.memory_space<vmem_shared>>
      tpu.enqueue_dma source(%arg4 : memref<640x128xf32, #tpu.memory_space<hbm>>) target(%dma_start3A_288 : memref<640x128xf32, #tpu.memory_space<vmem_shared>>) target_semaphore(%run_scoped3A_286 : memref<!tpu.dma_semaphore, #tpu.memory_space<semaphore_mem>>)
      %dma_wait3A_289 = arith.constant 0 : i32
      %dma_wait3A_290 = tpu.memref_slice %arg6[%mul3A_2, %dma_wait3A_289] : memref<10240x128xf32, #tpu.memory_space<vmem_shared>> -> memref<640x128xf32, #tpu.memory_space<vmem_shared>>
      tpu.wait_dma2 semaphore(%run_scoped3A_286 : memref<!tpu.dma_semaphore, #tpu.memory_space<semaphore_mem>>) src(%arg4 : memref<640x128xf32, #tpu.memory_space<hbm>>) dst(%dma_wait3A_290 : memref<640x128xf32, #tpu.memory_space<vmem_shared>>)
      tpu.yield
    }) : () -> ()
    %barrier3A = arith.constant 0 : index
    tpu.barrier barrier_id(%barrier3A)
    %mul3A_3 = arith.constant 10000 : i32
    %mul3A_4 = arith.muli %add3A, %mul3A_3 : i32
    %add3A_5 = arith.constant 0 : i32
    %add3A_6 = arith.addi %mul3A_4, %add3A_5 : i32
    %run_scoped3A = arith.constant 0 : i32
    "tpu.region"() ({
      %run_scoped3A_286 = tpu.sem_alloc : memref<!tpu.dma_semaphore, #tpu.memory_space<semaphore_mem>>
      %dma_start3A_287 = arith.constant 0 : i32
      %dma_start3A_288 = arith.constant 0 : i32
      %dma_start3A_289 = tpu.memref_slice %arg7[%run_scoped3A, %dma_start3A_287, %dma_start3A_288] : memref<4x2x80xi32, #tpu.memory_space<vmem>> -> memref<1x2x80xi32, #tpu.memory_space<vmem>>
      %dma_start3A_290 = tpu.memref_squeeze %dma_start3A_289 : memref<1x2x80xi32, #tpu.memory_space<vmem>> -> memref<2x80xi32, #tpu.memory_space<vmem>>
      %dma_start3A_291 = arith.constant 0 : i32
      %dma_start3A_292 = tpu.memref_slice %arg3[%dma_start3A_291, %add3A_6] : memref<2x320000xi32, #tpu.memory_space<hbm>> -> memref<2x80xi32, #tpu.memory_space<hbm>>
      %dma_start3A_293 = arith.constant 0 : i32
      %dma_start3A_294 = arith.constant 0 : i32
      %dma_start3A_295 = tpu.memref_slice %arg7[%run_scoped3A, %dma_start3A_293, %dma_start3A_294] : memref<4x2x80xi32, #tpu.memory_space<vmem>> -> memref<1x2x80xi32, #tpu.memory_space<vmem>>
      %dma_start3A_296 = tpu.memref_squeeze %dma_start3A_295 : memref<1x2x80xi32, #tpu.memory_space<vmem>> -> memref<2x80xi32, #tpu.memory_space<vmem>>
      %dma_start3A_297 = arith.constant 0 : i32
      %dma_start3A_298 = tpu.memref_slice %arg3[%dma_start3A_297, %add3A_6] : memref<2x320000xi32, #tpu.memory_space<hbm>> -> memref<2x80xi32, #tpu.memory_space<hbm>>
      tpu.enqueue_dma source(%dma_start3A_298 : memref<2x80xi32, #tpu.memory_space<hbm>>) target(%dma_start3A_296 : memref<2x80xi32, #tpu.memory_space<vmem>>) target_semaphore(%run_scoped3A_286 : memref<!tpu.dma_semaphore, #tpu.memory_space<semaphore_mem>>)
      %dma_wait3A_299 = arith.constant 0 : i32
      %dma_wait3A_300 = arith.constant 0 : i32
      %dma_wait3A_301 = tpu.memref_slice %arg7[%run_scoped3A, %dma_wait3A_299, %dma_wait3A_300] : memref<4x2x80xi32, #tpu.memory_space<vmem>> -> memref<1x2x80xi32, #tpu.memory_space<vmem>>
      %dma_wait3A_302 = tpu.memref_squeeze %dma_wait3A_301 : memref<1x2x80xi32, #tpu.memory_space<vmem>> -> memref<2x80xi32, #tpu.memory_space<vmem>>
      %dma_wait3A_303 = arith.constant 0 : i32
      %dma_wait3A_304 = tpu.memref_slice %arg3[%dma_wait3A_303, %add3A_6] : memref<2x320000xi32, #tpu.memory_space<hbm>> -> memref<2x80xi32, #tpu.memory_space<hbm>>
      %dma_wait3A_305 = arith.constant 0 : i32
      %dma_wait3A_306 = arith.constant 0 : i32
      %dma_wait3A_307 = tpu.memref_slice %arg7[%run_scoped3A, %dma_wait3A_305, %dma_wait3A_306] : memref<4x2x80xi32, #tpu.memory_space<vmem>> -> memref<1x2x80xi32, #tpu.memory_space<vmem>>
      %dma_wait3A_308 = tpu.memref_squeeze %dma_wait3A_307 : memref<1x2x80xi32, #tpu.memory_space<vmem>> -> memref<2x80xi32, #tpu.memory_space<vmem>>
      %dma_wait3A_309 = arith.constant 0 : i32
      %dma_wait3A_310 = tpu.memref_slice %arg3[%dma_wait3A_309, %add3A_6] : memref<2x320000xi32, #tpu.memory_space<hbm>> -> memref<2x80xi32, #tpu.memory_space<hbm>>
      tpu.wait_dma2 semaphore(%run_scoped3A_286 : memref<!tpu.dma_semaphore, #tpu.memory_space<semaphore_mem>>) src(%dma_wait3A_310 : memref<2x80xi32, #tpu.memory_space<hbm>>) dst(%dma_wait3A_308 : memref<2x80xi32, #tpu.memory_space<vmem>>)
      tpu.yield
    }) : () -> ()
    %dma_start3A = arith.constant 0 : i32
    %dma_start3A_7 = arith.constant 0 : i32
    %dma_start3A_8 = arith.constant 0 : i32
    %dma_start3A_9 = arith.constant 0 : i32
    %dma_start3A_10 = arith.constant 0 : i32
    %dma_start3A_11 = tpu.memref_slice %arg8[%dma_start3A_8, %dma_start3A_9, %dma_start3A_10] : memref<4x80x128xf32, #tpu.memory_space<vmem>> -> memref<1x80x128xf32, #tpu.memory_space<vmem>>
    %dma_start3A_12 = tpu.memref_squeeze %dma_start3A_11 : memref<1x80x128xf32, #tpu.memory_space<vmem>> -> memref<80x128xf32, #tpu.memory_space<vmem>>
    %dma_start3A_13 = arith.constant 0 : i32
    %dma_start3A_14 = tpu.memref_slice %arg7[%dma_start3A, %dma_start3A_7, %dma_start3A_13] : memref<4x2x80xi32, #tpu.memory_space<vmem>> -> memref<1x1x80xi32, #tpu.memory_space<vmem>>
    %dma_start3A_15 = tpu.memref_squeeze %dma_start3A_14 : memref<1x1x80xi32, #tpu.memory_space<vmem>> -> memref<80xi32, #tpu.memory_space<vmem>>
    %dma_start3A_16 = arith.constant 0 : i32
    %dma_start3A_17 = arith.constant 0 : i32
    %dma_start3A_18 = tpu.memref_slice %arg2[%dma_start3A_16, %dma_start3A_17] : memref<10000x128xf32, #tpu.memory_space<hbm>> -> memref<10000x128xf32, #tpu.memory_space<hbm>>
    tpu.enqueue_indirect_dma source(%dma_start3A_18 : memref<10000x128xf32, #tpu.memory_space<hbm>>) target(%dma_start3A_12 : memref<80x128xf32, #tpu.memory_space<vmem>>) offsets(%dma_start3A_15 : memref<80xi32, #tpu.memory_space<vmem>>) semaphore(%arg9 : memref<!tpu.dma_semaphore, #tpu.memory_space<semaphore_mem>>)
    %add3A_19 = arith.constant 80 : i32
    %add3A_20 = arith.addi %mul3A_4, %add3A_19 : i32
    %run_scoped3A_21 = arith.constant 1 : i32
    "tpu.region"() ({
      %run_scoped3A_286 = tpu.sem_alloc : memref<!tpu.dma_semaphore, #tpu.memory_space<semaphore_mem>>
      %dma_start3A_287 = arith.constant 0 : i32
      %dma_start3A_288 = arith.constant 0 : i32
      %dma_start3A_289 = tpu.memref_slice %arg7[%run_scoped3A_21, %dma_start3A_287, %dma_start3A_288] : memref<4x2x80xi32, #tpu.memory_space<vmem>> -> memref<1x2x80xi32, #tpu.memory_space<vmem>>
      %dma_start3A_290 = tpu.memref_squeeze %dma_start3A_289 : memref<1x2x80xi32, #tpu.memory_space<vmem>> -> memref<2x80xi32, #tpu.memory_space<vmem>>
      %dma_start3A_291 = arith.constant 0 : i32
      %dma_start3A_292 = tpu.memref_slice %arg3[%dma_start3A_291, %add3A_20] : memref<2x320000xi32, #tpu.memory_space<hbm>> -> memref<2x80xi32, #tpu.memory_space<hbm>>
      %dma_start3A_293 = arith.constant 0 : i32
      %dma_start3A_294 = arith.constant 0 : i32
      %dma_start3A_295 = tpu.memref_slice %arg7[%run_scoped3A_21, %dma_start3A_293, %dma_start3A_294] : memref<4x2x80xi32, #tpu.memory_space<vmem>> -> memref<1x2x80xi32, #tpu.memory_space<vmem>>
      %dma_start3A_296 = tpu.memref_squeeze %dma_start3A_295 : memref<1x2x80xi32, #tpu.memory_space<vmem>> -> memref<2x80xi32, #tpu.memory_space<vmem>>
      %dma_start3A_297 = arith.constant 0 : i32
      %dma_start3A_298 = tpu.memref_slice %arg3[%dma_start3A_297, %add3A_20] : memref<2x320000xi32, #tpu.memory_space<hbm>> -> memref<2x80xi32, #tpu.memory_space<hbm>>
      tpu.enqueue_dma source(%dma_start3A_298 : memref<2x80xi32, #tpu.memory_space<hbm>>) target(%dma_start3A_296 : memref<2x80xi32, #tpu.memory_space<vmem>>) target_semaphore(%run_scoped3A_286 : memref<!tpu.dma_semaphore, #tpu.memory_space<semaphore_mem>>)
      %dma_wait3A_299 = arith.constant 0 : i32
      %dma_wait3A_300 = arith.constant 0 : i32
      %dma_wait3A_301 = tpu.memref_slice %arg7[%run_scoped3A_21, %dma_wait3A_299, %dma_wait3A_300] : memref<4x2x80xi32, #tpu.memory_space<vmem>> -> memref<1x2x80xi32, #tpu.memory_space<vmem>>
      %dma_wait3A_302 = tpu.memref_squeeze %dma_wait3A_301 : memref<1x2x80xi32, #tpu.memory_space<vmem>> -> memref<2x80xi32, #tpu.memory_space<vmem>>
      %dma_wait3A_303 = arith.constant 0 : i32
      %dma_wait3A_304 = tpu.memref_slice %arg3[%dma_wait3A_303, %add3A_20] : memref<2x320000xi32, #tpu.memory_space<hbm>> -> memref<2x80xi32, #tpu.memory_space<hbm>>
      %dma_wait3A_305 = arith.constant 0 : i32
      %dma_wait3A_306 = arith.constant 0 : i32
      %dma_wait3A_307 = tpu.memref_slice %arg7[%run_scoped3A_21, %dma_wait3A_305, %dma_wait3A_306] : memref<4x2x80xi32, #tpu.memory_space<vmem>> -> memref<1x2x80xi32, #tpu.memory_space<vmem>>
      %dma_wait3A_308 = tpu.memref_squeeze %dma_wait3A_307 : memref<1x2x80xi32, #tpu.memory_space<vmem>> -> memref<2x80xi32, #tpu.memory_space<vmem>>
      %dma_wait3A_309 = arith.constant 0 : i32
      %dma_wait3A_310 = tpu.memref_slice %arg3[%dma_wait3A_309, %add3A_20] : memref<2x320000xi32, #tpu.memory_space<hbm>> -> memref<2x80xi32, #tpu.memory_space<hbm>>
      tpu.wait_dma2 semaphore(%run_scoped3A_286 : memref<!tpu.dma_semaphore, #tpu.memory_space<semaphore_mem>>) src(%dma_wait3A_310 : memref<2x80xi32, #tpu.memory_space<hbm>>) dst(%dma_wait3A_308 : memref<2x80xi32, #tpu.memory_space<vmem>>)
      tpu.yield
    }) : () -> ()
    %dma_start3A_22 = arith.constant 1 : i32
    %dma_start3A_23 = arith.constant 0 : i32
    %dma_start3A_24 = arith.constant 1 : i32
    %dma_start3A_25 = arith.constant 0 : i32
    %dma_start3A_26 = arith.constant 0 : i32
    %dma_start3A_27 = tpu.memref_slice %arg8[%dma_start3A_24, %dma_start3A_25, %dma_start3A_26] : memref<4x80x128xf32, #tpu.memory_space<vmem>> -> memref<1x80x128xf32, #tpu.memory_space<vmem>>
    %dma_start3A_28 = tpu.memref_squeeze %dma_start3A_27 : memref<1x80x128xf32, #tpu.memory_space<vmem>> -> memref<80x128xf32, #tpu.memory_space<vmem>>
    %dma_start3A_29 = arith.constant 0 : i32
    %dma_start3A_30 = tpu.memref_slice %arg7[%dma_start3A_22, %dma_start3A_23, %dma_start3A_29] : memref<4x2x80xi32, #tpu.memory_space<vmem>> -> memref<1x1x80xi32, #tpu.memory_space<vmem>>
    %dma_start3A_31 = tpu.memref_squeeze %dma_start3A_30 : memref<1x1x80xi32, #tpu.memory_space<vmem>> -> memref<80xi32, #tpu.memory_space<vmem>>
    %dma_start3A_32 = arith.constant 0 : i32
    %dma_start3A_33 = arith.constant 0 : i32
    %dma_start3A_34 = tpu.memref_slice %arg2[%dma_start3A_32, %dma_start3A_33] : memref<10000x128xf32, #tpu.memory_space<hbm>> -> memref<10000x128xf32, #tpu.memory_space<hbm>>
    tpu.enqueue_indirect_dma source(%dma_start3A_34 : memref<10000x128xf32, #tpu.memory_space<hbm>>) target(%dma_start3A_28 : memref<80x128xf32, #tpu.memory_space<vmem>>) offsets(%dma_start3A_31 : memref<80xi32, #tpu.memory_space<vmem>>) semaphore(%arg10 : memref<!tpu.dma_semaphore, #tpu.memory_space<semaphore_mem>>)
    %add3A_35 = arith.constant 160 : i32
    %add3A_36 = arith.addi %mul3A_4, %add3A_35 : i32
    %run_scoped3A_37 = arith.constant 2 : i32
    "tpu.region"() ({
      %run_scoped3A_286 = tpu.sem_alloc : memref<!tpu.dma_semaphore, #tpu.memory_space<semaphore_mem>>
      %dma_start3A_287 = arith.constant 0 : i32
      %dma_start3A_288 = arith.constant 0 : i32
      %dma_start3A_289 = tpu.memref_slice %arg7[%run_scoped3A_37, %dma_start3A_287, %dma_start3A_288] : memref<4x2x80xi32, #tpu.memory_space<vmem>> -> memref<1x2x80xi32, #tpu.memory_space<vmem>>
      %dma_start3A_290 = tpu.memref_squeeze %dma_start3A_289 : memref<1x2x80xi32, #tpu.memory_space<vmem>> -> memref<2x80xi32, #tpu.memory_space<vmem>>
      %dma_start3A_291 = arith.constant 0 : i32
      %dma_start3A_292 = tpu.memref_slice %arg3[%dma_start3A_291, %add3A_36] : memref<2x320000xi32, #tpu.memory_space<hbm>> -> memref<2x80xi32, #tpu.memory_space<hbm>>
      %dma_start3A_293 = arith.constant 0 : i32
      %dma_start3A_294 = arith.constant 0 : i32
      %dma_start3A_295 = tpu.memref_slice %arg7[%run_scoped3A_37, %dma_start3A_293, %dma_start3A_294] : memref<4x2x80xi32, #tpu.memory_space<vmem>> -> memref<1x2x80xi32, #tpu.memory_space<vmem>>
      %dma_start3A_296 = tpu.memref_squeeze %dma_start3A_295 : memref<1x2x80xi32, #tpu.memory_space<vmem>> -> memref<2x80xi32, #tpu.memory_space<vmem>>
      %dma_start3A_297 = arith.constant 0 : i32
      %dma_start3A_298 = tpu.memref_slice %arg3[%dma_start3A_297, %add3A_36] : memref<2x320000xi32, #tpu.memory_space<hbm>> -> memref<2x80xi32, #tpu.memory_space<hbm>>
      tpu.enqueue_dma source(%dma_start3A_298 : memref<2x80xi32, #tpu.memory_space<hbm>>) target(%dma_start3A_296 : memref<2x80xi32, #tpu.memory_space<vmem>>) target_semaphore(%run_scoped3A_286 : memref<!tpu.dma_semaphore, #tpu.memory_space<semaphore_mem>>)
      %dma_wait3A_299 = arith.constant 0 : i32
      %dma_wait3A_300 = arith.constant 0 : i32
      %dma_wait3A_301 = tpu.memref_slice %arg7[%run_scoped3A_37, %dma_wait3A_299, %dma_wait3A_300] : memref<4x2x80xi32, #tpu.memory_space<vmem>> -> memref<1x2x80xi32, #tpu.memory_space<vmem>>
      %dma_wait3A_302 = tpu.memref_squeeze %dma_wait3A_301 : memref<1x2x80xi32, #tpu.memory_space<vmem>> -> memref<2x80xi32, #tpu.memory_space<vmem>>
      %dma_wait3A_303 = arith.constant 0 : i32
      %dma_wait3A_304 = tpu.memref_slice %arg3[%dma_wait3A_303, %add3A_36] : memref<2x320000xi32, #tpu.memory_space<hbm>> -> memref<2x80xi32, #tpu.memory_space<hbm>>
      %dma_wait3A_305 = arith.constant 0 : i32
      %dma_wait3A_306 = arith.constant 0 : i32
      %dma_wait3A_307 = tpu.memref_slice %arg7[%run_scoped3A_37, %dma_wait3A_305, %dma_wait3A_306] : memref<4x2x80xi32, #tpu.memory_space<vmem>> -> memref<1x2x80xi32, #tpu.memory_space<vmem>>
      %dma_wait3A_308 = tpu.memref_squeeze %dma_wait3A_307 : memref<1x2x80xi32, #tpu.memory_space<vmem>> -> memref<2x80xi32, #tpu.memory_space<vmem>>
      %dma_wait3A_309 = arith.constant 0 : i32
      %dma_wait3A_310 = tpu.memref_slice %arg3[%dma_wait3A_309, %add3A_36] : memref<2x320000xi32, #tpu.memory_space<hbm>> -> memref<2x80xi32, #tpu.memory_space<hbm>>
      tpu.wait_dma2 semaphore(%run_scoped3A_286 : memref<!tpu.dma_semaphore, #tpu.memory_space<semaphore_mem>>) src(%dma_wait3A_310 : memref<2x80xi32, #tpu.memory_space<hbm>>) dst(%dma_wait3A_308 : memref<2x80xi32, #tpu.memory_space<vmem>>)
      tpu.yield
    }) : () -> ()
    %dma_start3A_38 = arith.constant 2 : i32
    %dma_start3A_39 = arith.constant 0 : i32
    %dma_start3A_40 = arith.constant 2 : i32
    %dma_start3A_41 = arith.constant 0 : i32
    %dma_start3A_42 = arith.constant 0 : i32
    %dma_start3A_43 = tpu.memref_slice %arg8[%dma_start3A_40, %dma_start3A_41, %dma_start3A_42] : memref<4x80x128xf32, #tpu.memory_space<vmem>> -> memref<1x80x128xf32, #tpu.memory_space<vmem>>
    %dma_start3A_44 = tpu.memref_squeeze %dma_start3A_43 : memref<1x80x128xf32, #tpu.memory_space<vmem>> -> memref<80x128xf32, #tpu.memory_space<vmem>>
    %dma_start3A_45 = arith.constant 0 : i32
    %dma_start3A_46 = tpu.memref_slice %arg7[%dma_start3A_38, %dma_start3A_39, %dma_start3A_45] : memref<4x2x80xi32, #tpu.memory_space<vmem>> -> memref<1x1x80xi32, #tpu.memory_space<vmem>>
    %dma_start3A_47 = tpu.memref_squeeze %dma_start3A_46 : memref<1x1x80xi32, #tpu.memory_space<vmem>> -> memref<80xi32, #tpu.memory_space<vmem>>
    %dma_start3A_48 = arith.constant 0 : i32
    %dma_start3A_49 = arith.constant 0 : i32
    %dma_start3A_50 = tpu.memref_slice %arg2[%dma_start3A_48, %dma_start3A_49] : memref<10000x128xf32, #tpu.memory_space<hbm>> -> memref<10000x128xf32, #tpu.memory_space<hbm>>
    tpu.enqueue_indirect_dma source(%dma_start3A_50 : memref<10000x128xf32, #tpu.memory_space<hbm>>) target(%dma_start3A_44 : memref<80x128xf32, #tpu.memory_space<vmem>>) offsets(%dma_start3A_47 : memref<80xi32, #tpu.memory_space<vmem>>) semaphore(%arg11 : memref<!tpu.dma_semaphore, #tpu.memory_space<semaphore_mem>>)
    %dma_wait3A = arith.constant 0 : i32
    %dma_wait3A_51 = arith.constant 0 : i32
    %dma_wait3A_52 = arith.constant 0 : i32
    %dma_wait3A_53 = arith.constant 0 : i32
    %dma_wait3A_54 = arith.constant 0 : i32
    %dma_wait3A_55 = tpu.memref_slice %arg8[%dma_wait3A_52, %dma_wait3A_53, %dma_wait3A_54] : memref<4x80x128xf32, #tpu.memory_space<vmem>> -> memref<1x80x128xf32, #tpu.memory_space<vmem>>
    %dma_wait3A_56 = tpu.memref_squeeze %dma_wait3A_55 : memref<1x80x128xf32, #tpu.memory_space<vmem>> -> memref<80x128xf32, #tpu.memory_space<vmem>>
    %dma_wait3A_57 = arith.constant 0 : i32
    %dma_wait3A_58 = tpu.memref_slice %arg7[%dma_wait3A, %dma_wait3A_51, %dma_wait3A_57] : memref<4x2x80xi32, #tpu.memory_space<vmem>> -> memref<1x1x80xi32, #tpu.memory_space<vmem>>
    %dma_wait3A_59 = tpu.memref_squeeze %dma_wait3A_58 : memref<1x1x80xi32, #tpu.memory_space<vmem>> -> memref<80xi32, #tpu.memory_space<vmem>>
    %dma_wait3A_60 = arith.constant 0 : i32
    %dma_wait3A_61 = arith.constant 0 : i32
    %dma_wait3A_62 = tpu.memref_slice %arg2[%dma_wait3A_60, %dma_wait3A_61] : memref<10000x128xf32, #tpu.memory_space<hbm>> -> memref<10000x128xf32, #tpu.memory_space<hbm>>
    tpu.wait_indirect_dma semaphore(%arg9 : memref<!tpu.dma_semaphore, #tpu.memory_space<semaphore_mem>>) src(%dma_wait3A_62 : memref<10000x128xf32, #tpu.memory_space<hbm>>) dst(%dma_wait3A_56 : memref<80x128xf32, #tpu.memory_space<vmem>>)
    %dma_start3A_63 = arith.constant 0 : i32
    %dma_start3A_64 = arith.constant 0 : i32
    %dma_start3A_65 = arith.constant 1 : i32
    %dma_start3A_66 = arith.constant 0 : i32
    %dma_start3A_67 = arith.constant 0 : i32
    %dma_start3A_68 = tpu.memref_slice %arg8[%dma_start3A_63, %dma_start3A_66, %dma_start3A_67] : memref<4x80x128xf32, #tpu.memory_space<vmem>> -> memref<1x80x128xf32, #tpu.memory_space<vmem>>
    %dma_start3A_69 = tpu.memref_squeeze %dma_start3A_68 : memref<1x80x128xf32, #tpu.memory_space<vmem>> -> memref<80x128xf32, #tpu.memory_space<vmem>>
    %dma_start3A_70 = arith.constant 0 : i32
    %dma_start3A_71 = tpu.memref_slice %arg7[%dma_start3A_64, %dma_start3A_65, %dma_start3A_70] : memref<4x2x80xi32, #tpu.memory_space<vmem>> -> memref<1x1x80xi32, #tpu.memory_space<vmem>>
    %dma_start3A_72 = tpu.memref_squeeze %dma_start3A_71 : memref<1x1x80xi32, #tpu.memory_space<vmem>> -> memref<80xi32, #tpu.memory_space<vmem>>
    %dma_start3A_73 = arith.constant 0 : i32
    %dma_start3A_74 = arith.constant 0 : i32
    %dma_start3A_75 = tpu.memref_slice %arg6[%dma_start3A_73, %dma_start3A_74] : memref<10240x128xf32, #tpu.memory_space<vmem_shared>> -> memref<10240x128xf32, #tpu.memory_space<vmem_shared>>
    tpu.enqueue_indirect_dma source(%dma_start3A_69 : memref<80x128xf32, #tpu.memory_space<vmem>>) target(%dma_start3A_75 : memref<10240x128xf32, #tpu.memory_space<vmem_shared>>) offsets(%dma_start3A_72 : memref<80xi32, #tpu.memory_space<vmem>>) semaphore(%arg13 : memref<!tpu.dma_semaphore, #tpu.memory_space<semaphore_mem>>) {add = true}
    %add3A_76 = arith.constant 240 : i32
    %add3A_77 = arith.addi %mul3A_4, %add3A_76 : i32
    %run_scoped3A_78 = arith.constant 3 : i32
    "tpu.region"() ({
      %run_scoped3A_286 = tpu.sem_alloc : memref<!tpu.dma_semaphore, #tpu.memory_space<semaphore_mem>>
      %dma_start3A_287 = arith.constant 0 : i32
      %dma_start3A_288 = arith.constant 0 : i32
      %dma_start3A_289 = tpu.memref_slice %arg7[%run_scoped3A_78, %dma_start3A_287, %dma_start3A_288] : memref<4x2x80xi32, #tpu.memory_space<vmem>> -> memref<1x2x80xi32, #tpu.memory_space<vmem>>
      %dma_start3A_290 = tpu.memref_squeeze %dma_start3A_289 : memref<1x2x80xi32, #tpu.memory_space<vmem>> -> memref<2x80xi32, #tpu.memory_space<vmem>>
      %dma_start3A_291 = arith.constant 0 : i32
      %dma_start3A_292 = tpu.memref_slice %arg3[%dma_start3A_291, %add3A_77] : memref<2x320000xi32, #tpu.memory_space<hbm>> -> memref<2x80xi32, #tpu.memory_space<hbm>>
      %dma_start3A_293 = arith.constant 0 : i32
      %dma_start3A_294 = arith.constant 0 : i32
      %dma_start3A_295 = tpu.memref_slice %arg7[%run_scoped3A_78, %dma_start3A_293, %dma_start3A_294] : memref<4x2x80xi32, #tpu.memory_space<vmem>> -> memref<1x2x80xi32, #tpu.memory_space<vmem>>
      %dma_start3A_296 = tpu.memref_squeeze %dma_start3A_295 : memref<1x2x80xi32, #tpu.memory_space<vmem>> -> memref<2x80xi32, #tpu.memory_space<vmem>>
      %dma_start3A_297 = arith.constant 0 : i32
      %dma_start3A_298 = tpu.memref_slice %arg3[%dma_start3A_297, %add3A_77] : memref<2x320000xi32, #tpu.memory_space<hbm>> -> memref<2x80xi32, #tpu.memory_space<hbm>>
      tpu.enqueue_dma source(%dma_start3A_298 : memref<2x80xi32, #tpu.memory_space<hbm>>) target(%dma_start3A_296 : memref<2x80xi32, #tpu.memory_space<vmem>>) target_semaphore(%run_scoped3A_286 : memref<!tpu.dma_semaphore, #tpu.memory_space<semaphore_mem>>)
      %dma_wait3A_299 = arith.constant 0 : i32
      %dma_wait3A_300 = arith.constant 0 : i32
      %dma_wait3A_301 = tpu.memref_slice %arg7[%run_scoped3A_78, %dma_wait3A_299, %dma_wait3A_300] : memref<4x2x80xi32, #tpu.memory_space<vmem>> -> memref<1x2x80xi32, #tpu.memory_space<vmem>>
      %dma_wait3A_302 = tpu.memref_squeeze %dma_wait3A_301 : memref<1x2x80xi32, #tpu.memory_space<vmem>> -> memref<2x80xi32, #tpu.memory_space<vmem>>
      %dma_wait3A_303 = arith.constant 0 : i32
      %dma_wait3A_304 = tpu.memref_slice %arg3[%dma_wait3A_303, %add3A_77] : memref<2x320000xi32, #tpu.memory_space<hbm>> -> memref<2x80xi32, #tpu.memory_space<hbm>>
      %dma_wait3A_305 = arith.constant 0 : i32
      %dma_wait3A_306 = arith.constant 0 : i32
      %dma_wait3A_307 = tpu.memref_slice %arg7[%run_scoped3A_78, %dma_wait3A_305, %dma_wait3A_306] : memref<4x2x80xi32, #tpu.memory_space<vmem>> -> memref<1x2x80xi32, #tpu.memory_space<vmem>>
      %dma_wait3A_308 = tpu.memref_squeeze %dma_wait3A_307 : memref<1x2x80xi32, #tpu.memory_space<vmem>> -> memref<2x80xi32, #tpu.memory_space<vmem>>
      %dma_wait3A_309 = arith.constant 0 : i32
      %dma_wait3A_310 = tpu.memref_slice %arg3[%dma_wait3A_309, %add3A_77] : memref<2x320000xi32, #tpu.memory_space<hbm>> -> memref<2x80xi32, #tpu.memory_space<hbm>>
      tpu.wait_dma2 semaphore(%run_scoped3A_286 : memref<!tpu.dma_semaphore, #tpu.memory_space<semaphore_mem>>) src(%dma_wait3A_310 : memref<2x80xi32, #tpu.memory_space<hbm>>) dst(%dma_wait3A_308 : memref<2x80xi32, #tpu.memory_space<vmem>>)
      tpu.yield
    }) : () -> ()
    %dma_start3A_79 = arith.constant 3 : i32
    %dma_start3A_80 = arith.constant 0 : i32
    %dma_start3A_81 = arith.constant 3 : i32
    %dma_start3A_82 = arith.constant 0 : i32
    %dma_start3A_83 = arith.constant 0 : i32
    %dma_start3A_84 = tpu.memref_slice %arg8[%dma_start3A_81, %dma_start3A_82, %dma_start3A_83] : memref<4x80x128xf32, #tpu.memory_space<vmem>> -> memref<1x80x128xf32, #tpu.memory_space<vmem>>
    %dma_start3A_85 = tpu.memref_squeeze %dma_start3A_84 : memref<1x80x128xf32, #tpu.memory_space<vmem>> -> memref<80x128xf32, #tpu.memory_space<vmem>>
    %dma_start3A_86 = arith.constant 0 : i32
    %dma_start3A_87 = tpu.memref_slice %arg7[%dma_start3A_79, %dma_start3A_80, %dma_start3A_86] : memref<4x2x80xi32, #tpu.memory_space<vmem>> -> memref<1x1x80xi32, #tpu.memory_space<vmem>>
    %dma_start3A_88 = tpu.memref_squeeze %dma_start3A_87 : memref<1x1x80xi32, #tpu.memory_space<vmem>> -> memref<80xi32, #tpu.memory_space<vmem>>
    %dma_start3A_89 = arith.constant 0 : i32
    %dma_start3A_90 = arith.constant 0 : i32
    %dma_start3A_91 = tpu.memref_slice %arg2[%dma_start3A_89, %dma_start3A_90] : memref<10000x128xf32, #tpu.memory_space<hbm>> -> memref<10000x128xf32, #tpu.memory_space<hbm>>
    tpu.enqueue_indirect_dma source(%dma_start3A_91 : memref<10000x128xf32, #tpu.memory_space<hbm>>) target(%dma_start3A_85 : memref<80x128xf32, #tpu.memory_space<vmem>>) offsets(%dma_start3A_88 : memref<80xi32, #tpu.memory_space<vmem>>) semaphore(%arg12 : memref<!tpu.dma_semaphore, #tpu.memory_space<semaphore_mem>>)
    %dma_wait3A_92 = arith.constant 1 : i32
    %dma_wait3A_93 = arith.constant 0 : i32
    %dma_wait3A_94 = arith.constant 1 : i32
    %dma_wait3A_95 = arith.constant 0 : i32
    %dma_wait3A_96 = arith.constant 0 : i32
    %dma_wait3A_97 = tpu.memref_slice %arg8[%dma_wait3A_94, %dma_wait3A_95, %dma_wait3A_96] : memref<4x80x128xf32, #tpu.memory_space<vmem>> -> memref<1x80x128xf32, #tpu.memory_space<vmem>>
    %dma_wait3A_98 = tpu.memref_squeeze %dma_wait3A_97 : memref<1x80x128xf32, #tpu.memory_space<vmem>> -> memref<80x128xf32, #tpu.memory_space<vmem>>
    %dma_wait3A_99 = arith.constant 0 : i32
    %dma_wait3A_100 = tpu.memref_slice %arg7[%dma_wait3A_92, %dma_wait3A_93, %dma_wait3A_99] : memref<4x2x80xi32, #tpu.memory_space<vmem>> -> memref<1x1x80xi32, #tpu.memory_space<vmem>>
    %dma_wait3A_101 = tpu.memref_squeeze %dma_wait3A_100 : memref<1x1x80xi32, #tpu.memory_space<vmem>> -> memref<80xi32, #tpu.memory_space<vmem>>
    %dma_wait3A_102 = arith.constant 0 : i32
    %dma_wait3A_103 = arith.constant 0 : i32
    %dma_wait3A_104 = tpu.memref_slice %arg2[%dma_wait3A_102, %dma_wait3A_103] : memref<10000x128xf32, #tpu.memory_space<hbm>> -> memref<10000x128xf32, #tpu.memory_space<hbm>>
    tpu.wait_indirect_dma semaphore(%arg10 : memref<!tpu.dma_semaphore, #tpu.memory_space<semaphore_mem>>) src(%dma_wait3A_104 : memref<10000x128xf32, #tpu.memory_space<hbm>>) dst(%dma_wait3A_98 : memref<80x128xf32, #tpu.memory_space<vmem>>)
    %dma_start3A_105 = arith.constant 1 : i32
    %dma_start3A_106 = arith.constant 1 : i32
    %dma_start3A_107 = arith.constant 1 : i32
    %dma_start3A_108 = arith.constant 0 : i32
    %dma_start3A_109 = arith.constant 0 : i32
    %dma_start3A_110 = tpu.memref_slice %arg8[%dma_start3A_105, %dma_start3A_108, %dma_start3A_109] : memref<4x80x128xf32, #tpu.memory_space<vmem>> -> memref<1x80x128xf32, #tpu.memory_space<vmem>>
    %dma_start3A_111 = tpu.memref_squeeze %dma_start3A_110 : memref<1x80x128xf32, #tpu.memory_space<vmem>> -> memref<80x128xf32, #tpu.memory_space<vmem>>
    %dma_start3A_112 = arith.constant 0 : i32
    %dma_start3A_113 = tpu.memref_slice %arg7[%dma_start3A_106, %dma_start3A_107, %dma_start3A_112] : memref<4x2x80xi32, #tpu.memory_space<vmem>> -> memref<1x1x80xi32, #tpu.memory_space<vmem>>
    %dma_start3A_114 = tpu.memref_squeeze %dma_start3A_113 : memref<1x1x80xi32, #tpu.memory_space<vmem>> -> memref<80xi32, #tpu.memory_space<vmem>>
    %dma_start3A_115 = arith.constant 0 : i32
    %dma_start3A_116 = arith.constant 0 : i32
    %dma_start3A_117 = tpu.memref_slice %arg6[%dma_start3A_115, %dma_start3A_116] : memref<10240x128xf32, #tpu.memory_space<vmem_shared>> -> memref<10240x128xf32, #tpu.memory_space<vmem_shared>>
    tpu.enqueue_indirect_dma source(%dma_start3A_111 : memref<80x128xf32, #tpu.memory_space<vmem>>) target(%dma_start3A_117 : memref<10240x128xf32, #tpu.memory_space<vmem_shared>>) offsets(%dma_start3A_114 : memref<80xi32, #tpu.memory_space<vmem>>) semaphore(%arg14 : memref<!tpu.dma_semaphore, #tpu.memory_space<semaphore_mem>>) {add = true}
    %scan3A = arith.constant 0 : i32
    %scan3A_118 = arith.constant 0 : i32
    %scan3A_119 = arith.constant 30 : i32
    %scan3A_120 = arith.addi %scan3A_118, %scan3A_119 : i32
    %scan3A_121 = arith.constant 1 : i32
    scf.for %scan3A_286 = %scan3A_118 to %scan3A_120 step %scan3A_121  : i32 {
      %mul3A_287 = arith.constant 4 : i32
      %mul3A_288 = arith.muli %mul3A_287, %scan3A_286 : i32
      %add3A_289 = arith.constant 4 : i32
      %add3A_290 = arith.addi %add3A_289, %mul3A_288 : i32
      %add3A_291 = arith.constant 0 : i32
      %add3A_292 = arith.addi %add3A_290, %add3A_291 : i32
      %dma_wait3A_293 = arith.constant 0 : i32
      %dma_wait3A_294 = arith.constant 0 : i32
      %dma_wait3A_295 = arith.constant 1 : i32
      %dma_wait3A_296 = arith.constant 0 : i32
      %dma_wait3A_297 = arith.constant 0 : i32
      %dma_wait3A_298 = tpu.memref_slice %arg8[%dma_wait3A_293, %dma_wait3A_296, %dma_wait3A_297] : memref<4x80x128xf32, #tpu.memory_space<vmem>> -> memref<1x80x128xf32, #tpu.memory_space<vmem>>
      %dma_wait3A_299 = tpu.memref_squeeze %dma_wait3A_298 : memref<1x80x128xf32, #tpu.memory_space<vmem>> -> memref<80x128xf32, #tpu.memory_space<vmem>>
      %dma_wait3A_300 = arith.constant 0 : i32
      %dma_wait3A_301 = tpu.memref_slice %arg7[%dma_wait3A_294, %dma_wait3A_295, %dma_wait3A_300] : memref<4x2x80xi32, #tpu.memory_space<vmem>> -> memref<1x1x80xi32, #tpu.memory_space<vmem>>
      %dma_wait3A_302 = tpu.memref_squeeze %dma_wait3A_301 : memref<1x1x80xi32, #tpu.memory_space<vmem>> -> memref<80xi32, #tpu.memory_space<vmem>>
      %dma_wait3A_303 = arith.constant 0 : i32
      %dma_wait3A_304 = arith.constant 0 : i32
      %dma_wait3A_305 = tpu.memref_slice %arg6[%dma_wait3A_303, %dma_wait3A_304] : memref<10240x128xf32, #tpu.memory_space<vmem_shared>> -> memref<10240x128xf32, #tpu.memory_space<vmem_shared>>
      tpu.wait_indirect_dma semaphore(%arg13 : memref<!tpu.dma_semaphore, #tpu.memory_space<semaphore_mem>>) src(%dma_wait3A_299 : memref<80x128xf32, #tpu.memory_space<vmem>>) dst(%dma_wait3A_305 : memref<10240x128xf32, #tpu.memory_space<vmem_shared>>)
      %mul3A_306 = arith.constant 80 : i32
      %mul3A_307 = arith.muli %add3A_292, %mul3A_306 : i32
      %add3A_308 = arith.addi %mul3A_4, %mul3A_307 : i32
      %run_scoped3A_309 = arith.constant 0 : i32
      "tpu.region"() ({
        %run_scoped3A_523 = tpu.sem_alloc : memref<!tpu.dma_semaphore, #tpu.memory_space<semaphore_mem>>
        %dma_start3A_524 = arith.constant 0 : i32
        %dma_start3A_525 = arith.constant 0 : i32
        %dma_start3A_526 = tpu.memref_slice %arg7[%run_scoped3A_309, %dma_start3A_524, %dma_start3A_525] : memref<4x2x80xi32, #tpu.memory_space<vmem>> -> memref<1x2x80xi32, #tpu.memory_space<vmem>>
        %dma_start3A_527 = tpu.memref_squeeze %dma_start3A_526 : memref<1x2x80xi32, #tpu.memory_space<vmem>> -> memref<2x80xi32, #tpu.memory_space<vmem>>
        %dma_start3A_528 = arith.constant 0 : i32
        %dma_start3A_529 = tpu.memref_slice %arg3[%dma_start3A_528, %add3A_308] : memref<2x320000xi32, #tpu.memory_space<hbm>> -> memref<2x80xi32, #tpu.memory_space<hbm>>
        %dma_start3A_530 = arith.constant 0 : i32
        %dma_start3A_531 = arith.constant 0 : i32
        %dma_start3A_532 = tpu.memref_slice %arg7[%run_scoped3A_309, %dma_start3A_530, %dma_start3A_531] : memref<4x2x80xi32, #tpu.memory_space<vmem>> -> memref<1x2x80xi32, #tpu.memory_space<vmem>>
        %dma_start3A_533 = tpu.memref_squeeze %dma_start3A_532 : memref<1x2x80xi32, #tpu.memory_space<vmem>> -> memref<2x80xi32, #tpu.memory_space<vmem>>
        %dma_start3A_534 = arith.constant 0 : i32
        %dma_start3A_535 = tpu.memref_slice %arg3[%dma_start3A_534, %add3A_308] : memref<2x320000xi32, #tpu.memory_space<hbm>> -> memref<2x80xi32, #tpu.memory_space<hbm>>
        tpu.enqueue_dma source(%dma_start3A_535 : memref<2x80xi32, #tpu.memory_space<hbm>>) target(%dma_start3A_533 : memref<2x80xi32, #tpu.memory_space<vmem>>) target_semaphore(%run_scoped3A_523 : memref<!tpu.dma_semaphore, #tpu.memory_space<semaphore_mem>>)
        %dma_wait3A_536 = arith.constant 0 : i32
        %dma_wait3A_537 = arith.constant 0 : i32
        %dma_wait3A_538 = tpu.memref_slice %arg7[%run_scoped3A_309, %dma_wait3A_536, %dma_wait3A_537] : memref<4x2x80xi32, #tpu.memory_space<vmem>> -> memref<1x2x80xi32, #tpu.memory_space<vmem>>
        %dma_wait3A_539 = tpu.memref_squeeze %dma_wait3A_538 : memref<1x2x80xi32, #tpu.memory_space<vmem>> -> memref<2x80xi32, #tpu.memory_space<vmem>>
        %dma_wait3A_540 = arith.constant 0 : i32
        %dma_wait3A_541 = tpu.memref_slice %arg3[%dma_wait3A_540, %add3A_308] : memref<2x320000xi32, #tpu.memory_space<hbm>> -> memref<2x80xi32, #tpu.memory_space<hbm>>
        %dma_wait3A_542 = arith.constant 0 : i32
        %dma_wait3A_543 = arith.constant 0 : i32
        %dma_wait3A_544 = tpu.memref_slice %arg7[%run_scoped3A_309, %dma_wait3A_542, %dma_wait3A_543] : memref<4x2x80xi32, #tpu.memory_space<vmem>> -> memref<1x2x80xi32, #tpu.memory_space<vmem>>
        %dma_wait3A_545 = tpu.memref_squeeze %dma_wait3A_544 : memref<1x2x80xi32, #tpu.memory_space<vmem>> -> memref<2x80xi32, #tpu.memory_space<vmem>>
        %dma_wait3A_546 = arith.constant 0 : i32
        %dma_wait3A_547 = tpu.memref_slice %arg3[%dma_wait3A_546, %add3A_308] : memref<2x320000xi32, #tpu.memory_space<hbm>> -> memref<2x80xi32, #tpu.memory_space<hbm>>
        tpu.wait_dma2 semaphore(%run_scoped3A_523 : memref<!tpu.dma_semaphore, #tpu.memory_space<semaphore_mem>>) src(%dma_wait3A_547 : memref<2x80xi32, #tpu.memory_space<hbm>>) dst(%dma_wait3A_545 : memref<2x80xi32, #tpu.memory_space<vmem>>)
        tpu.yield
      }) : () -> ()
      %dma_start3A_310 = arith.constant 0 : i32
      %dma_start3A_311 = arith.constant 0 : i32
      %dma_start3A_312 = arith.constant 0 : i32
      %dma_start3A_313 = arith.constant 0 : i32
      %dma_start3A_314 = arith.constant 0 : i32
      %dma_start3A_315 = tpu.memref_slice %arg8[%dma_start3A_312, %dma_start3A_313, %dma_start3A_314] : memref<4x80x128xf32, #tpu.memory_space<vmem>> -> memref<1x80x128xf32, #tpu.memory_space<vmem>>
      %dma_start3A_316 = tpu.memref_squeeze %dma_start3A_315 : memref<1x80x128xf32, #tpu.memory_space<vmem>> -> memref<80x128xf32, #tpu.memory_space<vmem>>
      %dma_start3A_317 = arith.constant 0 : i32
      %dma_start3A_318 = tpu.memref_slice %arg7[%dma_start3A_310, %dma_start3A_311, %dma_start3A_317] : memref<4x2x80xi32, #tpu.memory_space<vmem>> -> memref<1x1x80xi32, #tpu.memory_space<vmem>>
      %dma_start3A_319 = tpu.memref_squeeze %dma_start3A_318 : memref<1x1x80xi32, #tpu.memory_space<vmem>> -> memref<80xi32, #tpu.memory_space<vmem>>
      %dma_start3A_320 = arith.constant 0 : i32
      %dma_start3A_321 = arith.constant 0 : i32
      %dma_start3A_322 = tpu.memref_slice %arg2[%dma_start3A_320, %dma_start3A_321] : memref<10000x128xf32, #tpu.memory_space<hbm>> -> memref<10000x128xf32, #tpu.memory_space<hbm>>
      tpu.enqueue_indirect_dma source(%dma_start3A_322 : memref<10000x128xf32, #tpu.memory_space<hbm>>) target(%dma_start3A_316 : memref<80x128xf32, #tpu.memory_space<vmem>>) offsets(%dma_start3A_319 : memref<80xi32, #tpu.memory_space<vmem>>) semaphore(%arg9 : memref<!tpu.dma_semaphore, #tpu.memory_space<semaphore_mem>>)
      %dma_wait3A_323 = arith.constant 2 : i32
      %dma_wait3A_324 = arith.constant 0 : i32
      %dma_wait3A_325 = arith.constant 2 : i32
      %dma_wait3A_326 = arith.constant 0 : i32
      %dma_wait3A_327 = arith.constant 0 : i32
      %dma_wait3A_328 = tpu.memref_slice %arg8[%dma_wait3A_325, %dma_wait3A_326, %dma_wait3A_327] : memref<4x80x128xf32, #tpu.memory_space<vmem>> -> memref<1x80x128xf32, #tpu.memory_space<vmem>>
      %dma_wait3A_329 = tpu.memref_squeeze %dma_wait3A_328 : memref<1x80x128xf32, #tpu.memory_space<vmem>> -> memref<80x128xf32, #tpu.memory_space<vmem>>
      %dma_wait3A_330 = arith.constant 0 : i32
      %dma_wait3A_331 = tpu.memref_slice %arg7[%dma_wait3A_323, %dma_wait3A_324, %dma_wait3A_330] : memref<4x2x80xi32, #tpu.memory_space<vmem>> -> memref<1x1x80xi32, #tpu.memory_space<vmem>>
      %dma_wait3A_332 = tpu.memref_squeeze %dma_wait3A_331 : memref<1x1x80xi32, #tpu.memory_space<vmem>> -> memref<80xi32, #tpu.memory_space<vmem>>
      %dma_wait3A_333 = arith.constant 0 : i32
      %dma_wait3A_334 = arith.constant 0 : i32
      %dma_wait3A_335 = tpu.memref_slice %arg2[%dma_wait3A_333, %dma_wait3A_334] : memref<10000x128xf32, #tpu.memory_space<hbm>> -> memref<10000x128xf32, #tpu.memory_space<hbm>>
      tpu.wait_indirect_dma semaphore(%arg11 : memref<!tpu.dma_semaphore, #tpu.memory_space<semaphore_mem>>) src(%dma_wait3A_335 : memref<10000x128xf32, #tpu.memory_space<hbm>>) dst(%dma_wait3A_329 : memref<80x128xf32, #tpu.memory_space<vmem>>)
      %dma_start3A_336 = arith.constant 2 : i32
      %dma_start3A_337 = arith.constant 2 : i32
      %dma_start3A_338 = arith.constant 1 : i32
      %dma_start3A_339 = arith.constant 0 : i32
      %dma_start3A_340 = arith.constant 0 : i32
      %dma_start3A_341 = tpu.memref_slice %arg8[%dma_start3A_336, %dma_start3A_339, %dma_start3A_340] : memref<4x80x128xf32, #tpu.memory_space<vmem>> -> memref<1x80x128xf32, #tpu.memory_space<vmem>>
      %dma_start3A_342 = tpu.memref_squeeze %dma_start3A_341 : memref<1x80x128xf32, #tpu.memory_space<vmem>> -> memref<80x128xf32, #tpu.memory_space<vmem>>
      %dma_start3A_343 = arith.constant 0 : i32
      %dma_start3A_344 = tpu.memref_slice %arg7[%dma_start3A_337, %dma_start3A_338, %dma_start3A_343] : memref<4x2x80xi32, #tpu.memory_space<vmem>> -> memref<1x1x80xi32, #tpu.memory_space<vmem>>
      %dma_start3A_345 = tpu.memref_squeeze %dma_start3A_344 : memref<1x1x80xi32, #tpu.memory_space<vmem>> -> memref<80xi32, #tpu.memory_space<vmem>>
      %dma_start3A_346 = arith.constant 0 : i32
      %dma_start3A_347 = arith.constant 0 : i32
      %dma_start3A_348 = tpu.memref_slice %arg6[%dma_start3A_346, %dma_start3A_347] : memref<10240x128xf32, #tpu.memory_space<vmem_shared>> -> memref<10240x128xf32, #tpu.memory_space<vmem_shared>>
      tpu.enqueue_indirect_dma source(%dma_start3A_342 : memref<80x128xf32, #tpu.memory_space<vmem>>) target(%dma_start3A_348 : memref<10240x128xf32, #tpu.memory_space<vmem_shared>>) offsets(%dma_start3A_345 : memref<80xi32, #tpu.memory_space<vmem>>) semaphore(%arg15 : memref<!tpu.dma_semaphore, #tpu.memory_space<semaphore_mem>>) {add = true}
      %add3A_349 = arith.constant 1 : i32
      %add3A_350 = arith.addi %add3A_290, %add3A_349 : i32
      %dma_wait3A_351 = arith.constant 1 : i32
      %dma_wait3A_352 = arith.constant 1 : i32
      %dma_wait3A_353 = arith.constant 1 : i32
      %dma_wait3A_354 = arith.constant 0 : i32
      %dma_wait3A_355 = arith.constant 0 : i32
      %dma_wait3A_356 = tpu.memref_slice %arg8[%dma_wait3A_351, %dma_wait3A_354, %dma_wait3A_355] : memref<4x80x128xf32, #tpu.memory_space<vmem>> -> memref<1x80x128xf32, #tpu.memory_space<vmem>>
      %dma_wait3A_357 = tpu.memref_squeeze %dma_wait3A_356 : memref<1x80x128xf32, #tpu.memory_space<vmem>> -> memref<80x128xf32, #tpu.memory_space<vmem>>
      %dma_wait3A_358 = arith.constant 0 : i32
      %dma_wait3A_359 = tpu.memref_slice %arg7[%dma_wait3A_352, %dma_wait3A_353, %dma_wait3A_358] : memref<4x2x80xi32, #tpu.memory_space<vmem>> -> memref<1x1x80xi32, #tpu.memory_space<vmem>>
      %dma_wait3A_360 = tpu.memref_squeeze %dma_wait3A_359 : memref<1x1x80xi32, #tpu.memory_space<vmem>> -> memref<80xi32, #tpu.memory_space<vmem>>
      %dma_wait3A_361 = arith.constant 0 : i32
      %dma_wait3A_362 = arith.constant 0 : i32
      %dma_wait3A_363 = tpu.memref_slice %arg6[%dma_wait3A_361, %dma_wait3A_362] : memref<10240x128xf32, #tpu.memory_space<vmem_shared>> -> memref<10240x128xf32, #tpu.memory_space<vmem_shared>>
      tpu.wait_indirect_dma semaphore(%arg14 : memref<!tpu.dma_semaphore, #tpu.memory_space<semaphore_mem>>) src(%dma_wait3A_357 : memref<80x128xf32, #tpu.memory_space<vmem>>) dst(%dma_wait3A_363 : memref<10240x128xf32, #tpu.memory_space<vmem_shared>>)
      %mul3A_364 = arith.constant 80 : i32
      %mul3A_365 = arith.muli %add3A_350, %mul3A_364 : i32
      %add3A_366 = arith.addi %mul3A_4, %mul3A_365 : i32
      %run_scoped3A_367 = arith.constant 1 : i32
      "tpu.region"() ({
        %run_scoped3A_523 = tpu.sem_alloc : memref<!tpu.dma_semaphore, #tpu.memory_space<semaphore_mem>>
        %dma_start3A_524 = arith.constant 0 : i32
        %dma_start3A_525 = arith.constant 0 : i32
        %dma_start3A_526 = tpu.memref_slice %arg7[%run_scoped3A_367, %dma_start3A_524, %dma_start3A_525] : memref<4x2x80xi32, #tpu.memory_space<vmem>> -> memref<1x2x80xi32, #tpu.memory_space<vmem>>
        %dma_start3A_527 = tpu.memref_squeeze %dma_start3A_526 : memref<1x2x80xi32, #tpu.memory_space<vmem>> -> memref<2x80xi32, #tpu.memory_space<vmem>>
        %dma_start3A_528 = arith.constant 0 : i32
        %dma_start3A_529 = tpu.memref_slice %arg3[%dma_start3A_528, %add3A_366] : memref<2x320000xi32, #tpu.memory_space<hbm>> -> memref<2x80xi32, #tpu.memory_space<hbm>>
        %dma_start3A_530 = arith.constant 0 : i32
        %dma_start3A_531 = arith.constant 0 : i32
        %dma_start3A_532 = tpu.memref_slice %arg7[%run_scoped3A_367, %dma_start3A_530, %dma_start3A_531] : memref<4x2x80xi32, #tpu.memory_space<vmem>> -> memref<1x2x80xi32, #tpu.memory_space<vmem>>
        %dma_start3A_533 = tpu.memref_squeeze %dma_start3A_532 : memref<1x2x80xi32, #tpu.memory_space<vmem>> -> memref<2x80xi32, #tpu.memory_space<vmem>>
        %dma_start3A_534 = arith.constant 0 : i32
        %dma_start3A_535 = tpu.memref_slice %arg3[%dma_start3A_534, %add3A_366] : memref<2x320000xi32, #tpu.memory_space<hbm>> -> memref<2x80xi32, #tpu.memory_space<hbm>>
        tpu.enqueue_dma source(%dma_start3A_535 : memref<2x80xi32, #tpu.memory_space<hbm>>) target(%dma_start3A_533 : memref<2x80xi32, #tpu.memory_space<vmem>>) target_semaphore(%run_scoped3A_523 : memref<!tpu.dma_semaphore, #tpu.memory_space<semaphore_mem>>)
        %dma_wait3A_536 = arith.constant 0 : i32
        %dma_wait3A_537 = arith.constant 0 : i32
        %dma_wait3A_538 = tpu.memref_slice %arg7[%run_scoped3A_367, %dma_wait3A_536, %dma_wait3A_537] : memref<4x2x80xi32, #tpu.memory_space<vmem>> -> memref<1x2x80xi32, #tpu.memory_space<vmem>>
        %dma_wait3A_539 = tpu.memref_squeeze %dma_wait3A_538 : memref<1x2x80xi32, #tpu.memory_space<vmem>> -> memref<2x80xi32, #tpu.memory_space<vmem>>
        %dma_wait3A_540 = arith.constant 0 : i32
        %dma_wait3A_541 = tpu.memref_slice %arg3[%dma_wait3A_540, %add3A_366] : memref<2x320000xi32, #tpu.memory_space<hbm>> -> memref<2x80xi32, #tpu.memory_space<hbm>>
        %dma_wait3A_542 = arith.constant 0 : i32
        %dma_wait3A_543 = arith.constant 0 : i32
        %dma_wait3A_544 = tpu.memref_slice %arg7[%run_scoped3A_367, %dma_wait3A_542, %dma_wait3A_543] : memref<4x2x80xi32, #tpu.memory_space<vmem>> -> memref<1x2x80xi32, #tpu.memory_space<vmem>>
        %dma_wait3A_545 = tpu.memref_squeeze %dma_wait3A_544 : memref<1x2x80xi32, #tpu.memory_space<vmem>> -> memref<2x80xi32, #tpu.memory_space<vmem>>
        %dma_wait3A_546 = arith.constant 0 : i32
        %dma_wait3A_547 = tpu.memref_slice %arg3[%dma_wait3A_546, %add3A_366] : memref<2x320000xi32, #tpu.memory_space<hbm>> -> memref<2x80xi32, #tpu.memory_space<hbm>>
        tpu.wait_dma2 semaphore(%run_scoped3A_523 : memref<!tpu.dma_semaphore, #tpu.memory_space<semaphore_mem>>) src(%dma_wait3A_547 : memref<2x80xi32, #tpu.memory_space<hbm>>) dst(%dma_wait3A_545 : memref<2x80xi32, #tpu.memory_space<vmem>>)
        tpu.yield
      }) : () -> ()
      %dma_start3A_368 = arith.constant 1 : i32
      %dma_start3A_369 = arith.constant 0 : i32
      %dma_start3A_370 = arith.constant 1 : i32
      %dma_start3A_371 = arith.constant 0 : i32
      %dma_start3A_372 = arith.constant 0 : i32
      %dma_start3A_373 = tpu.memref_slice %arg8[%dma_start3A_370, %dma_start3A_371, %dma_start3A_372] : memref<4x80x128xf32, #tpu.memory_space<vmem>> -> memref<1x80x128xf32, #tpu.memory_space<vmem>>
      %dma_start3A_374 = tpu.memref_squeeze %dma_start3A_373 : memref<1x80x128xf32, #tpu.memory_space<vmem>> -> memref<80x128xf32, #tpu.memory_space<vmem>>
      %dma_start3A_375 = arith.constant 0 : i32
      %dma_start3A_376 = tpu.memref_slice %arg7[%dma_start3A_368, %dma_start3A_369, %dma_start3A_375] : memref<4x2x80xi32, #tpu.memory_space<vmem>> -> memref<1x1x80xi32, #tpu.memory_space<vmem>>
      %dma_start3A_377 = tpu.memref_squeeze %dma_start3A_376 : memref<1x1x80xi32, #tpu.memory_space<vmem>> -> memref<80xi32, #tpu.memory_space<vmem>>
      %dma_start3A_378 = arith.constant 0 : i32
      %dma_start3A_379 = arith.constant 0 : i32
      %dma_start3A_380 = tpu.memref_slice %arg2[%dma_start3A_378, %dma_start3A_379] : memref<10000x128xf32, #tpu.memory_space<hbm>> -> memref<10000x128xf32, #tpu.memory_space<hbm>>
      tpu.enqueue_indirect_dma source(%dma_start3A_380 : memref<10000x128xf32, #tpu.memory_space<hbm>>) target(%dma_start3A_374 : memref<80x128xf32, #tpu.memory_space<vmem>>) offsets(%dma_start3A_377 : memref<80xi32, #tpu.memory_space<vmem>>) semaphore(%arg10 : memref<!tpu.dma_semaphore, #tpu.memory_space<semaphore_mem>>)
      %dma_wait3A_381 = arith.constant 3 : i32
      %dma_wait3A_382 = arith.constant 0 : i32
      %dma_wait3A_383 = arith.constant 3 : i32
      %dma_wait3A_384 = arith.constant 0 : i32
      %dma_wait3A_385 = arith.constant 0 : i32
      %dma_wait3A_386 = tpu.memref_slice %arg8[%dma_wait3A_383, %dma_wait3A_384, %dma_wait3A_385] : memref<4x80x128xf32, #tpu.memory_space<vmem>> -> memref<1x80x128xf32, #tpu.memory_space<vmem>>
      %dma_wait3A_387 = tpu.memref_squeeze %dma_wait3A_386 : memref<1x80x128xf32, #tpu.memory_space<vmem>> -> memref<80x128xf32, #tpu.memory_space<vmem>>
      %dma_wait3A_388 = arith.constant 0 : i32
      %dma_wait3A_389 = tpu.memref_slice %arg7[%dma_wait3A_381, %dma_wait3A_382, %dma_wait3A_388] : memref<4x2x80xi32, #tpu.memory_space<vmem>> -> memref<1x1x80xi32, #tpu.memory_space<vmem>>
      %dma_wait3A_390 = tpu.memref_squeeze %dma_wait3A_389 : memref<1x1x80xi32, #tpu.memory_space<vmem>> -> memref<80xi32, #tpu.memory_space<vmem>>
      %dma_wait3A_391 = arith.constant 0 : i32
      %dma_wait3A_392 = arith.constant 0 : i32
      %dma_wait3A_393 = tpu.memref_slice %arg2[%dma_wait3A_391, %dma_wait3A_392] : memref<10000x128xf32, #tpu.memory_space<hbm>> -> memref<10000x128xf32, #tpu.memory_space<hbm>>
      tpu.wait_indirect_dma semaphore(%arg12 : memref<!tpu.dma_semaphore, #tpu.memory_space<semaphore_mem>>) src(%dma_wait3A_393 : memref<10000x128xf32, #tpu.memory_space<hbm>>) dst(%dma_wait3A_387 : memref<80x128xf32, #tpu.memory_space<vmem>>)
      %dma_start3A_394 = arith.constant 3 : i32
      %dma_start3A_395 = arith.constant 3 : i32
      %dma_start3A_396 = arith.constant 1 : i32
      %dma_start3A_397 = arith.constant 0 : i32
      %dma_start3A_398 = arith.constant 0 : i32
      %dma_start3A_399 = tpu.memref_slice %arg8[%dma_start3A_394, %dma_start3A_397, %dma_start3A_398] : memref<4x80x128xf32, #tpu.memory_space<vmem>> -> memref<1x80x128xf32, #tpu.memory_space<vmem>>
      %dma_start3A_400 = tpu.memref_squeeze %dma_start3A_399 : memref<1x80x128xf32, #tpu.memory_space<vmem>> -> memref<80x128xf32, #tpu.memory_space<vmem>>
      %dma_start3A_401 = arith.constant 0 : i32
      %dma_start3A_402 = tpu.memref_slice %arg7[%dma_start3A_395, %dma_start3A_396, %dma_start3A_401] : memref<4x2x80xi32, #tpu.memory_space<vmem>> -> memref<1x1x80xi32, #tpu.memory_space<vmem>>
      %dma_start3A_403 = tpu.memref_squeeze %dma_start3A_402 : memref<1x1x80xi32, #tpu.memory_space<vmem>> -> memref<80xi32, #tpu.memory_space<vmem>>
      %dma_start3A_404 = arith.constant 0 : i32
      %dma_start3A_405 = arith.constant 0 : i32
      %dma_start3A_406 = tpu.memref_slice %arg6[%dma_start3A_404, %dma_start3A_405] : memref<10240x128xf32, #tpu.memory_space<vmem_shared>> -> memref<10240x128xf32, #tpu.memory_space<vmem_shared>>
      tpu.enqueue_indirect_dma source(%dma_start3A_400 : memref<80x128xf32, #tpu.memory_space<vmem>>) target(%dma_start3A_406 : memref<10240x128xf32, #tpu.memory_space<vmem_shared>>) offsets(%dma_start3A_403 : memref<80xi32, #tpu.memory_space<vmem>>) semaphore(%arg16 : memref<!tpu.dma_semaphore, #tpu.memory_space<semaphore_mem>>) {add = true}
      %add3A_407 = arith.constant 2 : i32
      %add3A_408 = arith.addi %add3A_290, %add3A_407 : i32
      %dma_wait3A_409 = arith.constant 2 : i32
      %dma_wait3A_410 = arith.constant 2 : i32
      %dma_wait3A_411 = arith.constant 1 : i32
      %dma_wait3A_412 = arith.constant 0 : i32
      %dma_wait3A_413 = arith.constant 0 : i32
      %dma_wait3A_414 = tpu.memref_slice %arg8[%dma_wait3A_409, %dma_wait3A_412, %dma_wait3A_413] : memref<4x80x128xf32, #tpu.memory_space<vmem>> -> memref<1x80x128xf32, #tpu.memory_space<vmem>>
      %dma_wait3A_415 = tpu.memref_squeeze %dma_wait3A_414 : memref<1x80x128xf32, #tpu.memory_space<vmem>> -> memref<80x128xf32, #tpu.memory_space<vmem>>
      %dma_wait3A_416 = arith.constant 0 : i32
      %dma_wait3A_417 = tpu.memref_slice %arg7[%dma_wait3A_410, %dma_wait3A_411, %dma_wait3A_416] : memref<4x2x80xi32, #tpu.memory_space<vmem>> -> memref<1x1x80xi32, #tpu.memory_space<vmem>>
      %dma_wait3A_418 = tpu.memref_squeeze %dma_wait3A_417 : memref<1x1x80xi32, #tpu.memory_space<vmem>> -> memref<80xi32, #tpu.memory_space<vmem>>
      %dma_wait3A_419 = arith.constant 0 : i32
      %dma_wait3A_420 = arith.constant 0 : i32
      %dma_wait3A_421 = tpu.memref_slice %arg6[%dma_wait3A_419, %dma_wait3A_420] : memref<10240x128xf32, #tpu.memory_space<vmem_shared>> -> memref<10240x128xf32, #tpu.memory_space<vmem_shared>>
      tpu.wait_indirect_dma semaphore(%arg15 : memref<!tpu.dma_semaphore, #tpu.memory_space<semaphore_mem>>) src(%dma_wait3A_415 : memref<80x128xf32, #tpu.memory_space<vmem>>) dst(%dma_wait3A_421 : memref<10240x128xf32, #tpu.memory_space<vmem_shared>>)
      %mul3A_422 = arith.constant 80 : i32
      %mul3A_423 = arith.muli %add3A_408, %mul3A_422 : i32
      %add3A_424 = arith.addi %mul3A_4, %mul3A_423 : i32
      %run_scoped3A_425 = arith.constant 2 : i32
      "tpu.region"() ({
        %run_scoped3A_523 = tpu.sem_alloc : memref<!tpu.dma_semaphore, #tpu.memory_space<semaphore_mem>>
        %dma_start3A_524 = arith.constant 0 : i32
        %dma_start3A_525 = arith.constant 0 : i32
        %dma_start3A_526 = tpu.memref_slice %arg7[%run_scoped3A_425, %dma_start3A_524, %dma_start3A_525] : memref<4x2x80xi32, #tpu.memory_space<vmem>> -> memref<1x2x80xi32, #tpu.memory_space<vmem>>
        %dma_start3A_527 = tpu.memref_squeeze %dma_start3A_526 : memref<1x2x80xi32, #tpu.memory_space<vmem>> -> memref<2x80xi32, #tpu.memory_space<vmem>>
        %dma_start3A_528 = arith.constant 0 : i32
        %dma_start3A_529 = tpu.memref_slice %arg3[%dma_start3A_528, %add3A_424] : memref<2x320000xi32, #tpu.memory_space<hbm>> -> memref<2x80xi32, #tpu.memory_space<hbm>>
        %dma_start3A_530 = arith.constant 0 : i32
        %dma_start3A_531 = arith.constant 0 : i32
        %dma_start3A_532 = tpu.memref_slice %arg7[%run_scoped3A_425, %dma_start3A_530, %dma_start3A_531] : memref<4x2x80xi32, #tpu.memory_space<vmem>> -> memref<1x2x80xi32, #tpu.memory_space<vmem>>
        %dma_start3A_533 = tpu.memref_squeeze %dma_start3A_532 : memref<1x2x80xi32, #tpu.memory_space<vmem>> -> memref<2x80xi32, #tpu.memory_space<vmem>>
        %dma_start3A_534 = arith.constant 0 : i32
        %dma_start3A_535 = tpu.memref_slice %arg3[%dma_start3A_534, %add3A_424] : memref<2x320000xi32, #tpu.memory_space<hbm>> -> memref<2x80xi32, #tpu.memory_space<hbm>>
        tpu.enqueue_dma source(%dma_start3A_535 : memref<2x80xi32, #tpu.memory_space<hbm>>) target(%dma_start3A_533 : memref<2x80xi32, #tpu.memory_space<vmem>>) target_semaphore(%run_scoped3A_523 : memref<!tpu.dma_semaphore, #tpu.memory_space<semaphore_mem>>)
        %dma_wait3A_536 = arith.constant 0 : i32
        %dma_wait3A_537 = arith.constant 0 : i32
        %dma_wait3A_538 = tpu.memref_slice %arg7[%run_scoped3A_425, %dma_wait3A_536, %dma_wait3A_537] : memref<4x2x80xi32, #tpu.memory_space<vmem>> -> memref<1x2x80xi32, #tpu.memory_space<vmem>>
        %dma_wait3A_539 = tpu.memref_squeeze %dma_wait3A_538 : memref<1x2x80xi32, #tpu.memory_space<vmem>> -> memref<2x80xi32, #tpu.memory_space<vmem>>
        %dma_wait3A_540 = arith.constant 0 : i32
        %dma_wait3A_541 = tpu.memref_slice %arg3[%dma_wait3A_540, %add3A_424] : memref<2x320000xi32, #tpu.memory_space<hbm>> -> memref<2x80xi32, #tpu.memory_space<hbm>>
        %dma_wait3A_542 = arith.constant 0 : i32
        %dma_wait3A_543 = arith.constant 0 : i32
        %dma_wait3A_544 = tpu.memref_slice %arg7[%run_scoped3A_425, %dma_wait3A_542, %dma_wait3A_543] : memref<4x2x80xi32, #tpu.memory_space<vmem>> -> memref<1x2x80xi32, #tpu.memory_space<vmem>>
        %dma_wait3A_545 = tpu.memref_squeeze %dma_wait3A_544 : memref<1x2x80xi32, #tpu.memory_space<vmem>> -> memref<2x80xi32, #tpu.memory_space<vmem>>
        %dma_wait3A_546 = arith.constant 0 : i32
        %dma_wait3A_547 = tpu.memref_slice %arg3[%dma_wait3A_546, %add3A_424] : memref<2x320000xi32, #tpu.memory_space<hbm>> -> memref<2x80xi32, #tpu.memory_space<hbm>>
        tpu.wait_dma2 semaphore(%run_scoped3A_523 : memref<!tpu.dma_semaphore, #tpu.memory_space<semaphore_mem>>) src(%dma_wait3A_547 : memref<2x80xi32, #tpu.memory_space<hbm>>) dst(%dma_wait3A_545 : memref<2x80xi32, #tpu.memory_space<vmem>>)
        tpu.yield
      }) : () -> ()
      %dma_start3A_426 = arith.constant 2 : i32
      %dma_start3A_427 = arith.constant 0 : i32
      %dma_start3A_428 = arith.constant 2 : i32
      %dma_start3A_429 = arith.constant 0 : i32
      %dma_start3A_430 = arith.constant 0 : i32
      %dma_start3A_431 = tpu.memref_slice %arg8[%dma_start3A_428, %dma_start3A_429, %dma_start3A_430] : memref<4x80x128xf32, #tpu.memory_space<vmem>> -> memref<1x80x128xf32, #tpu.memory_space<vmem>>
      %dma_start3A_432 = tpu.memref_squeeze %dma_start3A_431 : memref<1x80x128xf32, #tpu.memory_space<vmem>> -> memref<80x128xf32, #tpu.memory_space<vmem>>
      %dma_start3A_433 = arith.constant 0 : i32
      %dma_start3A_434 = tpu.memref_slice %arg7[%dma_start3A_426, %dma_start3A_427, %dma_start3A_433] : memref<4x2x80xi32, #tpu.memory_space<vmem>> -> memref<1x1x80xi32, #tpu.memory_space<vmem>>
      %dma_start3A_435 = tpu.memref_squeeze %dma_start3A_434 : memref<1x1x80xi32, #tpu.memory_space<vmem>> -> memref<80xi32, #tpu.memory_space<vmem>>
      %dma_start3A_436 = arith.constant 0 : i32
      %dma_start3A_437 = arith.constant 0 : i32
      %dma_start3A_438 = tpu.memref_slice %arg2[%dma_start3A_436, %dma_start3A_437] : memref<10000x128xf32, #tpu.memory_space<hbm>> -> memref<10000x128xf32, #tpu.memory_space<hbm>>
      tpu.enqueue_indirect_dma source(%dma_start3A_438 : memref<10000x128xf32, #tpu.memory_space<hbm>>) target(%dma_start3A_432 : memref<80x128xf32, #tpu.memory_space<vmem>>) offsets(%dma_start3A_435 : memref<80xi32, #tpu.memory_space<vmem>>) semaphore(%arg11 : memref<!tpu.dma_semaphore, #tpu.memory_space<semaphore_mem>>)
      %dma_wait3A_439 = arith.constant 0 : i32
      %dma_wait3A_440 = arith.constant 0 : i32
      %dma_wait3A_441 = arith.constant 0 : i32
      %dma_wait3A_442 = arith.constant 0 : i32
      %dma_wait3A_443 = arith.constant 0 : i32
      %dma_wait3A_444 = tpu.memref_slice %arg8[%dma_wait3A_441, %dma_wait3A_442, %dma_wait3A_443] : memref<4x80x128xf32, #tpu.memory_space<vmem>> -> memref<1x80x128xf32, #tpu.memory_space<vmem>>
      %dma_wait3A_445 = tpu.memref_squeeze %dma_wait3A_444 : memref<1x80x128xf32, #tpu.memory_space<vmem>> -> memref<80x128xf32, #tpu.memory_space<vmem>>
      %dma_wait3A_446 = arith.constant 0 : i32
      %dma_wait3A_447 = tpu.memref_slice %arg7[%dma_wait3A_439, %dma_wait3A_440, %dma_wait3A_446] : memref<4x2x80xi32, #tpu.memory_space<vmem>> -> memref<1x1x80xi32, #tpu.memory_space<vmem>>
      %dma_wait3A_448 = tpu.memref_squeeze %dma_wait3A_447 : memref<1x1x80xi32, #tpu.memory_space<vmem>> -> memref<80xi32, #tpu.memory_space<vmem>>
      %dma_wait3A_449 = arith.constant 0 : i32
      %dma_wait3A_450 = arith.constant 0 : i32
      %dma_wait3A_451 = tpu.memref_slice %arg2[%dma_wait3A_449, %dma_wait3A_450] : memref<10000x128xf32, #tpu.memory_space<hbm>> -> memref<10000x128xf32, #tpu.memory_space<hbm>>
      tpu.wait_indirect_dma semaphore(%arg9 : memref<!tpu.dma_semaphore, #tpu.memory_space<semaphore_mem>>) src(%dma_wait3A_451 : memref<10000x128xf32, #tpu.memory_space<hbm>>) dst(%dma_wait3A_445 : memref<80x128xf32, #tpu.memory_space<vmem>>)
      %dma_start3A_452 = arith.constant 0 : i32
      %dma_start3A_453 = arith.constant 0 : i32
      %dma_start3A_454 = arith.constant 1 : i32
      %dma_start3A_455 = arith.constant 0 : i32
      %dma_start3A_456 = arith.constant 0 : i32
      %dma_start3A_457 = tpu.memref_slice %arg8[%dma_start3A_452, %dma_start3A_455, %dma_start3A_456] : memref<4x80x128xf32, #tpu.memory_space<vmem>> -> memref<1x80x128xf32, #tpu.memory_space<vmem>>
      %dma_start3A_458 = tpu.memref_squeeze %dma_start3A_457 : memref<1x80x128xf32, #tpu.memory_space<vmem>> -> memref<80x128xf32, #tpu.memory_space<vmem>>
      %dma_start3A_459 = arith.constant 0 : i32
      %dma_start3A_460 = tpu.memref_slice %arg7[%dma_start3A_453, %dma_start3A_454, %dma_start3A_459] : memref<4x2x80xi32, #tpu.memory_space<vmem>> -> memref<1x1x80xi32, #tpu.memory_space<vmem>>
      %dma_start3A_461 = tpu.memref_squeeze %dma_start3A_460 : memref<1x1x80xi32, #tpu.memory_space<vmem>> -> memref<80xi32, #tpu.memory_space<vmem>>
      %dma_start3A_462 = arith.constant 0 : i32
      %dma_start3A_463 = arith.constant 0 : i32
      %dma_start3A_464 = tpu.memref_slice %arg6[%dma_start3A_462, %dma_start3A_463] : memref<10240x128xf32, #tpu.memory_space<vmem_shared>> -> memref<10240x128xf32, #tpu.memory_space<vmem_shared>>
      tpu.enqueue_indirect_dma source(%dma_start3A_458 : memref<80x128xf32, #tpu.memory_space<vmem>>) target(%dma_start3A_464 : memref<10240x128xf32, #tpu.memory_space<vmem_shared>>) offsets(%dma_start3A_461 : memref<80xi32, #tpu.memory_space<vmem>>) semaphore(%arg13 : memref<!tpu.dma_semaphore, #tpu.memory_space<semaphore_mem>>) {add = true}
      %add3A_465 = arith.constant 3 : i32
      %add3A_466 = arith.addi %add3A_290, %add3A_465 : i32
      %dma_wait3A_467 = arith.constant 3 : i32
      %dma_wait3A_468 = arith.constant 3 : i32
      %dma_wait3A_469 = arith.constant 1 : i32
      %dma_wait3A_470 = arith.constant 0 : i32
      %dma_wait3A_471 = arith.constant 0 : i32
      %dma_wait3A_472 = tpu.memref_slice %arg8[%dma_wait3A_467, %dma_wait3A_470, %dma_wait3A_471] : memref<4x80x128xf32, #tpu.memory_space<vmem>> -> memref<1x80x128xf32, #tpu.memory_space<vmem>>
      %dma_wait3A_473 = tpu.memref_squeeze %dma_wait3A_472 : memref<1x80x128xf32, #tpu.memory_space<vmem>> -> memref<80x128xf32, #tpu.memory_space<vmem>>
      %dma_wait3A_474 = arith.constant 0 : i32
      %dma_wait3A_475 = tpu.memref_slice %arg7[%dma_wait3A_468, %dma_wait3A_469, %dma_wait3A_474] : memref<4x2x80xi32, #tpu.memory_space<vmem>> -> memref<1x1x80xi32, #tpu.memory_space<vmem>>
      %dma_wait3A_476 = tpu.memref_squeeze %dma_wait3A_475 : memref<1x1x80xi32, #tpu.memory_space<vmem>> -> memref<80xi32, #tpu.memory_space<vmem>>
      %dma_wait3A_477 = arith.constant 0 : i32
      %dma_wait3A_478 = arith.constant 0 : i32
      %dma_wait3A_479 = tpu.memref_slice %arg6[%dma_wait3A_477, %dma_wait3A_478] : memref<10240x128xf32, #tpu.memory_space<vmem_shared>> -> memref<10240x128xf32, #tpu.memory_space<vmem_shared>>
      tpu.wait_indirect_dma semaphore(%arg16 : memref<!tpu.dma_semaphore, #tpu.memory_space<semaphore_mem>>) src(%dma_wait3A_473 : memref<80x128xf32, #tpu.memory_space<vmem>>) dst(%dma_wait3A_479 : memref<10240x128xf32, #tpu.memory_space<vmem_shared>>)
      %mul3A_480 = arith.constant 80 : i32
      %mul3A_481 = arith.muli %add3A_466, %mul3A_480 : i32
      %add3A_482 = arith.addi %mul3A_4, %mul3A_481 : i32
      %run_scoped3A_483 = arith.constant 3 : i32
      "tpu.region"() ({
        %run_scoped3A_523 = tpu.sem_alloc : memref<!tpu.dma_semaphore, #tpu.memory_space<semaphore_mem>>
        %dma_start3A_524 = arith.constant 0 : i32
        %dma_start3A_525 = arith.constant 0 : i32
        %dma_start3A_526 = tpu.memref_slice %arg7[%run_scoped3A_483, %dma_start3A_524, %dma_start3A_525] : memref<4x2x80xi32, #tpu.memory_space<vmem>> -> memref<1x2x80xi32, #tpu.memory_space<vmem>>
        %dma_start3A_527 = tpu.memref_squeeze %dma_start3A_526 : memref<1x2x80xi32, #tpu.memory_space<vmem>> -> memref<2x80xi32, #tpu.memory_space<vmem>>
        %dma_start3A_528 = arith.constant 0 : i32
        %dma_start3A_529 = tpu.memref_slice %arg3[%dma_start3A_528, %add3A_482] : memref<2x320000xi32, #tpu.memory_space<hbm>> -> memref<2x80xi32, #tpu.memory_space<hbm>>
        %dma_start3A_530 = arith.constant 0 : i32
        %dma_start3A_531 = arith.constant 0 : i32
        %dma_start3A_532 = tpu.memref_slice %arg7[%run_scoped3A_483, %dma_start3A_530, %dma_start3A_531] : memref<4x2x80xi32, #tpu.memory_space<vmem>> -> memref<1x2x80xi32, #tpu.memory_space<vmem>>
        %dma_start3A_533 = tpu.memref_squeeze %dma_start3A_532 : memref<1x2x80xi32, #tpu.memory_space<vmem>> -> memref<2x80xi32, #tpu.memory_space<vmem>>
        %dma_start3A_534 = arith.constant 0 : i32
        %dma_start3A_535 = tpu.memref_slice %arg3[%dma_start3A_534, %add3A_482] : memref<2x320000xi32, #tpu.memory_space<hbm>> -> memref<2x80xi32, #tpu.memory_space<hbm>>
        tpu.enqueue_dma source(%dma_start3A_535 : memref<2x80xi32, #tpu.memory_space<hbm>>) target(%dma_start3A_533 : memref<2x80xi32, #tpu.memory_space<vmem>>) target_semaphore(%run_scoped3A_523 : memref<!tpu.dma_semaphore, #tpu.memory_space<semaphore_mem>>)
        %dma_wait3A_536 = arith.constant 0 : i32
        %dma_wait3A_537 = arith.constant 0 : i32
        %dma_wait3A_538 = tpu.memref_slice %arg7[%run_scoped3A_483, %dma_wait3A_536, %dma_wait3A_537] : memref<4x2x80xi32, #tpu.memory_space<vmem>> -> memref<1x2x80xi32, #tpu.memory_space<vmem>>
        %dma_wait3A_539 = tpu.memref_squeeze %dma_wait3A_538 : memref<1x2x80xi32, #tpu.memory_space<vmem>> -> memref<2x80xi32, #tpu.memory_space<vmem>>
        %dma_wait3A_540 = arith.constant 0 : i32
        %dma_wait3A_541 = tpu.memref_slice %arg3[%dma_wait3A_540, %add3A_482] : memref<2x320000xi32, #tpu.memory_space<hbm>> -> memref<2x80xi32, #tpu.memory_space<hbm>>
        %dma_wait3A_542 = arith.constant 0 : i32
        %dma_wait3A_543 = arith.constant 0 : i32
        %dma_wait3A_544 = tpu.memref_slice %arg7[%run_scoped3A_483, %dma_wait3A_542, %dma_wait3A_543] : memref<4x2x80xi32, #tpu.memory_space<vmem>> -> memref<1x2x80xi32, #tpu.memory_space<vmem>>
        %dma_wait3A_545 = tpu.memref_squeeze %dma_wait3A_544 : memref<1x2x80xi32, #tpu.memory_space<vmem>> -> memref<2x80xi32, #tpu.memory_space<vmem>>
        %dma_wait3A_546 = arith.constant 0 : i32
        %dma_wait3A_547 = tpu.memref_slice %arg3[%dma_wait3A_546, %add3A_482] : memref<2x320000xi32, #tpu.memory_space<hbm>> -> memref<2x80xi32, #tpu.memory_space<hbm>>
        tpu.wait_dma2 semaphore(%run_scoped3A_523 : memref<!tpu.dma_semaphore, #tpu.memory_space<semaphore_mem>>) src(%dma_wait3A_547 : memref<2x80xi32, #tpu.memory_space<hbm>>) dst(%dma_wait3A_545 : memref<2x80xi32, #tpu.memory_space<vmem>>)
        tpu.yield
      }) : () -> ()
      %dma_start3A_484 = arith.constant 3 : i32
      %dma_start3A_485 = arith.constant 0 : i32
      %dma_start3A_486 = arith.constant 3 : i32
      %dma_start3A_487 = arith.constant 0 : i32
      %dma_start3A_488 = arith.constant 0 : i32
      %dma_start3A_489 = tpu.memref_slice %arg8[%dma_start3A_486, %dma_start3A_487, %dma_start3A_488] : memref<4x80x128xf32, #tpu.memory_space<vmem>> -> memref<1x80x128xf32, #tpu.memory_space<vmem>>
      %dma_start3A_490 = tpu.memref_squeeze %dma_start3A_489 : memref<1x80x128xf32, #tpu.memory_space<vmem>> -> memref<80x128xf32, #tpu.memory_space<vmem>>
      %dma_start3A_491 = arith.constant 0 : i32
      %dma_start3A_492 = tpu.memref_slice %arg7[%dma_start3A_484, %dma_start3A_485, %dma_start3A_491] : memref<4x2x80xi32, #tpu.memory_space<vmem>> -> memref<1x1x80xi32, #tpu.memory_space<vmem>>
      %dma_start3A_493 = tpu.memref_squeeze %dma_start3A_492 : memref<1x1x80xi32, #tpu.memory_space<vmem>> -> memref<80xi32, #tpu.memory_space<vmem>>
      %dma_start3A_494 = arith.constant 0 : i32
      %dma_start3A_495 = arith.constant 0 : i32
      %dma_start3A_496 = tpu.memref_slice %arg2[%dma_start3A_494, %dma_start3A_495] : memref<10000x128xf32, #tpu.memory_space<hbm>> -> memref<10000x128xf32, #tpu.memory_space<hbm>>
      tpu.enqueue_indirect_dma source(%dma_start3A_496 : memref<10000x128xf32, #tpu.memory_space<hbm>>) target(%dma_start3A_490 : memref<80x128xf32, #tpu.memory_space<vmem>>) offsets(%dma_start3A_493 : memref<80xi32, #tpu.memory_space<vmem>>) semaphore(%arg12 : memref<!tpu.dma_semaphore, #tpu.memory_space<semaphore_mem>>)
      %dma_wait3A_497 = arith.constant 1 : i32
      %dma_wait3A_498 = arith.constant 0 : i32
      %dma_wait3A_499 = arith.constant 1 : i32
      %dma_wait3A_500 = arith.constant 0 : i32
      %dma_wait3A_501 = arith.constant 0 : i32
      %dma_wait3A_502 = tpu.memref_slice %arg8[%dma_wait3A_499, %dma_wait3A_500, %dma_wait3A_501] : memref<4x80x128xf32, #tpu.memory_space<vmem>> -> memref<1x80x128xf32, #tpu.memory_space<vmem>>
      %dma_wait3A_503 = tpu.memref_squeeze %dma_wait3A_502 : memref<1x80x128xf32, #tpu.memory_space<vmem>> -> memref<80x128xf32, #tpu.memory_space<vmem>>
      %dma_wait3A_504 = arith.constant 0 : i32
      %dma_wait3A_505 = tpu.memref_slice %arg7[%dma_wait3A_497, %dma_wait3A_498, %dma_wait3A_504] : memref<4x2x80xi32, #tpu.memory_space<vmem>> -> memref<1x1x80xi32, #tpu.memory_space<vmem>>
      %dma_wait3A_506 = tpu.memref_squeeze %dma_wait3A_505 : memref<1x1x80xi32, #tpu.memory_space<vmem>> -> memref<80xi32, #tpu.memory_space<vmem>>
      %dma_wait3A_507 = arith.constant 0 : i32
      %dma_wait3A_508 = arith.constant 0 : i32
      %dma_wait3A_509 = tpu.memref_slice %arg2[%dma_wait3A_507, %dma_wait3A_508] : memref<10000x128xf32, #tpu.memory_space<hbm>> -> memref<10000x128xf32, #tpu.memory_space<hbm>>
      tpu.wait_indirect_dma semaphore(%arg10 : memref<!tpu.dma_semaphore, #tpu.memory_space<semaphore_mem>>) src(%dma_wait3A_509 : memref<10000x128xf32, #tpu.memory_space<hbm>>) dst(%dma_wait3A_503 : memref<80x128xf32, #tpu.memory_space<vmem>>)
      %dma_start3A_510 = arith.constant 1 : i32
      %dma_start3A_511 = arith.constant 1 : i32
      %dma_start3A_512 = arith.constant 1 : i32
      %dma_start3A_513 = arith.constant 0 : i32
      %dma_start3A_514 = arith.constant 0 : i32
      %dma_start3A_515 = tpu.memref_slice %arg8[%dma_start3A_510, %dma_start3A_513, %dma_start3A_514] : memref<4x80x128xf32, #tpu.memory_space<vmem>> -> memref<1x80x128xf32, #tpu.memory_space<vmem>>
      %dma_start3A_516 = tpu.memref_squeeze %dma_start3A_515 : memref<1x80x128xf32, #tpu.memory_space<vmem>> -> memref<80x128xf32, #tpu.memory_space<vmem>>
      %dma_start3A_517 = arith.constant 0 : i32
      %dma_start3A_518 = tpu.memref_slice %arg7[%dma_start3A_511, %dma_start3A_512, %dma_start3A_517] : memref<4x2x80xi32, #tpu.memory_space<vmem>> -> memref<1x1x80xi32, #tpu.memory_space<vmem>>
      %dma_start3A_519 = tpu.memref_squeeze %dma_start3A_518 : memref<1x1x80xi32, #tpu.memory_space<vmem>> -> memref<80xi32, #tpu.memory_space<vmem>>
      %dma_start3A_520 = arith.constant 0 : i32
      %dma_start3A_521 = arith.constant 0 : i32
      %dma_start3A_522 = tpu.memref_slice %arg6[%dma_start3A_520, %dma_start3A_521] : memref<10240x128xf32, #tpu.memory_space<vmem_shared>> -> memref<10240x128xf32, #tpu.memory_space<vmem_shared>>
      tpu.enqueue_indirect_dma source(%dma_start3A_516 : memref<80x128xf32, #tpu.memory_space<vmem>>) target(%dma_start3A_522 : memref<10240x128xf32, #tpu.memory_space<vmem_shared>>) offsets(%dma_start3A_519 : memref<80xi32, #tpu.memory_space<vmem>>) semaphore(%arg14 : memref<!tpu.dma_semaphore, #tpu.memory_space<semaphore_mem>>) {add = true}
    }
    %scan3A_122 = arith.constant 30 : i32
    %dma_wait3A_123 = arith.constant 0 : i32
    %dma_wait3A_124 = arith.constant 0 : i32
    %dma_wait3A_125 = arith.constant 1 : i32
    %dma_wait3A_126 = arith.constant 0 : i32
    %dma_wait3A_127 = arith.constant 0 : i32
    %dma_wait3A_128 = tpu.memref_slice %arg8[%dma_wait3A_123, %dma_wait3A_126, %dma_wait3A_127] : memref<4x80x128xf32, #tpu.memory_space<vmem>> -> memref<1x80x128xf32, #tpu.memory_space<vmem>>
    %dma_wait3A_129 = tpu.memref_squeeze %dma_wait3A_128 : memref<1x80x128xf32, #tpu.memory_space<vmem>> -> memref<80x128xf32, #tpu.memory_space<vmem>>
    %dma_wait3A_130 = arith.constant 0 : i32
    %dma_wait3A_131 = tpu.memref_slice %arg7[%dma_wait3A_124, %dma_wait3A_125, %dma_wait3A_130] : memref<4x2x80xi32, #tpu.memory_space<vmem>> -> memref<1x1x80xi32, #tpu.memory_space<vmem>>
    %dma_wait3A_132 = tpu.memref_squeeze %dma_wait3A_131 : memref<1x1x80xi32, #tpu.memory_space<vmem>> -> memref<80xi32, #tpu.memory_space<vmem>>
    %dma_wait3A_133 = arith.constant 0 : i32
    %dma_wait3A_134 = arith.constant 0 : i32
    %dma_wait3A_135 = tpu.memref_slice %arg6[%dma_wait3A_133, %dma_wait3A_134] : memref<10240x128xf32, #tpu.memory_space<vmem_shared>> -> memref<10240x128xf32, #tpu.memory_space<vmem_shared>>
    tpu.wait_indirect_dma semaphore(%arg13 : memref<!tpu.dma_semaphore, #tpu.memory_space<semaphore_mem>>) src(%dma_wait3A_129 : memref<80x128xf32, #tpu.memory_space<vmem>>) dst(%dma_wait3A_135 : memref<10240x128xf32, #tpu.memory_space<vmem_shared>>)
    %add3A_136 = arith.constant 9920 : i32
    %add3A_137 = arith.addi %mul3A_4, %add3A_136 : i32
    %run_scoped3A_138 = arith.constant 0 : i32
    "tpu.region"() ({
      %run_scoped3A_286 = tpu.sem_alloc : memref<!tpu.dma_semaphore, #tpu.memory_space<semaphore_mem>>
      %dma_start3A_287 = arith.constant 0 : i32
      %dma_start3A_288 = arith.constant 0 : i32
      %dma_start3A_289 = tpu.memref_slice %arg7[%run_scoped3A_138, %dma_start3A_287, %dma_start3A_288] : memref<4x2x80xi32, #tpu.memory_space<vmem>> -> memref<1x2x80xi32, #tpu.memory_space<vmem>>
      %dma_start3A_290 = tpu.memref_squeeze %dma_start3A_289 : memref<1x2x80xi32, #tpu.memory_space<vmem>> -> memref<2x80xi32, #tpu.memory_space<vmem>>
      %dma_start3A_291 = arith.constant 0 : i32
      %dma_start3A_292 = tpu.memref_slice %arg3[%dma_start3A_291, %add3A_137] : memref<2x320000xi32, #tpu.memory_space<hbm>> -> memref<2x80xi32, #tpu.memory_space<hbm>>
      %dma_start3A_293 = arith.constant 0 : i32
      %dma_start3A_294 = arith.constant 0 : i32
      %dma_start3A_295 = tpu.memref_slice %arg7[%run_scoped3A_138, %dma_start3A_293, %dma_start3A_294] : memref<4x2x80xi32, #tpu.memory_space<vmem>> -> memref<1x2x80xi32, #tpu.memory_space<vmem>>
      %dma_start3A_296 = tpu.memref_squeeze %dma_start3A_295 : memref<1x2x80xi32, #tpu.memory_space<vmem>> -> memref<2x80xi32, #tpu.memory_space<vmem>>
      %dma_start3A_297 = arith.constant 0 : i32
      %dma_start3A_298 = tpu.memref_slice %arg3[%dma_start3A_297, %add3A_137] : memref<2x320000xi32, #tpu.memory_space<hbm>> -> memref<2x80xi32, #tpu.memory_space<hbm>>
      tpu.enqueue_dma source(%dma_start3A_298 : memref<2x80xi32, #tpu.memory_space<hbm>>) target(%dma_start3A_296 : memref<2x80xi32, #tpu.memory_space<vmem>>) target_semaphore(%run_scoped3A_286 : memref<!tpu.dma_semaphore, #tpu.memory_space<semaphore_mem>>)
      %dma_wait3A_299 = arith.constant 0 : i32
      %dma_wait3A_300 = arith.constant 0 : i32
      %dma_wait3A_301 = tpu.memref_slice %arg7[%run_scoped3A_138, %dma_wait3A_299, %dma_wait3A_300] : memref<4x2x80xi32, #tpu.memory_space<vmem>> -> memref<1x2x80xi32, #tpu.memory_space<vmem>>
      %dma_wait3A_302 = tpu.memref_squeeze %dma_wait3A_301 : memref<1x2x80xi32, #tpu.memory_space<vmem>> -> memref<2x80xi32, #tpu.memory_space<vmem>>
      %dma_wait3A_303 = arith.constant 0 : i32
      %dma_wait3A_304 = tpu.memref_slice %arg3[%dma_wait3A_303, %add3A_137] : memref<2x320000xi32, #tpu.memory_space<hbm>> -> memref<2x80xi32, #tpu.memory_space<hbm>>
      %dma_wait3A_305 = arith.constant 0 : i32
      %dma_wait3A_306 = arith.constant 0 : i32
      %dma_wait3A_307 = tpu.memref_slice %arg7[%run_scoped3A_138, %dma_wait3A_305, %dma_wait3A_306] : memref<4x2x80xi32, #tpu.memory_space<vmem>> -> memref<1x2x80xi32, #tpu.memory_space<vmem>>
      %dma_wait3A_308 = tpu.memref_squeeze %dma_wait3A_307 : memref<1x2x80xi32, #tpu.memory_space<vmem>> -> memref<2x80xi32, #tpu.memory_space<vmem>>
      %dma_wait3A_309 = arith.constant 0 : i32
      %dma_wait3A_310 = tpu.memref_slice %arg3[%dma_wait3A_309, %add3A_137] : memref<2x320000xi32, #tpu.memory_space<hbm>> -> memref<2x80xi32, #tpu.memory_space<hbm>>
      tpu.wait_dma2 semaphore(%run_scoped3A_286 : memref<!tpu.dma_semaphore, #tpu.memory_space<semaphore_mem>>) src(%dma_wait3A_310 : memref<2x80xi32, #tpu.memory_space<hbm>>) dst(%dma_wait3A_308 : memref<2x80xi32, #tpu.memory_space<vmem>>)
      tpu.yield
    }) : () -> ()
    %dma_start3A_139 = arith.constant 0 : i32
    %dma_start3A_140 = arith.constant 0 : i32
    %dma_start3A_141 = arith.constant 0 : i32
    %dma_start3A_142 = arith.constant 0 : i32
    %dma_start3A_143 = arith.constant 0 : i32
    %dma_start3A_144 = tpu.memref_slice %arg8[%dma_start3A_141, %dma_start3A_142, %dma_start3A_143] : memref<4x80x128xf32, #tpu.memory_space<vmem>> -> memref<1x80x128xf32, #tpu.memory_space<vmem>>
    %dma_start3A_145 = tpu.memref_squeeze %dma_start3A_144 : memref<1x80x128xf32, #tpu.memory_space<vmem>> -> memref<80x128xf32, #tpu.memory_space<vmem>>
    %dma_start3A_146 = arith.constant 0 : i32
    %dma_start3A_147 = tpu.memref_slice %arg7[%dma_start3A_139, %dma_start3A_140, %dma_start3A_146] : memref<4x2x80xi32, #tpu.memory_space<vmem>> -> memref<1x1x80xi32, #tpu.memory_space<vmem>>
    %dma_start3A_148 = tpu.memref_squeeze %dma_start3A_147 : memref<1x1x80xi32, #tpu.memory_space<vmem>> -> memref<80xi32, #tpu.memory_space<vmem>>
    %dma_start3A_149 = arith.constant 0 : i32
    %dma_start3A_150 = arith.constant 0 : i32
    %dma_start3A_151 = tpu.memref_slice %arg2[%dma_start3A_149, %dma_start3A_150] : memref<10000x128xf32, #tpu.memory_space<hbm>> -> memref<10000x128xf32, #tpu.memory_space<hbm>>
    tpu.enqueue_indirect_dma source(%dma_start3A_151 : memref<10000x128xf32, #tpu.memory_space<hbm>>) target(%dma_start3A_145 : memref<80x128xf32, #tpu.memory_space<vmem>>) offsets(%dma_start3A_148 : memref<80xi32, #tpu.memory_space<vmem>>) semaphore(%arg9 : memref<!tpu.dma_semaphore, #tpu.memory_space<semaphore_mem>>)
    %dma_wait3A_152 = arith.constant 2 : i32
    %dma_wait3A_153 = arith.constant 0 : i32
    %dma_wait3A_154 = arith.constant 2 : i32
    %dma_wait3A_155 = arith.constant 0 : i32
    %dma_wait3A_156 = arith.constant 0 : i32
    %dma_wait3A_157 = tpu.memref_slice %arg8[%dma_wait3A_154, %dma_wait3A_155, %dma_wait3A_156] : memref<4x80x128xf32, #tpu.memory_space<vmem>> -> memref<1x80x128xf32, #tpu.memory_space<vmem>>
    %dma_wait3A_158 = tpu.memref_squeeze %dma_wait3A_157 : memref<1x80x128xf32, #tpu.memory_space<vmem>> -> memref<80x128xf32, #tpu.memory_space<vmem>>
    %dma_wait3A_159 = arith.constant 0 : i32
    %dma_wait3A_160 = tpu.memref_slice %arg7[%dma_wait3A_152, %dma_wait3A_153, %dma_wait3A_159] : memref<4x2x80xi32, #tpu.memory_space<vmem>> -> memref<1x1x80xi32, #tpu.memory_space<vmem>>
    %dma_wait3A_161 = tpu.memref_squeeze %dma_wait3A_160 : memref<1x1x80xi32, #tpu.memory_space<vmem>> -> memref<80xi32, #tpu.memory_space<vmem>>
    %dma_wait3A_162 = arith.constant 0 : i32
    %dma_wait3A_163 = arith.constant 0 : i32
    %dma_wait3A_164 = tpu.memref_slice %arg2[%dma_wait3A_162, %dma_wait3A_163] : memref<10000x128xf32, #tpu.memory_space<hbm>> -> memref<10000x128xf32, #tpu.memory_space<hbm>>
    tpu.wait_indirect_dma semaphore(%arg11 : memref<!tpu.dma_semaphore, #tpu.memory_space<semaphore_mem>>) src(%dma_wait3A_164 : memref<10000x128xf32, #tpu.memory_space<hbm>>) dst(%dma_wait3A_158 : memref<80x128xf32, #tpu.memory_space<vmem>>)
    %dma_start3A_165 = arith.constant 2 : i32
    %dma_start3A_166 = arith.constant 2 : i32
    %dma_start3A_167 = arith.constant 1 : i32
    %dma_start3A_168 = arith.constant 0 : i32
    %dma_start3A_169 = arith.constant 0 : i32
    %dma_start3A_170 = tpu.memref_slice %arg8[%dma_start3A_165, %dma_start3A_168, %dma_start3A_169] : memref<4x80x128xf32, #tpu.memory_space<vmem>> -> memref<1x80x128xf32, #tpu.memory_space<vmem>>
    %dma_start3A_171 = tpu.memref_squeeze %dma_start3A_170 : memref<1x80x128xf32, #tpu.memory_space<vmem>> -> memref<80x128xf32, #tpu.memory_space<vmem>>
    %dma_start3A_172 = arith.constant 0 : i32
    %dma_start3A_173 = tpu.memref_slice %arg7[%dma_start3A_166, %dma_start3A_167, %dma_start3A_172] : memref<4x2x80xi32, #tpu.memory_space<vmem>> -> memref<1x1x80xi32, #tpu.memory_space<vmem>>
    %dma_start3A_174 = tpu.memref_squeeze %dma_start3A_173 : memref<1x1x80xi32, #tpu.memory_space<vmem>> -> memref<80xi32, #tpu.memory_space<vmem>>
    %dma_start3A_175 = arith.constant 0 : i32
    %dma_start3A_176 = arith.constant 0 : i32
    %dma_start3A_177 = tpu.memref_slice %arg6[%dma_start3A_175, %dma_start3A_176] : memref<10240x128xf32, #tpu.memory_space<vmem_shared>> -> memref<10240x128xf32, #tpu.memory_space<vmem_shared>>
    tpu.enqueue_indirect_dma source(%dma_start3A_171 : memref<80x128xf32, #tpu.memory_space<vmem>>) target(%dma_start3A_177 : memref<10240x128xf32, #tpu.memory_space<vmem_shared>>) offsets(%dma_start3A_174 : memref<80xi32, #tpu.memory_space<vmem>>) semaphore(%arg15 : memref<!tpu.dma_semaphore, #tpu.memory_space<semaphore_mem>>) {add = true}
    %dma_wait3A_178 = arith.constant 3 : i32
    %dma_wait3A_179 = arith.constant 0 : i32
    %dma_wait3A_180 = arith.constant 3 : i32
    %dma_wait3A_181 = arith.constant 0 : i32
    %dma_wait3A_182 = arith.constant 0 : i32
    %dma_wait3A_183 = tpu.memref_slice %arg8[%dma_wait3A_180, %dma_wait3A_181, %dma_wait3A_182] : memref<4x80x128xf32, #tpu.memory_space<vmem>> -> memref<1x80x128xf32, #tpu.memory_space<vmem>>
    %dma_wait3A_184 = tpu.memref_squeeze %dma_wait3A_183 : memref<1x80x128xf32, #tpu.memory_space<vmem>> -> memref<80x128xf32, #tpu.memory_space<vmem>>
    %dma_wait3A_185 = arith.constant 0 : i32
    %dma_wait3A_186 = tpu.memref_slice %arg7[%dma_wait3A_178, %dma_wait3A_179, %dma_wait3A_185] : memref<4x2x80xi32, #tpu.memory_space<vmem>> -> memref<1x1x80xi32, #tpu.memory_space<vmem>>
    %dma_wait3A_187 = tpu.memref_squeeze %dma_wait3A_186 : memref<1x1x80xi32, #tpu.memory_space<vmem>> -> memref<80xi32, #tpu.memory_space<vmem>>
    %dma_wait3A_188 = arith.constant 0 : i32
    %dma_wait3A_189 = arith.constant 0 : i32
    %dma_wait3A_190 = tpu.memref_slice %arg2[%dma_wait3A_188, %dma_wait3A_189] : memref<10000x128xf32, #tpu.memory_space<hbm>> -> memref<10000x128xf32, #tpu.memory_space<hbm>>
    tpu.wait_indirect_dma semaphore(%arg12 : memref<!tpu.dma_semaphore, #tpu.memory_space<semaphore_mem>>) src(%dma_wait3A_190 : memref<10000x128xf32, #tpu.memory_space<hbm>>) dst(%dma_wait3A_184 : memref<80x128xf32, #tpu.memory_space<vmem>>)
    %dma_start3A_191 = arith.constant 3 : i32
    %dma_start3A_192 = arith.constant 3 : i32
    %dma_start3A_193 = arith.constant 1 : i32
    %dma_start3A_194 = arith.constant 0 : i32
    %dma_start3A_195 = arith.constant 0 : i32
    %dma_start3A_196 = tpu.memref_slice %arg8[%dma_start3A_191, %dma_start3A_194, %dma_start3A_195] : memref<4x80x128xf32, #tpu.memory_space<vmem>> -> memref<1x80x128xf32, #tpu.memory_space<vmem>>
    %dma_start3A_197 = tpu.memref_squeeze %dma_start3A_196 : memref<1x80x128xf32, #tpu.memory_space<vmem>> -> memref<80x128xf32, #tpu.memory_space<vmem>>
    %dma_start3A_198 = arith.constant 0 : i32
    %dma_start3A_199 = tpu.memref_slice %arg7[%dma_start3A_192, %dma_start3A_193, %dma_start3A_198] : memref<4x2x80xi32, #tpu.memory_space<vmem>> -> memref<1x1x80xi32, #tpu.memory_space<vmem>>
    %dma_start3A_200 = tpu.memref_squeeze %dma_start3A_199 : memref<1x1x80xi32, #tpu.memory_space<vmem>> -> memref<80xi32, #tpu.memory_space<vmem>>
    %dma_start3A_201 = arith.constant 0 : i32
    %dma_start3A_202 = arith.constant 0 : i32
    %dma_start3A_203 = tpu.memref_slice %arg6[%dma_start3A_201, %dma_start3A_202] : memref<10240x128xf32, #tpu.memory_space<vmem_shared>> -> memref<10240x128xf32, #tpu.memory_space<vmem_shared>>
    tpu.enqueue_indirect_dma source(%dma_start3A_197 : memref<80x128xf32, #tpu.memory_space<vmem>>) target(%dma_start3A_203 : memref<10240x128xf32, #tpu.memory_space<vmem_shared>>) offsets(%dma_start3A_200 : memref<80xi32, #tpu.memory_space<vmem>>) semaphore(%arg16 : memref<!tpu.dma_semaphore, #tpu.memory_space<semaphore_mem>>) {add = true}
    %dma_wait3A_204 = arith.constant 0 : i32
    %dma_wait3A_205 = arith.constant 0 : i32
    %dma_wait3A_206 = arith.constant 0 : i32
    %dma_wait3A_207 = arith.constant 0 : i32
    %dma_wait3A_208 = arith.constant 0 : i32
    %dma_wait3A_209 = tpu.memref_slice %arg8[%dma_wait3A_206, %dma_wait3A_207, %dma_wait3A_208] : memref<4x80x128xf32, #tpu.memory_space<vmem>> -> memref<1x80x128xf32, #tpu.memory_space<vmem>>
    %dma_wait3A_210 = tpu.memref_squeeze %dma_wait3A_209 : memref<1x80x128xf32, #tpu.memory_space<vmem>> -> memref<80x128xf32, #tpu.memory_space<vmem>>
    %dma_wait3A_211 = arith.constant 0 : i32
    %dma_wait3A_212 = tpu.memref_slice %arg7[%dma_wait3A_204, %dma_wait3A_205, %dma_wait3A_211] : memref<4x2x80xi32, #tpu.memory_space<vmem>> -> memref<1x1x80xi32, #tpu.memory_space<vmem>>
    %dma_wait3A_213 = tpu.memref_squeeze %dma_wait3A_212 : memref<1x1x80xi32, #tpu.memory_space<vmem>> -> memref<80xi32, #tpu.memory_space<vmem>>
    %dma_wait3A_214 = arith.constant 0 : i32
    %dma_wait3A_215 = arith.constant 0 : i32
    %dma_wait3A_216 = tpu.memref_slice %arg2[%dma_wait3A_214, %dma_wait3A_215] : memref<10000x128xf32, #tpu.memory_space<hbm>> -> memref<10000x128xf32, #tpu.memory_space<hbm>>
    tpu.wait_indirect_dma semaphore(%arg9 : memref<!tpu.dma_semaphore, #tpu.memory_space<semaphore_mem>>) src(%dma_wait3A_216 : memref<10000x128xf32, #tpu.memory_space<hbm>>) dst(%dma_wait3A_210 : memref<80x128xf32, #tpu.memory_space<vmem>>)
    %dma_start3A_217 = arith.constant 0 : i32
    %dma_start3A_218 = arith.constant 0 : i32
    %dma_start3A_219 = arith.constant 1 : i32
    %dma_start3A_220 = arith.constant 0 : i32
    %dma_start3A_221 = arith.constant 0 : i32
    %dma_start3A_222 = tpu.memref_slice %arg8[%dma_start3A_217, %dma_start3A_220, %dma_start3A_221] : memref<4x80x128xf32, #tpu.memory_space<vmem>> -> memref<1x80x128xf32, #tpu.memory_space<vmem>>
    %dma_start3A_223 = tpu.memref_squeeze %dma_start3A_222 : memref<1x80x128xf32, #tpu.memory_space<vmem>> -> memref<80x128xf32, #tpu.memory_space<vmem>>
    %dma_start3A_224 = arith.constant 0 : i32
    %dma_start3A_225 = tpu.memref_slice %arg7[%dma_start3A_218, %dma_start3A_219, %dma_start3A_224] : memref<4x2x80xi32, #tpu.memory_space<vmem>> -> memref<1x1x80xi32, #tpu.memory_space<vmem>>
    %dma_start3A_226 = tpu.memref_squeeze %dma_start3A_225 : memref<1x1x80xi32, #tpu.memory_space<vmem>> -> memref<80xi32, #tpu.memory_space<vmem>>
    %dma_start3A_227 = arith.constant 0 : i32
    %dma_start3A_228 = arith.constant 0 : i32
    %dma_start3A_229 = tpu.memref_slice %arg6[%dma_start3A_227, %dma_start3A_228] : memref<10240x128xf32, #tpu.memory_space<vmem_shared>> -> memref<10240x128xf32, #tpu.memory_space<vmem_shared>>
    tpu.enqueue_indirect_dma source(%dma_start3A_223 : memref<80x128xf32, #tpu.memory_space<vmem>>) target(%dma_start3A_229 : memref<10240x128xf32, #tpu.memory_space<vmem_shared>>) offsets(%dma_start3A_226 : memref<80xi32, #tpu.memory_space<vmem>>) semaphore(%arg13 : memref<!tpu.dma_semaphore, #tpu.memory_space<semaphore_mem>>) {add = true}
    %dma_wait3A_230 = arith.constant 0 : i32
    %dma_wait3A_231 = arith.constant 0 : i32
    %dma_wait3A_232 = arith.constant 1 : i32
    %dma_wait3A_233 = arith.constant 0 : i32
    %dma_wait3A_234 = arith.constant 0 : i32
    %dma_wait3A_235 = tpu.memref_slice %arg8[%dma_wait3A_230, %dma_wait3A_233, %dma_wait3A_234] : memref<4x80x128xf32, #tpu.memory_space<vmem>> -> memref<1x80x128xf32, #tpu.memory_space<vmem>>
    %dma_wait3A_236 = tpu.memref_squeeze %dma_wait3A_235 : memref<1x80x128xf32, #tpu.memory_space<vmem>> -> memref<80x128xf32, #tpu.memory_space<vmem>>
    %dma_wait3A_237 = arith.constant 0 : i32
    %dma_wait3A_238 = tpu.memref_slice %arg7[%dma_wait3A_231, %dma_wait3A_232, %dma_wait3A_237] : memref<4x2x80xi32, #tpu.memory_space<vmem>> -> memref<1x1x80xi32, #tpu.memory_space<vmem>>
    %dma_wait3A_239 = tpu.memref_squeeze %dma_wait3A_238 : memref<1x1x80xi32, #tpu.memory_space<vmem>> -> memref<80xi32, #tpu.memory_space<vmem>>
    %dma_wait3A_240 = arith.constant 0 : i32
    %dma_wait3A_241 = arith.constant 0 : i32
    %dma_wait3A_242 = tpu.memref_slice %arg6[%dma_wait3A_240, %dma_wait3A_241] : memref<10240x128xf32, #tpu.memory_space<vmem_shared>> -> memref<10240x128xf32, #tpu.memory_space<vmem_shared>>
    tpu.wait_indirect_dma semaphore(%arg13 : memref<!tpu.dma_semaphore, #tpu.memory_space<semaphore_mem>>) src(%dma_wait3A_236 : memref<80x128xf32, #tpu.memory_space<vmem>>) dst(%dma_wait3A_242 : memref<10240x128xf32, #tpu.memory_space<vmem_shared>>)
    %dma_wait3A_243 = arith.constant 1 : i32
    %dma_wait3A_244 = arith.constant 1 : i32
    %dma_wait3A_245 = arith.constant 1 : i32
    %dma_wait3A_246 = arith.constant 0 : i32
    %dma_wait3A_247 = arith.constant 0 : i32
    %dma_wait3A_248 = tpu.memref_slice %arg8[%dma_wait3A_243, %dma_wait3A_246, %dma_wait3A_247] : memref<4x80x128xf32, #tpu.memory_space<vmem>> -> memref<1x80x128xf32, #tpu.memory_space<vmem>>
    %dma_wait3A_249 = tpu.memref_squeeze %dma_wait3A_248 : memref<1x80x128xf32, #tpu.memory_space<vmem>> -> memref<80x128xf32, #tpu.memory_space<vmem>>
    %dma_wait3A_250 = arith.constant 0 : i32
    %dma_wait3A_251 = tpu.memref_slice %arg7[%dma_wait3A_244, %dma_wait3A_245, %dma_wait3A_250] : memref<4x2x80xi32, #tpu.memory_space<vmem>> -> memref<1x1x80xi32, #tpu.memory_space<vmem>>
    %dma_wait3A_252 = tpu.memref_squeeze %dma_wait3A_251 : memref<1x1x80xi32, #tpu.memory_space<vmem>> -> memref<80xi32, #tpu.memory_space<vmem>>
    %dma_wait3A_253 = arith.constant 0 : i32
    %dma_wait3A_254 = arith.constant 0 : i32
    %dma_wait3A_255 = tpu.memref_slice %arg6[%dma_wait3A_253, %dma_wait3A_254] : memref<10240x128xf32, #tpu.memory_space<vmem_shared>> -> memref<10240x128xf32, #tpu.memory_space<vmem_shared>>
    tpu.wait_indirect_dma semaphore(%arg14 : memref<!tpu.dma_semaphore, #tpu.memory_space<semaphore_mem>>) src(%dma_wait3A_249 : memref<80x128xf32, #tpu.memory_space<vmem>>) dst(%dma_wait3A_255 : memref<10240x128xf32, #tpu.memory_space<vmem_shared>>)
    %dma_wait3A_256 = arith.constant 2 : i32
    %dma_wait3A_257 = arith.constant 2 : i32
    %dma_wait3A_258 = arith.constant 1 : i32
    %dma_wait3A_259 = arith.constant 0 : i32
    %dma_wait3A_260 = arith.constant 0 : i32
    %dma_wait3A_261 = tpu.memref_slice %arg8[%dma_wait3A_256, %dma_wait3A_259, %dma_wait3A_260] : memref<4x80x128xf32, #tpu.memory_space<vmem>> -> memref<1x80x128xf32, #tpu.memory_space<vmem>>
    %dma_wait3A_262 = tpu.memref_squeeze %dma_wait3A_261 : memref<1x80x128xf32, #tpu.memory_space<vmem>> -> memref<80x128xf32, #tpu.memory_space<vmem>>
    %dma_wait3A_263 = arith.constant 0 : i32
    %dma_wait3A_264 = tpu.memref_slice %arg7[%dma_wait3A_257, %dma_wait3A_258, %dma_wait3A_263] : memref<4x2x80xi32, #tpu.memory_space<vmem>> -> memref<1x1x80xi32, #tpu.memory_space<vmem>>
    %dma_wait3A_265 = tpu.memref_squeeze %dma_wait3A_264 : memref<1x1x80xi32, #tpu.memory_space<vmem>> -> memref<80xi32, #tpu.memory_space<vmem>>
    %dma_wait3A_266 = arith.constant 0 : i32
    %dma_wait3A_267 = arith.constant 0 : i32
    %dma_wait3A_268 = tpu.memref_slice %arg6[%dma_wait3A_266, %dma_wait3A_267] : memref<10240x128xf32, #tpu.memory_space<vmem_shared>> -> memref<10240x128xf32, #tpu.memory_space<vmem_shared>>
    tpu.wait_indirect_dma semaphore(%arg15 : memref<!tpu.dma_semaphore, #tpu.memory_space<semaphore_mem>>) src(%dma_wait3A_262 : memref<80x128xf32, #tpu.memory_space<vmem>>) dst(%dma_wait3A_268 : memref<10240x128xf32, #tpu.memory_space<vmem_shared>>)
    %dma_wait3A_269 = arith.constant 3 : i32
    %dma_wait3A_270 = arith.constant 3 : i32
    %dma_wait3A_271 = arith.constant 1 : i32
    %dma_wait3A_272 = arith.constant 0 : i32
    %dma_wait3A_273 = arith.constant 0 : i32
    %dma_wait3A_274 = tpu.memref_slice %arg8[%dma_wait3A_269, %dma_wait3A_272, %dma_wait3A_273] : memref<4x80x128xf32, #tpu.memory_space<vmem>> -> memref<1x80x128xf32, #tpu.memory_space<vmem>>
    %dma_wait3A_275 = tpu.memref_squeeze %dma_wait3A_274 : memref<1x80x128xf32, #tpu.memory_space<vmem>> -> memref<80x128xf32, #tpu.memory_space<vmem>>
    %dma_wait3A_276 = arith.constant 0 : i32
    %dma_wait3A_277 = tpu.memref_slice %arg7[%dma_wait3A_270, %dma_wait3A_271, %dma_wait3A_276] : memref<4x2x80xi32, #tpu.memory_space<vmem>> -> memref<1x1x80xi32, #tpu.memory_space<vmem>>
    %dma_wait3A_278 = tpu.memref_squeeze %dma_wait3A_277 : memref<1x1x80xi32, #tpu.memory_space<vmem>> -> memref<80xi32, #tpu.memory_space<vmem>>
    %dma_wait3A_279 = arith.constant 0 : i32
    %dma_wait3A_280 = arith.constant 0 : i32
    %dma_wait3A_281 = tpu.memref_slice %arg6[%dma_wait3A_279, %dma_wait3A_280] : memref<10240x128xf32, #tpu.memory_space<vmem_shared>> -> memref<10240x128xf32, #tpu.memory_space<vmem_shared>>
    tpu.wait_indirect_dma semaphore(%arg16 : memref<!tpu.dma_semaphore, #tpu.memory_space<semaphore_mem>>) src(%dma_wait3A_275 : memref<80x128xf32, #tpu.memory_space<vmem>>) dst(%dma_wait3A_281 : memref<10240x128xf32, #tpu.memory_space<vmem_shared>>)
    %barrier3A_282 = arith.constant 0 : index
    tpu.barrier barrier_id(%barrier3A_282)
    %mul3A_283 = arith.constant 10240 : i32
    %mul3A_284 = arith.muli %arg0, %mul3A_283 : i32
    %add3A_285 = arith.addi %mul3A_284, %mul3A_2 : i32
    "tpu.region"() ({
      %run_scoped3A_286 = tpu.sem_alloc : memref<!tpu.dma_semaphore, #tpu.memory_space<semaphore_mem>>
      %dma_start3A_287 = arith.constant 0 : i32
      %dma_start3A_288 = tpu.memref_slice %arg5[%add3A_285, %dma_start3A_287] : memref<20480x128xf32, #tpu.memory_space<hbm>> -> memref<640x128xf32, #tpu.memory_space<hbm>>
      %dma_start3A_289 = arith.constant 0 : i32
      %dma_start3A_290 = tpu.memref_slice %arg6[%mul3A_2, %dma_start3A_289] : memref<10240x128xf32, #tpu.memory_space<vmem_shared>> -> memref<640x128xf32, #tpu.memory_space<vmem_shared>>
      tpu.enqueue_dma source(%dma_start3A_290 : memref<640x128xf32, #tpu.memory_space<vmem_shared>>) target(%dma_start3A_288 : memref<640x128xf32, #tpu.memory_space<hbm>>) target_semaphore(%run_scoped3A_286 : memref<!tpu.dma_semaphore, #tpu.memory_space<semaphore_mem>>)
      %dma_wait3A_291 = arith.constant 0 : i32
      %dma_wait3A_292 = tpu.memref_slice %arg5[%add3A_285, %dma_wait3A_291] : memref<20480x128xf32, #tpu.memory_space<hbm>> -> memref<640x128xf32, #tpu.memory_space<hbm>>
      %dma_wait3A_293 = arith.constant 0 : i32
      %dma_wait3A_294 = tpu.memref_slice %arg6[%mul3A_2, %dma_wait3A_293] : memref<10240x128xf32, #tpu.memory_space<vmem_shared>> -> memref<640x128xf32, #tpu.memory_space<vmem_shared>>
      tpu.wait_dma2 semaphore(%run_scoped3A_286 : memref<!tpu.dma_semaphore, #tpu.memory_space<semaphore_mem>>) src(%dma_wait3A_294 : memref<640x128xf32, #tpu.memory_space<vmem_shared>>) dst(%dma_wait3A_292 : memref<640x128xf32, #tpu.memory_space<hbm>>)
      tpu.yield
    }) : () -> ()
    return
  }
}

#map = affine_map<(d0, d1) -> (0, 0)>
module attributes {stable_mosaic.version = 14 : i64} {
  func.func @_sums_body(%arg0: i32, %arg1: i32, %arg2: memref<10000x128xf32, #tpu.memory_space<hbm>>, %arg3: memref<2x320000xi32, #tpu.memory_space<hbm>>, %arg4: memref<640x128xf32, #tpu.memory_space<hbm>>, %arg5: memref<20480x128xf32, #tpu.memory_space<hbm>>, %arg6: memref<10240x128xf32, #tpu.memory_space<vmem_shared>>, %arg7: memref<4x2x80xi32, #tpu.memory_space<vmem>>, %arg8: memref<4x80x128xf32, #tpu.memory_space<vmem>>, %arg9: memref<!tpu.dma_semaphore, #tpu.memory_space<semaphore_mem>>, %arg10: memref<!tpu.dma_semaphore, #tpu.memory_space<semaphore_mem>>, %arg11: memref<!tpu.dma_semaphore, #tpu.memory_space<semaphore_mem>>, %arg12: memref<!tpu.dma_semaphore, #tpu.memory_space<semaphore_mem>>, %arg13: memref<!tpu.dma_semaphore, #tpu.memory_space<semaphore_mem>>, %arg14: memref<!tpu.dma_semaphore, #tpu.memory_space<semaphore_mem>>, %arg15: memref<!tpu.dma_semaphore, #tpu.memory_space<semaphore_mem>>, %arg16: memref<!tpu.dma_semaphore, #tpu.memory_space<semaphore_mem>>) attributes {dimension_semantics = [#tpu.dimension_semantics<core_parallel>, #tpu.dimension_semantics<subcore_parallel>], iteration_bounds = array<i64: 2, 16>, scalar_prefetch = 0 : i64, scratch_operands = 11 : i64, tpu.core_type = #tpu.core_type<sc_vector_subcore>, window_params = [{transform_indices = #map}, {transform_indices = #map}, {transform_indices = #map}, {transform_indices = #map}]} {
    %mul3A = arith.constant 16 : i32
    %mul3A_0 = arith.muli %arg0, %mul3A : i32
    %add3A = arith.addi %mul3A_0, %arg1 : i32
    %mul3A_1 = arith.constant 640 : i32
    %mul3A_2 = arith.muli %arg1, %mul3A_1 : i32
    "tpu.region"() ({
      %run_scoped3A_286 = tpu.sem_alloc : memref<!tpu.dma_semaphore, #tpu.memory_space<semaphore_mem>>
      %dma_start3A_287 = arith.constant 0 : i32
      %dma_start3A_288 = tpu.memref_slice %arg6[%mul3A_2, %dma_start3A_287] : memref<10240x128xf32, #tpu.memory_space<vmem_shared>> -> memref<640x128xf32, #tpu.memory_space<vmem_shared>>
      tpu.enqueue_dma source(%arg4 : memref<640x128xf32, #tpu.memory_space<hbm>>) target(%dma_start3A_288 : memref<640x128xf32, #tpu.memory_space<vmem_shared>>) target_semaphore(%run_scoped3A_286 : memref<!tpu.dma_semaphore, #tpu.memory_space<semaphore_mem>>)
      %dma_wait3A_289 = arith.constant 0 : i32
      %dma_wait3A_290 = tpu.memref_slice %arg6[%mul3A_2, %dma_wait3A_289] : memref<10240x128xf32, #tpu.memory_space<vmem_shared>> -> memref<640x128xf32, #tpu.memory_space<vmem_shared>>
      tpu.wait_dma2 semaphore(%run_scoped3A_286 : memref<!tpu.dma_semaphore, #tpu.memory_space<semaphore_mem>>) src(%arg4 : memref<640x128xf32, #tpu.memory_space<hbm>>) dst(%dma_wait3A_290 : memref<640x128xf32, #tpu.memory_space<vmem_shared>>)
      tpu.yield
    }) : () -> ()
    %barrier3A = arith.constant 0 : index
    tpu.barrier barrier_id(%barrier3A)
    %mul3A_3 = arith.constant 10000 : i32
    %mul3A_4 = arith.muli %add3A, %mul3A_3 : i32
    %add3A_5 = arith.constant 0 : i32
    %add3A_6 = arith.addi %mul3A_4, %add3A_5 : i32
    %run_scoped3A = arith.constant 0 : i32
    "tpu.region"() ({
      %run_scoped3A_286 = tpu.sem_alloc : memref<!tpu.dma_semaphore, #tpu.memory_space<semaphore_mem>>
      %dma_start3A_287 = arith.constant 0 : i32
      %dma_start3A_288 = arith.constant 0 : i32
      %dma_start3A_289 = tpu.memref_slice %arg7[%run_scoped3A, %dma_start3A_287, %dma_start3A_288] : memref<4x2x80xi32, #tpu.memory_space<vmem>> -> memref<1x2x80xi32, #tpu.memory_space<vmem>>
      %dma_start3A_290 = tpu.memref_squeeze %dma_start3A_289 : memref<1x2x80xi32, #tpu.memory_space<vmem>> -> memref<2x80xi32, #tpu.memory_space<vmem>>
      %dma_start3A_291 = arith.constant 0 : i32
      %dma_start3A_292 = tpu.memref_slice %arg3[%dma_start3A_291, %add3A_6] : memref<2x320000xi32, #tpu.memory_space<hbm>> -> memref<2x80xi32, #tpu.memory_space<hbm>>
      %dma_start3A_293 = arith.constant 0 : i32
      %dma_start3A_294 = arith.constant 0 : i32
      %dma_start3A_295 = tpu.memref_slice %arg7[%run_scoped3A, %dma_start3A_293, %dma_start3A_294] : memref<4x2x80xi32, #tpu.memory_space<vmem>> -> memref<1x2x80xi32, #tpu.memory_space<vmem>>
      %dma_start3A_296 = tpu.memref_squeeze %dma_start3A_295 : memref<1x2x80xi32, #tpu.memory_space<vmem>> -> memref<2x80xi32, #tpu.memory_space<vmem>>
      %dma_start3A_297 = arith.constant 0 : i32
      %dma_start3A_298 = tpu.memref_slice %arg3[%dma_start3A_297, %add3A_6] : memref<2x320000xi32, #tpu.memory_space<hbm>> -> memref<2x80xi32, #tpu.memory_space<hbm>>
      tpu.enqueue_dma source(%dma_start3A_298 : memref<2x80xi32, #tpu.memory_space<hbm>>) target(%dma_start3A_296 : memref<2x80xi32, #tpu.memory_space<vmem>>) target_semaphore(%run_scoped3A_286 : memref<!tpu.dma_semaphore, #tpu.memory_space<semaphore_mem>>)
      %dma_wait3A_299 = arith.constant 0 : i32
      %dma_wait3A_300 = arith.constant 0 : i32
      %dma_wait3A_301 = tpu.memref_slice %arg7[%run_scoped3A, %dma_wait3A_299, %dma_wait3A_300] : memref<4x2x80xi32, #tpu.memory_space<vmem>> -> memref<1x2x80xi32, #tpu.memory_space<vmem>>
      %dma_wait3A_302 = tpu.memref_squeeze %dma_wait3A_301 : memref<1x2x80xi32, #tpu.memory_space<vmem>> -> memref<2x80xi32, #tpu.memory_space<vmem>>
      %dma_wait3A_303 = arith.constant 0 : i32
      %dma_wait3A_304 = tpu.memref_slice %arg3[%dma_wait3A_303, %add3A_6] : memref<2x320000xi32, #tpu.memory_space<hbm>> -> memref<2x80xi32, #tpu.memory_space<hbm>>
      %dma_wait3A_305 = arith.constant 0 : i32
      %dma_wait3A_306 = arith.constant 0 : i32
      %dma_wait3A_307 = tpu.memref_slice %arg7[%run_scoped3A, %dma_wait3A_305, %dma_wait3A_306] : memref<4x2x80xi32, #tpu.memory_space<vmem>> -> memref<1x2x80xi32, #tpu.memory_space<vmem>>
      %dma_wait3A_308 = tpu.memref_squeeze %dma_wait3A_307 : memref<1x2x80xi32, #tpu.memory_space<vmem>> -> memref<2x80xi32, #tpu.memory_space<vmem>>
      %dma_wait3A_309 = arith.constant 0 : i32
      %dma_wait3A_310 = tpu.memref_slice %arg3[%dma_wait3A_309, %add3A_6] : memref<2x320000xi32, #tpu.memory_space<hbm>> -> memref<2x80xi32, #tpu.memory_space<hbm>>
      tpu.wait_dma2 semaphore(%run_scoped3A_286 : memref<!tpu.dma_semaphore, #tpu.memory_space<semaphore_mem>>) src(%dma_wait3A_310 : memref<2x80xi32, #tpu.memory_space<hbm>>) dst(%dma_wait3A_308 : memref<2x80xi32, #tpu.memory_space<vmem>>)
      tpu.yield
    }) : () -> ()
    %dma_start3A = arith.constant 0 : i32
    %dma_start3A_7 = arith.constant 0 : i32
    %dma_start3A_8 = arith.constant 0 : i32
    %dma_start3A_9 = arith.constant 0 : i32
    %dma_start3A_10 = arith.constant 0 : i32
    %dma_start3A_11 = tpu.memref_slice %arg8[%dma_start3A_8, %dma_start3A_9, %dma_start3A_10] : memref<4x80x128xf32, #tpu.memory_space<vmem>> -> memref<1x80x128xf32, #tpu.memory_space<vmem>>
    %dma_start3A_12 = tpu.memref_squeeze %dma_start3A_11 : memref<1x80x128xf32, #tpu.memory_space<vmem>> -> memref<80x128xf32, #tpu.memory_space<vmem>>
    %dma_start3A_13 = arith.constant 0 : i32
    %dma_start3A_14 = tpu.memref_slice %arg7[%dma_start3A, %dma_start3A_7, %dma_start3A_13] : memref<4x2x80xi32, #tpu.memory_space<vmem>> -> memref<1x1x80xi32, #tpu.memory_space<vmem>>
    %dma_start3A_15 = tpu.memref_squeeze %dma_start3A_14 : memref<1x1x80xi32, #tpu.memory_space<vmem>> -> memref<80xi32, #tpu.memory_space<vmem>>
    %dma_start3A_16 = arith.constant 0 : i32
    %dma_start3A_17 = arith.constant 0 : i32
    %dma_start3A_18 = tpu.memref_slice %arg2[%dma_start3A_16, %dma_start3A_17] : memref<10000x128xf32, #tpu.memory_space<hbm>> -> memref<10000x128xf32, #tpu.memory_space<hbm>>
    tpu.enqueue_indirect_dma source(%dma_start3A_18 : memref<10000x128xf32, #tpu.memory_space<hbm>>) target(%dma_start3A_12 : memref<80x128xf32, #tpu.memory_space<vmem>>) offsets(%dma_start3A_15 : memref<80xi32, #tpu.memory_space<vmem>>) semaphore(%arg9 : memref<!tpu.dma_semaphore, #tpu.memory_space<semaphore_mem>>)
    %add3A_19 = arith.constant 80 : i32
    %add3A_20 = arith.addi %mul3A_4, %add3A_19 : i32
    %run_scoped3A_21 = arith.constant 1 : i32
    "tpu.region"() ({
      %run_scoped3A_286 = tpu.sem_alloc : memref<!tpu.dma_semaphore, #tpu.memory_space<semaphore_mem>>
      %dma_start3A_287 = arith.constant 0 : i32
      %dma_start3A_288 = arith.constant 0 : i32
      %dma_start3A_289 = tpu.memref_slice %arg7[%run_scoped3A_21, %dma_start3A_287, %dma_start3A_288] : memref<4x2x80xi32, #tpu.memory_space<vmem>> -> memref<1x2x80xi32, #tpu.memory_space<vmem>>
      %dma_start3A_290 = tpu.memref_squeeze %dma_start3A_289 : memref<1x2x80xi32, #tpu.memory_space<vmem>> -> memref<2x80xi32, #tpu.memory_space<vmem>>
      %dma_start3A_291 = arith.constant 0 : i32
      %dma_start3A_292 = tpu.memref_slice %arg3[%dma_start3A_291, %add3A_20] : memref<2x320000xi32, #tpu.memory_space<hbm>> -> memref<2x80xi32, #tpu.memory_space<hbm>>
      %dma_start3A_293 = arith.constant 0 : i32
      %dma_start3A_294 = arith.constant 0 : i32
      %dma_start3A_295 = tpu.memref_slice %arg7[%run_scoped3A_21, %dma_start3A_293, %dma_start3A_294] : memref<4x2x80xi32, #tpu.memory_space<vmem>> -> memref<1x2x80xi32, #tpu.memory_space<vmem>>
      %dma_start3A_296 = tpu.memref_squeeze %dma_start3A_295 : memref<1x2x80xi32, #tpu.memory_space<vmem>> -> memref<2x80xi32, #tpu.memory_space<vmem>>
      %dma_start3A_297 = arith.constant 0 : i32
      %dma_start3A_298 = tpu.memref_slice %arg3[%dma_start3A_297, %add3A_20] : memref<2x320000xi32, #tpu.memory_space<hbm>> -> memref<2x80xi32, #tpu.memory_space<hbm>>
      tpu.enqueue_dma source(%dma_start3A_298 : memref<2x80xi32, #tpu.memory_space<hbm>>) target(%dma_start3A_296 : memref<2x80xi32, #tpu.memory_space<vmem>>) target_semaphore(%run_scoped3A_286 : memref<!tpu.dma_semaphore, #tpu.memory_space<semaphore_mem>>)
      %dma_wait3A_299 = arith.constant 0 : i32
      %dma_wait3A_300 = arith.constant 0 : i32
      %dma_wait3A_301 = tpu.memref_slice %arg7[%run_scoped3A_21, %dma_wait3A_299, %dma_wait3A_300] : memref<4x2x80xi32, #tpu.memory_space<vmem>> -> memref<1x2x80xi32, #tpu.memory_space<vmem>>
      %dma_wait3A_302 = tpu.memref_squeeze %dma_wait3A_301 : memref<1x2x80xi32, #tpu.memory_space<vmem>> -> memref<2x80xi32, #tpu.memory_space<vmem>>
      %dma_wait3A_303 = arith.constant 0 : i32
      %dma_wait3A_304 = tpu.memref_slice %arg3[%dma_wait3A_303, %add3A_20] : memref<2x320000xi32, #tpu.memory_space<hbm>> -> memref<2x80xi32, #tpu.memory_space<hbm>>
      %dma_wait3A_305 = arith.constant 0 : i32
      %dma_wait3A_306 = arith.constant 0 : i32
      %dma_wait3A_307 = tpu.memref_slice %arg7[%run_scoped3A_21, %dma_wait3A_305, %dma_wait3A_306] : memref<4x2x80xi32, #tpu.memory_space<vmem>> -> memref<1x2x80xi32, #tpu.memory_space<vmem>>
      %dma_wait3A_308 = tpu.memref_squeeze %dma_wait3A_307 : memref<1x2x80xi32, #tpu.memory_space<vmem>> -> memref<2x80xi32, #tpu.memory_space<vmem>>
      %dma_wait3A_309 = arith.constant 0 : i32
      %dma_wait3A_310 = tpu.memref_slice %arg3[%dma_wait3A_309, %add3A_20] : memref<2x320000xi32, #tpu.memory_space<hbm>> -> memref<2x80xi32, #tpu.memory_space<hbm>>
      tpu.wait_dma2 semaphore(%run_scoped3A_286 : memref<!tpu.dma_semaphore, #tpu.memory_space<semaphore_mem>>) src(%dma_wait3A_310 : memref<2x80xi32, #tpu.memory_space<hbm>>) dst(%dma_wait3A_308 : memref<2x80xi32, #tpu.memory_space<vmem>>)
      tpu.yield
    }) : () -> ()
    %dma_start3A_22 = arith.constant 1 : i32
    %dma_start3A_23 = arith.constant 0 : i32
    %dma_start3A_24 = arith.constant 1 : i32
    %dma_start3A_25 = arith.constant 0 : i32
    %dma_start3A_26 = arith.constant 0 : i32
    %dma_start3A_27 = tpu.memref_slice %arg8[%dma_start3A_24, %dma_start3A_25, %dma_start3A_26] : memref<4x80x128xf32, #tpu.memory_space<vmem>> -> memref<1x80x128xf32, #tpu.memory_space<vmem>>
    %dma_start3A_28 = tpu.memref_squeeze %dma_start3A_27 : memref<1x80x128xf32, #tpu.memory_space<vmem>> -> memref<80x128xf32, #tpu.memory_space<vmem>>
    %dma_start3A_29 = arith.constant 0 : i32
    %dma_start3A_30 = tpu.memref_slice %arg7[%dma_start3A_22, %dma_start3A_23, %dma_start3A_29] : memref<4x2x80xi32, #tpu.memory_space<vmem>> -> memref<1x1x80xi32, #tpu.memory_space<vmem>>
    %dma_start3A_31 = tpu.memref_squeeze %dma_start3A_30 : memref<1x1x80xi32, #tpu.memory_space<vmem>> -> memref<80xi32, #tpu.memory_space<vmem>>
    %dma_start3A_32 = arith.constant 0 : i32
    %dma_start3A_33 = arith.constant 0 : i32
    %dma_start3A_34 = tpu.memref_slice %arg2[%dma_start3A_32, %dma_start3A_33] : memref<10000x128xf32, #tpu.memory_space<hbm>> -> memref<10000x128xf32, #tpu.memory_space<hbm>>
    tpu.enqueue_indirect_dma source(%dma_start3A_34 : memref<10000x128xf32, #tpu.memory_space<hbm>>) target(%dma_start3A_28 : memref<80x128xf32, #tpu.memory_space<vmem>>) offsets(%dma_start3A_31 : memref<80xi32, #tpu.memory_space<vmem>>) semaphore(%arg10 : memref<!tpu.dma_semaphore, #tpu.memory_space<semaphore_mem>>)
    %add3A_35 = arith.constant 160 : i32
    %add3A_36 = arith.addi %mul3A_4, %add3A_35 : i32
    %run_scoped3A_37 = arith.constant 2 : i32
    "tpu.region"() ({
      %run_scoped3A_286 = tpu.sem_alloc : memref<!tpu.dma_semaphore, #tpu.memory_space<semaphore_mem>>
      %dma_start3A_287 = arith.constant 0 : i32
      %dma_start3A_288 = arith.constant 0 : i32
      %dma_start3A_289 = tpu.memref_slice %arg7[%run_scoped3A_37, %dma_start3A_287, %dma_start3A_288] : memref<4x2x80xi32, #tpu.memory_space<vmem>> -> memref<1x2x80xi32, #tpu.memory_space<vmem>>
      %dma_start3A_290 = tpu.memref_squeeze %dma_start3A_289 : memref<1x2x80xi32, #tpu.memory_space<vmem>> -> memref<2x80xi32, #tpu.memory_space<vmem>>
      %dma_start3A_291 = arith.constant 0 : i32
      %dma_start3A_292 = tpu.memref_slice %arg3[%dma_start3A_291, %add3A_36] : memref<2x320000xi32, #tpu.memory_space<hbm>> -> memref<2x80xi32, #tpu.memory_space<hbm>>
      %dma_start3A_293 = arith.constant 0 : i32
      %dma_start3A_294 = arith.constant 0 : i32
      %dma_start3A_295 = tpu.memref_slice %arg7[%run_scoped3A_37, %dma_start3A_293, %dma_start3A_294] : memref<4x2x80xi32, #tpu.memory_space<vmem>> -> memref<1x2x80xi32, #tpu.memory_space<vmem>>
      %dma_start3A_296 = tpu.memref_squeeze %dma_start3A_295 : memref<1x2x80xi32, #tpu.memory_space<vmem>> -> memref<2x80xi32, #tpu.memory_space<vmem>>
      %dma_start3A_297 = arith.constant 0 : i32
      %dma_start3A_298 = tpu.memref_slice %arg3[%dma_start3A_297, %add3A_36] : memref<2x320000xi32, #tpu.memory_space<hbm>> -> memref<2x80xi32, #tpu.memory_space<hbm>>
      tpu.enqueue_dma source(%dma_start3A_298 : memref<2x80xi32, #tpu.memory_space<hbm>>) target(%dma_start3A_296 : memref<2x80xi32, #tpu.memory_space<vmem>>) target_semaphore(%run_scoped3A_286 : memref<!tpu.dma_semaphore, #tpu.memory_space<semaphore_mem>>)
      %dma_wait3A_299 = arith.constant 0 : i32
      %dma_wait3A_300 = arith.constant 0 : i32
      %dma_wait3A_301 = tpu.memref_slice %arg7[%run_scoped3A_37, %dma_wait3A_299, %dma_wait3A_300] : memref<4x2x80xi32, #tpu.memory_space<vmem>> -> memref<1x2x80xi32, #tpu.memory_space<vmem>>
      %dma_wait3A_302 = tpu.memref_squeeze %dma_wait3A_301 : memref<1x2x80xi32, #tpu.memory_space<vmem>> -> memref<2x80xi32, #tpu.memory_space<vmem>>
      %dma_wait3A_303 = arith.constant 0 : i32
      %dma_wait3A_304 = tpu.memref_slice %arg3[%dma_wait3A_303, %add3A_36] : memref<2x320000xi32, #tpu.memory_space<hbm>> -> memref<2x80xi32, #tpu.memory_space<hbm>>
      %dma_wait3A_305 = arith.constant 0 : i32
      %dma_wait3A_306 = arith.constant 0 : i32
      %dma_wait3A_307 = tpu.memref_slice %arg7[%run_scoped3A_37, %dma_wait3A_305, %dma_wait3A_306] : memref<4x2x80xi32, #tpu.memory_space<vmem>> -> memref<1x2x80xi32, #tpu.memory_space<vmem>>
      %dma_wait3A_308 = tpu.memref_squeeze %dma_wait3A_307 : memref<1x2x80xi32, #tpu.memory_space<vmem>> -> memref<2x80xi32, #tpu.memory_space<vmem>>
      %dma_wait3A_309 = arith.constant 0 : i32
      %dma_wait3A_310 = tpu.memref_slice %arg3[%dma_wait3A_309, %add3A_36] : memref<2x320000xi32, #tpu.memory_space<hbm>> -> memref<2x80xi32, #tpu.memory_space<hbm>>
      tpu.wait_dma2 semaphore(%run_scoped3A_286 : memref<!tpu.dma_semaphore, #tpu.memory_space<semaphore_mem>>) src(%dma_wait3A_310 : memref<2x80xi32, #tpu.memory_space<hbm>>) dst(%dma_wait3A_308 : memref<2x80xi32, #tpu.memory_space<vmem>>)
      tpu.yield
    }) : () -> ()
    %dma_start3A_38 = arith.constant 2 : i32
    %dma_start3A_39 = arith.constant 0 : i32
    %dma_start3A_40 = arith.constant 2 : i32
    %dma_start3A_41 = arith.constant 0 : i32
    %dma_start3A_42 = arith.constant 0 : i32
    %dma_start3A_43 = tpu.memref_slice %arg8[%dma_start3A_40, %dma_start3A_41, %dma_start3A_42] : memref<4x80x128xf32, #tpu.memory_space<vmem>> -> memref<1x80x128xf32, #tpu.memory_space<vmem>>
    %dma_start3A_44 = tpu.memref_squeeze %dma_start3A_43 : memref<1x80x128xf32, #tpu.memory_space<vmem>> -> memref<80x128xf32, #tpu.memory_space<vmem>>
    %dma_start3A_45 = arith.constant 0 : i32
    %dma_start3A_46 = tpu.memref_slice %arg7[%dma_start3A_38, %dma_start3A_39, %dma_start3A_45] : memref<4x2x80xi32, #tpu.memory_space<vmem>> -> memref<1x1x80xi32, #tpu.memory_space<vmem>>
    %dma_start3A_47 = tpu.memref_squeeze %dma_start3A_46 : memref<1x1x80xi32, #tpu.memory_space<vmem>> -> memref<80xi32, #tpu.memory_space<vmem>>
    %dma_start3A_48 = arith.constant 0 : i32
    %dma_start3A_49 = arith.constant 0 : i32
    %dma_start3A_50 = tpu.memref_slice %arg2[%dma_start3A_48, %dma_start3A_49] : memref<10000x128xf32, #tpu.memory_space<hbm>> -> memref<10000x128xf32, #tpu.memory_space<hbm>>
    tpu.enqueue_indirect_dma source(%dma_start3A_50 : memref<10000x128xf32, #tpu.memory_space<hbm>>) target(%dma_start3A_44 : memref<80x128xf32, #tpu.memory_space<vmem>>) offsets(%dma_start3A_47 : memref<80xi32, #tpu.memory_space<vmem>>) semaphore(%arg11 : memref<!tpu.dma_semaphore, #tpu.memory_space<semaphore_mem>>)
    %dma_wait3A = arith.constant 0 : i32
    %dma_wait3A_51 = arith.constant 0 : i32
    %dma_wait3A_52 = arith.constant 0 : i32
    %dma_wait3A_53 = arith.constant 0 : i32
    %dma_wait3A_54 = arith.constant 0 : i32
    %dma_wait3A_55 = tpu.memref_slice %arg8[%dma_wait3A_52, %dma_wait3A_53, %dma_wait3A_54] : memref<4x80x128xf32, #tpu.memory_space<vmem>> -> memref<1x80x128xf32, #tpu.memory_space<vmem>>
    %dma_wait3A_56 = tpu.memref_squeeze %dma_wait3A_55 : memref<1x80x128xf32, #tpu.memory_space<vmem>> -> memref<80x128xf32, #tpu.memory_space<vmem>>
    %dma_wait3A_57 = arith.constant 0 : i32
    %dma_wait3A_58 = tpu.memref_slice %arg7[%dma_wait3A, %dma_wait3A_51, %dma_wait3A_57] : memref<4x2x80xi32, #tpu.memory_space<vmem>> -> memref<1x1x80xi32, #tpu.memory_space<vmem>>
    %dma_wait3A_59 = tpu.memref_squeeze %dma_wait3A_58 : memref<1x1x80xi32, #tpu.memory_space<vmem>> -> memref<80xi32, #tpu.memory_space<vmem>>
    %dma_wait3A_60 = arith.constant 0 : i32
    %dma_wait3A_61 = arith.constant 0 : i32
    %dma_wait3A_62 = tpu.memref_slice %arg2[%dma_wait3A_60, %dma_wait3A_61] : memref<10000x128xf32, #tpu.memory_space<hbm>> -> memref<10000x128xf32, #tpu.memory_space<hbm>>
    tpu.wait_indirect_dma semaphore(%arg9 : memref<!tpu.dma_semaphore, #tpu.memory_space<semaphore_mem>>) src(%dma_wait3A_62 : memref<10000x128xf32, #tpu.memory_space<hbm>>) dst(%dma_wait3A_56 : memref<80x128xf32, #tpu.memory_space<vmem>>)
    %dma_start3A_63 = arith.constant 0 : i32
    %dma_start3A_64 = arith.constant 0 : i32
    %dma_start3A_65 = arith.constant 1 : i32
    %dma_start3A_66 = arith.constant 0 : i32
    %dma_start3A_67 = arith.constant 0 : i32
    %dma_start3A_68 = tpu.memref_slice %arg8[%dma_start3A_63, %dma_start3A_66, %dma_start3A_67] : memref<4x80x128xf32, #tpu.memory_space<vmem>> -> memref<1x80x128xf32, #tpu.memory_space<vmem>>
    %dma_start3A_69 = tpu.memref_squeeze %dma_start3A_68 : memref<1x80x128xf32, #tpu.memory_space<vmem>> -> memref<80x128xf32, #tpu.memory_space<vmem>>
    %dma_start3A_70 = arith.constant 0 : i32
    %dma_start3A_71 = tpu.memref_slice %arg7[%dma_start3A_64, %dma_start3A_65, %dma_start3A_70] : memref<4x2x80xi32, #tpu.memory_space<vmem>> -> memref<1x1x80xi32, #tpu.memory_space<vmem>>
    %dma_start3A_72 = tpu.memref_squeeze %dma_start3A_71 : memref<1x1x80xi32, #tpu.memory_space<vmem>> -> memref<80xi32, #tpu.memory_space<vmem>>
    %dma_start3A_73 = arith.constant 0 : i32
    %dma_start3A_74 = arith.constant 0 : i32
    %dma_start3A_75 = tpu.memref_slice %arg6[%dma_start3A_73, %dma_start3A_74] : memref<10240x128xf32, #tpu.memory_space<vmem_shared>> -> memref<10240x128xf32, #tpu.memory_space<vmem_shared>>
    tpu.enqueue_indirect_dma source(%dma_start3A_69 : memref<80x128xf32, #tpu.memory_space<vmem>>) target(%dma_start3A_75 : memref<10240x128xf32, #tpu.memory_space<vmem_shared>>) offsets(%dma_start3A_72 : memref<80xi32, #tpu.memory_space<vmem>>) semaphore(%arg13 : memref<!tpu.dma_semaphore, #tpu.memory_space<semaphore_mem>>) {add = true}
    %add3A_76 = arith.constant 240 : i32
    %add3A_77 = arith.addi %mul3A_4, %add3A_76 : i32
    %run_scoped3A_78 = arith.constant 3 : i32
    "tpu.region"() ({
      %run_scoped3A_286 = tpu.sem_alloc : memref<!tpu.dma_semaphore, #tpu.memory_space<semaphore_mem>>
      %dma_start3A_287 = arith.constant 0 : i32
      %dma_start3A_288 = arith.constant 0 : i32
      %dma_start3A_289 = tpu.memref_slice %arg7[%run_scoped3A_78, %dma_start3A_287, %dma_start3A_288] : memref<4x2x80xi32, #tpu.memory_space<vmem>> -> memref<1x2x80xi32, #tpu.memory_space<vmem>>
      %dma_start3A_290 = tpu.memref_squeeze %dma_start3A_289 : memref<1x2x80xi32, #tpu.memory_space<vmem>> -> memref<2x80xi32, #tpu.memory_space<vmem>>
      %dma_start3A_291 = arith.constant 0 : i32
      %dma_start3A_292 = tpu.memref_slice %arg3[%dma_start3A_291, %add3A_77] : memref<2x320000xi32, #tpu.memory_space<hbm>> -> memref<2x80xi32, #tpu.memory_space<hbm>>
      %dma_start3A_293 = arith.constant 0 : i32
      %dma_start3A_294 = arith.constant 0 : i32
      %dma_start3A_295 = tpu.memref_slice %arg7[%run_scoped3A_78, %dma_start3A_293, %dma_start3A_294] : memref<4x2x80xi32, #tpu.memory_space<vmem>> -> memref<1x2x80xi32, #tpu.memory_space<vmem>>
      %dma_start3A_296 = tpu.memref_squeeze %dma_start3A_295 : memref<1x2x80xi32, #tpu.memory_space<vmem>> -> memref<2x80xi32, #tpu.memory_space<vmem>>
      %dma_start3A_297 = arith.constant 0 : i32
      %dma_start3A_298 = tpu.memref_slice %arg3[%dma_start3A_297, %add3A_77] : memref<2x320000xi32, #tpu.memory_space<hbm>> -> memref<2x80xi32, #tpu.memory_space<hbm>>
      tpu.enqueue_dma source(%dma_start3A_298 : memref<2x80xi32, #tpu.memory_space<hbm>>) target(%dma_start3A_296 : memref<2x80xi32, #tpu.memory_space<vmem>>) target_semaphore(%run_scoped3A_286 : memref<!tpu.dma_semaphore, #tpu.memory_space<semaphore_mem>>)
      %dma_wait3A_299 = arith.constant 0 : i32
      %dma_wait3A_300 = arith.constant 0 : i32
      %dma_wait3A_301 = tpu.memref_slice %arg7[%run_scoped3A_78, %dma_wait3A_299, %dma_wait3A_300] : memref<4x2x80xi32, #tpu.memory_space<vmem>> -> memref<1x2x80xi32, #tpu.memory_space<vmem>>
      %dma_wait3A_302 = tpu.memref_squeeze %dma_wait3A_301 : memref<1x2x80xi32, #tpu.memory_space<vmem>> -> memref<2x80xi32, #tpu.memory_space<vmem>>
      %dma_wait3A_303 = arith.constant 0 : i32
      %dma_wait3A_304 = tpu.memref_slice %arg3[%dma_wait3A_303, %add3A_77] : memref<2x320000xi32, #tpu.memory_space<hbm>> -> memref<2x80xi32, #tpu.memory_space<hbm>>
      %dma_wait3A_305 = arith.constant 0 : i32
      %dma_wait3A_306 = arith.constant 0 : i32
      %dma_wait3A_307 = tpu.memref_slice %arg7[%run_scoped3A_78, %dma_wait3A_305, %dma_wait3A_306] : memref<4x2x80xi32, #tpu.memory_space<vmem>> -> memref<1x2x80xi32, #tpu.memory_space<vmem>>
      %dma_wait3A_308 = tpu.memref_squeeze %dma_wait3A_307 : memref<1x2x80xi32, #tpu.memory_space<vmem>> -> memref<2x80xi32, #tpu.memory_space<vmem>>
      %dma_wait3A_309 = arith.constant 0 : i32
      %dma_wait3A_310 = tpu.memref_slice %arg3[%dma_wait3A_309, %add3A_77] : memref<2x320000xi32, #tpu.memory_space<hbm>> -> memref<2x80xi32, #tpu.memory_space<hbm>>
      tpu.wait_dma2 semaphore(%run_scoped3A_286 : memref<!tpu.dma_semaphore, #tpu.memory_space<semaphore_mem>>) src(%dma_wait3A_310 : memref<2x80xi32, #tpu.memory_space<hbm>>) dst(%dma_wait3A_308 : memref<2x80xi32, #tpu.memory_space<vmem>>)
      tpu.yield
    }) : () -> ()
    %dma_start3A_79 = arith.constant 3 : i32
    %dma_start3A_80 = arith.constant 0 : i32
    %dma_start3A_81 = arith.constant 3 : i32
    %dma_start3A_82 = arith.constant 0 : i32
    %dma_start3A_83 = arith.constant 0 : i32
    %dma_start3A_84 = tpu.memref_slice %arg8[%dma_start3A_81, %dma_start3A_82, %dma_start3A_83] : memref<4x80x128xf32, #tpu.memory_space<vmem>> -> memref<1x80x128xf32, #tpu.memory_space<vmem>>
    %dma_start3A_85 = tpu.memref_squeeze %dma_start3A_84 : memref<1x80x128xf32, #tpu.memory_space<vmem>> -> memref<80x128xf32, #tpu.memory_space<vmem>>
    %dma_start3A_86 = arith.constant 0 : i32
    %dma_start3A_87 = tpu.memref_slice %arg7[%dma_start3A_79, %dma_start3A_80, %dma_start3A_86] : memref<4x2x80xi32, #tpu.memory_space<vmem>> -> memref<1x1x80xi32, #tpu.memory_space<vmem>>
    %dma_start3A_88 = tpu.memref_squeeze %dma_start3A_87 : memref<1x1x80xi32, #tpu.memory_space<vmem>> -> memref<80xi32, #tpu.memory_space<vmem>>
    %dma_start3A_89 = arith.constant 0 : i32
    %dma_start3A_90 = arith.constant 0 : i32
    %dma_start3A_91 = tpu.memref_slice %arg2[%dma_start3A_89, %dma_start3A_90] : memref<10000x128xf32, #tpu.memory_space<hbm>> -> memref<10000x128xf32, #tpu.memory_space<hbm>>
    tpu.enqueue_indirect_dma source(%dma_start3A_91 : memref<10000x128xf32, #tpu.memory_space<hbm>>) target(%dma_start3A_85 : memref<80x128xf32, #tpu.memory_space<vmem>>) offsets(%dma_start3A_88 : memref<80xi32, #tpu.memory_space<vmem>>) semaphore(%arg12 : memref<!tpu.dma_semaphore, #tpu.memory_space<semaphore_mem>>)
    %dma_wait3A_92 = arith.constant 1 : i32
    %dma_wait3A_93 = arith.constant 0 : i32
    %dma_wait3A_94 = arith.constant 1 : i32
    %dma_wait3A_95 = arith.constant 0 : i32
    %dma_wait3A_96 = arith.constant 0 : i32
    %dma_wait3A_97 = tpu.memref_slice %arg8[%dma_wait3A_94, %dma_wait3A_95, %dma_wait3A_96] : memref<4x80x128xf32, #tpu.memory_space<vmem>> -> memref<1x80x128xf32, #tpu.memory_space<vmem>>
    %dma_wait3A_98 = tpu.memref_squeeze %dma_wait3A_97 : memref<1x80x128xf32, #tpu.memory_space<vmem>> -> memref<80x128xf32, #tpu.memory_space<vmem>>
    %dma_wait3A_99 = arith.constant 0 : i32
    %dma_wait3A_100 = tpu.memref_slice %arg7[%dma_wait3A_92, %dma_wait3A_93, %dma_wait3A_99] : memref<4x2x80xi32, #tpu.memory_space<vmem>> -> memref<1x1x80xi32, #tpu.memory_space<vmem>>
    %dma_wait3A_101 = tpu.memref_squeeze %dma_wait3A_100 : memref<1x1x80xi32, #tpu.memory_space<vmem>> -> memref<80xi32, #tpu.memory_space<vmem>>
    %dma_wait3A_102 = arith.constant 0 : i32
    %dma_wait3A_103 = arith.constant 0 : i32
    %dma_wait3A_104 = tpu.memref_slice %arg2[%dma_wait3A_102, %dma_wait3A_103] : memref<10000x128xf32, #tpu.memory_space<hbm>> -> memref<10000x128xf32, #tpu.memory_space<hbm>>
    tpu.wait_indirect_dma semaphore(%arg10 : memref<!tpu.dma_semaphore, #tpu.memory_space<semaphore_mem>>) src(%dma_wait3A_104 : memref<10000x128xf32, #tpu.memory_space<hbm>>) dst(%dma_wait3A_98 : memref<80x128xf32, #tpu.memory_space<vmem>>)
    %dma_start3A_105 = arith.constant 1 : i32
    %dma_start3A_106 = arith.constant 1 : i32
    %dma_start3A_107 = arith.constant 1 : i32
    %dma_start3A_108 = arith.constant 0 : i32
    %dma_start3A_109 = arith.constant 0 : i32
    %dma_start3A_110 = tpu.memref_slice %arg8[%dma_start3A_105, %dma_start3A_108, %dma_start3A_109] : memref<4x80x128xf32, #tpu.memory_space<vmem>> -> memref<1x80x128xf32, #tpu.memory_space<vmem>>
    %dma_start3A_111 = tpu.memref_squeeze %dma_start3A_110 : memref<1x80x128xf32, #tpu.memory_space<vmem>> -> memref<80x128xf32, #tpu.memory_space<vmem>>
    %dma_start3A_112 = arith.constant 0 : i32
    %dma_start3A_113 = tpu.memref_slice %arg7[%dma_start3A_106, %dma_start3A_107, %dma_start3A_112] : memref<4x2x80xi32, #tpu.memory_space<vmem>> -> memref<1x1x80xi32, #tpu.memory_space<vmem>>
    %dma_start3A_114 = tpu.memref_squeeze %dma_start3A_113 : memref<1x1x80xi32, #tpu.memory_space<vmem>> -> memref<80xi32, #tpu.memory_space<vmem>>
    %dma_start3A_115 = arith.constant 0 : i32
    %dma_start3A_116 = arith.constant 0 : i32
    %dma_start3A_117 = tpu.memref_slice %arg6[%dma_start3A_115, %dma_start3A_116] : memref<10240x128xf32, #tpu.memory_space<vmem_shared>> -> memref<10240x128xf32, #tpu.memory_space<vmem_shared>>
    tpu.enqueue_indirect_dma source(%dma_start3A_111 : memref<80x128xf32, #tpu.memory_space<vmem>>) target(%dma_start3A_117 : memref<10240x128xf32, #tpu.memory_space<vmem_shared>>) offsets(%dma_start3A_114 : memref<80xi32, #tpu.memory_space<vmem>>) semaphore(%arg14 : memref<!tpu.dma_semaphore, #tpu.memory_space<semaphore_mem>>) {add = true}
    %scan3A = arith.constant 0 : i32
    %scan3A_118 = arith.constant 0 : i32
    %scan3A_119 = arith.constant 30 : i32
    %scan3A_120 = arith.addi %scan3A_118, %scan3A_119 : i32
    %scan3A_121 = arith.constant 1 : i32
    scf.for %scan3A_286 = %scan3A_118 to %scan3A_120 step %scan3A_121  : i32 {
      %mul3A_287 = arith.constant 4 : i32
      %mul3A_288 = arith.muli %mul3A_287, %scan3A_286 : i32
      %add3A_289 = arith.constant 4 : i32
      %add3A_290 = arith.addi %add3A_289, %mul3A_288 : i32
      %add3A_291 = arith.constant 0 : i32
      %add3A_292 = arith.addi %add3A_290, %add3A_291 : i32
      %dma_wait3A_293 = arith.constant 0 : i32
      %dma_wait3A_294 = arith.constant 0 : i32
      %dma_wait3A_295 = arith.constant 1 : i32
      %dma_wait3A_296 = arith.constant 0 : i32
      %dma_wait3A_297 = arith.constant 0 : i32
      %dma_wait3A_298 = tpu.memref_slice %arg8[%dma_wait3A_293, %dma_wait3A_296, %dma_wait3A_297] : memref<4x80x128xf32, #tpu.memory_space<vmem>> -> memref<1x80x128xf32, #tpu.memory_space<vmem>>
      %dma_wait3A_299 = tpu.memref_squeeze %dma_wait3A_298 : memref<1x80x128xf32, #tpu.memory_space<vmem>> -> memref<80x128xf32, #tpu.memory_space<vmem>>
      %dma_wait3A_300 = arith.constant 0 : i32
      %dma_wait3A_301 = tpu.memref_slice %arg7[%dma_wait3A_294, %dma_wait3A_295, %dma_wait3A_300] : memref<4x2x80xi32, #tpu.memory_space<vmem>> -> memref<1x1x80xi32, #tpu.memory_space<vmem>>
      %dma_wait3A_302 = tpu.memref_squeeze %dma_wait3A_301 : memref<1x1x80xi32, #tpu.memory_space<vmem>> -> memref<80xi32, #tpu.memory_space<vmem>>
      %dma_wait3A_303 = arith.constant 0 : i32
      %dma_wait3A_304 = arith.constant 0 : i32
      %dma_wait3A_305 = tpu.memref_slice %arg6[%dma_wait3A_303, %dma_wait3A_304] : memref<10240x128xf32, #tpu.memory_space<vmem_shared>> -> memref<10240x128xf32, #tpu.memory_space<vmem_shared>>
      tpu.wait_indirect_dma semaphore(%arg13 : memref<!tpu.dma_semaphore, #tpu.memory_space<semaphore_mem>>) src(%dma_wait3A_299 : memref<80x128xf32, #tpu.memory_space<vmem>>) dst(%dma_wait3A_305 : memref<10240x128xf32, #tpu.memory_space<vmem_shared>>)
      %mul3A_306 = arith.constant 80 : i32
      %mul3A_307 = arith.muli %add3A_292, %mul3A_306 : i32
      %add3A_308 = arith.addi %mul3A_4, %mul3A_307 : i32
      %run_scoped3A_309 = arith.constant 0 : i32
      "tpu.region"() ({
        %run_scoped3A_523 = tpu.sem_alloc : memref<!tpu.dma_semaphore, #tpu.memory_space<semaphore_mem>>
        %dma_start3A_524 = arith.constant 0 : i32
        %dma_start3A_525 = arith.constant 0 : i32
        %dma_start3A_526 = tpu.memref_slice %arg7[%run_scoped3A_309, %dma_start3A_524, %dma_start3A_525] : memref<4x2x80xi32, #tpu.memory_space<vmem>> -> memref<1x2x80xi32, #tpu.memory_space<vmem>>
        %dma_start3A_527 = tpu.memref_squeeze %dma_start3A_526 : memref<1x2x80xi32, #tpu.memory_space<vmem>> -> memref<2x80xi32, #tpu.memory_space<vmem>>
        %dma_start3A_528 = arith.constant 0 : i32
        %dma_start3A_529 = tpu.memref_slice %arg3[%dma_start3A_528, %add3A_308] : memref<2x320000xi32, #tpu.memory_space<hbm>> -> memref<2x80xi32, #tpu.memory_space<hbm>>
        %dma_start3A_530 = arith.constant 0 : i32
        %dma_start3A_531 = arith.constant 0 : i32
        %dma_start3A_532 = tpu.memref_slice %arg7[%run_scoped3A_309, %dma_start3A_530, %dma_start3A_531] : memref<4x2x80xi32, #tpu.memory_space<vmem>> -> memref<1x2x80xi32, #tpu.memory_space<vmem>>
        %dma_start3A_533 = tpu.memref_squeeze %dma_start3A_532 : memref<1x2x80xi32, #tpu.memory_space<vmem>> -> memref<2x80xi32, #tpu.memory_space<vmem>>
        %dma_start3A_534 = arith.constant 0 : i32
        %dma_start3A_535 = tpu.memref_slice %arg3[%dma_start3A_534, %add3A_308] : memref<2x320000xi32, #tpu.memory_space<hbm>> -> memref<2x80xi32, #tpu.memory_space<hbm>>
        tpu.enqueue_dma source(%dma_start3A_535 : memref<2x80xi32, #tpu.memory_space<hbm>>) target(%dma_start3A_533 : memref<2x80xi32, #tpu.memory_space<vmem>>) target_semaphore(%run_scoped3A_523 : memref<!tpu.dma_semaphore, #tpu.memory_space<semaphore_mem>>)
        %dma_wait3A_536 = arith.constant 0 : i32
        %dma_wait3A_537 = arith.constant 0 : i32
        %dma_wait3A_538 = tpu.memref_slice %arg7[%run_scoped3A_309, %dma_wait3A_536, %dma_wait3A_537] : memref<4x2x80xi32, #tpu.memory_space<vmem>> -> memref<1x2x80xi32, #tpu.memory_space<vmem>>
        %dma_wait3A_539 = tpu.memref_squeeze %dma_wait3A_538 : memref<1x2x80xi32, #tpu.memory_space<vmem>> -> memref<2x80xi32, #tpu.memory_space<vmem>>
        %dma_wait3A_540 = arith.constant 0 : i32
        %dma_wait3A_541 = tpu.memref_slice %arg3[%dma_wait3A_540, %add3A_308] : memref<2x320000xi32, #tpu.memory_space<hbm>> -> memref<2x80xi32, #tpu.memory_space<hbm>>
        %dma_wait3A_542 = arith.constant 0 : i32
        %dma_wait3A_543 = arith.constant 0 : i32
        %dma_wait3A_544 = tpu.memref_slice %arg7[%run_scoped3A_309, %dma_wait3A_542, %dma_wait3A_543] : memref<4x2x80xi32, #tpu.memory_space<vmem>> -> memref<1x2x80xi32, #tpu.memory_space<vmem>>
        %dma_wait3A_545 = tpu.memref_squeeze %dma_wait3A_544 : memref<1x2x80xi32, #tpu.memory_space<vmem>> -> memref<2x80xi32, #tpu.memory_space<vmem>>
        %dma_wait3A_546 = arith.constant 0 : i32
        %dma_wait3A_547 = tpu.memref_slice %arg3[%dma_wait3A_546, %add3A_308] : memref<2x320000xi32, #tpu.memory_space<hbm>> -> memref<2x80xi32, #tpu.memory_space<hbm>>
        tpu.wait_dma2 semaphore(%run_scoped3A_523 : memref<!tpu.dma_semaphore, #tpu.memory_space<semaphore_mem>>) src(%dma_wait3A_547 : memref<2x80xi32, #tpu.memory_space<hbm>>) dst(%dma_wait3A_545 : memref<2x80xi32, #tpu.memory_space<vmem>>)
        tpu.yield
      }) : () -> ()
      %dma_start3A_310 = arith.constant 0 : i32
      %dma_start3A_311 = arith.constant 0 : i32
      %dma_start3A_312 = arith.constant 0 : i32
      %dma_start3A_313 = arith.constant 0 : i32
      %dma_start3A_314 = arith.constant 0 : i32
      %dma_start3A_315 = tpu.memref_slice %arg8[%dma_start3A_312, %dma_start3A_313, %dma_start3A_314] : memref<4x80x128xf32, #tpu.memory_space<vmem>> -> memref<1x80x128xf32, #tpu.memory_space<vmem>>
      %dma_start3A_316 = tpu.memref_squeeze %dma_start3A_315 : memref<1x80x128xf32, #tpu.memory_space<vmem>> -> memref<80x128xf32, #tpu.memory_space<vmem>>
      %dma_start3A_317 = arith.constant 0 : i32
      %dma_start3A_318 = tpu.memref_slice %arg7[%dma_start3A_310, %dma_start3A_311, %dma_start3A_317] : memref<4x2x80xi32, #tpu.memory_space<vmem>> -> memref<1x1x80xi32, #tpu.memory_space<vmem>>
      %dma_start3A_319 = tpu.memref_squeeze %dma_start3A_318 : memref<1x1x80xi32, #tpu.memory_space<vmem>> -> memref<80xi32, #tpu.memory_space<vmem>>
      %dma_start3A_320 = arith.constant 0 : i32
      %dma_start3A_321 = arith.constant 0 : i32
      %dma_start3A_322 = tpu.memref_slice %arg2[%dma_start3A_320, %dma_start3A_321] : memref<10000x128xf32, #tpu.memory_space<hbm>> -> memref<10000x128xf32, #tpu.memory_space<hbm>>
      tpu.enqueue_indirect_dma source(%dma_start3A_322 : memref<10000x128xf32, #tpu.memory_space<hbm>>) target(%dma_start3A_316 : memref<80x128xf32, #tpu.memory_space<vmem>>) offsets(%dma_start3A_319 : memref<80xi32, #tpu.memory_space<vmem>>) semaphore(%arg9 : memref<!tpu.dma_semaphore, #tpu.memory_space<semaphore_mem>>)
      %dma_wait3A_323 = arith.constant 2 : i32
      %dma_wait3A_324 = arith.constant 0 : i32
      %dma_wait3A_325 = arith.constant 2 : i32
      %dma_wait3A_326 = arith.constant 0 : i32
      %dma_wait3A_327 = arith.constant 0 : i32
      %dma_wait3A_328 = tpu.memref_slice %arg8[%dma_wait3A_325, %dma_wait3A_326, %dma_wait3A_327] : memref<4x80x128xf32, #tpu.memory_space<vmem>> -> memref<1x80x128xf32, #tpu.memory_space<vmem>>
      %dma_wait3A_329 = tpu.memref_squeeze %dma_wait3A_328 : memref<1x80x128xf32, #tpu.memory_space<vmem>> -> memref<80x128xf32, #tpu.memory_space<vmem>>
      %dma_wait3A_330 = arith.constant 0 : i32
      %dma_wait3A_331 = tpu.memref_slice %arg7[%dma_wait3A_323, %dma_wait3A_324, %dma_wait3A_330] : memref<4x2x80xi32, #tpu.memory_space<vmem>> -> memref<1x1x80xi32, #tpu.memory_space<vmem>>
      %dma_wait3A_332 = tpu.memref_squeeze %dma_wait3A_331 : memref<1x1x80xi32, #tpu.memory_space<vmem>> -> memref<80xi32, #tpu.memory_space<vmem>>
      %dma_wait3A_333 = arith.constant 0 : i32
      %dma_wait3A_334 = arith.constant 0 : i32
      %dma_wait3A_335 = tpu.memref_slice %arg2[%dma_wait3A_333, %dma_wait3A_334] : memref<10000x128xf32, #tpu.memory_space<hbm>> -> memref<10000x128xf32, #tpu.memory_space<hbm>>
      tpu.wait_indirect_dma semaphore(%arg11 : memref<!tpu.dma_semaphore, #tpu.memory_space<semaphore_mem>>) src(%dma_wait3A_335 : memref<10000x128xf32, #tpu.memory_space<hbm>>) dst(%dma_wait3A_329 : memref<80x128xf32, #tpu.memory_space<vmem>>)
      %dma_start3A_336 = arith.constant 2 : i32
      %dma_start3A_337 = arith.constant 2 : i32
      %dma_start3A_338 = arith.constant 1 : i32
      %dma_start3A_339 = arith.constant 0 : i32
      %dma_start3A_340 = arith.constant 0 : i32
      %dma_start3A_341 = tpu.memref_slice %arg8[%dma_start3A_336, %dma_start3A_339, %dma_start3A_340] : memref<4x80x128xf32, #tpu.memory_space<vmem>> -> memref<1x80x128xf32, #tpu.memory_space<vmem>>
      %dma_start3A_342 = tpu.memref_squeeze %dma_start3A_341 : memref<1x80x128xf32, #tpu.memory_space<vmem>> -> memref<80x128xf32, #tpu.memory_space<vmem>>
      %dma_start3A_343 = arith.constant 0 : i32
      %dma_start3A_344 = tpu.memref_slice %arg7[%dma_start3A_337, %dma_start3A_338, %dma_start3A_343] : memref<4x2x80xi32, #tpu.memory_space<vmem>> -> memref<1x1x80xi32, #tpu.memory_space<vmem>>
      %dma_start3A_345 = tpu.memref_squeeze %dma_start3A_344 : memref<1x1x80xi32, #tpu.memory_space<vmem>> -> memref<80xi32, #tpu.memory_space<vmem>>
      %dma_start3A_346 = arith.constant 0 : i32
      %dma_start3A_347 = arith.constant 0 : i32
      %dma_start3A_348 = tpu.memref_slice %arg6[%dma_start3A_346, %dma_start3A_347] : memref<10240x128xf32, #tpu.memory_space<vmem_shared>> -> memref<10240x128xf32, #tpu.memory_space<vmem_shared>>
      tpu.enqueue_indirect_dma source(%dma_start3A_342 : memref<80x128xf32, #tpu.memory_space<vmem>>) target(%dma_start3A_348 : memref<10240x128xf32, #tpu.memory_space<vmem_shared>>) offsets(%dma_start3A_345 : memref<80xi32, #tpu.memory_space<vmem>>) semaphore(%arg15 : memref<!tpu.dma_semaphore, #tpu.memory_space<semaphore_mem>>) {add = true}
      %add3A_349 = arith.constant 1 : i32
      %add3A_350 = arith.addi %add3A_290, %add3A_349 : i32
      %dma_wait3A_351 = arith.constant 1 : i32
      %dma_wait3A_352 = arith.constant 1 : i32
      %dma_wait3A_353 = arith.constant 1 : i32
      %dma_wait3A_354 = arith.constant 0 : i32
      %dma_wait3A_355 = arith.constant 0 : i32
      %dma_wait3A_356 = tpu.memref_slice %arg8[%dma_wait3A_351, %dma_wait3A_354, %dma_wait3A_355] : memref<4x80x128xf32, #tpu.memory_space<vmem>> -> memref<1x80x128xf32, #tpu.memory_space<vmem>>
      %dma_wait3A_357 = tpu.memref_squeeze %dma_wait3A_356 : memref<1x80x128xf32, #tpu.memory_space<vmem>> -> memref<80x128xf32, #tpu.memory_space<vmem>>
      %dma_wait3A_358 = arith.constant 0 : i32
      %dma_wait3A_359 = tpu.memref_slice %arg7[%dma_wait3A_352, %dma_wait3A_353, %dma_wait3A_358] : memref<4x2x80xi32, #tpu.memory_space<vmem>> -> memref<1x1x80xi32, #tpu.memory_space<vmem>>
      %dma_wait3A_360 = tpu.memref_squeeze %dma_wait3A_359 : memref<1x1x80xi32, #tpu.memory_space<vmem>> -> memref<80xi32, #tpu.memory_space<vmem>>
      %dma_wait3A_361 = arith.constant 0 : i32
      %dma_wait3A_362 = arith.constant 0 : i32
      %dma_wait3A_363 = tpu.memref_slice %arg6[%dma_wait3A_361, %dma_wait3A_362] : memref<10240x128xf32, #tpu.memory_space<vmem_shared>> -> memref<10240x128xf32, #tpu.memory_space<vmem_shared>>
      tpu.wait_indirect_dma semaphore(%arg14 : memref<!tpu.dma_semaphore, #tpu.memory_space<semaphore_mem>>) src(%dma_wait3A_357 : memref<80x128xf32, #tpu.memory_space<vmem>>) dst(%dma_wait3A_363 : memref<10240x128xf32, #tpu.memory_space<vmem_shared>>)
      %mul3A_364 = arith.constant 80 : i32
      %mul3A_365 = arith.muli %add3A_350, %mul3A_364 : i32
      %add3A_366 = arith.addi %mul3A_4, %mul3A_365 : i32
      %run_scoped3A_367 = arith.constant 1 : i32
      "tpu.region"() ({
        %run_scoped3A_523 = tpu.sem_alloc : memref<!tpu.dma_semaphore, #tpu.memory_space<semaphore_mem>>
        %dma_start3A_524 = arith.constant 0 : i32
        %dma_start3A_525 = arith.constant 0 : i32
        %dma_start3A_526 = tpu.memref_slice %arg7[%run_scoped3A_367, %dma_start3A_524, %dma_start3A_525] : memref<4x2x80xi32, #tpu.memory_space<vmem>> -> memref<1x2x80xi32, #tpu.memory_space<vmem>>
        %dma_start3A_527 = tpu.memref_squeeze %dma_start3A_526 : memref<1x2x80xi32, #tpu.memory_space<vmem>> -> memref<2x80xi32, #tpu.memory_space<vmem>>
        %dma_start3A_528 = arith.constant 0 : i32
        %dma_start3A_529 = tpu.memref_slice %arg3[%dma_start3A_528, %add3A_366] : memref<2x320000xi32, #tpu.memory_space<hbm>> -> memref<2x80xi32, #tpu.memory_space<hbm>>
        %dma_start3A_530 = arith.constant 0 : i32
        %dma_start3A_531 = arith.constant 0 : i32
        %dma_start3A_532 = tpu.memref_slice %arg7[%run_scoped3A_367, %dma_start3A_530, %dma_start3A_531] : memref<4x2x80xi32, #tpu.memory_space<vmem>> -> memref<1x2x80xi32, #tpu.memory_space<vmem>>
        %dma_start3A_533 = tpu.memref_squeeze %dma_start3A_532 : memref<1x2x80xi32, #tpu.memory_space<vmem>> -> memref<2x80xi32, #tpu.memory_space<vmem>>
        %dma_start3A_534 = arith.constant 0 : i32
        %dma_start3A_535 = tpu.memref_slice %arg3[%dma_start3A_534, %add3A_366] : memref<2x320000xi32, #tpu.memory_space<hbm>> -> memref<2x80xi32, #tpu.memory_space<hbm>>
        tpu.enqueue_dma source(%dma_start3A_535 : memref<2x80xi32, #tpu.memory_space<hbm>>) target(%dma_start3A_533 : memref<2x80xi32, #tpu.memory_space<vmem>>) target_semaphore(%run_scoped3A_523 : memref<!tpu.dma_semaphore, #tpu.memory_space<semaphore_mem>>)
        %dma_wait3A_536 = arith.constant 0 : i32
        %dma_wait3A_537 = arith.constant 0 : i32
        %dma_wait3A_538 = tpu.memref_slice %arg7[%run_scoped3A_367, %dma_wait3A_536, %dma_wait3A_537] : memref<4x2x80xi32, #tpu.memory_space<vmem>> -> memref<1x2x80xi32, #tpu.memory_space<vmem>>
        %dma_wait3A_539 = tpu.memref_squeeze %dma_wait3A_538 : memref<1x2x80xi32, #tpu.memory_space<vmem>> -> memref<2x80xi32, #tpu.memory_space<vmem>>
        %dma_wait3A_540 = arith.constant 0 : i32
        %dma_wait3A_541 = tpu.memref_slice %arg3[%dma_wait3A_540, %add3A_366] : memref<2x320000xi32, #tpu.memory_space<hbm>> -> memref<2x80xi32, #tpu.memory_space<hbm>>
        %dma_wait3A_542 = arith.constant 0 : i32
        %dma_wait3A_543 = arith.constant 0 : i32
        %dma_wait3A_544 = tpu.memref_slice %arg7[%run_scoped3A_367, %dma_wait3A_542, %dma_wait3A_543] : memref<4x2x80xi32, #tpu.memory_space<vmem>> -> memref<1x2x80xi32, #tpu.memory_space<vmem>>
        %dma_wait3A_545 = tpu.memref_squeeze %dma_wait3A_544 : memref<1x2x80xi32, #tpu.memory_space<vmem>> -> memref<2x80xi32, #tpu.memory_space<vmem>>
        %dma_wait3A_546 = arith.constant 0 : i32
        %dma_wait3A_547 = tpu.memref_slice %arg3[%dma_wait3A_546, %add3A_366] : memref<2x320000xi32, #tpu.memory_space<hbm>> -> memref<2x80xi32, #tpu.memory_space<hbm>>
        tpu.wait_dma2 semaphore(%run_scoped3A_523 : memref<!tpu.dma_semaphore, #tpu.memory_space<semaphore_mem>>) src(%dma_wait3A_547 : memref<2x80xi32, #tpu.memory_space<hbm>>) dst(%dma_wait3A_545 : memref<2x80xi32, #tpu.memory_space<vmem>>)
        tpu.yield
      }) : () -> ()
      %dma_start3A_368 = arith.constant 1 : i32
      %dma_start3A_369 = arith.constant 0 : i32
      %dma_start3A_370 = arith.constant 1 : i32
      %dma_start3A_371 = arith.constant 0 : i32
      %dma_start3A_372 = arith.constant 0 : i32
      %dma_start3A_373 = tpu.memref_slice %arg8[%dma_start3A_370, %dma_start3A_371, %dma_start3A_372] : memref<4x80x128xf32, #tpu.memory_space<vmem>> -> memref<1x80x128xf32, #tpu.memory_space<vmem>>
      %dma_start3A_374 = tpu.memref_squeeze %dma_start3A_373 : memref<1x80x128xf32, #tpu.memory_space<vmem>> -> memref<80x128xf32, #tpu.memory_space<vmem>>
      %dma_start3A_375 = arith.constant 0 : i32
      %dma_start3A_376 = tpu.memref_slice %arg7[%dma_start3A_368, %dma_start3A_369, %dma_start3A_375] : memref<4x2x80xi32, #tpu.memory_space<vmem>> -> memref<1x1x80xi32, #tpu.memory_space<vmem>>
      %dma_start3A_377 = tpu.memref_squeeze %dma_start3A_376 : memref<1x1x80xi32, #tpu.memory_space<vmem>> -> memref<80xi32, #tpu.memory_space<vmem>>
      %dma_start3A_378 = arith.constant 0 : i32
      %dma_start3A_379 = arith.constant 0 : i32
      %dma_start3A_380 = tpu.memref_slice %arg2[%dma_start3A_378, %dma_start3A_379] : memref<10000x128xf32, #tpu.memory_space<hbm>> -> memref<10000x128xf32, #tpu.memory_space<hbm>>
      tpu.enqueue_indirect_dma source(%dma_start3A_380 : memref<10000x128xf32, #tpu.memory_space<hbm>>) target(%dma_start3A_374 : memref<80x128xf32, #tpu.memory_space<vmem>>) offsets(%dma_start3A_377 : memref<80xi32, #tpu.memory_space<vmem>>) semaphore(%arg10 : memref<!tpu.dma_semaphore, #tpu.memory_space<semaphore_mem>>)
      %dma_wait3A_381 = arith.constant 3 : i32
      %dma_wait3A_382 = arith.constant 0 : i32
      %dma_wait3A_383 = arith.constant 3 : i32
      %dma_wait3A_384 = arith.constant 0 : i32
      %dma_wait3A_385 = arith.constant 0 : i32
      %dma_wait3A_386 = tpu.memref_slice %arg8[%dma_wait3A_383, %dma_wait3A_384, %dma_wait3A_385] : memref<4x80x128xf32, #tpu.memory_space<vmem>> -> memref<1x80x128xf32, #tpu.memory_space<vmem>>
      %dma_wait3A_387 = tpu.memref_squeeze %dma_wait3A_386 : memref<1x80x128xf32, #tpu.memory_space<vmem>> -> memref<80x128xf32, #tpu.memory_space<vmem>>
      %dma_wait3A_388 = arith.constant 0 : i32
      %dma_wait3A_389 = tpu.memref_slice %arg7[%dma_wait3A_381, %dma_wait3A_382, %dma_wait3A_388] : memref<4x2x80xi32, #tpu.memory_space<vmem>> -> memref<1x1x80xi32, #tpu.memory_space<vmem>>
      %dma_wait3A_390 = tpu.memref_squeeze %dma_wait3A_389 : memref<1x1x80xi32, #tpu.memory_space<vmem>> -> memref<80xi32, #tpu.memory_space<vmem>>
      %dma_wait3A_391 = arith.constant 0 : i32
      %dma_wait3A_392 = arith.constant 0 : i32
      %dma_wait3A_393 = tpu.memref_slice %arg2[%dma_wait3A_391, %dma_wait3A_392] : memref<10000x128xf32, #tpu.memory_space<hbm>> -> memref<10000x128xf32, #tpu.memory_space<hbm>>
      tpu.wait_indirect_dma semaphore(%arg12 : memref<!tpu.dma_semaphore, #tpu.memory_space<semaphore_mem>>) src(%dma_wait3A_393 : memref<10000x128xf32, #tpu.memory_space<hbm>>) dst(%dma_wait3A_387 : memref<80x128xf32, #tpu.memory_space<vmem>>)
      %dma_start3A_394 = arith.constant 3 : i32
      %dma_start3A_395 = arith.constant 3 : i32
      %dma_start3A_396 = arith.constant 1 : i32
      %dma_start3A_397 = arith.constant 0 : i32
      %dma_start3A_398 = arith.constant 0 : i32
      %dma_start3A_399 = tpu.memref_slice %arg8[%dma_start3A_394, %dma_start3A_397, %dma_start3A_398] : memref<4x80x128xf32, #tpu.memory_space<vmem>> -> memref<1x80x128xf32, #tpu.memory_space<vmem>>
      %dma_start3A_400 = tpu.memref_squeeze %dma_start3A_399 : memref<1x80x128xf32, #tpu.memory_space<vmem>> -> memref<80x128xf32, #tpu.memory_space<vmem>>
      %dma_start3A_401 = arith.constant 0 : i32
      %dma_start3A_402 = tpu.memref_slice %arg7[%dma_start3A_395, %dma_start3A_396, %dma_start3A_401] : memref<4x2x80xi32, #tpu.memory_space<vmem>> -> memref<1x1x80xi32, #tpu.memory_space<vmem>>
      %dma_start3A_403 = tpu.memref_squeeze %dma_start3A_402 : memref<1x1x80xi32, #tpu.memory_space<vmem>> -> memref<80xi32, #tpu.memory_space<vmem>>
      %dma_start3A_404 = arith.constant 0 : i32
      %dma_start3A_405 = arith.constant 0 : i32
      %dma_start3A_406 = tpu.memref_slice %arg6[%dma_start3A_404, %dma_start3A_405] : memref<10240x128xf32, #tpu.memory_space<vmem_shared>> -> memref<10240x128xf32, #tpu.memory_space<vmem_shared>>
      tpu.enqueue_indirect_dma source(%dma_start3A_400 : memref<80x128xf32, #tpu.memory_space<vmem>>) target(%dma_start3A_406 : memref<10240x128xf32, #tpu.memory_space<vmem_shared>>) offsets(%dma_start3A_403 : memref<80xi32, #tpu.memory_space<vmem>>) semaphore(%arg16 : memref<!tpu.dma_semaphore, #tpu.memory_space<semaphore_mem>>) {add = true}
      %add3A_407 = arith.constant 2 : i32
      %add3A_408 = arith.addi %add3A_290, %add3A_407 : i32
      %dma_wait3A_409 = arith.constant 2 : i32
      %dma_wait3A_410 = arith.constant 2 : i32
      %dma_wait3A_411 = arith.constant 1 : i32
      %dma_wait3A_412 = arith.constant 0 : i32
      %dma_wait3A_413 = arith.constant 0 : i32
      %dma_wait3A_414 = tpu.memref_slice %arg8[%dma_wait3A_409, %dma_wait3A_412, %dma_wait3A_413] : memref<4x80x128xf32, #tpu.memory_space<vmem>> -> memref<1x80x128xf32, #tpu.memory_space<vmem>>
      %dma_wait3A_415 = tpu.memref_squeeze %dma_wait3A_414 : memref<1x80x128xf32, #tpu.memory_space<vmem>> -> memref<80x128xf32, #tpu.memory_space<vmem>>
      %dma_wait3A_416 = arith.constant 0 : i32
      %dma_wait3A_417 = tpu.memref_slice %arg7[%dma_wait3A_410, %dma_wait3A_411, %dma_wait3A_416] : memref<4x2x80xi32, #tpu.memory_space<vmem>> -> memref<1x1x80xi32, #tpu.memory_space<vmem>>
      %dma_wait3A_418 = tpu.memref_squeeze %dma_wait3A_417 : memref<1x1x80xi32, #tpu.memory_space<vmem>> -> memref<80xi32, #tpu.memory_space<vmem>>
      %dma_wait3A_419 = arith.constant 0 : i32
      %dma_wait3A_420 = arith.constant 0 : i32
      %dma_wait3A_421 = tpu.memref_slice %arg6[%dma_wait3A_419, %dma_wait3A_420] : memref<10240x128xf32, #tpu.memory_space<vmem_shared>> -> memref<10240x128xf32, #tpu.memory_space<vmem_shared>>
      tpu.wait_indirect_dma semaphore(%arg15 : memref<!tpu.dma_semaphore, #tpu.memory_space<semaphore_mem>>) src(%dma_wait3A_415 : memref<80x128xf32, #tpu.memory_space<vmem>>) dst(%dma_wait3A_421 : memref<10240x128xf32, #tpu.memory_space<vmem_shared>>)
      %mul3A_422 = arith.constant 80 : i32
      %mul3A_423 = arith.muli %add3A_408, %mul3A_422 : i32
      %add3A_424 = arith.addi %mul3A_4, %mul3A_423 : i32
      %run_scoped3A_425 = arith.constant 2 : i32
      "tpu.region"() ({
        %run_scoped3A_523 = tpu.sem_alloc : memref<!tpu.dma_semaphore, #tpu.memory_space<semaphore_mem>>
        %dma_start3A_524 = arith.constant 0 : i32
        %dma_start3A_525 = arith.constant 0 : i32
        %dma_start3A_526 = tpu.memref_slice %arg7[%run_scoped3A_425, %dma_start3A_524, %dma_start3A_525] : memref<4x2x80xi32, #tpu.memory_space<vmem>> -> memref<1x2x80xi32, #tpu.memory_space<vmem>>
        %dma_start3A_527 = tpu.memref_squeeze %dma_start3A_526 : memref<1x2x80xi32, #tpu.memory_space<vmem>> -> memref<2x80xi32, #tpu.memory_space<vmem>>
        %dma_start3A_528 = arith.constant 0 : i32
        %dma_start3A_529 = tpu.memref_slice %arg3[%dma_start3A_528, %add3A_424] : memref<2x320000xi32, #tpu.memory_space<hbm>> -> memref<2x80xi32, #tpu.memory_space<hbm>>
        %dma_start3A_530 = arith.constant 0 : i32
        %dma_start3A_531 = arith.constant 0 : i32
        %dma_start3A_532 = tpu.memref_slice %arg7[%run_scoped3A_425, %dma_start3A_530, %dma_start3A_531] : memref<4x2x80xi32, #tpu.memory_space<vmem>> -> memref<1x2x80xi32, #tpu.memory_space<vmem>>
        %dma_start3A_533 = tpu.memref_squeeze %dma_start3A_532 : memref<1x2x80xi32, #tpu.memory_space<vmem>> -> memref<2x80xi32, #tpu.memory_space<vmem>>
        %dma_start3A_534 = arith.constant 0 : i32
        %dma_start3A_535 = tpu.memref_slice %arg3[%dma_start3A_534, %add3A_424] : memref<2x320000xi32, #tpu.memory_space<hbm>> -> memref<2x80xi32, #tpu.memory_space<hbm>>
        tpu.enqueue_dma source(%dma_start3A_535 : memref<2x80xi32, #tpu.memory_space<hbm>>) target(%dma_start3A_533 : memref<2x80xi32, #tpu.memory_space<vmem>>) target_semaphore(%run_scoped3A_523 : memref<!tpu.dma_semaphore, #tpu.memory_space<semaphore_mem>>)
        %dma_wait3A_536 = arith.constant 0 : i32
        %dma_wait3A_537 = arith.constant 0 : i32
        %dma_wait3A_538 = tpu.memref_slice %arg7[%run_scoped3A_425, %dma_wait3A_536, %dma_wait3A_537] : memref<4x2x80xi32, #tpu.memory_space<vmem>> -> memref<1x2x80xi32, #tpu.memory_space<vmem>>
        %dma_wait3A_539 = tpu.memref_squeeze %dma_wait3A_538 : memref<1x2x80xi32, #tpu.memory_space<vmem>> -> memref<2x80xi32, #tpu.memory_space<vmem>>
        %dma_wait3A_540 = arith.constant 0 : i32
        %dma_wait3A_541 = tpu.memref_slice %arg3[%dma_wait3A_540, %add3A_424] : memref<2x320000xi32, #tpu.memory_space<hbm>> -> memref<2x80xi32, #tpu.memory_space<hbm>>
        %dma_wait3A_542 = arith.constant 0 : i32
        %dma_wait3A_543 = arith.constant 0 : i32
        %dma_wait3A_544 = tpu.memref_slice %arg7[%run_scoped3A_425, %dma_wait3A_542, %dma_wait3A_543] : memref<4x2x80xi32, #tpu.memory_space<vmem>> -> memref<1x2x80xi32, #tpu.memory_space<vmem>>
        %dma_wait3A_545 = tpu.memref_squeeze %dma_wait3A_544 : memref<1x2x80xi32, #tpu.memory_space<vmem>> -> memref<2x80xi32, #tpu.memory_space<vmem>>
        %dma_wait3A_546 = arith.constant 0 : i32
        %dma_wait3A_547 = tpu.memref_slice %arg3[%dma_wait3A_546, %add3A_424] : memref<2x320000xi32, #tpu.memory_space<hbm>> -> memref<2x80xi32, #tpu.memory_space<hbm>>
        tpu.wait_dma2 semaphore(%run_scoped3A_523 : memref<!tpu.dma_semaphore, #tpu.memory_space<semaphore_mem>>) src(%dma_wait3A_547 : memref<2x80xi32, #tpu.memory_space<hbm>>) dst(%dma_wait3A_545 : memref<2x80xi32, #tpu.memory_space<vmem>>)
        tpu.yield
      }) : () -> ()
      %dma_start3A_426 = arith.constant 2 : i32
      %dma_start3A_427 = arith.constant 0 : i32
      %dma_start3A_428 = arith.constant 2 : i32
      %dma_start3A_429 = arith.constant 0 : i32
      %dma_start3A_430 = arith.constant 0 : i32
      %dma_start3A_431 = tpu.memref_slice %arg8[%dma_start3A_428, %dma_start3A_429, %dma_start3A_430] : memref<4x80x128xf32, #tpu.memory_space<vmem>> -> memref<1x80x128xf32, #tpu.memory_space<vmem>>
      %dma_start3A_432 = tpu.memref_squeeze %dma_start3A_431 : memref<1x80x128xf32, #tpu.memory_space<vmem>> -> memref<80x128xf32, #tpu.memory_space<vmem>>
      %dma_start3A_433 = arith.constant 0 : i32
      %dma_start3A_434 = tpu.memref_slice %arg7[%dma_start3A_426, %dma_start3A_427, %dma_start3A_433] : memref<4x2x80xi32, #tpu.memory_space<vmem>> -> memref<1x1x80xi32, #tpu.memory_space<vmem>>
      %dma_start3A_435 = tpu.memref_squeeze %dma_start3A_434 : memref<1x1x80xi32, #tpu.memory_space<vmem>> -> memref<80xi32, #tpu.memory_space<vmem>>
      %dma_start3A_436 = arith.constant 0 : i32
      %dma_start3A_437 = arith.constant 0 : i32
      %dma_start3A_438 = tpu.memref_slice %arg2[%dma_start3A_436, %dma_start3A_437] : memref<10000x128xf32, #tpu.memory_space<hbm>> -> memref<10000x128xf32, #tpu.memory_space<hbm>>
      tpu.enqueue_indirect_dma source(%dma_start3A_438 : memref<10000x128xf32, #tpu.memory_space<hbm>>) target(%dma_start3A_432 : memref<80x128xf32, #tpu.memory_space<vmem>>) offsets(%dma_start3A_435 : memref<80xi32, #tpu.memory_space<vmem>>) semaphore(%arg11 : memref<!tpu.dma_semaphore, #tpu.memory_space<semaphore_mem>>)
      %dma_wait3A_439 = arith.constant 0 : i32
      %dma_wait3A_440 = arith.constant 0 : i32
      %dma_wait3A_441 = arith.constant 0 : i32
      %dma_wait3A_442 = arith.constant 0 : i32
      %dma_wait3A_443 = arith.constant 0 : i32
      %dma_wait3A_444 = tpu.memref_slice %arg8[%dma_wait3A_441, %dma_wait3A_442, %dma_wait3A_443] : memref<4x80x128xf32, #tpu.memory_space<vmem>> -> memref<1x80x128xf32, #tpu.memory_space<vmem>>
      %dma_wait3A_445 = tpu.memref_squeeze %dma_wait3A_444 : memref<1x80x128xf32, #tpu.memory_space<vmem>> -> memref<80x128xf32, #tpu.memory_space<vmem>>
      %dma_wait3A_446 = arith.constant 0 : i32
      %dma_wait3A_447 = tpu.memref_slice %arg7[%dma_wait3A_439, %dma_wait3A_440, %dma_wait3A_446] : memref<4x2x80xi32, #tpu.memory_space<vmem>> -> memref<1x1x80xi32, #tpu.memory_space<vmem>>
      %dma_wait3A_448 = tpu.memref_squeeze %dma_wait3A_447 : memref<1x1x80xi32, #tpu.memory_space<vmem>> -> memref<80xi32, #tpu.memory_space<vmem>>
      %dma_wait3A_449 = arith.constant 0 : i32
      %dma_wait3A_450 = arith.constant 0 : i32
      %dma_wait3A_451 = tpu.memref_slice %arg2[%dma_wait3A_449, %dma_wait3A_450] : memref<10000x128xf32, #tpu.memory_space<hbm>> -> memref<10000x128xf32, #tpu.memory_space<hbm>>
      tpu.wait_indirect_dma semaphore(%arg9 : memref<!tpu.dma_semaphore, #tpu.memory_space<semaphore_mem>>) src(%dma_wait3A_451 : memref<10000x128xf32, #tpu.memory_space<hbm>>) dst(%dma_wait3A_445 : memref<80x128xf32, #tpu.memory_space<vmem>>)
      %dma_start3A_452 = arith.constant 0 : i32
      %dma_start3A_453 = arith.constant 0 : i32
      %dma_start3A_454 = arith.constant 1 : i32
      %dma_start3A_455 = arith.constant 0 : i32
      %dma_start3A_456 = arith.constant 0 : i32
      %dma_start3A_457 = tpu.memref_slice %arg8[%dma_start3A_452, %dma_start3A_455, %dma_start3A_456] : memref<4x80x128xf32, #tpu.memory_space<vmem>> -> memref<1x80x128xf32, #tpu.memory_space<vmem>>
      %dma_start3A_458 = tpu.memref_squeeze %dma_start3A_457 : memref<1x80x128xf32, #tpu.memory_space<vmem>> -> memref<80x128xf32, #tpu.memory_space<vmem>>
      %dma_start3A_459 = arith.constant 0 : i32
      %dma_start3A_460 = tpu.memref_slice %arg7[%dma_start3A_453, %dma_start3A_454, %dma_start3A_459] : memref<4x2x80xi32, #tpu.memory_space<vmem>> -> memref<1x1x80xi32, #tpu.memory_space<vmem>>
      %dma_start3A_461 = tpu.memref_squeeze %dma_start3A_460 : memref<1x1x80xi32, #tpu.memory_space<vmem>> -> memref<80xi32, #tpu.memory_space<vmem>>
      %dma_start3A_462 = arith.constant 0 : i32
      %dma_start3A_463 = arith.constant 0 : i32
      %dma_start3A_464 = tpu.memref_slice %arg6[%dma_start3A_462, %dma_start3A_463] : memref<10240x128xf32, #tpu.memory_space<vmem_shared>> -> memref<10240x128xf32, #tpu.memory_space<vmem_shared>>
      tpu.enqueue_indirect_dma source(%dma_start3A_458 : memref<80x128xf32, #tpu.memory_space<vmem>>) target(%dma_start3A_464 : memref<10240x128xf32, #tpu.memory_space<vmem_shared>>) offsets(%dma_start3A_461 : memref<80xi32, #tpu.memory_space<vmem>>) semaphore(%arg13 : memref<!tpu.dma_semaphore, #tpu.memory_space<semaphore_mem>>) {add = true}
      %add3A_465 = arith.constant 3 : i32
      %add3A_466 = arith.addi %add3A_290, %add3A_465 : i32
      %dma_wait3A_467 = arith.constant 3 : i32
      %dma_wait3A_468 = arith.constant 3 : i32
      %dma_wait3A_469 = arith.constant 1 : i32
      %dma_wait3A_470 = arith.constant 0 : i32
      %dma_wait3A_471 = arith.constant 0 : i32
      %dma_wait3A_472 = tpu.memref_slice %arg8[%dma_wait3A_467, %dma_wait3A_470, %dma_wait3A_471] : memref<4x80x128xf32, #tpu.memory_space<vmem>> -> memref<1x80x128xf32, #tpu.memory_space<vmem>>
      %dma_wait3A_473 = tpu.memref_squeeze %dma_wait3A_472 : memref<1x80x128xf32, #tpu.memory_space<vmem>> -> memref<80x128xf32, #tpu.memory_space<vmem>>
      %dma_wait3A_474 = arith.constant 0 : i32
      %dma_wait3A_475 = tpu.memref_slice %arg7[%dma_wait3A_468, %dma_wait3A_469, %dma_wait3A_474] : memref<4x2x80xi32, #tpu.memory_space<vmem>> -> memref<1x1x80xi32, #tpu.memory_space<vmem>>
      %dma_wait3A_476 = tpu.memref_squeeze %dma_wait3A_475 : memref<1x1x80xi32, #tpu.memory_space<vmem>> -> memref<80xi32, #tpu.memory_space<vmem>>
      %dma_wait3A_477 = arith.constant 0 : i32
      %dma_wait3A_478 = arith.constant 0 : i32
      %dma_wait3A_479 = tpu.memref_slice %arg6[%dma_wait3A_477, %dma_wait3A_478] : memref<10240x128xf32, #tpu.memory_space<vmem_shared>> -> memref<10240x128xf32, #tpu.memory_space<vmem_shared>>
      tpu.wait_indirect_dma semaphore(%arg16 : memref<!tpu.dma_semaphore, #tpu.memory_space<semaphore_mem>>) src(%dma_wait3A_473 : memref<80x128xf32, #tpu.memory_space<vmem>>) dst(%dma_wait3A_479 : memref<10240x128xf32, #tpu.memory_space<vmem_shared>>)
      %mul3A_480 = arith.constant 80 : i32
      %mul3A_481 = arith.muli %add3A_466, %mul3A_480 : i32
      %add3A_482 = arith.addi %mul3A_4, %mul3A_481 : i32
      %run_scoped3A_483 = arith.constant 3 : i32
      "tpu.region"() ({
        %run_scoped3A_523 = tpu.sem_alloc : memref<!tpu.dma_semaphore, #tpu.memory_space<semaphore_mem>>
        %dma_start3A_524 = arith.constant 0 : i32
        %dma_start3A_525 = arith.constant 0 : i32
        %dma_start3A_526 = tpu.memref_slice %arg7[%run_scoped3A_483, %dma_start3A_524, %dma_start3A_525] : memref<4x2x80xi32, #tpu.memory_space<vmem>> -> memref<1x2x80xi32, #tpu.memory_space<vmem>>
        %dma_start3A_527 = tpu.memref_squeeze %dma_start3A_526 : memref<1x2x80xi32, #tpu.memory_space<vmem>> -> memref<2x80xi32, #tpu.memory_space<vmem>>
        %dma_start3A_528 = arith.constant 0 : i32
        %dma_start3A_529 = tpu.memref_slice %arg3[%dma_start3A_528, %add3A_482] : memref<2x320000xi32, #tpu.memory_space<hbm>> -> memref<2x80xi32, #tpu.memory_space<hbm>>
        %dma_start3A_530 = arith.constant 0 : i32
        %dma_start3A_531 = arith.constant 0 : i32
        %dma_start3A_532 = tpu.memref_slice %arg7[%run_scoped3A_483, %dma_start3A_530, %dma_start3A_531] : memref<4x2x80xi32, #tpu.memory_space<vmem>> -> memref<1x2x80xi32, #tpu.memory_space<vmem>>
        %dma_start3A_533 = tpu.memref_squeeze %dma_start3A_532 : memref<1x2x80xi32, #tpu.memory_space<vmem>> -> memref<2x80xi32, #tpu.memory_space<vmem>>
        %dma_start3A_534 = arith.constant 0 : i32
        %dma_start3A_535 = tpu.memref_slice %arg3[%dma_start3A_534, %add3A_482] : memref<2x320000xi32, #tpu.memory_space<hbm>> -> memref<2x80xi32, #tpu.memory_space<hbm>>
        tpu.enqueue_dma source(%dma_start3A_535 : memref<2x80xi32, #tpu.memory_space<hbm>>) target(%dma_start3A_533 : memref<2x80xi32, #tpu.memory_space<vmem>>) target_semaphore(%run_scoped3A_523 : memref<!tpu.dma_semaphore, #tpu.memory_space<semaphore_mem>>)
        %dma_wait3A_536 = arith.constant 0 : i32
        %dma_wait3A_537 = arith.constant 0 : i32
        %dma_wait3A_538 = tpu.memref_slice %arg7[%run_scoped3A_483, %dma_wait3A_536, %dma_wait3A_537] : memref<4x2x80xi32, #tpu.memory_space<vmem>> -> memref<1x2x80xi32, #tpu.memory_space<vmem>>
        %dma_wait3A_539 = tpu.memref_squeeze %dma_wait3A_538 : memref<1x2x80xi32, #tpu.memory_space<vmem>> -> memref<2x80xi32, #tpu.memory_space<vmem>>
        %dma_wait3A_540 = arith.constant 0 : i32
        %dma_wait3A_541 = tpu.memref_slice %arg3[%dma_wait3A_540, %add3A_482] : memref<2x320000xi32, #tpu.memory_space<hbm>> -> memref<2x80xi32, #tpu.memory_space<hbm>>
        %dma_wait3A_542 = arith.constant 0 : i32
        %dma_wait3A_543 = arith.constant 0 : i32
        %dma_wait3A_544 = tpu.memref_slice %arg7[%run_scoped3A_483, %dma_wait3A_542, %dma_wait3A_543] : memref<4x2x80xi32, #tpu.memory_space<vmem>> -> memref<1x2x80xi32, #tpu.memory_space<vmem>>
        %dma_wait3A_545 = tpu.memref_squeeze %dma_wait3A_544 : memref<1x2x80xi32, #tpu.memory_space<vmem>> -> memref<2x80xi32, #tpu.memory_space<vmem>>
        %dma_wait3A_546 = arith.constant 0 : i32
        %dma_wait3A_547 = tpu.memref_slice %arg3[%dma_wait3A_546, %add3A_482] : memref<2x320000xi32, #tpu.memory_space<hbm>> -> memref<2x80xi32, #tpu.memory_space<hbm>>
        tpu.wait_dma2 semaphore(%run_scoped3A_523 : memref<!tpu.dma_semaphore, #tpu.memory_space<semaphore_mem>>) src(%dma_wait3A_547 : memref<2x80xi32, #tpu.memory_space<hbm>>) dst(%dma_wait3A_545 : memref<2x80xi32, #tpu.memory_space<vmem>>)
        tpu.yield
      }) : () -> ()
      %dma_start3A_484 = arith.constant 3 : i32
      %dma_start3A_485 = arith.constant 0 : i32
      %dma_start3A_486 = arith.constant 3 : i32
      %dma_start3A_487 = arith.constant 0 : i32
      %dma_start3A_488 = arith.constant 0 : i32
      %dma_start3A_489 = tpu.memref_slice %arg8[%dma_start3A_486, %dma_start3A_487, %dma_start3A_488] : memref<4x80x128xf32, #tpu.memory_space<vmem>> -> memref<1x80x128xf32, #tpu.memory_space<vmem>>
      %dma_start3A_490 = tpu.memref_squeeze %dma_start3A_489 : memref<1x80x128xf32, #tpu.memory_space<vmem>> -> memref<80x128xf32, #tpu.memory_space<vmem>>
      %dma_start3A_491 = arith.constant 0 : i32
      %dma_start3A_492 = tpu.memref_slice %arg7[%dma_start3A_484, %dma_start3A_485, %dma_start3A_491] : memref<4x2x80xi32, #tpu.memory_space<vmem>> -> memref<1x1x80xi32, #tpu.memory_space<vmem>>
      %dma_start3A_493 = tpu.memref_squeeze %dma_start3A_492 : memref<1x1x80xi32, #tpu.memory_space<vmem>> -> memref<80xi32, #tpu.memory_space<vmem>>
      %dma_start3A_494 = arith.constant 0 : i32
      %dma_start3A_495 = arith.constant 0 : i32
      %dma_start3A_496 = tpu.memref_slice %arg2[%dma_start3A_494, %dma_start3A_495] : memref<10000x128xf32, #tpu.memory_space<hbm>> -> memref<10000x128xf32, #tpu.memory_space<hbm>>
      tpu.enqueue_indirect_dma source(%dma_start3A_496 : memref<10000x128xf32, #tpu.memory_space<hbm>>) target(%dma_start3A_490 : memref<80x128xf32, #tpu.memory_space<vmem>>) offsets(%dma_start3A_493 : memref<80xi32, #tpu.memory_space<vmem>>) semaphore(%arg12 : memref<!tpu.dma_semaphore, #tpu.memory_space<semaphore_mem>>)
      %dma_wait3A_497 = arith.constant 1 : i32
      %dma_wait3A_498 = arith.constant 0 : i32
      %dma_wait3A_499 = arith.constant 1 : i32
      %dma_wait3A_500 = arith.constant 0 : i32
      %dma_wait3A_501 = arith.constant 0 : i32
      %dma_wait3A_502 = tpu.memref_slice %arg8[%dma_wait3A_499, %dma_wait3A_500, %dma_wait3A_501] : memref<4x80x128xf32, #tpu.memory_space<vmem>> -> memref<1x80x128xf32, #tpu.memory_space<vmem>>
      %dma_wait3A_503 = tpu.memref_squeeze %dma_wait3A_502 : memref<1x80x128xf32, #tpu.memory_space<vmem>> -> memref<80x128xf32, #tpu.memory_space<vmem>>
      %dma_wait3A_504 = arith.constant 0 : i32
      %dma_wait3A_505 = tpu.memref_slice %arg7[%dma_wait3A_497, %dma_wait3A_498, %dma_wait3A_504] : memref<4x2x80xi32, #tpu.memory_space<vmem>> -> memref<1x1x80xi32, #tpu.memory_space<vmem>>
      %dma_wait3A_506 = tpu.memref_squeeze %dma_wait3A_505 : memref<1x1x80xi32, #tpu.memory_space<vmem>> -> memref<80xi32, #tpu.memory_space<vmem>>
      %dma_wait3A_507 = arith.constant 0 : i32
      %dma_wait3A_508 = arith.constant 0 : i32
      %dma_wait3A_509 = tpu.memref_slice %arg2[%dma_wait3A_507, %dma_wait3A_508] : memref<10000x128xf32, #tpu.memory_space<hbm>> -> memref<10000x128xf32, #tpu.memory_space<hbm>>
      tpu.wait_indirect_dma semaphore(%arg10 : memref<!tpu.dma_semaphore, #tpu.memory_space<semaphore_mem>>) src(%dma_wait3A_509 : memref<10000x128xf32, #tpu.memory_space<hbm>>) dst(%dma_wait3A_503 : memref<80x128xf32, #tpu.memory_space<vmem>>)
      %dma_start3A_510 = arith.constant 1 : i32
      %dma_start3A_511 = arith.constant 1 : i32
      %dma_start3A_512 = arith.constant 1 : i32
      %dma_start3A_513 = arith.constant 0 : i32
      %dma_start3A_514 = arith.constant 0 : i32
      %dma_start3A_515 = tpu.memref_slice %arg8[%dma_start3A_510, %dma_start3A_513, %dma_start3A_514] : memref<4x80x128xf32, #tpu.memory_space<vmem>> -> memref<1x80x128xf32, #tpu.memory_space<vmem>>
      %dma_start3A_516 = tpu.memref_squeeze %dma_start3A_515 : memref<1x80x128xf32, #tpu.memory_space<vmem>> -> memref<80x128xf32, #tpu.memory_space<vmem>>
      %dma_start3A_517 = arith.constant 0 : i32
      %dma_start3A_518 = tpu.memref_slice %arg7[%dma_start3A_511, %dma_start3A_512, %dma_start3A_517] : memref<4x2x80xi32, #tpu.memory_space<vmem>> -> memref<1x1x80xi32, #tpu.memory_space<vmem>>
      %dma_start3A_519 = tpu.memref_squeeze %dma_start3A_518 : memref<1x1x80xi32, #tpu.memory_space<vmem>> -> memref<80xi32, #tpu.memory_space<vmem>>
      %dma_start3A_520 = arith.constant 0 : i32
      %dma_start3A_521 = arith.constant 0 : i32
      %dma_start3A_522 = tpu.memref_slice %arg6[%dma_start3A_520, %dma_start3A_521] : memref<10240x128xf32, #tpu.memory_space<vmem_shared>> -> memref<10240x128xf32, #tpu.memory_space<vmem_shared>>
      tpu.enqueue_indirect_dma source(%dma_start3A_516 : memref<80x128xf32, #tpu.memory_space<vmem>>) target(%dma_start3A_522 : memref<10240x128xf32, #tpu.memory_space<vmem_shared>>) offsets(%dma_start3A_519 : memref<80xi32, #tpu.memory_space<vmem>>) semaphore(%arg14 : memref<!tpu.dma_semaphore, #tpu.memory_space<semaphore_mem>>) {add = true}
    }
    %scan3A_122 = arith.constant 30 : i32
    %dma_wait3A_123 = arith.constant 0 : i32
    %dma_wait3A_124 = arith.constant 0 : i32
    %dma_wait3A_125 = arith.constant 1 : i32
    %dma_wait3A_126 = arith.constant 0 : i32
    %dma_wait3A_127 = arith.constant 0 : i32
    %dma_wait3A_128 = tpu.memref_slice %arg8[%dma_wait3A_123, %dma_wait3A_126, %dma_wait3A_127] : memref<4x80x128xf32, #tpu.memory_space<vmem>> -> memref<1x80x128xf32, #tpu.memory_space<vmem>>
    %dma_wait3A_129 = tpu.memref_squeeze %dma_wait3A_128 : memref<1x80x128xf32, #tpu.memory_space<vmem>> -> memref<80x128xf32, #tpu.memory_space<vmem>>
    %dma_wait3A_130 = arith.constant 0 : i32
    %dma_wait3A_131 = tpu.memref_slice %arg7[%dma_wait3A_124, %dma_wait3A_125, %dma_wait3A_130] : memref<4x2x80xi32, #tpu.memory_space<vmem>> -> memref<1x1x80xi32, #tpu.memory_space<vmem>>
    %dma_wait3A_132 = tpu.memref_squeeze %dma_wait3A_131 : memref<1x1x80xi32, #tpu.memory_space<vmem>> -> memref<80xi32, #tpu.memory_space<vmem>>
    %dma_wait3A_133 = arith.constant 0 : i32
    %dma_wait3A_134 = arith.constant 0 : i32
    %dma_wait3A_135 = tpu.memref_slice %arg6[%dma_wait3A_133, %dma_wait3A_134] : memref<10240x128xf32, #tpu.memory_space<vmem_shared>> -> memref<10240x128xf32, #tpu.memory_space<vmem_shared>>
    tpu.wait_indirect_dma semaphore(%arg13 : memref<!tpu.dma_semaphore, #tpu.memory_space<semaphore_mem>>) src(%dma_wait3A_129 : memref<80x128xf32, #tpu.memory_space<vmem>>) dst(%dma_wait3A_135 : memref<10240x128xf32, #tpu.memory_space<vmem_shared>>)
    %add3A_136 = arith.constant 9920 : i32
    %add3A_137 = arith.addi %mul3A_4, %add3A_136 : i32
    %run_scoped3A_138 = arith.constant 0 : i32
    "tpu.region"() ({
      %run_scoped3A_286 = tpu.sem_alloc : memref<!tpu.dma_semaphore, #tpu.memory_space<semaphore_mem>>
      %dma_start3A_287 = arith.constant 0 : i32
      %dma_start3A_288 = arith.constant 0 : i32
      %dma_start3A_289 = tpu.memref_slice %arg7[%run_scoped3A_138, %dma_start3A_287, %dma_start3A_288] : memref<4x2x80xi32, #tpu.memory_space<vmem>> -> memref<1x2x80xi32, #tpu.memory_space<vmem>>
      %dma_start3A_290 = tpu.memref_squeeze %dma_start3A_289 : memref<1x2x80xi32, #tpu.memory_space<vmem>> -> memref<2x80xi32, #tpu.memory_space<vmem>>
      %dma_start3A_291 = arith.constant 0 : i32
      %dma_start3A_292 = tpu.memref_slice %arg3[%dma_start3A_291, %add3A_137] : memref<2x320000xi32, #tpu.memory_space<hbm>> -> memref<2x80xi32, #tpu.memory_space<hbm>>
      %dma_start3A_293 = arith.constant 0 : i32
      %dma_start3A_294 = arith.constant 0 : i32
      %dma_start3A_295 = tpu.memref_slice %arg7[%run_scoped3A_138, %dma_start3A_293, %dma_start3A_294] : memref<4x2x80xi32, #tpu.memory_space<vmem>> -> memref<1x2x80xi32, #tpu.memory_space<vmem>>
      %dma_start3A_296 = tpu.memref_squeeze %dma_start3A_295 : memref<1x2x80xi32, #tpu.memory_space<vmem>> -> memref<2x80xi32, #tpu.memory_space<vmem>>
      %dma_start3A_297 = arith.constant 0 : i32
      %dma_start3A_298 = tpu.memref_slice %arg3[%dma_start3A_297, %add3A_137] : memref<2x320000xi32, #tpu.memory_space<hbm>> -> memref<2x80xi32, #tpu.memory_space<hbm>>
      tpu.enqueue_dma source(%dma_start3A_298 : memref<2x80xi32, #tpu.memory_space<hbm>>) target(%dma_start3A_296 : memref<2x80xi32, #tpu.memory_space<vmem>>) target_semaphore(%run_scoped3A_286 : memref<!tpu.dma_semaphore, #tpu.memory_space<semaphore_mem>>)
      %dma_wait3A_299 = arith.constant 0 : i32
      %dma_wait3A_300 = arith.constant 0 : i32
      %dma_wait3A_301 = tpu.memref_slice %arg7[%run_scoped3A_138, %dma_wait3A_299, %dma_wait3A_300] : memref<4x2x80xi32, #tpu.memory_space<vmem>> -> memref<1x2x80xi32, #tpu.memory_space<vmem>>
      %dma_wait3A_302 = tpu.memref_squeeze %dma_wait3A_301 : memref<1x2x80xi32, #tpu.memory_space<vmem>> -> memref<2x80xi32, #tpu.memory_space<vmem>>
      %dma_wait3A_303 = arith.constant 0 : i32
      %dma_wait3A_304 = tpu.memref_slice %arg3[%dma_wait3A_303, %add3A_137] : memref<2x320000xi32, #tpu.memory_space<hbm>> -> memref<2x80xi32, #tpu.memory_space<hbm>>
      %dma_wait3A_305 = arith.constant 0 : i32
      %dma_wait3A_306 = arith.constant 0 : i32
      %dma_wait3A_307 = tpu.memref_slice %arg7[%run_scoped3A_138, %dma_wait3A_305, %dma_wait3A_306] : memref<4x2x80xi32, #tpu.memory_space<vmem>> -> memref<1x2x80xi32, #tpu.memory_space<vmem>>
      %dma_wait3A_308 = tpu.memref_squeeze %dma_wait3A_307 : memref<1x2x80xi32, #tpu.memory_space<vmem>> -> memref<2x80xi32, #tpu.memory_space<vmem>>
      %dma_wait3A_309 = arith.constant 0 : i32
      %dma_wait3A_310 = tpu.memref_slice %arg3[%dma_wait3A_309, %add3A_137] : memref<2x320000xi32, #tpu.memory_space<hbm>> -> memref<2x80xi32, #tpu.memory_space<hbm>>
      tpu.wait_dma2 semaphore(%run_scoped3A_286 : memref<!tpu.dma_semaphore, #tpu.memory_space<semaphore_mem>>) src(%dma_wait3A_310 : memref<2x80xi32, #tpu.memory_space<hbm>>) dst(%dma_wait3A_308 : memref<2x80xi32, #tpu.memory_space<vmem>>)
      tpu.yield
    }) : () -> ()
    %dma_start3A_139 = arith.constant 0 : i32
    %dma_start3A_140 = arith.constant 0 : i32
    %dma_start3A_141 = arith.constant 0 : i32
    %dma_start3A_142 = arith.constant 0 : i32
    %dma_start3A_143 = arith.constant 0 : i32
    %dma_start3A_144 = tpu.memref_slice %arg8[%dma_start3A_141, %dma_start3A_142, %dma_start3A_143] : memref<4x80x128xf32, #tpu.memory_space<vmem>> -> memref<1x80x128xf32, #tpu.memory_space<vmem>>
    %dma_start3A_145 = tpu.memref_squeeze %dma_start3A_144 : memref<1x80x128xf32, #tpu.memory_space<vmem>> -> memref<80x128xf32, #tpu.memory_space<vmem>>
    %dma_start3A_146 = arith.constant 0 : i32
    %dma_start3A_147 = tpu.memref_slice %arg7[%dma_start3A_139, %dma_start3A_140, %dma_start3A_146] : memref<4x2x80xi32, #tpu.memory_space<vmem>> -> memref<1x1x80xi32, #tpu.memory_space<vmem>>
    %dma_start3A_148 = tpu.memref_squeeze %dma_start3A_147 : memref<1x1x80xi32, #tpu.memory_space<vmem>> -> memref<80xi32, #tpu.memory_space<vmem>>
    %dma_start3A_149 = arith.constant 0 : i32
    %dma_start3A_150 = arith.constant 0 : i32
    %dma_start3A_151 = tpu.memref_slice %arg2[%dma_start3A_149, %dma_start3A_150] : memref<10000x128xf32, #tpu.memory_space<hbm>> -> memref<10000x128xf32, #tpu.memory_space<hbm>>
    tpu.enqueue_indirect_dma source(%dma_start3A_151 : memref<10000x128xf32, #tpu.memory_space<hbm>>) target(%dma_start3A_145 : memref<80x128xf32, #tpu.memory_space<vmem>>) offsets(%dma_start3A_148 : memref<80xi32, #tpu.memory_space<vmem>>) semaphore(%arg9 : memref<!tpu.dma_semaphore, #tpu.memory_space<semaphore_mem>>)
    %dma_wait3A_152 = arith.constant 2 : i32
    %dma_wait3A_153 = arith.constant 0 : i32
    %dma_wait3A_154 = arith.constant 2 : i32
    %dma_wait3A_155 = arith.constant 0 : i32
    %dma_wait3A_156 = arith.constant 0 : i32
    %dma_wait3A_157 = tpu.memref_slice %arg8[%dma_wait3A_154, %dma_wait3A_155, %dma_wait3A_156] : memref<4x80x128xf32, #tpu.memory_space<vmem>> -> memref<1x80x128xf32, #tpu.memory_space<vmem>>
    %dma_wait3A_158 = tpu.memref_squeeze %dma_wait3A_157 : memref<1x80x128xf32, #tpu.memory_space<vmem>> -> memref<80x128xf32, #tpu.memory_space<vmem>>
    %dma_wait3A_159 = arith.constant 0 : i32
    %dma_wait3A_160 = tpu.memref_slice %arg7[%dma_wait3A_152, %dma_wait3A_153, %dma_wait3A_159] : memref<4x2x80xi32, #tpu.memory_space<vmem>> -> memref<1x1x80xi32, #tpu.memory_space<vmem>>
    %dma_wait3A_161 = tpu.memref_squeeze %dma_wait3A_160 : memref<1x1x80xi32, #tpu.memory_space<vmem>> -> memref<80xi32, #tpu.memory_space<vmem>>
    %dma_wait3A_162 = arith.constant 0 : i32
    %dma_wait3A_163 = arith.constant 0 : i32
    %dma_wait3A_164 = tpu.memref_slice %arg2[%dma_wait3A_162, %dma_wait3A_163] : memref<10000x128xf32, #tpu.memory_space<hbm>> -> memref<10000x128xf32, #tpu.memory_space<hbm>>
    tpu.wait_indirect_dma semaphore(%arg11 : memref<!tpu.dma_semaphore, #tpu.memory_space<semaphore_mem>>) src(%dma_wait3A_164 : memref<10000x128xf32, #tpu.memory_space<hbm>>) dst(%dma_wait3A_158 : memref<80x128xf32, #tpu.memory_space<vmem>>)
    %dma_start3A_165 = arith.constant 2 : i32
    %dma_start3A_166 = arith.constant 2 : i32
    %dma_start3A_167 = arith.constant 1 : i32
    %dma_start3A_168 = arith.constant 0 : i32
    %dma_start3A_169 = arith.constant 0 : i32
    %dma_start3A_170 = tpu.memref_slice %arg8[%dma_start3A_165, %dma_start3A_168, %dma_start3A_169] : memref<4x80x128xf32, #tpu.memory_space<vmem>> -> memref<1x80x128xf32, #tpu.memory_space<vmem>>
    %dma_start3A_171 = tpu.memref_squeeze %dma_start3A_170 : memref<1x80x128xf32, #tpu.memory_space<vmem>> -> memref<80x128xf32, #tpu.memory_space<vmem>>
    %dma_start3A_172 = arith.constant 0 : i32
    %dma_start3A_173 = tpu.memref_slice %arg7[%dma_start3A_166, %dma_start3A_167, %dma_start3A_172] : memref<4x2x80xi32, #tpu.memory_space<vmem>> -> memref<1x1x80xi32, #tpu.memory_space<vmem>>
    %dma_start3A_174 = tpu.memref_squeeze %dma_start3A_173 : memref<1x1x80xi32, #tpu.memory_space<vmem>> -> memref<80xi32, #tpu.memory_space<vmem>>
    %dma_start3A_175 = arith.constant 0 : i32
    %dma_start3A_176 = arith.constant 0 : i32
    %dma_start3A_177 = tpu.memref_slice %arg6[%dma_start3A_175, %dma_start3A_176] : memref<10240x128xf32, #tpu.memory_space<vmem_shared>> -> memref<10240x128xf32, #tpu.memory_space<vmem_shared>>
    tpu.enqueue_indirect_dma source(%dma_start3A_171 : memref<80x128xf32, #tpu.memory_space<vmem>>) target(%dma_start3A_177 : memref<10240x128xf32, #tpu.memory_space<vmem_shared>>) offsets(%dma_start3A_174 : memref<80xi32, #tpu.memory_space<vmem>>) semaphore(%arg15 : memref<!tpu.dma_semaphore, #tpu.memory_space<semaphore_mem>>) {add = true}
    %dma_wait3A_178 = arith.constant 3 : i32
    %dma_wait3A_179 = arith.constant 0 : i32
    %dma_wait3A_180 = arith.constant 3 : i32
    %dma_wait3A_181 = arith.constant 0 : i32
    %dma_wait3A_182 = arith.constant 0 : i32
    %dma_wait3A_183 = tpu.memref_slice %arg8[%dma_wait3A_180, %dma_wait3A_181, %dma_wait3A_182] : memref<4x80x128xf32, #tpu.memory_space<vmem>> -> memref<1x80x128xf32, #tpu.memory_space<vmem>>
    %dma_wait3A_184 = tpu.memref_squeeze %dma_wait3A_183 : memref<1x80x128xf32, #tpu.memory_space<vmem>> -> memref<80x128xf32, #tpu.memory_space<vmem>>
    %dma_wait3A_185 = arith.constant 0 : i32
    %dma_wait3A_186 = tpu.memref_slice %arg7[%dma_wait3A_178, %dma_wait3A_179, %dma_wait3A_185] : memref<4x2x80xi32, #tpu.memory_space<vmem>> -> memref<1x1x80xi32, #tpu.memory_space<vmem>>
    %dma_wait3A_187 = tpu.memref_squeeze %dma_wait3A_186 : memref<1x1x80xi32, #tpu.memory_space<vmem>> -> memref<80xi32, #tpu.memory_space<vmem>>
    %dma_wait3A_188 = arith.constant 0 : i32
    %dma_wait3A_189 = arith.constant 0 : i32
    %dma_wait3A_190 = tpu.memref_slice %arg2[%dma_wait3A_188, %dma_wait3A_189] : memref<10000x128xf32, #tpu.memory_space<hbm>> -> memref<10000x128xf32, #tpu.memory_space<hbm>>
    tpu.wait_indirect_dma semaphore(%arg12 : memref<!tpu.dma_semaphore, #tpu.memory_space<semaphore_mem>>) src(%dma_wait3A_190 : memref<10000x128xf32, #tpu.memory_space<hbm>>) dst(%dma_wait3A_184 : memref<80x128xf32, #tpu.memory_space<vmem>>)
    %dma_start3A_191 = arith.constant 3 : i32
    %dma_start3A_192 = arith.constant 3 : i32
    %dma_start3A_193 = arith.constant 1 : i32
    %dma_start3A_194 = arith.constant 0 : i32
    %dma_start3A_195 = arith.constant 0 : i32
    %dma_start3A_196 = tpu.memref_slice %arg8[%dma_start3A_191, %dma_start3A_194, %dma_start3A_195] : memref<4x80x128xf32, #tpu.memory_space<vmem>> -> memref<1x80x128xf32, #tpu.memory_space<vmem>>
    %dma_start3A_197 = tpu.memref_squeeze %dma_start3A_196 : memref<1x80x128xf32, #tpu.memory_space<vmem>> -> memref<80x128xf32, #tpu.memory_space<vmem>>
    %dma_start3A_198 = arith.constant 0 : i32
    %dma_start3A_199 = tpu.memref_slice %arg7[%dma_start3A_192, %dma_start3A_193, %dma_start3A_198] : memref<4x2x80xi32, #tpu.memory_space<vmem>> -> memref<1x1x80xi32, #tpu.memory_space<vmem>>
    %dma_start3A_200 = tpu.memref_squeeze %dma_start3A_199 : memref<1x1x80xi32, #tpu.memory_space<vmem>> -> memref<80xi32, #tpu.memory_space<vmem>>
    %dma_start3A_201 = arith.constant 0 : i32
    %dma_start3A_202 = arith.constant 0 : i32
    %dma_start3A_203 = tpu.memref_slice %arg6[%dma_start3A_201, %dma_start3A_202] : memref<10240x128xf32, #tpu.memory_space<vmem_shared>> -> memref<10240x128xf32, #tpu.memory_space<vmem_shared>>
    tpu.enqueue_indirect_dma source(%dma_start3A_197 : memref<80x128xf32, #tpu.memory_space<vmem>>) target(%dma_start3A_203 : memref<10240x128xf32, #tpu.memory_space<vmem_shared>>) offsets(%dma_start3A_200 : memref<80xi32, #tpu.memory_space<vmem>>) semaphore(%arg16 : memref<!tpu.dma_semaphore, #tpu.memory_space<semaphore_mem>>) {add = true}
    %dma_wait3A_204 = arith.constant 0 : i32
    %dma_wait3A_205 = arith.constant 0 : i32
    %dma_wait3A_206 = arith.constant 0 : i32
    %dma_wait3A_207 = arith.constant 0 : i32
    %dma_wait3A_208 = arith.constant 0 : i32
    %dma_wait3A_209 = tpu.memref_slice %arg8[%dma_wait3A_206, %dma_wait3A_207, %dma_wait3A_208] : memref<4x80x128xf32, #tpu.memory_space<vmem>> -> memref<1x80x128xf32, #tpu.memory_space<vmem>>
    %dma_wait3A_210 = tpu.memref_squeeze %dma_wait3A_209 : memref<1x80x128xf32, #tpu.memory_space<vmem>> -> memref<80x128xf32, #tpu.memory_space<vmem>>
    %dma_wait3A_211 = arith.constant 0 : i32
    %dma_wait3A_212 = tpu.memref_slice %arg7[%dma_wait3A_204, %dma_wait3A_205, %dma_wait3A_211] : memref<4x2x80xi32, #tpu.memory_space<vmem>> -> memref<1x1x80xi32, #tpu.memory_space<vmem>>
    %dma_wait3A_213 = tpu.memref_squeeze %dma_wait3A_212 : memref<1x1x80xi32, #tpu.memory_space<vmem>> -> memref<80xi32, #tpu.memory_space<vmem>>
    %dma_wait3A_214 = arith.constant 0 : i32
    %dma_wait3A_215 = arith.constant 0 : i32
    %dma_wait3A_216 = tpu.memref_slice %arg2[%dma_wait3A_214, %dma_wait3A_215] : memref<10000x128xf32, #tpu.memory_space<hbm>> -> memref<10000x128xf32, #tpu.memory_space<hbm>>
    tpu.wait_indirect_dma semaphore(%arg9 : memref<!tpu.dma_semaphore, #tpu.memory_space<semaphore_mem>>) src(%dma_wait3A_216 : memref<10000x128xf32, #tpu.memory_space<hbm>>) dst(%dma_wait3A_210 : memref<80x128xf32, #tpu.memory_space<vmem>>)
    %dma_start3A_217 = arith.constant 0 : i32
    %dma_start3A_218 = arith.constant 0 : i32
    %dma_start3A_219 = arith.constant 1 : i32
    %dma_start3A_220 = arith.constant 0 : i32
    %dma_start3A_221 = arith.constant 0 : i32
    %dma_start3A_222 = tpu.memref_slice %arg8[%dma_start3A_217, %dma_start3A_220, %dma_start3A_221] : memref<4x80x128xf32, #tpu.memory_space<vmem>> -> memref<1x80x128xf32, #tpu.memory_space<vmem>>
    %dma_start3A_223 = tpu.memref_squeeze %dma_start3A_222 : memref<1x80x128xf32, #tpu.memory_space<vmem>> -> memref<80x128xf32, #tpu.memory_space<vmem>>
    %dma_start3A_224 = arith.constant 0 : i32
    %dma_start3A_225 = tpu.memref_slice %arg7[%dma_start3A_218, %dma_start3A_219, %dma_start3A_224] : memref<4x2x80xi32, #tpu.memory_space<vmem>> -> memref<1x1x80xi32, #tpu.memory_space<vmem>>
    %dma_start3A_226 = tpu.memref_squeeze %dma_start3A_225 : memref<1x1x80xi32, #tpu.memory_space<vmem>> -> memref<80xi32, #tpu.memory_space<vmem>>
    %dma_start3A_227 = arith.constant 0 : i32
    %dma_start3A_228 = arith.constant 0 : i32
    %dma_start3A_229 = tpu.memref_slice %arg6[%dma_start3A_227, %dma_start3A_228] : memref<10240x128xf32, #tpu.memory_space<vmem_shared>> -> memref<10240x128xf32, #tpu.memory_space<vmem_shared>>
    tpu.enqueue_indirect_dma source(%dma_start3A_223 : memref<80x128xf32, #tpu.memory_space<vmem>>) target(%dma_start3A_229 : memref<10240x128xf32, #tpu.memory_space<vmem_shared>>) offsets(%dma_start3A_226 : memref<80xi32, #tpu.memory_space<vmem>>) semaphore(%arg13 : memref<!tpu.dma_semaphore, #tpu.memory_space<semaphore_mem>>) {add = true}
    %dma_wait3A_230 = arith.constant 0 : i32
    %dma_wait3A_231 = arith.constant 0 : i32
    %dma_wait3A_232 = arith.constant 1 : i32
    %dma_wait3A_233 = arith.constant 0 : i32
    %dma_wait3A_234 = arith.constant 0 : i32
    %dma_wait3A_235 = tpu.memref_slice %arg8[%dma_wait3A_230, %dma_wait3A_233, %dma_wait3A_234] : memref<4x80x128xf32, #tpu.memory_space<vmem>> -> memref<1x80x128xf32, #tpu.memory_space<vmem>>
    %dma_wait3A_236 = tpu.memref_squeeze %dma_wait3A_235 : memref<1x80x128xf32, #tpu.memory_space<vmem>> -> memref<80x128xf32, #tpu.memory_space<vmem>>
    %dma_wait3A_237 = arith.constant 0 : i32
    %dma_wait3A_238 = tpu.memref_slice %arg7[%dma_wait3A_231, %dma_wait3A_232, %dma_wait3A_237] : memref<4x2x80xi32, #tpu.memory_space<vmem>> -> memref<1x1x80xi32, #tpu.memory_space<vmem>>
    %dma_wait3A_239 = tpu.memref_squeeze %dma_wait3A_238 : memref<1x1x80xi32, #tpu.memory_space<vmem>> -> memref<80xi32, #tpu.memory_space<vmem>>
    %dma_wait3A_240 = arith.constant 0 : i32
    %dma_wait3A_241 = arith.constant 0 : i32
    %dma_wait3A_242 = tpu.memref_slice %arg6[%dma_wait3A_240, %dma_wait3A_241] : memref<10240x128xf32, #tpu.memory_space<vmem_shared>> -> memref<10240x128xf32, #tpu.memory_space<vmem_shared>>
    tpu.wait_indirect_dma semaphore(%arg13 : memref<!tpu.dma_semaphore, #tpu.memory_space<semaphore_mem>>) src(%dma_wait3A_236 : memref<80x128xf32, #tpu.memory_space<vmem>>) dst(%dma_wait3A_242 : memref<10240x128xf32, #tpu.memory_space<vmem_shared>>)
    %dma_wait3A_243 = arith.constant 1 : i32
    %dma_wait3A_244 = arith.constant 1 : i32
    %dma_wait3A_245 = arith.constant 1 : i32
    %dma_wait3A_246 = arith.constant 0 : i32
    %dma_wait3A_247 = arith.constant 0 : i32
    %dma_wait3A_248 = tpu.memref_slice %arg8[%dma_wait3A_243, %dma_wait3A_246, %dma_wait3A_247] : memref<4x80x128xf32, #tpu.memory_space<vmem>> -> memref<1x80x128xf32, #tpu.memory_space<vmem>>
    %dma_wait3A_249 = tpu.memref_squeeze %dma_wait3A_248 : memref<1x80x128xf32, #tpu.memory_space<vmem>> -> memref<80x128xf32, #tpu.memory_space<vmem>>
    %dma_wait3A_250 = arith.constant 0 : i32
    %dma_wait3A_251 = tpu.memref_slice %arg7[%dma_wait3A_244, %dma_wait3A_245, %dma_wait3A_250] : memref<4x2x80xi32, #tpu.memory_space<vmem>> -> memref<1x1x80xi32, #tpu.memory_space<vmem>>
    %dma_wait3A_252 = tpu.memref_squeeze %dma_wait3A_251 : memref<1x1x80xi32, #tpu.memory_space<vmem>> -> memref<80xi32, #tpu.memory_space<vmem>>
    %dma_wait3A_253 = arith.constant 0 : i32
    %dma_wait3A_254 = arith.constant 0 : i32
    %dma_wait3A_255 = tpu.memref_slice %arg6[%dma_wait3A_253, %dma_wait3A_254] : memref<10240x128xf32, #tpu.memory_space<vmem_shared>> -> memref<10240x128xf32, #tpu.memory_space<vmem_shared>>
    tpu.wait_indirect_dma semaphore(%arg14 : memref<!tpu.dma_semaphore, #tpu.memory_space<semaphore_mem>>) src(%dma_wait3A_249 : memref<80x128xf32, #tpu.memory_space<vmem>>) dst(%dma_wait3A_255 : memref<10240x128xf32, #tpu.memory_space<vmem_shared>>)
    %dma_wait3A_256 = arith.constant 2 : i32
    %dma_wait3A_257 = arith.constant 2 : i32
    %dma_wait3A_258 = arith.constant 1 : i32
    %dma_wait3A_259 = arith.constant 0 : i32
    %dma_wait3A_260 = arith.constant 0 : i32
    %dma_wait3A_261 = tpu.memref_slice %arg8[%dma_wait3A_256, %dma_wait3A_259, %dma_wait3A_260] : memref<4x80x128xf32, #tpu.memory_space<vmem>> -> memref<1x80x128xf32, #tpu.memory_space<vmem>>
    %dma_wait3A_262 = tpu.memref_squeeze %dma_wait3A_261 : memref<1x80x128xf32, #tpu.memory_space<vmem>> -> memref<80x128xf32, #tpu.memory_space<vmem>>
    %dma_wait3A_263 = arith.constant 0 : i32
    %dma_wait3A_264 = tpu.memref_slice %arg7[%dma_wait3A_257, %dma_wait3A_258, %dma_wait3A_263] : memref<4x2x80xi32, #tpu.memory_space<vmem>> -> memref<1x1x80xi32, #tpu.memory_space<vmem>>
    %dma_wait3A_265 = tpu.memref_squeeze %dma_wait3A_264 : memref<1x1x80xi32, #tpu.memory_space<vmem>> -> memref<80xi32, #tpu.memory_space<vmem>>
    %dma_wait3A_266 = arith.constant 0 : i32
    %dma_wait3A_267 = arith.constant 0 : i32
    %dma_wait3A_268 = tpu.memref_slice %arg6[%dma_wait3A_266, %dma_wait3A_267] : memref<10240x128xf32, #tpu.memory_space<vmem_shared>> -> memref<10240x128xf32, #tpu.memory_space<vmem_shared>>
    tpu.wait_indirect_dma semaphore(%arg15 : memref<!tpu.dma_semaphore, #tpu.memory_space<semaphore_mem>>) src(%dma_wait3A_262 : memref<80x128xf32, #tpu.memory_space<vmem>>) dst(%dma_wait3A_268 : memref<10240x128xf32, #tpu.memory_space<vmem_shared>>)
    %dma_wait3A_269 = arith.constant 3 : i32
    %dma_wait3A_270 = arith.constant 3 : i32
    %dma_wait3A_271 = arith.constant 1 : i32
    %dma_wait3A_272 = arith.constant 0 : i32
    %dma_wait3A_273 = arith.constant 0 : i32
    %dma_wait3A_274 = tpu.memref_slice %arg8[%dma_wait3A_269, %dma_wait3A_272, %dma_wait3A_273] : memref<4x80x128xf32, #tpu.memory_space<vmem>> -> memref<1x80x128xf32, #tpu.memory_space<vmem>>
    %dma_wait3A_275 = tpu.memref_squeeze %dma_wait3A_274 : memref<1x80x128xf32, #tpu.memory_space<vmem>> -> memref<80x128xf32, #tpu.memory_space<vmem>>
    %dma_wait3A_276 = arith.constant 0 : i32
    %dma_wait3A_277 = tpu.memref_slice %arg7[%dma_wait3A_270, %dma_wait3A_271, %dma_wait3A_276] : memref<4x2x80xi32, #tpu.memory_space<vmem>> -> memref<1x1x80xi32, #tpu.memory_space<vmem>>
    %dma_wait3A_278 = tpu.memref_squeeze %dma_wait3A_277 : memref<1x1x80xi32, #tpu.memory_space<vmem>> -> memref<80xi32, #tpu.memory_space<vmem>>
    %dma_wait3A_279 = arith.constant 0 : i32
    %dma_wait3A_280 = arith.constant 0 : i32
    %dma_wait3A_281 = tpu.memref_slice %arg6[%dma_wait3A_279, %dma_wait3A_280] : memref<10240x128xf32, #tpu.memory_space<vmem_shared>> -> memref<10240x128xf32, #tpu.memory_space<vmem_shared>>
    tpu.wait_indirect_dma semaphore(%arg16 : memref<!tpu.dma_semaphore, #tpu.memory_space<semaphore_mem>>) src(%dma_wait3A_275 : memref<80x128xf32, #tpu.memory_space<vmem>>) dst(%dma_wait3A_281 : memref<10240x128xf32, #tpu.memory_space<vmem_shared>>)
    %barrier3A_282 = arith.constant 0 : index
    tpu.barrier barrier_id(%barrier3A_282)
    %mul3A_283 = arith.constant 10240 : i32
    %mul3A_284 = arith.muli %arg0, %mul3A_283 : i32
    %add3A_285 = arith.addi %mul3A_284, %mul3A_2 : i32
    "tpu.region"() ({
      %run_scoped3A_286 = tpu.sem_alloc : memref<!tpu.dma_semaphore, #tpu.memory_space<semaphore_mem>>
      %dma_start3A_287 = arith.constant 0 : i32
      %dma_start3A_288 = tpu.memref_slice %arg5[%add3A_285, %dma_start3A_287] : memref<20480x128xf32, #tpu.memory_space<hbm>> -> memref<640x128xf32, #tpu.memory_space<hbm>>
      %dma_start3A_289 = arith.constant 0 : i32
      %dma_start3A_290 = tpu.memref_slice %arg6[%mul3A_2, %dma_start3A_289] : memref<10240x128xf32, #tpu.memory_space<vmem_shared>> -> memref<640x128xf32, #tpu.memory_space<vmem_shared>>
      tpu.enqueue_dma source(%dma_start3A_290 : memref<640x128xf32, #tpu.memory_space<vmem_shared>>) target(%dma_start3A_288 : memref<640x128xf32, #tpu.memory_space<hbm>>) target_semaphore(%run_scoped3A_286 : memref<!tpu.dma_semaphore, #tpu.memory_space<semaphore_mem>>)
      %dma_wait3A_291 = arith.constant 0 : i32
      %dma_wait3A_292 = tpu.memref_slice %arg5[%add3A_285, %dma_wait3A_291] : memref<20480x128xf32, #tpu.memory_space<hbm>> -> memref<640x128xf32, #tpu.memory_space<hbm>>
      %dma_wait3A_293 = arith.constant 0 : i32
      %dma_wait3A_294 = tpu.memref_slice %arg6[%mul3A_2, %dma_wait3A_293] : memref<10240x128xf32, #tpu.memory_space<vmem_shared>> -> memref<640x128xf32, #tpu.memory_space<vmem_shared>>
      tpu.wait_dma2 semaphore(%run_scoped3A_286 : memref<!tpu.dma_semaphore, #tpu.memory_space<semaphore_mem>>) src(%dma_wait3A_294 : memref<640x128xf32, #tpu.memory_space<vmem_shared>>) dst(%dma_wait3A_292 : memref<640x128xf32, #tpu.memory_space<hbm>>)
      tpu.yield
    }) : () -> ()
    return
  }
}

#map = affine_map<(d0, d1) -> (0, 0)>
module attributes {stable_mosaic.version = 14 : i64} {
  func.func @_cnts_body(%arg0: i32, %arg1: i32, %arg2: memref<2x320000xi32, #tpu.memory_space<hbm>>, %arg3: memref<640x16xf32, #tpu.memory_space<hbm>>, %arg4: memref<80x16xf32, #tpu.memory_space<hbm>>, %arg5: memref<20480x16xf32, #tpu.memory_space<hbm>>, %arg6: memref<10240x16xf32, #tpu.memory_space<vmem_shared>>, %arg7: memref<4x80xi32, #tpu.memory_space<vmem>>, %arg8: memref<80x16xf32, #tpu.memory_space<vmem>>, %arg9: memref<!tpu.dma_semaphore, #tpu.memory_space<semaphore_mem>>, %arg10: memref<!tpu.dma_semaphore, #tpu.memory_space<semaphore_mem>>, %arg11: memref<!tpu.dma_semaphore, #tpu.memory_space<semaphore_mem>>, %arg12: memref<!tpu.dma_semaphore, #tpu.memory_space<semaphore_mem>>, %arg13: memref<!tpu.dma_semaphore, #tpu.memory_space<semaphore_mem>>, %arg14: memref<!tpu.dma_semaphore, #tpu.memory_space<semaphore_mem>>, %arg15: memref<!tpu.dma_semaphore, #tpu.memory_space<semaphore_mem>>, %arg16: memref<!tpu.dma_semaphore, #tpu.memory_space<semaphore_mem>>) attributes {dimension_semantics = [#tpu.dimension_semantics<core_parallel>, #tpu.dimension_semantics<subcore_parallel>], iteration_bounds = array<i64: 2, 16>, scalar_prefetch = 0 : i64, scratch_operands = 11 : i64, tpu.core_type = #tpu.core_type<sc_vector_subcore>, window_params = [{transform_indices = #map}, {transform_indices = #map}, {transform_indices = #map}, {transform_indices = #map}]} {
    %mul3A = arith.constant 16 : i32
    %mul3A_0 = arith.muli %arg0, %mul3A : i32
    %add3A = arith.addi %mul3A_0, %arg1 : i32
    %mul3A_1 = arith.constant 640 : i32
    %mul3A_2 = arith.muli %arg1, %mul3A_1 : i32
    "tpu.region"() ({
      %run_scoped3A = tpu.sem_alloc : memref<!tpu.dma_semaphore, #tpu.memory_space<semaphore_mem>>
      %dma_start3A_222 = arith.constant 0 : i32
      %dma_start3A_223 = tpu.memref_slice %arg6[%mul3A_2, %dma_start3A_222] : memref<10240x16xf32, #tpu.memory_space<vmem_shared>> -> memref<640x16xf32, #tpu.memory_space<vmem_shared>>
      tpu.enqueue_dma source(%arg3 : memref<640x16xf32, #tpu.memory_space<hbm>>) target(%dma_start3A_223 : memref<640x16xf32, #tpu.memory_space<vmem_shared>>) target_semaphore(%run_scoped3A : memref<!tpu.dma_semaphore, #tpu.memory_space<semaphore_mem>>)
      %dma_wait3A_224 = arith.constant 0 : i32
      %dma_wait3A_225 = tpu.memref_slice %arg6[%mul3A_2, %dma_wait3A_224] : memref<10240x16xf32, #tpu.memory_space<vmem_shared>> -> memref<640x16xf32, #tpu.memory_space<vmem_shared>>
      tpu.wait_dma2 semaphore(%run_scoped3A : memref<!tpu.dma_semaphore, #tpu.memory_space<semaphore_mem>>) src(%arg3 : memref<640x16xf32, #tpu.memory_space<hbm>>) dst(%dma_wait3A_225 : memref<640x16xf32, #tpu.memory_space<vmem_shared>>)
      tpu.yield
    }) : () -> ()
    "tpu.region"() ({
      %run_scoped3A = tpu.sem_alloc : memref<!tpu.dma_semaphore, #tpu.memory_space<semaphore_mem>>
      tpu.enqueue_dma source(%arg4 : memref<80x16xf32, #tpu.memory_space<hbm>>) target(%arg8 : memref<80x16xf32, #tpu.memory_space<vmem>>) target_semaphore(%run_scoped3A : memref<!tpu.dma_semaphore, #tpu.memory_space<semaphore_mem>>)
      tpu.wait_dma2 semaphore(%run_scoped3A : memref<!tpu.dma_semaphore, #tpu.memory_space<semaphore_mem>>) src(%arg4 : memref<80x16xf32, #tpu.memory_space<hbm>>) dst(%arg8 : memref<80x16xf32, #tpu.memory_space<vmem>>)
      tpu.yield
    }) : () -> ()
    %barrier3A = arith.constant 0 : index
    tpu.barrier barrier_id(%barrier3A)
    %mul3A_3 = arith.constant 10000 : i32
    %mul3A_4 = arith.muli %add3A, %mul3A_3 : i32
    %add3A_5 = arith.constant 0 : i32
    %add3A_6 = arith.addi %mul3A_4, %add3A_5 : i32
    %dma_start3A = arith.constant 1 : i32
    %dma_start3A_7 = arith.constant 0 : i32
    %dma_start3A_8 = arith.constant 0 : i32
    %dma_start3A_9 = tpu.memref_slice %arg7[%dma_start3A_7, %dma_start3A_8] : memref<4x80xi32, #tpu.memory_space<vmem>> -> memref<1x80xi32, #tpu.memory_space<vmem>>
    %dma_start3A_10 = tpu.memref_squeeze %dma_start3A_9 : memref<1x80xi32, #tpu.memory_space<vmem>> -> memref<80xi32, #tpu.memory_space<vmem>>
    %dma_start3A_11 = tpu.memref_slice %arg2[%dma_start3A, %add3A_6] : memref<2x320000xi32, #tpu.memory_space<hbm>> -> memref<1x80xi32, #tpu.memory_space<hbm>>
    %dma_start3A_12 = tpu.memref_squeeze %dma_start3A_11 : memref<1x80xi32, #tpu.memory_space<hbm>> -> memref<80xi32, #tpu.memory_space<hbm>>
    %dma_start3A_13 = arith.constant 0 : i32
    %dma_start3A_14 = tpu.memref_slice %arg7[%dma_start3A_7, %dma_start3A_13] : memref<4x80xi32, #tpu.memory_space<vmem>> -> memref<1x80xi32, #tpu.memory_space<vmem>>
    %dma_start3A_15 = tpu.memref_squeeze %dma_start3A_14 : memref<1x80xi32, #tpu.memory_space<vmem>> -> memref<80xi32, #tpu.memory_space<vmem>>
    %dma_start3A_16 = tpu.memref_slice %arg2[%dma_start3A, %add3A_6] : memref<2x320000xi32, #tpu.memory_space<hbm>> -> memref<1x80xi32, #tpu.memory_space<hbm>>
    %dma_start3A_17 = tpu.memref_squeeze %dma_start3A_16 : memref<1x80xi32, #tpu.memory_space<hbm>> -> memref<80xi32, #tpu.memory_space<hbm>>
    tpu.enqueue_dma source(%dma_start3A_17 : memref<80xi32, #tpu.memory_space<hbm>>) target(%dma_start3A_15 : memref<80xi32, #tpu.memory_space<vmem>>) target_semaphore(%arg9 : memref<!tpu.dma_semaphore, #tpu.memory_space<semaphore_mem>>)
    %add3A_18 = arith.constant 80 : i32
    %add3A_19 = arith.addi %mul3A_4, %add3A_18 : i32
    %dma_start3A_20 = arith.constant 1 : i32
    %dma_start3A_21 = arith.constant 1 : i32
    %dma_start3A_22 = arith.constant 0 : i32
    %dma_start3A_23 = tpu.memref_slice %arg7[%dma_start3A_21, %dma_start3A_22] : memref<4x80xi32, #tpu.memory_space<vmem>> -> memref<1x80xi32, #tpu.memory_space<vmem>>
    %dma_start3A_24 = tpu.memref_squeeze %dma_start3A_23 : memref<1x80xi32, #tpu.memory_space<vmem>> -> memref<80xi32, #tpu.memory_space<vmem>>
    %dma_start3A_25 = tpu.memref_slice %arg2[%dma_start3A_20, %add3A_19] : memref<2x320000xi32, #tpu.memory_space<hbm>> -> memref<1x80xi32, #tpu.memory_space<hbm>>
    %dma_start3A_26 = tpu.memref_squeeze %dma_start3A_25 : memref<1x80xi32, #tpu.memory_space<hbm>> -> memref<80xi32, #tpu.memory_space<hbm>>
    %dma_start3A_27 = arith.constant 0 : i32
    %dma_start3A_28 = tpu.memref_slice %arg7[%dma_start3A_21, %dma_start3A_27] : memref<4x80xi32, #tpu.memory_space<vmem>> -> memref<1x80xi32, #tpu.memory_space<vmem>>
    %dma_start3A_29 = tpu.memref_squeeze %dma_start3A_28 : memref<1x80xi32, #tpu.memory_space<vmem>> -> memref<80xi32, #tpu.memory_space<vmem>>
    %dma_start3A_30 = tpu.memref_slice %arg2[%dma_start3A_20, %add3A_19] : memref<2x320000xi32, #tpu.memory_space<hbm>> -> memref<1x80xi32, #tpu.memory_space<hbm>>
    %dma_start3A_31 = tpu.memref_squeeze %dma_start3A_30 : memref<1x80xi32, #tpu.memory_space<hbm>> -> memref<80xi32, #tpu.memory_space<hbm>>
    tpu.enqueue_dma source(%dma_start3A_31 : memref<80xi32, #tpu.memory_space<hbm>>) target(%dma_start3A_29 : memref<80xi32, #tpu.memory_space<vmem>>) target_semaphore(%arg10 : memref<!tpu.dma_semaphore, #tpu.memory_space<semaphore_mem>>)
    %add3A_32 = arith.constant 160 : i32
    %add3A_33 = arith.addi %mul3A_4, %add3A_32 : i32
    %dma_start3A_34 = arith.constant 1 : i32
    %dma_start3A_35 = arith.constant 2 : i32
    %dma_start3A_36 = arith.constant 0 : i32
    %dma_start3A_37 = tpu.memref_slice %arg7[%dma_start3A_35, %dma_start3A_36] : memref<4x80xi32, #tpu.memory_space<vmem>> -> memref<1x80xi32, #tpu.memory_space<vmem>>
    %dma_start3A_38 = tpu.memref_squeeze %dma_start3A_37 : memref<1x80xi32, #tpu.memory_space<vmem>> -> memref<80xi32, #tpu.memory_space<vmem>>
    %dma_start3A_39 = tpu.memref_slice %arg2[%dma_start3A_34, %add3A_33] : memref<2x320000xi32, #tpu.memory_space<hbm>> -> memref<1x80xi32, #tpu.memory_space<hbm>>
    %dma_start3A_40 = tpu.memref_squeeze %dma_start3A_39 : memref<1x80xi32, #tpu.memory_space<hbm>> -> memref<80xi32, #tpu.memory_space<hbm>>
    %dma_start3A_41 = arith.constant 0 : i32
    %dma_start3A_42 = tpu.memref_slice %arg7[%dma_start3A_35, %dma_start3A_41] : memref<4x80xi32, #tpu.memory_space<vmem>> -> memref<1x80xi32, #tpu.memory_space<vmem>>
    %dma_start3A_43 = tpu.memref_squeeze %dma_start3A_42 : memref<1x80xi32, #tpu.memory_space<vmem>> -> memref<80xi32, #tpu.memory_space<vmem>>
    %dma_start3A_44 = tpu.memref_slice %arg2[%dma_start3A_34, %add3A_33] : memref<2x320000xi32, #tpu.memory_space<hbm>> -> memref<1x80xi32, #tpu.memory_space<hbm>>
    %dma_start3A_45 = tpu.memref_squeeze %dma_start3A_44 : memref<1x80xi32, #tpu.memory_space<hbm>> -> memref<80xi32, #tpu.memory_space<hbm>>
    tpu.enqueue_dma source(%dma_start3A_45 : memref<80xi32, #tpu.memory_space<hbm>>) target(%dma_start3A_43 : memref<80xi32, #tpu.memory_space<vmem>>) target_semaphore(%arg11 : memref<!tpu.dma_semaphore, #tpu.memory_space<semaphore_mem>>)
    %dma_wait3A = arith.constant 1 : i32
    %dma_wait3A_46 = arith.constant 0 : i32
    %dma_wait3A_47 = arith.constant 0 : i32
    %dma_wait3A_48 = tpu.memref_slice %arg7[%dma_wait3A_46, %dma_wait3A_47] : memref<4x80xi32, #tpu.memory_space<vmem>> -> memref<1x80xi32, #tpu.memory_space<vmem>>
    %dma_wait3A_49 = tpu.memref_squeeze %dma_wait3A_48 : memref<1x80xi32, #tpu.memory_space<vmem>> -> memref<80xi32, #tpu.memory_space<vmem>>
    %dma_wait3A_50 = arith.constant 0 : i32
    %dma_wait3A_51 = tpu.memref_slice %arg2[%dma_wait3A, %dma_wait3A_50] : memref<2x320000xi32, #tpu.memory_space<hbm>> -> memref<1x80xi32, #tpu.memory_space<hbm>>
    %dma_wait3A_52 = tpu.memref_squeeze %dma_wait3A_51 : memref<1x80xi32, #tpu.memory_space<hbm>> -> memref<80xi32, #tpu.memory_space<hbm>>
    %dma_wait3A_53 = arith.constant 0 : i32
    %dma_wait3A_54 = tpu.memref_slice %arg7[%dma_wait3A_46, %dma_wait3A_53] : memref<4x80xi32, #tpu.memory_space<vmem>> -> memref<1x80xi32, #tpu.memory_space<vmem>>
    %dma_wait3A_55 = tpu.memref_squeeze %dma_wait3A_54 : memref<1x80xi32, #tpu.memory_space<vmem>> -> memref<80xi32, #tpu.memory_space<vmem>>
    %dma_wait3A_56 = arith.constant 0 : i32
    %dma_wait3A_57 = tpu.memref_slice %arg2[%dma_wait3A, %dma_wait3A_56] : memref<2x320000xi32, #tpu.memory_space<hbm>> -> memref<1x80xi32, #tpu.memory_space<hbm>>
    %dma_wait3A_58 = tpu.memref_squeeze %dma_wait3A_57 : memref<1x80xi32, #tpu.memory_space<hbm>> -> memref<80xi32, #tpu.memory_space<hbm>>
    tpu.wait_dma2 semaphore(%arg9 : memref<!tpu.dma_semaphore, #tpu.memory_space<semaphore_mem>>) src(%dma_wait3A_58 : memref<80xi32, #tpu.memory_space<hbm>>) dst(%dma_wait3A_55 : memref<80xi32, #tpu.memory_space<vmem>>)
    %dma_start3A_59 = arith.constant 0 : i32
    %dma_start3A_60 = arith.constant 0 : i32
    %dma_start3A_61 = tpu.memref_slice %arg7[%dma_start3A_59, %dma_start3A_60] : memref<4x80xi32, #tpu.memory_space<vmem>> -> memref<1x80xi32, #tpu.memory_space<vmem>>
    %dma_start3A_62 = tpu.memref_squeeze %dma_start3A_61 : memref<1x80xi32, #tpu.memory_space<vmem>> -> memref<80xi32, #tpu.memory_space<vmem>>
    %dma_start3A_63 = arith.constant 0 : i32
    %dma_start3A_64 = arith.constant 0 : i32
    %dma_start3A_65 = tpu.memref_slice %arg6[%dma_start3A_63, %dma_start3A_64] : memref<10240x16xf32, #tpu.memory_space<vmem_shared>> -> memref<10240x16xf32, #tpu.memory_space<vmem_shared>>
    tpu.enqueue_indirect_dma source(%arg8 : memref<80x16xf32, #tpu.memory_space<vmem>>) target(%dma_start3A_65 : memref<10240x16xf32, #tpu.memory_space<vmem_shared>>) offsets(%dma_start3A_62 : memref<80xi32, #tpu.memory_space<vmem>>) semaphore(%arg13 : memref<!tpu.dma_semaphore, #tpu.memory_space<semaphore_mem>>) {add = true}
    %add3A_66 = arith.constant 240 : i32
    %add3A_67 = arith.addi %mul3A_4, %add3A_66 : i32
    %dma_start3A_68 = arith.constant 1 : i32
    %dma_start3A_69 = arith.constant 3 : i32
    %dma_start3A_70 = arith.constant 0 : i32
    %dma_start3A_71 = tpu.memref_slice %arg7[%dma_start3A_69, %dma_start3A_70] : memref<4x80xi32, #tpu.memory_space<vmem>> -> memref<1x80xi32, #tpu.memory_space<vmem>>
    %dma_start3A_72 = tpu.memref_squeeze %dma_start3A_71 : memref<1x80xi32, #tpu.memory_space<vmem>> -> memref<80xi32, #tpu.memory_space<vmem>>
    %dma_start3A_73 = tpu.memref_slice %arg2[%dma_start3A_68, %add3A_67] : memref<2x320000xi32, #tpu.memory_space<hbm>> -> memref<1x80xi32, #tpu.memory_space<hbm>>
    %dma_start3A_74 = tpu.memref_squeeze %dma_start3A_73 : memref<1x80xi32, #tpu.memory_space<hbm>> -> memref<80xi32, #tpu.memory_space<hbm>>
    %dma_start3A_75 = arith.constant 0 : i32
    %dma_start3A_76 = tpu.memref_slice %arg7[%dma_start3A_69, %dma_start3A_75] : memref<4x80xi32, #tpu.memory_space<vmem>> -> memref<1x80xi32, #tpu.memory_space<vmem>>
    %dma_start3A_77 = tpu.memref_squeeze %dma_start3A_76 : memref<1x80xi32, #tpu.memory_space<vmem>> -> memref<80xi32, #tpu.memory_space<vmem>>
    %dma_start3A_78 = tpu.memref_slice %arg2[%dma_start3A_68, %add3A_67] : memref<2x320000xi32, #tpu.memory_space<hbm>> -> memref<1x80xi32, #tpu.memory_space<hbm>>
    %dma_start3A_79 = tpu.memref_squeeze %dma_start3A_78 : memref<1x80xi32, #tpu.memory_space<hbm>> -> memref<80xi32, #tpu.memory_space<hbm>>
    tpu.enqueue_dma source(%dma_start3A_79 : memref<80xi32, #tpu.memory_space<hbm>>) target(%dma_start3A_77 : memref<80xi32, #tpu.memory_space<vmem>>) target_semaphore(%arg12 : memref<!tpu.dma_semaphore, #tpu.memory_space<semaphore_mem>>)
    %dma_wait3A_80 = arith.constant 1 : i32
    %dma_wait3A_81 = arith.constant 1 : i32
    %dma_wait3A_82 = arith.constant 0 : i32
    %dma_wait3A_83 = tpu.memref_slice %arg7[%dma_wait3A_81, %dma_wait3A_82] : memref<4x80xi32, #tpu.memory_space<vmem>> -> memref<1x80xi32, #tpu.memory_space<vmem>>
    %dma_wait3A_84 = tpu.memref_squeeze %dma_wait3A_83 : memref<1x80xi32, #tpu.memory_space<vmem>> -> memref<80xi32, #tpu.memory_space<vmem>>
    %dma_wait3A_85 = arith.constant 0 : i32
    %dma_wait3A_86 = tpu.memref_slice %arg2[%dma_wait3A_80, %dma_wait3A_85] : memref<2x320000xi32, #tpu.memory_space<hbm>> -> memref<1x80xi32, #tpu.memory_space<hbm>>
    %dma_wait3A_87 = tpu.memref_squeeze %dma_wait3A_86 : memref<1x80xi32, #tpu.memory_space<hbm>> -> memref<80xi32, #tpu.memory_space<hbm>>
    %dma_wait3A_88 = arith.constant 0 : i32
    %dma_wait3A_89 = tpu.memref_slice %arg7[%dma_wait3A_81, %dma_wait3A_88] : memref<4x80xi32, #tpu.memory_space<vmem>> -> memref<1x80xi32, #tpu.memory_space<vmem>>
    %dma_wait3A_90 = tpu.memref_squeeze %dma_wait3A_89 : memref<1x80xi32, #tpu.memory_space<vmem>> -> memref<80xi32, #tpu.memory_space<vmem>>
    %dma_wait3A_91 = arith.constant 0 : i32
    %dma_wait3A_92 = tpu.memref_slice %arg2[%dma_wait3A_80, %dma_wait3A_91] : memref<2x320000xi32, #tpu.memory_space<hbm>> -> memref<1x80xi32, #tpu.memory_space<hbm>>
    %dma_wait3A_93 = tpu.memref_squeeze %dma_wait3A_92 : memref<1x80xi32, #tpu.memory_space<hbm>> -> memref<80xi32, #tpu.memory_space<hbm>>
    tpu.wait_dma2 semaphore(%arg10 : memref<!tpu.dma_semaphore, #tpu.memory_space<semaphore_mem>>) src(%dma_wait3A_93 : memref<80xi32, #tpu.memory_space<hbm>>) dst(%dma_wait3A_90 : memref<80xi32, #tpu.memory_space<vmem>>)
    %dma_start3A_94 = arith.constant 1 : i32
    %dma_start3A_95 = arith.constant 0 : i32
    %dma_start3A_96 = tpu.memref_slice %arg7[%dma_start3A_94, %dma_start3A_95] : memref<4x80xi32, #tpu.memory_space<vmem>> -> memref<1x80xi32, #tpu.memory_space<vmem>>
    %dma_start3A_97 = tpu.memref_squeeze %dma_start3A_96 : memref<1x80xi32, #tpu.memory_space<vmem>> -> memref<80xi32, #tpu.memory_space<vmem>>
    %dma_start3A_98 = arith.constant 0 : i32
    %dma_start3A_99 = arith.constant 0 : i32
    %dma_start3A_100 = tpu.memref_slice %arg6[%dma_start3A_98, %dma_start3A_99] : memref<10240x16xf32, #tpu.memory_space<vmem_shared>> -> memref<10240x16xf32, #tpu.memory_space<vmem_shared>>
    tpu.enqueue_indirect_dma source(%arg8 : memref<80x16xf32, #tpu.memory_space<vmem>>) target(%dma_start3A_100 : memref<10240x16xf32, #tpu.memory_space<vmem_shared>>) offsets(%dma_start3A_97 : memref<80xi32, #tpu.memory_space<vmem>>) semaphore(%arg14 : memref<!tpu.dma_semaphore, #tpu.memory_space<semaphore_mem>>) {add = true}
    %scan3A = arith.constant 0 : i32
    %scan3A_101 = arith.constant 0 : i32
    %scan3A_102 = arith.constant 30 : i32
    %scan3A_103 = arith.addi %scan3A_101, %scan3A_102 : i32
    %scan3A_104 = arith.constant 1 : i32
    scf.for %scan3A_222 = %scan3A_101 to %scan3A_103 step %scan3A_104  : i32 {
      %mul3A_223 = arith.constant 4 : i32
      %mul3A_224 = arith.muli %mul3A_223, %scan3A_222 : i32
      %add3A_225 = arith.constant 4 : i32
      %add3A_226 = arith.addi %add3A_225, %mul3A_224 : i32
      %add3A_227 = arith.constant 0 : i32
      %add3A_228 = arith.addi %add3A_226, %add3A_227 : i32
      %dma_wait3A_229 = arith.constant 0 : i32
      %dma_wait3A_230 = arith.constant 0 : i32
      %dma_wait3A_231 = tpu.memref_slice %arg7[%dma_wait3A_229, %dma_wait3A_230] : memref<4x80xi32, #tpu.memory_space<vmem>> -> memref<1x80xi32, #tpu.memory_space<vmem>>
      %dma_wait3A_232 = tpu.memref_squeeze %dma_wait3A_231 : memref<1x80xi32, #tpu.memory_space<vmem>> -> memref<80xi32, #tpu.memory_space<vmem>>
      %dma_wait3A_233 = arith.constant 0 : i32
      %dma_wait3A_234 = arith.constant 0 : i32
      %dma_wait3A_235 = tpu.memref_slice %arg6[%dma_wait3A_233, %dma_wait3A_234] : memref<10240x16xf32, #tpu.memory_space<vmem_shared>> -> memref<10240x16xf32, #tpu.memory_space<vmem_shared>>
      tpu.wait_indirect_dma semaphore(%arg13 : memref<!tpu.dma_semaphore, #tpu.memory_space<semaphore_mem>>) src(%arg8 : memref<80x16xf32, #tpu.memory_space<vmem>>) dst(%dma_wait3A_235 : memref<10240x16xf32, #tpu.memory_space<vmem_shared>>)
      %mul3A_236 = arith.constant 80 : i32
      %mul3A_237 = arith.muli %add3A_228, %mul3A_236 : i32
      %add3A_238 = arith.addi %mul3A_4, %mul3A_237 : i32
      %dma_start3A_239 = arith.constant 1 : i32
      %dma_start3A_240 = arith.constant 0 : i32
      %dma_start3A_241 = arith.constant 0 : i32
      %dma_start3A_242 = tpu.memref_slice %arg7[%dma_start3A_240, %dma_start3A_241] : memref<4x80xi32, #tpu.memory_space<vmem>> -> memref<1x80xi32, #tpu.memory_space<vmem>>
      %dma_start3A_243 = tpu.memref_squeeze %dma_start3A_242 : memref<1x80xi32, #tpu.memory_space<vmem>> -> memref<80xi32, #tpu.memory_space<vmem>>
      %dma_start3A_244 = tpu.memref_slice %arg2[%dma_start3A_239, %add3A_238] : memref<2x320000xi32, #tpu.memory_space<hbm>> -> memref<1x80xi32, #tpu.memory_space<hbm>>
      %dma_start3A_245 = tpu.memref_squeeze %dma_start3A_244 : memref<1x80xi32, #tpu.memory_space<hbm>> -> memref<80xi32, #tpu.memory_space<hbm>>
      %dma_start3A_246 = arith.constant 0 : i32
      %dma_start3A_247 = tpu.memref_slice %arg7[%dma_start3A_240, %dma_start3A_246] : memref<4x80xi32, #tpu.memory_space<vmem>> -> memref<1x80xi32, #tpu.memory_space<vmem>>
      %dma_start3A_248 = tpu.memref_squeeze %dma_start3A_247 : memref<1x80xi32, #tpu.memory_space<vmem>> -> memref<80xi32, #tpu.memory_space<vmem>>
      %dma_start3A_249 = tpu.memref_slice %arg2[%dma_start3A_239, %add3A_238] : memref<2x320000xi32, #tpu.memory_space<hbm>> -> memref<1x80xi32, #tpu.memory_space<hbm>>
      %dma_start3A_250 = tpu.memref_squeeze %dma_start3A_249 : memref<1x80xi32, #tpu.memory_space<hbm>> -> memref<80xi32, #tpu.memory_space<hbm>>
      tpu.enqueue_dma source(%dma_start3A_250 : memref<80xi32, #tpu.memory_space<hbm>>) target(%dma_start3A_248 : memref<80xi32, #tpu.memory_space<vmem>>) target_semaphore(%arg9 : memref<!tpu.dma_semaphore, #tpu.memory_space<semaphore_mem>>)
      %dma_wait3A_251 = arith.constant 1 : i32
      %dma_wait3A_252 = arith.constant 2 : i32
      %dma_wait3A_253 = arith.constant 0 : i32
      %dma_wait3A_254 = tpu.memref_slice %arg7[%dma_wait3A_252, %dma_wait3A_253] : memref<4x80xi32, #tpu.memory_space<vmem>> -> memref<1x80xi32, #tpu.memory_space<vmem>>
      %dma_wait3A_255 = tpu.memref_squeeze %dma_wait3A_254 : memref<1x80xi32, #tpu.memory_space<vmem>> -> memref<80xi32, #tpu.memory_space<vmem>>
      %dma_wait3A_256 = arith.constant 0 : i32
      %dma_wait3A_257 = tpu.memref_slice %arg2[%dma_wait3A_251, %dma_wait3A_256] : memref<2x320000xi32, #tpu.memory_space<hbm>> -> memref<1x80xi32, #tpu.memory_space<hbm>>
      %dma_wait3A_258 = tpu.memref_squeeze %dma_wait3A_257 : memref<1x80xi32, #tpu.memory_space<hbm>> -> memref<80xi32, #tpu.memory_space<hbm>>
      %dma_wait3A_259 = arith.constant 0 : i32
      %dma_wait3A_260 = tpu.memref_slice %arg7[%dma_wait3A_252, %dma_wait3A_259] : memref<4x80xi32, #tpu.memory_space<vmem>> -> memref<1x80xi32, #tpu.memory_space<vmem>>
      %dma_wait3A_261 = tpu.memref_squeeze %dma_wait3A_260 : memref<1x80xi32, #tpu.memory_space<vmem>> -> memref<80xi32, #tpu.memory_space<vmem>>
      %dma_wait3A_262 = arith.constant 0 : i32
      %dma_wait3A_263 = tpu.memref_slice %arg2[%dma_wait3A_251, %dma_wait3A_262] : memref<2x320000xi32, #tpu.memory_space<hbm>> -> memref<1x80xi32, #tpu.memory_space<hbm>>
      %dma_wait3A_264 = tpu.memref_squeeze %dma_wait3A_263 : memref<1x80xi32, #tpu.memory_space<hbm>> -> memref<80xi32, #tpu.memory_space<hbm>>
      tpu.wait_dma2 semaphore(%arg11 : memref<!tpu.dma_semaphore, #tpu.memory_space<semaphore_mem>>) src(%dma_wait3A_264 : memref<80xi32, #tpu.memory_space<hbm>>) dst(%dma_wait3A_261 : memref<80xi32, #tpu.memory_space<vmem>>)
      %dma_start3A_265 = arith.constant 2 : i32
      %dma_start3A_266 = arith.constant 0 : i32
      %dma_start3A_267 = tpu.memref_slice %arg7[%dma_start3A_265, %dma_start3A_266] : memref<4x80xi32, #tpu.memory_space<vmem>> -> memref<1x80xi32, #tpu.memory_space<vmem>>
      %dma_start3A_268 = tpu.memref_squeeze %dma_start3A_267 : memref<1x80xi32, #tpu.memory_space<vmem>> -> memref<80xi32, #tpu.memory_space<vmem>>
      %dma_start3A_269 = arith.constant 0 : i32
      %dma_start3A_270 = arith.constant 0 : i32
      %dma_start3A_271 = tpu.memref_slice %arg6[%dma_start3A_269, %dma_start3A_270] : memref<10240x16xf32, #tpu.memory_space<vmem_shared>> -> memref<10240x16xf32, #tpu.memory_space<vmem_shared>>
      tpu.enqueue_indirect_dma source(%arg8 : memref<80x16xf32, #tpu.memory_space<vmem>>) target(%dma_start3A_271 : memref<10240x16xf32, #tpu.memory_space<vmem_shared>>) offsets(%dma_start3A_268 : memref<80xi32, #tpu.memory_space<vmem>>) semaphore(%arg15 : memref<!tpu.dma_semaphore, #tpu.memory_space<semaphore_mem>>) {add = true}
      %add3A_272 = arith.constant 1 : i32
      %add3A_273 = arith.addi %add3A_226, %add3A_272 : i32
      %dma_wait3A_274 = arith.constant 1 : i32
      %dma_wait3A_275 = arith.constant 0 : i32
      %dma_wait3A_276 = tpu.memref_slice %arg7[%dma_wait3A_274, %dma_wait3A_275] : memref<4x80xi32, #tpu.memory_space<vmem>> -> memref<1x80xi32, #tpu.memory_space<vmem>>
      %dma_wait3A_277 = tpu.memref_squeeze %dma_wait3A_276 : memref<1x80xi32, #tpu.memory_space<vmem>> -> memref<80xi32, #tpu.memory_space<vmem>>
      %dma_wait3A_278 = arith.constant 0 : i32
      %dma_wait3A_279 = arith.constant 0 : i32
      %dma_wait3A_280 = tpu.memref_slice %arg6[%dma_wait3A_278, %dma_wait3A_279] : memref<10240x16xf32, #tpu.memory_space<vmem_shared>> -> memref<10240x16xf32, #tpu.memory_space<vmem_shared>>
      tpu.wait_indirect_dma semaphore(%arg14 : memref<!tpu.dma_semaphore, #tpu.memory_space<semaphore_mem>>) src(%arg8 : memref<80x16xf32, #tpu.memory_space<vmem>>) dst(%dma_wait3A_280 : memref<10240x16xf32, #tpu.memory_space<vmem_shared>>)
      %mul3A_281 = arith.constant 80 : i32
      %mul3A_282 = arith.muli %add3A_273, %mul3A_281 : i32
      %add3A_283 = arith.addi %mul3A_4, %mul3A_282 : i32
      %dma_start3A_284 = arith.constant 1 : i32
      %dma_start3A_285 = arith.constant 1 : i32
      %dma_start3A_286 = arith.constant 0 : i32
      %dma_start3A_287 = tpu.memref_slice %arg7[%dma_start3A_285, %dma_start3A_286] : memref<4x80xi32, #tpu.memory_space<vmem>> -> memref<1x80xi32, #tpu.memory_space<vmem>>
      %dma_start3A_288 = tpu.memref_squeeze %dma_start3A_287 : memref<1x80xi32, #tpu.memory_space<vmem>> -> memref<80xi32, #tpu.memory_space<vmem>>
      %dma_start3A_289 = tpu.memref_slice %arg2[%dma_start3A_284, %add3A_283] : memref<2x320000xi32, #tpu.memory_space<hbm>> -> memref<1x80xi32, #tpu.memory_space<hbm>>
      %dma_start3A_290 = tpu.memref_squeeze %dma_start3A_289 : memref<1x80xi32, #tpu.memory_space<hbm>> -> memref<80xi32, #tpu.memory_space<hbm>>
      %dma_start3A_291 = arith.constant 0 : i32
      %dma_start3A_292 = tpu.memref_slice %arg7[%dma_start3A_285, %dma_start3A_291] : memref<4x80xi32, #tpu.memory_space<vmem>> -> memref<1x80xi32, #tpu.memory_space<vmem>>
      %dma_start3A_293 = tpu.memref_squeeze %dma_start3A_292 : memref<1x80xi32, #tpu.memory_space<vmem>> -> memref<80xi32, #tpu.memory_space<vmem>>
      %dma_start3A_294 = tpu.memref_slice %arg2[%dma_start3A_284, %add3A_283] : memref<2x320000xi32, #tpu.memory_space<hbm>> -> memref<1x80xi32, #tpu.memory_space<hbm>>
      %dma_start3A_295 = tpu.memref_squeeze %dma_start3A_294 : memref<1x80xi32, #tpu.memory_space<hbm>> -> memref<80xi32, #tpu.memory_space<hbm>>
      tpu.enqueue_dma source(%dma_start3A_295 : memref<80xi32, #tpu.memory_space<hbm>>) target(%dma_start3A_293 : memref<80xi32, #tpu.memory_space<vmem>>) target_semaphore(%arg10 : memref<!tpu.dma_semaphore, #tpu.memory_space<semaphore_mem>>)
      %dma_wait3A_296 = arith.constant 1 : i32
      %dma_wait3A_297 = arith.constant 3 : i32
      %dma_wait3A_298 = arith.constant 0 : i32
      %dma_wait3A_299 = tpu.memref_slice %arg7[%dma_wait3A_297, %dma_wait3A_298] : memref<4x80xi32, #tpu.memory_space<vmem>> -> memref<1x80xi32, #tpu.memory_space<vmem>>
      %dma_wait3A_300 = tpu.memref_squeeze %dma_wait3A_299 : memref<1x80xi32, #tpu.memory_space<vmem>> -> memref<80xi32, #tpu.memory_space<vmem>>
      %dma_wait3A_301 = arith.constant 0 : i32
      %dma_wait3A_302 = tpu.memref_slice %arg2[%dma_wait3A_296, %dma_wait3A_301] : memref<2x320000xi32, #tpu.memory_space<hbm>> -> memref<1x80xi32, #tpu.memory_space<hbm>>
      %dma_wait3A_303 = tpu.memref_squeeze %dma_wait3A_302 : memref<1x80xi32, #tpu.memory_space<hbm>> -> memref<80xi32, #tpu.memory_space<hbm>>
      %dma_wait3A_304 = arith.constant 0 : i32
      %dma_wait3A_305 = tpu.memref_slice %arg7[%dma_wait3A_297, %dma_wait3A_304] : memref<4x80xi32, #tpu.memory_space<vmem>> -> memref<1x80xi32, #tpu.memory_space<vmem>>
      %dma_wait3A_306 = tpu.memref_squeeze %dma_wait3A_305 : memref<1x80xi32, #tpu.memory_space<vmem>> -> memref<80xi32, #tpu.memory_space<vmem>>
      %dma_wait3A_307 = arith.constant 0 : i32
      %dma_wait3A_308 = tpu.memref_slice %arg2[%dma_wait3A_296, %dma_wait3A_307] : memref<2x320000xi32, #tpu.memory_space<hbm>> -> memref<1x80xi32, #tpu.memory_space<hbm>>
      %dma_wait3A_309 = tpu.memref_squeeze %dma_wait3A_308 : memref<1x80xi32, #tpu.memory_space<hbm>> -> memref<80xi32, #tpu.memory_space<hbm>>
      tpu.wait_dma2 semaphore(%arg12 : memref<!tpu.dma_semaphore, #tpu.memory_space<semaphore_mem>>) src(%dma_wait3A_309 : memref<80xi32, #tpu.memory_space<hbm>>) dst(%dma_wait3A_306 : memref<80xi32, #tpu.memory_space<vmem>>)
      %dma_start3A_310 = arith.constant 3 : i32
      %dma_start3A_311 = arith.constant 0 : i32
      %dma_start3A_312 = tpu.memref_slice %arg7[%dma_start3A_310, %dma_start3A_311] : memref<4x80xi32, #tpu.memory_space<vmem>> -> memref<1x80xi32, #tpu.memory_space<vmem>>
      %dma_start3A_313 = tpu.memref_squeeze %dma_start3A_312 : memref<1x80xi32, #tpu.memory_space<vmem>> -> memref<80xi32, #tpu.memory_space<vmem>>
      %dma_start3A_314 = arith.constant 0 : i32
      %dma_start3A_315 = arith.constant 0 : i32
      %dma_start3A_316 = tpu.memref_slice %arg6[%dma_start3A_314, %dma_start3A_315] : memref<10240x16xf32, #tpu.memory_space<vmem_shared>> -> memref<10240x16xf32, #tpu.memory_space<vmem_shared>>
      tpu.enqueue_indirect_dma source(%arg8 : memref<80x16xf32, #tpu.memory_space<vmem>>) target(%dma_start3A_316 : memref<10240x16xf32, #tpu.memory_space<vmem_shared>>) offsets(%dma_start3A_313 : memref<80xi32, #tpu.memory_space<vmem>>) semaphore(%arg16 : memref<!tpu.dma_semaphore, #tpu.memory_space<semaphore_mem>>) {add = true}
      %add3A_317 = arith.constant 2 : i32
      %add3A_318 = arith.addi %add3A_226, %add3A_317 : i32
      %dma_wait3A_319 = arith.constant 2 : i32
      %dma_wait3A_320 = arith.constant 0 : i32
      %dma_wait3A_321 = tpu.memref_slice %arg7[%dma_wait3A_319, %dma_wait3A_320] : memref<4x80xi32, #tpu.memory_space<vmem>> -> memref<1x80xi32, #tpu.memory_space<vmem>>
      %dma_wait3A_322 = tpu.memref_squeeze %dma_wait3A_321 : memref<1x80xi32, #tpu.memory_space<vmem>> -> memref<80xi32, #tpu.memory_space<vmem>>
      %dma_wait3A_323 = arith.constant 0 : i32
      %dma_wait3A_324 = arith.constant 0 : i32
      %dma_wait3A_325 = tpu.memref_slice %arg6[%dma_wait3A_323, %dma_wait3A_324] : memref<10240x16xf32, #tpu.memory_space<vmem_shared>> -> memref<10240x16xf32, #tpu.memory_space<vmem_shared>>
      tpu.wait_indirect_dma semaphore(%arg15 : memref<!tpu.dma_semaphore, #tpu.memory_space<semaphore_mem>>) src(%arg8 : memref<80x16xf32, #tpu.memory_space<vmem>>) dst(%dma_wait3A_325 : memref<10240x16xf32, #tpu.memory_space<vmem_shared>>)
      %mul3A_326 = arith.constant 80 : i32
      %mul3A_327 = arith.muli %add3A_318, %mul3A_326 : i32
      %add3A_328 = arith.addi %mul3A_4, %mul3A_327 : i32
      %dma_start3A_329 = arith.constant 1 : i32
      %dma_start3A_330 = arith.constant 2 : i32
      %dma_start3A_331 = arith.constant 0 : i32
      %dma_start3A_332 = tpu.memref_slice %arg7[%dma_start3A_330, %dma_start3A_331] : memref<4x80xi32, #tpu.memory_space<vmem>> -> memref<1x80xi32, #tpu.memory_space<vmem>>
      %dma_start3A_333 = tpu.memref_squeeze %dma_start3A_332 : memref<1x80xi32, #tpu.memory_space<vmem>> -> memref<80xi32, #tpu.memory_space<vmem>>
      %dma_start3A_334 = tpu.memref_slice %arg2[%dma_start3A_329, %add3A_328] : memref<2x320000xi32, #tpu.memory_space<hbm>> -> memref<1x80xi32, #tpu.memory_space<hbm>>
      %dma_start3A_335 = tpu.memref_squeeze %dma_start3A_334 : memref<1x80xi32, #tpu.memory_space<hbm>> -> memref<80xi32, #tpu.memory_space<hbm>>
      %dma_start3A_336 = arith.constant 0 : i32
      %dma_start3A_337 = tpu.memref_slice %arg7[%dma_start3A_330, %dma_start3A_336] : memref<4x80xi32, #tpu.memory_space<vmem>> -> memref<1x80xi32, #tpu.memory_space<vmem>>
      %dma_start3A_338 = tpu.memref_squeeze %dma_start3A_337 : memref<1x80xi32, #tpu.memory_space<vmem>> -> memref<80xi32, #tpu.memory_space<vmem>>
      %dma_start3A_339 = tpu.memref_slice %arg2[%dma_start3A_329, %add3A_328] : memref<2x320000xi32, #tpu.memory_space<hbm>> -> memref<1x80xi32, #tpu.memory_space<hbm>>
      %dma_start3A_340 = tpu.memref_squeeze %dma_start3A_339 : memref<1x80xi32, #tpu.memory_space<hbm>> -> memref<80xi32, #tpu.memory_space<hbm>>
      tpu.enqueue_dma source(%dma_start3A_340 : memref<80xi32, #tpu.memory_space<hbm>>) target(%dma_start3A_338 : memref<80xi32, #tpu.memory_space<vmem>>) target_semaphore(%arg11 : memref<!tpu.dma_semaphore, #tpu.memory_space<semaphore_mem>>)
      %dma_wait3A_341 = arith.constant 1 : i32
      %dma_wait3A_342 = arith.constant 0 : i32
      %dma_wait3A_343 = arith.constant 0 : i32
      %dma_wait3A_344 = tpu.memref_slice %arg7[%dma_wait3A_342, %dma_wait3A_343] : memref<4x80xi32, #tpu.memory_space<vmem>> -> memref<1x80xi32, #tpu.memory_space<vmem>>
      %dma_wait3A_345 = tpu.memref_squeeze %dma_wait3A_344 : memref<1x80xi32, #tpu.memory_space<vmem>> -> memref<80xi32, #tpu.memory_space<vmem>>
      %dma_wait3A_346 = arith.constant 0 : i32
      %dma_wait3A_347 = tpu.memref_slice %arg2[%dma_wait3A_341, %dma_wait3A_346] : memref<2x320000xi32, #tpu.memory_space<hbm>> -> memref<1x80xi32, #tpu.memory_space<hbm>>
      %dma_wait3A_348 = tpu.memref_squeeze %dma_wait3A_347 : memref<1x80xi32, #tpu.memory_space<hbm>> -> memref<80xi32, #tpu.memory_space<hbm>>
      %dma_wait3A_349 = arith.constant 0 : i32
      %dma_wait3A_350 = tpu.memref_slice %arg7[%dma_wait3A_342, %dma_wait3A_349] : memref<4x80xi32, #tpu.memory_space<vmem>> -> memref<1x80xi32, #tpu.memory_space<vmem>>
      %dma_wait3A_351 = tpu.memref_squeeze %dma_wait3A_350 : memref<1x80xi32, #tpu.memory_space<vmem>> -> memref<80xi32, #tpu.memory_space<vmem>>
      %dma_wait3A_352 = arith.constant 0 : i32
      %dma_wait3A_353 = tpu.memref_slice %arg2[%dma_wait3A_341, %dma_wait3A_352] : memref<2x320000xi32, #tpu.memory_space<hbm>> -> memref<1x80xi32, #tpu.memory_space<hbm>>
      %dma_wait3A_354 = tpu.memref_squeeze %dma_wait3A_353 : memref<1x80xi32, #tpu.memory_space<hbm>> -> memref<80xi32, #tpu.memory_space<hbm>>
      tpu.wait_dma2 semaphore(%arg9 : memref<!tpu.dma_semaphore, #tpu.memory_space<semaphore_mem>>) src(%dma_wait3A_354 : memref<80xi32, #tpu.memory_space<hbm>>) dst(%dma_wait3A_351 : memref<80xi32, #tpu.memory_space<vmem>>)
      %dma_start3A_355 = arith.constant 0 : i32
      %dma_start3A_356 = arith.constant 0 : i32
      %dma_start3A_357 = tpu.memref_slice %arg7[%dma_start3A_355, %dma_start3A_356] : memref<4x80xi32, #tpu.memory_space<vmem>> -> memref<1x80xi32, #tpu.memory_space<vmem>>
      %dma_start3A_358 = tpu.memref_squeeze %dma_start3A_357 : memref<1x80xi32, #tpu.memory_space<vmem>> -> memref<80xi32, #tpu.memory_space<vmem>>
      %dma_start3A_359 = arith.constant 0 : i32
      %dma_start3A_360 = arith.constant 0 : i32
      %dma_start3A_361 = tpu.memref_slice %arg6[%dma_start3A_359, %dma_start3A_360] : memref<10240x16xf32, #tpu.memory_space<vmem_shared>> -> memref<10240x16xf32, #tpu.memory_space<vmem_shared>>
      tpu.enqueue_indirect_dma source(%arg8 : memref<80x16xf32, #tpu.memory_space<vmem>>) target(%dma_start3A_361 : memref<10240x16xf32, #tpu.memory_space<vmem_shared>>) offsets(%dma_start3A_358 : memref<80xi32, #tpu.memory_space<vmem>>) semaphore(%arg13 : memref<!tpu.dma_semaphore, #tpu.memory_space<semaphore_mem>>) {add = true}
      %add3A_362 = arith.constant 3 : i32
      %add3A_363 = arith.addi %add3A_226, %add3A_362 : i32
      %dma_wait3A_364 = arith.constant 3 : i32
      %dma_wait3A_365 = arith.constant 0 : i32
      %dma_wait3A_366 = tpu.memref_slice %arg7[%dma_wait3A_364, %dma_wait3A_365] : memref<4x80xi32, #tpu.memory_space<vmem>> -> memref<1x80xi32, #tpu.memory_space<vmem>>
      %dma_wait3A_367 = tpu.memref_squeeze %dma_wait3A_366 : memref<1x80xi32, #tpu.memory_space<vmem>> -> memref<80xi32, #tpu.memory_space<vmem>>
      %dma_wait3A_368 = arith.constant 0 : i32
      %dma_wait3A_369 = arith.constant 0 : i32
      %dma_wait3A_370 = tpu.memref_slice %arg6[%dma_wait3A_368, %dma_wait3A_369] : memref<10240x16xf32, #tpu.memory_space<vmem_shared>> -> memref<10240x16xf32, #tpu.memory_space<vmem_shared>>
      tpu.wait_indirect_dma semaphore(%arg16 : memref<!tpu.dma_semaphore, #tpu.memory_space<semaphore_mem>>) src(%arg8 : memref<80x16xf32, #tpu.memory_space<vmem>>) dst(%dma_wait3A_370 : memref<10240x16xf32, #tpu.memory_space<vmem_shared>>)
      %mul3A_371 = arith.constant 80 : i32
      %mul3A_372 = arith.muli %add3A_363, %mul3A_371 : i32
      %add3A_373 = arith.addi %mul3A_4, %mul3A_372 : i32
      %dma_start3A_374 = arith.constant 1 : i32
      %dma_start3A_375 = arith.constant 3 : i32
      %dma_start3A_376 = arith.constant 0 : i32
      %dma_start3A_377 = tpu.memref_slice %arg7[%dma_start3A_375, %dma_start3A_376] : memref<4x80xi32, #tpu.memory_space<vmem>> -> memref<1x80xi32, #tpu.memory_space<vmem>>
      %dma_start3A_378 = tpu.memref_squeeze %dma_start3A_377 : memref<1x80xi32, #tpu.memory_space<vmem>> -> memref<80xi32, #tpu.memory_space<vmem>>
      %dma_start3A_379 = tpu.memref_slice %arg2[%dma_start3A_374, %add3A_373] : memref<2x320000xi32, #tpu.memory_space<hbm>> -> memref<1x80xi32, #tpu.memory_space<hbm>>
      %dma_start3A_380 = tpu.memref_squeeze %dma_start3A_379 : memref<1x80xi32, #tpu.memory_space<hbm>> -> memref<80xi32, #tpu.memory_space<hbm>>
      %dma_start3A_381 = arith.constant 0 : i32
      %dma_start3A_382 = tpu.memref_slice %arg7[%dma_start3A_375, %dma_start3A_381] : memref<4x80xi32, #tpu.memory_space<vmem>> -> memref<1x80xi32, #tpu.memory_space<vmem>>
      %dma_start3A_383 = tpu.memref_squeeze %dma_start3A_382 : memref<1x80xi32, #tpu.memory_space<vmem>> -> memref<80xi32, #tpu.memory_space<vmem>>
      %dma_start3A_384 = tpu.memref_slice %arg2[%dma_start3A_374, %add3A_373] : memref<2x320000xi32, #tpu.memory_space<hbm>> -> memref<1x80xi32, #tpu.memory_space<hbm>>
      %dma_start3A_385 = tpu.memref_squeeze %dma_start3A_384 : memref<1x80xi32, #tpu.memory_space<hbm>> -> memref<80xi32, #tpu.memory_space<hbm>>
      tpu.enqueue_dma source(%dma_start3A_385 : memref<80xi32, #tpu.memory_space<hbm>>) target(%dma_start3A_383 : memref<80xi32, #tpu.memory_space<vmem>>) target_semaphore(%arg12 : memref<!tpu.dma_semaphore, #tpu.memory_space<semaphore_mem>>)
      %dma_wait3A_386 = arith.constant 1 : i32
      %dma_wait3A_387 = arith.constant 1 : i32
      %dma_wait3A_388 = arith.constant 0 : i32
      %dma_wait3A_389 = tpu.memref_slice %arg7[%dma_wait3A_387, %dma_wait3A_388] : memref<4x80xi32, #tpu.memory_space<vmem>> -> memref<1x80xi32, #tpu.memory_space<vmem>>
      %dma_wait3A_390 = tpu.memref_squeeze %dma_wait3A_389 : memref<1x80xi32, #tpu.memory_space<vmem>> -> memref<80xi32, #tpu.memory_space<vmem>>
      %dma_wait3A_391 = arith.constant 0 : i32
      %dma_wait3A_392 = tpu.memref_slice %arg2[%dma_wait3A_386, %dma_wait3A_391] : memref<2x320000xi32, #tpu.memory_space<hbm>> -> memref<1x80xi32, #tpu.memory_space<hbm>>
      %dma_wait3A_393 = tpu.memref_squeeze %dma_wait3A_392 : memref<1x80xi32, #tpu.memory_space<hbm>> -> memref<80xi32, #tpu.memory_space<hbm>>
      %dma_wait3A_394 = arith.constant 0 : i32
      %dma_wait3A_395 = tpu.memref_slice %arg7[%dma_wait3A_387, %dma_wait3A_394] : memref<4x80xi32, #tpu.memory_space<vmem>> -> memref<1x80xi32, #tpu.memory_space<vmem>>
      %dma_wait3A_396 = tpu.memref_squeeze %dma_wait3A_395 : memref<1x80xi32, #tpu.memory_space<vmem>> -> memref<80xi32, #tpu.memory_space<vmem>>
      %dma_wait3A_397 = arith.constant 0 : i32
      %dma_wait3A_398 = tpu.memref_slice %arg2[%dma_wait3A_386, %dma_wait3A_397] : memref<2x320000xi32, #tpu.memory_space<hbm>> -> memref<1x80xi32, #tpu.memory_space<hbm>>
      %dma_wait3A_399 = tpu.memref_squeeze %dma_wait3A_398 : memref<1x80xi32, #tpu.memory_space<hbm>> -> memref<80xi32, #tpu.memory_space<hbm>>
      tpu.wait_dma2 semaphore(%arg10 : memref<!tpu.dma_semaphore, #tpu.memory_space<semaphore_mem>>) src(%dma_wait3A_399 : memref<80xi32, #tpu.memory_space<hbm>>) dst(%dma_wait3A_396 : memref<80xi32, #tpu.memory_space<vmem>>)
      %dma_start3A_400 = arith.constant 1 : i32
      %dma_start3A_401 = arith.constant 0 : i32
      %dma_start3A_402 = tpu.memref_slice %arg7[%dma_start3A_400, %dma_start3A_401] : memref<4x80xi32, #tpu.memory_space<vmem>> -> memref<1x80xi32, #tpu.memory_space<vmem>>
      %dma_start3A_403 = tpu.memref_squeeze %dma_start3A_402 : memref<1x80xi32, #tpu.memory_space<vmem>> -> memref<80xi32, #tpu.memory_space<vmem>>
      %dma_start3A_404 = arith.constant 0 : i32
      %dma_start3A_405 = arith.constant 0 : i32
      %dma_start3A_406 = tpu.memref_slice %arg6[%dma_start3A_404, %dma_start3A_405] : memref<10240x16xf32, #tpu.memory_space<vmem_shared>> -> memref<10240x16xf32, #tpu.memory_space<vmem_shared>>
      tpu.enqueue_indirect_dma source(%arg8 : memref<80x16xf32, #tpu.memory_space<vmem>>) target(%dma_start3A_406 : memref<10240x16xf32, #tpu.memory_space<vmem_shared>>) offsets(%dma_start3A_403 : memref<80xi32, #tpu.memory_space<vmem>>) semaphore(%arg14 : memref<!tpu.dma_semaphore, #tpu.memory_space<semaphore_mem>>) {add = true}
    }
    %scan3A_105 = arith.constant 30 : i32
    %dma_wait3A_106 = arith.constant 0 : i32
    %dma_wait3A_107 = arith.constant 0 : i32
    %dma_wait3A_108 = tpu.memref_slice %arg7[%dma_wait3A_106, %dma_wait3A_107] : memref<4x80xi32, #tpu.memory_space<vmem>> -> memref<1x80xi32, #tpu.memory_space<vmem>>
    %dma_wait3A_109 = tpu.memref_squeeze %dma_wait3A_108 : memref<1x80xi32, #tpu.memory_space<vmem>> -> memref<80xi32, #tpu.memory_space<vmem>>
    %dma_wait3A_110 = arith.constant 0 : i32
    %dma_wait3A_111 = arith.constant 0 : i32
    %dma_wait3A_112 = tpu.memref_slice %arg6[%dma_wait3A_110, %dma_wait3A_111] : memref<10240x16xf32, #tpu.memory_space<vmem_shared>> -> memref<10240x16xf32, #tpu.memory_space<vmem_shared>>
    tpu.wait_indirect_dma semaphore(%arg13 : memref<!tpu.dma_semaphore, #tpu.memory_space<semaphore_mem>>) src(%arg8 : memref<80x16xf32, #tpu.memory_space<vmem>>) dst(%dma_wait3A_112 : memref<10240x16xf32, #tpu.memory_space<vmem_shared>>)
    %add3A_113 = arith.constant 9920 : i32
    %add3A_114 = arith.addi %mul3A_4, %add3A_113 : i32
    %dma_start3A_115 = arith.constant 1 : i32
    %dma_start3A_116 = arith.constant 0 : i32
    %dma_start3A_117 = arith.constant 0 : i32
    %dma_start3A_118 = tpu.memref_slice %arg7[%dma_start3A_116, %dma_start3A_117] : memref<4x80xi32, #tpu.memory_space<vmem>> -> memref<1x80xi32, #tpu.memory_space<vmem>>
    %dma_start3A_119 = tpu.memref_squeeze %dma_start3A_118 : memref<1x80xi32, #tpu.memory_space<vmem>> -> memref<80xi32, #tpu.memory_space<vmem>>
    %dma_start3A_120 = tpu.memref_slice %arg2[%dma_start3A_115, %add3A_114] : memref<2x320000xi32, #tpu.memory_space<hbm>> -> memref<1x80xi32, #tpu.memory_space<hbm>>
    %dma_start3A_121 = tpu.memref_squeeze %dma_start3A_120 : memref<1x80xi32, #tpu.memory_space<hbm>> -> memref<80xi32, #tpu.memory_space<hbm>>
    %dma_start3A_122 = arith.constant 0 : i32
    %dma_start3A_123 = tpu.memref_slice %arg7[%dma_start3A_116, %dma_start3A_122] : memref<4x80xi32, #tpu.memory_space<vmem>> -> memref<1x80xi32, #tpu.memory_space<vmem>>
    %dma_start3A_124 = tpu.memref_squeeze %dma_start3A_123 : memref<1x80xi32, #tpu.memory_space<vmem>> -> memref<80xi32, #tpu.memory_space<vmem>>
    %dma_start3A_125 = tpu.memref_slice %arg2[%dma_start3A_115, %add3A_114] : memref<2x320000xi32, #tpu.memory_space<hbm>> -> memref<1x80xi32, #tpu.memory_space<hbm>>
    %dma_start3A_126 = tpu.memref_squeeze %dma_start3A_125 : memref<1x80xi32, #tpu.memory_space<hbm>> -> memref<80xi32, #tpu.memory_space<hbm>>
    tpu.enqueue_dma source(%dma_start3A_126 : memref<80xi32, #tpu.memory_space<hbm>>) target(%dma_start3A_124 : memref<80xi32, #tpu.memory_space<vmem>>) target_semaphore(%arg9 : memref<!tpu.dma_semaphore, #tpu.memory_space<semaphore_mem>>)
    %dma_wait3A_127 = arith.constant 1 : i32
    %dma_wait3A_128 = arith.constant 2 : i32
    %dma_wait3A_129 = arith.constant 0 : i32
    %dma_wait3A_130 = tpu.memref_slice %arg7[%dma_wait3A_128, %dma_wait3A_129] : memref<4x80xi32, #tpu.memory_space<vmem>> -> memref<1x80xi32, #tpu.memory_space<vmem>>
    %dma_wait3A_131 = tpu.memref_squeeze %dma_wait3A_130 : memref<1x80xi32, #tpu.memory_space<vmem>> -> memref<80xi32, #tpu.memory_space<vmem>>
    %dma_wait3A_132 = arith.constant 0 : i32
    %dma_wait3A_133 = tpu.memref_slice %arg2[%dma_wait3A_127, %dma_wait3A_132] : memref<2x320000xi32, #tpu.memory_space<hbm>> -> memref<1x80xi32, #tpu.memory_space<hbm>>
    %dma_wait3A_134 = tpu.memref_squeeze %dma_wait3A_133 : memref<1x80xi32, #tpu.memory_space<hbm>> -> memref<80xi32, #tpu.memory_space<hbm>>
    %dma_wait3A_135 = arith.constant 0 : i32
    %dma_wait3A_136 = tpu.memref_slice %arg7[%dma_wait3A_128, %dma_wait3A_135] : memref<4x80xi32, #tpu.memory_space<vmem>> -> memref<1x80xi32, #tpu.memory_space<vmem>>
    %dma_wait3A_137 = tpu.memref_squeeze %dma_wait3A_136 : memref<1x80xi32, #tpu.memory_space<vmem>> -> memref<80xi32, #tpu.memory_space<vmem>>
    %dma_wait3A_138 = arith.constant 0 : i32
    %dma_wait3A_139 = tpu.memref_slice %arg2[%dma_wait3A_127, %dma_wait3A_138] : memref<2x320000xi32, #tpu.memory_space<hbm>> -> memref<1x80xi32, #tpu.memory_space<hbm>>
    %dma_wait3A_140 = tpu.memref_squeeze %dma_wait3A_139 : memref<1x80xi32, #tpu.memory_space<hbm>> -> memref<80xi32, #tpu.memory_space<hbm>>
    tpu.wait_dma2 semaphore(%arg11 : memref<!tpu.dma_semaphore, #tpu.memory_space<semaphore_mem>>) src(%dma_wait3A_140 : memref<80xi32, #tpu.memory_space<hbm>>) dst(%dma_wait3A_137 : memref<80xi32, #tpu.memory_space<vmem>>)
    %dma_start3A_141 = arith.constant 2 : i32
    %dma_start3A_142 = arith.constant 0 : i32
    %dma_start3A_143 = tpu.memref_slice %arg7[%dma_start3A_141, %dma_start3A_142] : memref<4x80xi32, #tpu.memory_space<vmem>> -> memref<1x80xi32, #tpu.memory_space<vmem>>
    %dma_start3A_144 = tpu.memref_squeeze %dma_start3A_143 : memref<1x80xi32, #tpu.memory_space<vmem>> -> memref<80xi32, #tpu.memory_space<vmem>>
    %dma_start3A_145 = arith.constant 0 : i32
    %dma_start3A_146 = arith.constant 0 : i32
    %dma_start3A_147 = tpu.memref_slice %arg6[%dma_start3A_145, %dma_start3A_146] : memref<10240x16xf32, #tpu.memory_space<vmem_shared>> -> memref<10240x16xf32, #tpu.memory_space<vmem_shared>>
    tpu.enqueue_indirect_dma source(%arg8 : memref<80x16xf32, #tpu.memory_space<vmem>>) target(%dma_start3A_147 : memref<10240x16xf32, #tpu.memory_space<vmem_shared>>) offsets(%dma_start3A_144 : memref<80xi32, #tpu.memory_space<vmem>>) semaphore(%arg15 : memref<!tpu.dma_semaphore, #tpu.memory_space<semaphore_mem>>) {add = true}
    %dma_wait3A_148 = arith.constant 1 : i32
    %dma_wait3A_149 = arith.constant 3 : i32
    %dma_wait3A_150 = arith.constant 0 : i32
    %dma_wait3A_151 = tpu.memref_slice %arg7[%dma_wait3A_149, %dma_wait3A_150] : memref<4x80xi32, #tpu.memory_space<vmem>> -> memref<1x80xi32, #tpu.memory_space<vmem>>
    %dma_wait3A_152 = tpu.memref_squeeze %dma_wait3A_151 : memref<1x80xi32, #tpu.memory_space<vmem>> -> memref<80xi32, #tpu.memory_space<vmem>>
    %dma_wait3A_153 = arith.constant 0 : i32
    %dma_wait3A_154 = tpu.memref_slice %arg2[%dma_wait3A_148, %dma_wait3A_153] : memref<2x320000xi32, #tpu.memory_space<hbm>> -> memref<1x80xi32, #tpu.memory_space<hbm>>
    %dma_wait3A_155 = tpu.memref_squeeze %dma_wait3A_154 : memref<1x80xi32, #tpu.memory_space<hbm>> -> memref<80xi32, #tpu.memory_space<hbm>>
    %dma_wait3A_156 = arith.constant 0 : i32
    %dma_wait3A_157 = tpu.memref_slice %arg7[%dma_wait3A_149, %dma_wait3A_156] : memref<4x80xi32, #tpu.memory_space<vmem>> -> memref<1x80xi32, #tpu.memory_space<vmem>>
    %dma_wait3A_158 = tpu.memref_squeeze %dma_wait3A_157 : memref<1x80xi32, #tpu.memory_space<vmem>> -> memref<80xi32, #tpu.memory_space<vmem>>
    %dma_wait3A_159 = arith.constant 0 : i32
    %dma_wait3A_160 = tpu.memref_slice %arg2[%dma_wait3A_148, %dma_wait3A_159] : memref<2x320000xi32, #tpu.memory_space<hbm>> -> memref<1x80xi32, #tpu.memory_space<hbm>>
    %dma_wait3A_161 = tpu.memref_squeeze %dma_wait3A_160 : memref<1x80xi32, #tpu.memory_space<hbm>> -> memref<80xi32, #tpu.memory_space<hbm>>
    tpu.wait_dma2 semaphore(%arg12 : memref<!tpu.dma_semaphore, #tpu.memory_space<semaphore_mem>>) src(%dma_wait3A_161 : memref<80xi32, #tpu.memory_space<hbm>>) dst(%dma_wait3A_158 : memref<80xi32, #tpu.memory_space<vmem>>)
    %dma_start3A_162 = arith.constant 3 : i32
    %dma_start3A_163 = arith.constant 0 : i32
    %dma_start3A_164 = tpu.memref_slice %arg7[%dma_start3A_162, %dma_start3A_163] : memref<4x80xi32, #tpu.memory_space<vmem>> -> memref<1x80xi32, #tpu.memory_space<vmem>>
    %dma_start3A_165 = tpu.memref_squeeze %dma_start3A_164 : memref<1x80xi32, #tpu.memory_space<vmem>> -> memref<80xi32, #tpu.memory_space<vmem>>
    %dma_start3A_166 = arith.constant 0 : i32
    %dma_start3A_167 = arith.constant 0 : i32
    %dma_start3A_168 = tpu.memref_slice %arg6[%dma_start3A_166, %dma_start3A_167] : memref<10240x16xf32, #tpu.memory_space<vmem_shared>> -> memref<10240x16xf32, #tpu.memory_space<vmem_shared>>
    tpu.enqueue_indirect_dma source(%arg8 : memref<80x16xf32, #tpu.memory_space<vmem>>) target(%dma_start3A_168 : memref<10240x16xf32, #tpu.memory_space<vmem_shared>>) offsets(%dma_start3A_165 : memref<80xi32, #tpu.memory_space<vmem>>) semaphore(%arg16 : memref<!tpu.dma_semaphore, #tpu.memory_space<semaphore_mem>>) {add = true}
    %dma_wait3A_169 = arith.constant 1 : i32
    %dma_wait3A_170 = arith.constant 0 : i32
    %dma_wait3A_171 = arith.constant 0 : i32
    %dma_wait3A_172 = tpu.memref_slice %arg7[%dma_wait3A_170, %dma_wait3A_171] : memref<4x80xi32, #tpu.memory_space<vmem>> -> memref<1x80xi32, #tpu.memory_space<vmem>>
    %dma_wait3A_173 = tpu.memref_squeeze %dma_wait3A_172 : memref<1x80xi32, #tpu.memory_space<vmem>> -> memref<80xi32, #tpu.memory_space<vmem>>
    %dma_wait3A_174 = arith.constant 0 : i32
    %dma_wait3A_175 = tpu.memref_slice %arg2[%dma_wait3A_169, %dma_wait3A_174] : memref<2x320000xi32, #tpu.memory_space<hbm>> -> memref<1x80xi32, #tpu.memory_space<hbm>>
    %dma_wait3A_176 = tpu.memref_squeeze %dma_wait3A_175 : memref<1x80xi32, #tpu.memory_space<hbm>> -> memref<80xi32, #tpu.memory_space<hbm>>
    %dma_wait3A_177 = arith.constant 0 : i32
    %dma_wait3A_178 = tpu.memref_slice %arg7[%dma_wait3A_170, %dma_wait3A_177] : memref<4x80xi32, #tpu.memory_space<vmem>> -> memref<1x80xi32, #tpu.memory_space<vmem>>
    %dma_wait3A_179 = tpu.memref_squeeze %dma_wait3A_178 : memref<1x80xi32, #tpu.memory_space<vmem>> -> memref<80xi32, #tpu.memory_space<vmem>>
    %dma_wait3A_180 = arith.constant 0 : i32
    %dma_wait3A_181 = tpu.memref_slice %arg2[%dma_wait3A_169, %dma_wait3A_180] : memref<2x320000xi32, #tpu.memory_space<hbm>> -> memref<1x80xi32, #tpu.memory_space<hbm>>
    %dma_wait3A_182 = tpu.memref_squeeze %dma_wait3A_181 : memref<1x80xi32, #tpu.memory_space<hbm>> -> memref<80xi32, #tpu.memory_space<hbm>>
    tpu.wait_dma2 semaphore(%arg9 : memref<!tpu.dma_semaphore, #tpu.memory_space<semaphore_mem>>) src(%dma_wait3A_182 : memref<80xi32, #tpu.memory_space<hbm>>) dst(%dma_wait3A_179 : memref<80xi32, #tpu.memory_space<vmem>>)
    %dma_start3A_183 = arith.constant 0 : i32
    %dma_start3A_184 = arith.constant 0 : i32
    %dma_start3A_185 = tpu.memref_slice %arg7[%dma_start3A_183, %dma_start3A_184] : memref<4x80xi32, #tpu.memory_space<vmem>> -> memref<1x80xi32, #tpu.memory_space<vmem>>
    %dma_start3A_186 = tpu.memref_squeeze %dma_start3A_185 : memref<1x80xi32, #tpu.memory_space<vmem>> -> memref<80xi32, #tpu.memory_space<vmem>>
    %dma_start3A_187 = arith.constant 0 : i32
    %dma_start3A_188 = arith.constant 0 : i32
    %dma_start3A_189 = tpu.memref_slice %arg6[%dma_start3A_187, %dma_start3A_188] : memref<10240x16xf32, #tpu.memory_space<vmem_shared>> -> memref<10240x16xf32, #tpu.memory_space<vmem_shared>>
    tpu.enqueue_indirect_dma source(%arg8 : memref<80x16xf32, #tpu.memory_space<vmem>>) target(%dma_start3A_189 : memref<10240x16xf32, #tpu.memory_space<vmem_shared>>) offsets(%dma_start3A_186 : memref<80xi32, #tpu.memory_space<vmem>>) semaphore(%arg13 : memref<!tpu.dma_semaphore, #tpu.memory_space<semaphore_mem>>) {add = true}
    %dma_wait3A_190 = arith.constant 0 : i32
    %dma_wait3A_191 = arith.constant 0 : i32
    %dma_wait3A_192 = tpu.memref_slice %arg7[%dma_wait3A_190, %dma_wait3A_191] : memref<4x80xi32, #tpu.memory_space<vmem>> -> memref<1x80xi32, #tpu.memory_space<vmem>>
    %dma_wait3A_193 = tpu.memref_squeeze %dma_wait3A_192 : memref<1x80xi32, #tpu.memory_space<vmem>> -> memref<80xi32, #tpu.memory_space<vmem>>
    %dma_wait3A_194 = arith.constant 0 : i32
    %dma_wait3A_195 = arith.constant 0 : i32
    %dma_wait3A_196 = tpu.memref_slice %arg6[%dma_wait3A_194, %dma_wait3A_195] : memref<10240x16xf32, #tpu.memory_space<vmem_shared>> -> memref<10240x16xf32, #tpu.memory_space<vmem_shared>>
    tpu.wait_indirect_dma semaphore(%arg13 : memref<!tpu.dma_semaphore, #tpu.memory_space<semaphore_mem>>) src(%arg8 : memref<80x16xf32, #tpu.memory_space<vmem>>) dst(%dma_wait3A_196 : memref<10240x16xf32, #tpu.memory_space<vmem_shared>>)
    %dma_wait3A_197 = arith.constant 1 : i32
    %dma_wait3A_198 = arith.constant 0 : i32
    %dma_wait3A_199 = tpu.memref_slice %arg7[%dma_wait3A_197, %dma_wait3A_198] : memref<4x80xi32, #tpu.memory_space<vmem>> -> memref<1x80xi32, #tpu.memory_space<vmem>>
    %dma_wait3A_200 = tpu.memref_squeeze %dma_wait3A_199 : memref<1x80xi32, #tpu.memory_space<vmem>> -> memref<80xi32, #tpu.memory_space<vmem>>
    %dma_wait3A_201 = arith.constant 0 : i32
    %dma_wait3A_202 = arith.constant 0 : i32
    %dma_wait3A_203 = tpu.memref_slice %arg6[%dma_wait3A_201, %dma_wait3A_202] : memref<10240x16xf32, #tpu.memory_space<vmem_shared>> -> memref<10240x16xf32, #tpu.memory_space<vmem_shared>>
    tpu.wait_indirect_dma semaphore(%arg14 : memref<!tpu.dma_semaphore, #tpu.memory_space<semaphore_mem>>) src(%arg8 : memref<80x16xf32, #tpu.memory_space<vmem>>) dst(%dma_wait3A_203 : memref<10240x16xf32, #tpu.memory_space<vmem_shared>>)
    %dma_wait3A_204 = arith.constant 2 : i32
    %dma_wait3A_205 = arith.constant 0 : i32
    %dma_wait3A_206 = tpu.memref_slice %arg7[%dma_wait3A_204, %dma_wait3A_205] : memref<4x80xi32, #tpu.memory_space<vmem>> -> memref<1x80xi32, #tpu.memory_space<vmem>>
    %dma_wait3A_207 = tpu.memref_squeeze %dma_wait3A_206 : memref<1x80xi32, #tpu.memory_space<vmem>> -> memref<80xi32, #tpu.memory_space<vmem>>
    %dma_wait3A_208 = arith.constant 0 : i32
    %dma_wait3A_209 = arith.constant 0 : i32
    %dma_wait3A_210 = tpu.memref_slice %arg6[%dma_wait3A_208, %dma_wait3A_209] : memref<10240x16xf32, #tpu.memory_space<vmem_shared>> -> memref<10240x16xf32, #tpu.memory_space<vmem_shared>>
    tpu.wait_indirect_dma semaphore(%arg15 : memref<!tpu.dma_semaphore, #tpu.memory_space<semaphore_mem>>) src(%arg8 : memref<80x16xf32, #tpu.memory_space<vmem>>) dst(%dma_wait3A_210 : memref<10240x16xf32, #tpu.memory_space<vmem_shared>>)
    %dma_wait3A_211 = arith.constant 3 : i32
    %dma_wait3A_212 = arith.constant 0 : i32
    %dma_wait3A_213 = tpu.memref_slice %arg7[%dma_wait3A_211, %dma_wait3A_212] : memref<4x80xi32, #tpu.memory_space<vmem>> -> memref<1x80xi32, #tpu.memory_space<vmem>>
    %dma_wait3A_214 = tpu.memref_squeeze %dma_wait3A_213 : memref<1x80xi32, #tpu.memory_space<vmem>> -> memref<80xi32, #tpu.memory_space<vmem>>
    %dma_wait3A_215 = arith.constant 0 : i32
    %dma_wait3A_216 = arith.constant 0 : i32
    %dma_wait3A_217 = tpu.memref_slice %arg6[%dma_wait3A_215, %dma_wait3A_216] : memref<10240x16xf32, #tpu.memory_space<vmem_shared>> -> memref<10240x16xf32, #tpu.memory_space<vmem_shared>>
    tpu.wait_indirect_dma semaphore(%arg16 : memref<!tpu.dma_semaphore, #tpu.memory_space<semaphore_mem>>) src(%arg8 : memref<80x16xf32, #tpu.memory_space<vmem>>) dst(%dma_wait3A_217 : memref<10240x16xf32, #tpu.memory_space<vmem_shared>>)
    %barrier3A_218 = arith.constant 0 : index
    tpu.barrier barrier_id(%barrier3A_218)
    %mul3A_219 = arith.constant 10240 : i32
    %mul3A_220 = arith.muli %arg0, %mul3A_219 : i32
    %add3A_221 = arith.addi %mul3A_220, %mul3A_2 : i32
    "tpu.region"() ({
      %run_scoped3A = tpu.sem_alloc : memref<!tpu.dma_semaphore, #tpu.memory_space<semaphore_mem>>
      %dma_start3A_222 = arith.constant 0 : i32
      %dma_start3A_223 = tpu.memref_slice %arg5[%add3A_221, %dma_start3A_222] : memref<20480x16xf32, #tpu.memory_space<hbm>> -> memref<640x16xf32, #tpu.memory_space<hbm>>
      %dma_start3A_224 = arith.constant 0 : i32
      %dma_start3A_225 = tpu.memref_slice %arg6[%mul3A_2, %dma_start3A_224] : memref<10240x16xf32, #tpu.memory_space<vmem_shared>> -> memref<640x16xf32, #tpu.memory_space<vmem_shared>>
      tpu.enqueue_dma source(%dma_start3A_225 : memref<640x16xf32, #tpu.memory_space<vmem_shared>>) target(%dma_start3A_223 : memref<640x16xf32, #tpu.memory_space<hbm>>) target_semaphore(%run_scoped3A : memref<!tpu.dma_semaphore, #tpu.memory_space<semaphore_mem>>)
      %dma_wait3A_226 = arith.constant 0 : i32
      %dma_wait3A_227 = tpu.memref_slice %arg5[%add3A_221, %dma_wait3A_226] : memref<20480x16xf32, #tpu.memory_space<hbm>> -> memref<640x16xf32, #tpu.memory_space<hbm>>
      %dma_wait3A_228 = arith.constant 0 : i32
      %dma_wait3A_229 = tpu.memref_slice %arg6[%mul3A_2, %dma_wait3A_228] : memref<10240x16xf32, #tpu.memory_space<vmem_shared>> -> memref<640x16xf32, #tpu.memory_space<vmem_shared>>
      tpu.wait_dma2 semaphore(%run_scoped3A : memref<!tpu.dma_semaphore, #tpu.memory_space<semaphore_mem>>) src(%dma_wait3A_229 : memref<640x16xf32, #tpu.memory_space<vmem_shared>>) dst(%dma_wait3A_227 : memref<640x16xf32, #tpu.memory_space<hbm>>)
      tpu.yield
    }) : () -> ()
    return
  }
}

module attributes {stable_mosaic.version = 14 : i64} {
  func.func @_tc1_body(%arg0: i32, %arg1: memref<400x128xf32, #tpu.memory_space<vmem>>, %arg2: memref<2x400x128xf32, #tpu.memory_space<vmem>>, %arg3: memref<2x400x16xf32, #tpu.memory_space<vmem>>, %arg4: memref<128x256xf32, #tpu.memory_space<vmem>>, %arg5: memref<1x256xf32, #tpu.memory_space<vmem>>, %arg6: memref<128x256xf32, #tpu.memory_space<vmem>>, %arg7: memref<256x128xf32, #tpu.memory_space<vmem>>, %arg8: memref<400x256xf32, #tpu.memory_space<vmem>>, %arg9: memref<400x128xf32, #tpu.memory_space<vmem>>) attributes {dimension_semantics = [#tpu.dimension_semantics<arbitrary>], iteration_bounds = array<i64: 25>, scalar_prefetch = 0 : i64, scratch_operands = 0 : i64, tpu.core_type = #tpu.core_type<tc>, window_params = [{transform_indices = @transform_0, window_bounds = array<i64: 400, 128>}, {transform_indices = @transform_1, window_bounds = array<i64: 2, 400, 128>}, {transform_indices = @transform_2, window_bounds = array<i64: 2, 400, 16>}, {pipeline_mode = #tpu.pipeline_mode<synchronous>, transform_indices = @transform_3, window_bounds = array<i64: 128, 256>}, {pipeline_mode = #tpu.pipeline_mode<synchronous>, transform_indices = @transform_4, window_bounds = array<i64: 1, 256>}, {pipeline_mode = #tpu.pipeline_mode<synchronous>, transform_indices = @transform_5, window_bounds = array<i64: 128, 256>}, {pipeline_mode = #tpu.pipeline_mode<synchronous>, transform_indices = @transform_6, window_bounds = array<i64: 256, 128>}, {transform_indices = @transform_7, window_bounds = array<i64: 400, 256>}, {transform_indices = @transform_8, window_bounds = array<i64: 400, 128>}]} {
    %get3A = arith.constant 0 : index
    %get3A_0 = arith.constant 0 : index
    %get3A_1 = arith.constant 0 : index
    %get3A_2 = vector.load %arg3[%get3A, %get3A_0, %get3A_1] : memref<2x400x16xf32, #tpu.memory_space<vmem>>, vector<1x400x16xf32>
    %get3A_3 = vector.shape_cast %get3A_2 : vector<1x400x16xf32> to vector<400x16xf32>
    %get3A_4 = arith.constant 1 : index
    %get3A_5 = arith.constant 0 : index
    %get3A_6 = arith.constant 0 : index
    %get3A_7 = vector.load %arg3[%get3A_4, %get3A_5, %get3A_6] : memref<2x400x16xf32, #tpu.memory_space<vmem>>, vector<1x400x16xf32>
    %get3A_8 = vector.shape_cast %get3A_7 : vector<1x400x16xf32> to vector<400x16xf32>
    %add3A = arith.addf %get3A_3, %get3A_8 : vector<400x16xf32>
    %slice3A = vector.extract_strided_slice %add3A {offsets = [0, 0], sizes = [400, 1], strides = [1, 1]} : vector<400x16xf32> to vector<400x1xf32>
    %max3A = arith.constant 1.000000e+00 : f32
    %max3A_9 = vector.broadcast %max3A : f32 to vector<400x1xf32>
    %max3A_10 = arith.maximumf %slice3A, %max3A_9 : vector<400x1xf32>
    %get3A_11 = arith.constant 0 : index
    %get3A_12 = arith.constant 0 : index
    %get3A_13 = arith.constant 0 : index
    %get3A_14 = vector.load %arg2[%get3A_11, %get3A_12, %get3A_13] : memref<2x400x128xf32, #tpu.memory_space<vmem>>, vector<1x400x128xf32>
    %get3A_15 = vector.shape_cast %get3A_14 : vector<1x400x128xf32> to vector<400x128xf32>
    %get3A_16 = arith.constant 1 : index
    %get3A_17 = arith.constant 0 : index
    %get3A_18 = arith.constant 0 : index
    %get3A_19 = vector.load %arg2[%get3A_16, %get3A_17, %get3A_18] : memref<2x400x128xf32, #tpu.memory_space<vmem>>, vector<1x400x128xf32>
    %get3A_20 = vector.shape_cast %get3A_19 : vector<1x400x128xf32> to vector<400x128xf32>
    %add3A_21 = arith.addf %get3A_15, %get3A_20 : vector<400x128xf32>
    %div3A = vector.broadcast %max3A_10 : vector<400x1xf32> to vector<400x128xf32>
    %div3A_22 = arith.divf %add3A_21, %div3A : vector<400x128xf32>
    %get3A_23 = arith.constant 0 : index
    %get3A_24 = arith.constant 0 : index
    %get3A_25 = vector.load %arg4[%get3A_23, %get3A_24] : memref<128x256xf32, #tpu.memory_space<vmem>>, vector<128x256xf32>
    %dot_general3A = arith.constant dense<0.000000e+00> : vector<400x256xf32>
    %dot_general3A_26 = tpu.matmul %div3A_22, %get3A_25, %dot_general3A {dimension_numbers = #tpu.dot_dimension_numbers<[1], [0], [0], [1], [0, 0, 1, 1], [], []>, transpose_lhs_hint = false} : vector<400x128xf32>, vector<128x256xf32>, vector<400x256xf32> -> vector<400x256xf32>
    %get3A_27 = arith.constant 0 : index
    %get3A_28 = arith.constant 0 : index
    %get3A_29 = vector.load %arg1[%get3A_27, %get3A_28] : memref<400x128xf32, #tpu.memory_space<vmem>>, vector<400x128xf32>
    %get3A_30 = arith.constant 0 : index
    %get3A_31 = arith.constant 0 : index
    %get3A_32 = vector.load %arg6[%get3A_30, %get3A_31] : memref<128x256xf32, #tpu.memory_space<vmem>>, vector<128x256xf32>
    %dot_general3A_33 = arith.constant dense<0.000000e+00> : vector<400x256xf32>
    %dot_general3A_34 = tpu.matmul %get3A_29, %get3A_32, %dot_general3A_33 {dimension_numbers = #tpu.dot_dimension_numbers<[1], [0], [0], [1], [0, 0, 1, 1], [], []>, transpose_lhs_hint = false} : vector<400x128xf32>, vector<128x256xf32>, vector<400x256xf32> -> vector<400x256xf32>
    %add3A_35 = arith.addf %dot_general3A_26, %dot_general3A_34 : vector<400x256xf32>
    %get3A_36 = arith.constant 0 : index
    %get3A_37 = arith.constant 0 : index
    %get3A_38 = vector.load %arg5[%get3A_36, %get3A_37] : memref<1x256xf32, #tpu.memory_space<vmem>>, vector<1x256xf32>
    %add3A_39 = vector.broadcast %get3A_38 : vector<1x256xf32> to vector<400x256xf32>
    %add3A_40 = arith.addf %add3A_35, %add3A_39 : vector<400x256xf32>
    %max3A_41 = arith.constant 0.000000e+00 : f32
    %max3A_42 = vector.broadcast %max3A_41 : f32 to vector<400x256xf32>
    %max3A_43 = arith.maximumf %add3A_40, %max3A_42 : vector<400x256xf32>
    %swap3A = arith.constant 0 : index
    %swap3A_44 = arith.constant 0 : index
    %swap3A_45 = vector.load %arg8[%swap3A, %swap3A_44] : memref<400x256xf32, #tpu.memory_space<vmem>>, vector<400x256xf32>
    tpu.vector_store %arg8[%swap3A, %swap3A_44], %max3A_43 {strides = array<i32>} : memref<400x256xf32, #tpu.memory_space<vmem>>, vector<400x256xf32>,
    %get3A_46 = arith.constant 0 : index
    %get3A_47 = arith.constant 0 : index
    %get3A_48 = vector.load %arg7[%get3A_46, %get3A_47] : memref<256x128xf32, #tpu.memory_space<vmem>>, vector<256x128xf32>
    %dot_general3A_49 = arith.constant dense<0.000000e+00> : vector<400x128xf32>
    %dot_general3A_50 = tpu.matmul %max3A_43, %get3A_48, %dot_general3A_49 {dimension_numbers = #tpu.dot_dimension_numbers<[1], [0], [0], [1], [0, 0, 1, 1], [], []>, transpose_lhs_hint = false} : vector<400x256xf32>, vector<256x128xf32>, vector<400x128xf32> -> vector<400x128xf32>
    %swap3A_51 = arith.constant 0 : index
    %swap3A_52 = arith.constant 0 : index
    %swap3A_53 = vector.load %arg9[%swap3A_51, %swap3A_52] : memref<400x128xf32, #tpu.memory_space<vmem>>, vector<400x128xf32>
    tpu.vector_store %arg9[%swap3A_51, %swap3A_52], %dot_general3A_50 {strides = array<i32>} : memref<400x128xf32, #tpu.memory_space<vmem>>, vector<400x128xf32>,
    return
  }
  func.func @transform_0(%arg0: i32) -> (i32, i32) {
    %c0_i32 = arith.constant 0 : i32
    %c0_i32_0 = arith.constant 0 : i32
    return %arg0, %c0_i32 : i32, i32
  }
  func.func @transform_1(%arg0: i32) -> (i32, i32, i32) {
    %c0_i32 = arith.constant 0 : i32
    %c0_i32_0 = arith.constant 0 : i32
    %c0_i32_1 = arith.constant 0 : i32
    return %c0_i32, %arg0, %c0_i32_0 : i32, i32, i32
  }
  func.func @transform_2(%arg0: i32) -> (i32, i32, i32) {
    %c0_i32 = arith.constant 0 : i32
    %c0_i32_0 = arith.constant 0 : i32
    %c0_i32_1 = arith.constant 0 : i32
    return %c0_i32, %arg0, %c0_i32_0 : i32, i32, i32
  }
  func.func @transform_3(%arg0: i32) -> (i32, i32) {
    %c0_i32 = arith.constant 0 : i32
    %c0_i32_0 = arith.constant 0 : i32
    %c0_i32_1 = arith.constant 0 : i32
    return %c0_i32, %c0_i32_0 : i32, i32
  }
  func.func @transform_4(%arg0: i32) -> (i32, i32) {
    %c0_i32 = arith.constant 0 : i32
    %c0_i32_0 = arith.constant 0 : i32
    %c0_i32_1 = arith.constant 0 : i32
    return %c0_i32, %c0_i32_0 : i32, i32
  }
  func.func @transform_5(%arg0: i32) -> (i32, i32) {
    %c0_i32 = arith.constant 0 : i32
    %c0_i32_0 = arith.constant 0 : i32
    %c0_i32_1 = arith.constant 0 : i32
    return %c0_i32, %c0_i32_0 : i32, i32
  }
  func.func @transform_6(%arg0: i32) -> (i32, i32) {
    %c0_i32 = arith.constant 0 : i32
    %c0_i32_0 = arith.constant 0 : i32
    %c0_i32_1 = arith.constant 0 : i32
    return %c0_i32, %c0_i32_0 : i32, i32
  }
  func.func @transform_7(%arg0: i32) -> (i32, i32) {
    %c0_i32 = arith.constant 0 : i32
    %c0_i32_0 = arith.constant 0 : i32
    return %arg0, %c0_i32 : i32, i32
  }
  func.func @transform_8(%arg0: i32) -> (i32, i32) {
    %c0_i32 = arith.constant 0 : i32
    %c0_i32_0 = arith.constant 0 : i32
    return %arg0, %c0_i32 : i32, i32
  }
}

module attributes {stable_mosaic.version = 14 : i64} {
  func.func @_tc2_body(%arg0: i32, %arg1: memref<400x256xf32, #tpu.memory_space<vmem>>, %arg2: memref<2x400x128xf32, #tpu.memory_space<vmem>>, %arg3: memref<2x400x16xf32, #tpu.memory_space<vmem>>, %arg4: memref<256x128xf32, #tpu.memory_space<vmem>>, %arg5: memref<1x128xf32, #tpu.memory_space<vmem>>, %arg6: memref<400x128xf32, #tpu.memory_space<vmem>>) attributes {dimension_semantics = [#tpu.dimension_semantics<arbitrary>], iteration_bounds = array<i64: 25>, scalar_prefetch = 0 : i64, scratch_operands = 0 : i64, tpu.core_type = #tpu.core_type<tc>, window_params = [{transform_indices = @transform_0, window_bounds = array<i64: 400, 256>}, {transform_indices = @transform_1, window_bounds = array<i64: 2, 400, 128>}, {transform_indices = @transform_2, window_bounds = array<i64: 2, 400, 16>}, {pipeline_mode = #tpu.pipeline_mode<synchronous>, transform_indices = @transform_3, window_bounds = array<i64: 256, 128>}, {pipeline_mode = #tpu.pipeline_mode<synchronous>, transform_indices = @transform_4, window_bounds = array<i64: 1, 128>}, {transform_indices = @transform_5, window_bounds = array<i64: 400, 128>}]} {
    %get3A = arith.constant 0 : index
    %get3A_0 = arith.constant 0 : index
    %get3A_1 = arith.constant 0 : index
    %get3A_2 = vector.load %arg3[%get3A, %get3A_0, %get3A_1] : memref<2x400x16xf32, #tpu.memory_space<vmem>>, vector<1x400x16xf32>
    %get3A_3 = vector.shape_cast %get3A_2 : vector<1x400x16xf32> to vector<400x16xf32>
    %get3A_4 = arith.constant 1 : index
    %get3A_5 = arith.constant 0 : index
    %get3A_6 = arith.constant 0 : index
    %get3A_7 = vector.load %arg3[%get3A_4, %get3A_5, %get3A_6] : memref<2x400x16xf32, #tpu.memory_space<vmem>>, vector<1x400x16xf32>
    %get3A_8 = vector.shape_cast %get3A_7 : vector<1x400x16xf32> to vector<400x16xf32>
    %add3A = arith.addf %get3A_3, %get3A_8 : vector<400x16xf32>
    %slice3A = vector.extract_strided_slice %add3A {offsets = [0, 0], sizes = [400, 1], strides = [1, 1]} : vector<400x16xf32> to vector<400x1xf32>
    %max3A = arith.constant 1.000000e+00 : f32
    %max3A_9 = vector.broadcast %max3A : f32 to vector<400x1xf32>
    %max3A_10 = arith.maximumf %slice3A, %max3A_9 : vector<400x1xf32>
    %get3A_11 = arith.constant 0 : index
    %get3A_12 = arith.constant 0 : index
    %get3A_13 = arith.constant 0 : index
    %get3A_14 = vector.load %arg2[%get3A_11, %get3A_12, %get3A_13] : memref<2x400x128xf32, #tpu.memory_space<vmem>>, vector<1x400x128xf32>
    %get3A_15 = vector.shape_cast %get3A_14 : vector<1x400x128xf32> to vector<400x128xf32>
    %get3A_16 = arith.constant 1 : index
    %get3A_17 = arith.constant 0 : index
    %get3A_18 = arith.constant 0 : index
    %get3A_19 = vector.load %arg2[%get3A_16, %get3A_17, %get3A_18] : memref<2x400x128xf32, #tpu.memory_space<vmem>>, vector<1x400x128xf32>
    %get3A_20 = vector.shape_cast %get3A_19 : vector<1x400x128xf32> to vector<400x128xf32>
    %add3A_21 = arith.addf %get3A_15, %get3A_20 : vector<400x128xf32>
    %div3A = vector.broadcast %max3A_10 : vector<400x1xf32> to vector<400x128xf32>
    %div3A_22 = arith.divf %add3A_21, %div3A : vector<400x128xf32>
    %get3A_23 = arith.constant 0 : index
    %get3A_24 = arith.constant 0 : index
    %get3A_25 = vector.load %arg1[%get3A_23, %get3A_24] : memref<400x256xf32, #tpu.memory_space<vmem>>, vector<400x256xf32>
    %get3A_26 = arith.constant 0 : index
    %get3A_27 = arith.constant 0 : index
    %get3A_28 = vector.load %arg4[%get3A_26, %get3A_27] : memref<256x128xf32, #tpu.memory_space<vmem>>, vector<256x128xf32>
    %dot_general3A = arith.constant dense<0.000000e+00> : vector<400x128xf32>
    %dot_general3A_29 = tpu.matmul %get3A_25, %get3A_28, %dot_general3A {dimension_numbers = #tpu.dot_dimension_numbers<[1], [0], [0], [1], [0, 0, 1, 1], [], []>, transpose_lhs_hint = false} : vector<400x256xf32>, vector<256x128xf32>, vector<400x128xf32> -> vector<400x128xf32>
    %add3A_30 = arith.addf %div3A_22, %dot_general3A_29 : vector<400x128xf32>
    %get3A_31 = arith.constant 0 : index
    %get3A_32 = arith.constant 0 : index
    %get3A_33 = vector.load %arg5[%get3A_31, %get3A_32] : memref<1x128xf32, #tpu.memory_space<vmem>>, vector<1x128xf32>
    %add3A_34 = vector.broadcast %get3A_33 : vector<1x128xf32> to vector<400x128xf32>
    %add3A_35 = arith.addf %add3A_30, %add3A_34 : vector<400x128xf32>
    %swap3A = arith.constant 0 : index
    %swap3A_36 = arith.constant 0 : index
    %swap3A_37 = vector.load %arg6[%swap3A, %swap3A_36] : memref<400x128xf32, #tpu.memory_space<vmem>>, vector<400x128xf32>
    tpu.vector_store %arg6[%swap3A, %swap3A_36], %add3A_35 {strides = array<i32>} : memref<400x128xf32, #tpu.memory_space<vmem>>, vector<400x128xf32>,
    return
  }
  func.func @transform_0(%arg0: i32) -> (i32, i32) {
    %c0_i32 = arith.constant 0 : i32
    %c0_i32_0 = arith.constant 0 : i32
    return %arg0, %c0_i32 : i32, i32
  }
  func.func @transform_1(%arg0: i32) -> (i32, i32, i32) {
    %c0_i32 = arith.constant 0 : i32
    %c0_i32_0 = arith.constant 0 : i32
    %c0_i32_1 = arith.constant 0 : i32
    return %c0_i32, %arg0, %c0_i32_0 : i32, i32, i32
  }
  func.func @transform_2(%arg0: i32) -> (i32, i32, i32) {
    %c0_i32 = arith.constant 0 : i32
    %c0_i32_0 = arith.constant 0 : i32
    %c0_i32_1 = arith.constant 0 : i32
    return %c0_i32, %arg0, %c0_i32_0 : i32, i32, i32
  }
  func.func @transform_3(%arg0: i32) -> (i32, i32) {
    %c0_i32 = arith.constant 0 : i32
    %c0_i32_0 = arith.constant 0 : i32
    %c0_i32_1 = arith.constant 0 : i32
    return %c0_i32, %c0_i32_0 : i32, i32
  }
  func.func @transform_4(%arg0: i32) -> (i32, i32) {
    %c0_i32 = arith.constant 0 : i32
    %c0_i32_0 = arith.constant 0 : i32
    %c0_i32_1 = arith.constant 0 : i32
    return %c0_i32, %c0_i32_0 : i32, i32
  }
  func.func @transform_5(%arg0: i32) -> (i32, i32) {
    %c0_i32 = arith.constant 0 : i32
    %c0_i32_0 = arith.constant 0 : i32
    return %arg0, %c0_i32 : i32, i32
  }
}

</mosaic_0001>

<sc_bundles>
// kernel: kernel.10.cloned.1.call-start
scs
__scs_entry_jumppad:
0x0: {  	(pc) =	sbr.rel $0x88, $3  }
0x1: {  	(tag) =	ssettag $0x0;
	lr =	simm.s32 $0x1  }
0x2: {  	[smem:$0x3F99] =	sst lr;
	_ =	strace $0xD0000000  }
0x3: {  	_ = 	snop  }
0x4: {  	_ = 	snop  }
0x5: {  	_ = 	snop  }
0x6: {  	_ = 	snop  }
0x7: {  	_ = 	snop  }
__scs_overlays_trampoline_lowered:
0x8: {  	[smem:$0x3FA8] =	sst s0  }
0x9: {  	[smem:$0x3FA9] =	sst s1  }
0xa: {  	[smem:$0x3FAA] =	sst s2  }
0xb: {  	[smem:$0x3FAB] =	sst s3  }
0xc: {  	[smem:$0x3FAC] =	sst s4  }
0xd: {  	[smem:$0x3FAD] =	sst s5  }
0xe: {  	[smem:$0x3FAE] =	sst s6  }
0xf: {  	[smem:$0x3FAF] =	sst s7  }
0x10: {  	[smem:$0x3FB0] =	sst s8  }
0x11: {  	[smem:$0x3FB1] =	sst s9;
	s0 =	simm.s32 @!p0 $0x0  }
0x12: {  	s1 =	sld [smem:$0x3F97];
	s0 =	simm.s32 @p0 $0x1  }
0x13: {  	[smem:$0x3FB2] =	sst s0;
	s0 =	simm.s32 @!p1 $0x0  }
0x14: {  	s2 =	sld [smem:$0x3F96];
	s0 =	simm.s32 @p1 $0x1  }
0x15: {  	[smem:$0x3FB3] =	sst s0;
	s0 =	simm.s32 @!p2 $0x0  }
0x16: {  	s3 =	sld [smem:$0x3FDB];
	s0 =	simm.s32 @p2 $0x1  }
0x17: {  	s4 =	simm.s32 $0x1BF5;
	[smem:$0x3FB5] =	sst s0  }
0x18: {  	s0 =	sld [smem:$0x3F98];
	_ =	swait.ge [sflag:s4], $0x0  }
0x19: {  	s7 =	sld [smem:$0x3F99]  }
0x1a: {  	s8 =	sadd.s32 $0xFFFFE003, lr  }
0x1b: {  	s9 =	sadd.s32 $0xFFFFFEF7, lr;
	s5 =	simm.s32 $0xFFFFFFFF;
	p2 =	slt.u32 s8, $0xFFFFF086  }
0x1c: {  	p1 =	slt.u32 s9, $0xF7A;
	s5 =	simm.s32 @!p2 $0x0  }
0x1d: {  	s5 =	simm.s32 @p1 $0x1;
	p0 =	seq.s32 s7, s2  }
0x1e: {  	s7 =	smul.u32 @!p0 $0xF7A, s2;
	p2 =	seq.s32 @!p0 s5, $0x0  }
0x1f: {  	s9 =	smul.u32 $0xF7A, s1;
	s8 =	simm.s32 @!p0 $0x1BF5;
	p2 =	por !p2, p0  }
0x20: {  	[sflag:s8] =	ssyncset.s32 @!p0 $0xFFFFF086;
	s6 =	sadd.s32 @!p0 s3, s7;
	s7 =	simm.s32 @!p0 $0x108  }
0x21: {  	s3 =	sadd.s32 s3, s9;
	s6 =	sadd.s32 @!p0 $0x88, s6;
	s7 =	simm.s32 @p2 $0x1082  }
0x22: {  	[simem:s7], [sflag:s8] =	dma.local @!p0 [hbm:s6], $0xF7A  }
0x23: {  	s9 =	sor.u32 $0xD0000000, s2;
	s6 =	simm.s32 $0x108;
	_ =	swait.ge @!p0 [sflag:s8], $0x0  }
0x24: {  	s3 =	sadd.s32 $0x88, s3;
	s6 =	simm.s32 @!p1 $0x1082;
	[sflag:s4] =	ssyncset.s32 $0xFFFFF086  }
0x25: {  	[simem:s6], [sflag:s4] =	dma.local [hbm:s3], $0xF7A  }
0x26: {  	[smem:$0x3F99] =	sst s1;
	(tag) =	ssettag s2;
	_ =	strace s9  }
0x27: {  	s1 =	sld [smem:$0x3FA9]  }
0x28: {  	s2 =	sld [smem:$0x3FAA]  }
0x29: {  	s4 =	sld [smem:$0x3FAC]  }
0x2a: {  	p0 =	seq.s32 s5, $0x0;
	s5 =	sld [smem:$0x3FAD]  }
0x2b: {  	s6 =	sld [smem:$0x3FAE]  }
0x2c: {  	s7 =	sld [smem:$0x3FAF]  }
0x2d: {  	s3 =	simm.s32 $0x108;
	s8 =	sld [smem:$0x3FB0]  }
0x2e: {  	s3 =	simm.s32 @!p0 $0x1082;
	s9 =	sld [smem:$0x3FB1]  }
0x2f: {  	lr =	sadd.s32 s0, s3;
	s0 =	sld [smem:$0x3FA8]  }
0x30: {  	s3 =	sld [smem:$0x3FAB]  }
0x31: {  	[smem:$0x3FB4] =	sst s10  }
0x32: {  	s10 =	sld [smem:$0x3FB2];
	_ =	sdelay $0x3  }
0x33: {  	p0 =	seq.s32 s10, $0x1;
	s10 =	sld [smem:$0x3FB4];
	_ =	sdelay $0x3  }
0x34: {  	[smem:$0x3FB4] =	sst s10  }
0x35: {  	s10 =	sld [smem:$0x3FB3];
	_ =	sdelay $0x3  }
0x36: {  	p1 =	seq.s32 s10, $0x1;
	s10 =	sld [smem:$0x3FB4];
	_ =	sdelay $0x3  }
0x37: {  	[smem:$0x3FB4] =	sst s10  }
0x38: {  	s10 =	sld [smem:$0x3FB5]  }
0x39: {  	_ = 	snop;
	(pc) =	sbr.ind lr, $3  }
0x3a: {  	_ = 	snop  }
0x3b: {  	_ = 	snop  }
0x3c: {  	p2 =	seq.s32 s10, $0x1;
	s10 =	sld [smem:$0x3FB4]  }
0x3d: {  	_ =	shalt  }
0x3e: {  	_ =	shalt  }
0x3f: {  	_ =	shalt  }
0x40: {  	_ =	shalt  }
0x41: {  	_ =	shalt  }
0x42: {  	_ =	shalt  }
0x43: {  	_ =	shalt  }
0x44: {  	_ =	shalt  }
0x45: {  	_ =	shalt  }
0x46: {  	_ =	shalt  }
0x47: {  	_ =	shalt  }
0x48: {  	_ =	shalt  }
0x49: {  	_ =	shalt  }
0x4a: {  	_ =	shalt  }
0x4b: {  	_ =	shalt  }
0x4c: {  	_ =	shalt  }
0x4d: {  	_ =	shalt  }
0x4e: {  	_ =	shalt  }
0x4f: {  	_ =	shalt  }
0x50: {  	_ =	shalt  }
0x51: {  	_ =	shalt  }
0x52: {  	_ =	shalt  }
0x53: {  	_ =	shalt  }
0x54: {  	_ =	shalt  }
0x55: {  	_ =	shalt  }
0x56: {  	_ =	shalt  }
0x57: {  	_ =	shalt  }
0x58: {  	_ =	shalt  }
0x59: {  	_ =	shalt  }
0x5a: {  	_ =	shalt  }
0x5b: {  	_ =	shalt  }
0x5c: {  	_ =	shalt  }
0x5d: {  	_ =	shalt  }
0x5e: {  	_ =	shalt  }
0x5f: {  	_ =	shalt  }
0x60: {  	_ =	shalt  }
0x61: {  	_ =	shalt  }
0x62: {  	_ =	shalt  }
0x63: {  	_ =	shalt  }
0x64: {  	_ =	shalt  }
0x65: {  	_ =	shalt  }
0x66: {  	_ =	shalt  }
0x67: {  	_ =	shalt  }
0x68: {  	_ =	shalt  }
0x69: {  	_ =	shalt  }
0x6a: {  	_ =	shalt  }
0x6b: {  	_ =	shalt  }
0x6c: {  	_ =	shalt  }
0x6d: {  	_ =	shalt  }
0x6e: {  	_ =	shalt  }
0x6f: {  	_ =	shalt  }
0x70: {  	_ =	shalt  }
0x71: {  	_ =	shalt  }
0x72: {  	_ =	shalt  }
0x73: {  	_ =	shalt  }
0x74: {  	_ =	shalt  }
0x75: {  	_ =	shalt  }
0x76: {  	_ =	shalt  }
0x77: {  	_ =	shalt  }
0x78: {  	_ =	shalt  }
0x79: {  	_ =	shalt  }
0x7a: {  	_ =	shalt  }
0x7b: {  	_ =	shalt  }
0x7c: {  	_ =	shalt  }
0x7d: {  	_ =	shalt  }
0x7e: {  	_ =	shalt  }
0x7f: {  	_ =	shalt  }
0x80: {  	_ =	shalt  }
0x81: {  	_ =	shalt  }
0x82: {  	_ =	shalt  }
0x83: {  	_ =	shalt  }
0x84: {  	_ =	shalt  }
0x85: {  	_ =	shalt  }
0x86: {  	_ =	shalt  }
0x87: {  	_ =	shalt  }
.Lfunc_end0:
.L_simem_size_0:
called_computation.1_lowered:
.L_overlay_start_0:
0x88: {  	s2 =	sld [smem:$0x3FD9]  }
0x89: {  	s3 =	sld [smem:$0x3FFE];
	_ =	sdelay $0x1  }
0x8a: {  	s1 =	srdreg.scid  }
0x8b: {  	s0 =	sand.u32 $0x1, s1  }
0x8c: {  	s17 =	sshll.u32 s0, $0xA;
	s2 =	sadd.s32 s3, s2  }
0x8d: {  	s2 =	sadd.s32 s2, s17  }
0x8e: {  	[smem:$0x3FC0] =	sst s2  }
0x8f: {  	_ = 	snop  }
0x90: {  	s2 =	sld [smem:$0x3FD0];
	(tm) =	ssettm $0x1  }
0x91: {  	s18 =	sld [smem:$0x3FFB];
	_ =	sdelay $0x3  }
0x92: {  	_ =	strace s18  }
0x93: {  	s3 =	sld [smem:$0x3FFC];
	_ =	sdelay $0x3  }
0x94: {  	_ =	strace s3  }
0x95: {  	s3 =	sld [smem:$0x3FFD];
	_ =	sdelay $0x3  }
0x96: {  	_ =	strace s3  }
0x97: {  	_ =	strace $0x8FFFFFFF  }
0x98: {  	s19 =	sld [smem:$0x3FDB];
	_ =	sdelay $0x1  }
0x99: {  	s4 =	simm.s32 $_scs_section_size  }
0x9a: {  	s5 =	simm.s32 $_size__tile_overlayer_lowered;
	s6 =	simm.s32 $_tile_overlayer_lowered  }
0x9b: {  	s22 =	simm.s32 $0x1BFF;
	s21 =	sshll.u32 s6, $0x1;
	s3 =	sadd.s32 s4, s19  }
0x9c: {  	s7 =	simm.s32 $0x0;
	s20 =	sshll.u32 s5, $0x1;
	s5 =	sadd.s32 s21, s3  }
0x9d: {  	[timem:s7], [sflag:s22] =	dma.local [hbm:s5], s20  }
0x9e: {  	_ =	swait.ge [sflag:s22], s20  }
0x9f: {  	s4 =	ssub.s32 $0x0, s20;
	[sflag:s22] =	ssyncset.done $0x0  }
0xa0: {  	[sflag:s22] =	ssyncadd.s32 s4;
	_ =	sdelay $0x1  }
0xa1: {  	s23 =	simm.s32 $0x1B8B  }
0xa2: {  	_ =	swait.ge [sflag:s23], $0x1  }
0xa3: {  	[sflag:s23] =	ssyncset.done $0x0  }
0xa4: {  	s25 =	simm.s32 $0x1B8E;
	s24 =	sld [smem:$0x3FFE];
	[sflag:s23] =	ssyncadd.s32 $0xFFFFFFFF  }
0xa5: {  	s26 =	simm.s32 $execute0_lowered;
	[smem:$0x3FD2] =	sst s25  }
0xa6: {  	s5 =	sshll.u32 s26, $0x1;
	_ =	strace $0x80000046;
	[dreg:$0x1] =	wrdreg $0xFFFFFFFF  }
0xa7: {  	s28 =	simm.s32 $_size_execute0_lowered;
	s3 =	sadd.s32 s3, s5;
	[dreg:$0x0] =	wrdreg $0x0  }
0xa8: {  	s5 =	sshll.u32 s28, $0x1;
	[dreg:$0x2] =	wrdreg s3  }
0xa9: {  	[dreg:$0x3] =	wrdreg s5  }
0xaa: {  	[dreg:$0x4] =	wrdreg $0xC0  }
0xab: {  	_ =	task [dreg:s7], $0x5FFFF  }
0xac: {  	[dreg:$0x1] =	wrdreg $0xFFFFFFFF  }
0xad: {  	[dreg:$0x0] =	wrdreg $0x60  }
0xae: {  	[dreg:$0x2] =	wrdreg s24  }
0xaf: {  	[dreg:$0x3] =	wrdreg s2  }
0xb0: {  	[dreg:$0x4] =	wrdreg $0x0  }
0xb1: {  	[dreg:$0x5] =	wrdreg $0xA  }
0xb2: {  	_ =	task.clear_ibuf [dreg:s7], $0x6FFFF;
	_ =	strace $0x90000046  }
0xb3: {  	s29 =	simm.s32 $0xA;
	_ =	strace $0x80000048  }
0xb4: {  	_ =	swait.ge [sflag:s29], $0x1  }
0xb5: {  	[sflag:s29] =	ssyncadd.s32 $0xFFFFFFFF  }
0xb6: {  	_ =	strace $0x90000048  }
0xb7: {  	_ =	sfence  }
0xb8: {  	s30 =	sld [smem:$0x0];
	_ =	sdelay $0x2  }
0xb9: {  	s31 =	sshll.u32 s1, $0xD;
	s1 =	sshrl.u32 s1, $0x2  }
0xba: {  	s3 =	sand.u32 $0x4000, s31;
	s1 =	sadd.s32 s1, s30  }
0xbb: {  	s0 =	sor.u32 s3, s0;
	s1 =	sshll.u32 s1, $0x11  }
0xbc: {  	s0 =	sor.u32 s1, s0  }
0xbd: {  	s0 =	sadd.s32 $0x8F2B, s0  }
0xbe: {  	[sflag:s0] =	ssyncadd.remote.s32 $0x1  }
0xbf: {  	_ =	sfence.sel $0xFFFF  }
0xc0: {  	[dreg:$0x0] =	wrdreg $0xFFFFFFFF;
	(pc) =	sbr.abs _section_cstart, $3  }
0xc1: {  	[dreg:$0x1] =	wrdreg $0xFFFFFFFF  }
0xc2: {  	_ =	task.clear_ibuf [dreg:s7], $0x2FFFF;
	_ =	strace $0x9FFFFFFF  }
0xc3: {  	(tm) =	ssettm $0x7FFFFFFF  }
tec
execute0_lowered:
.L_overlay_start_1:
0x0: {  	(tag) =	ssettag $0x1  }
0x1: {  	s0 =	rddreg [dreg:$0x0]  }
0x2: {  	s3 =	rddreg [dreg:$0x1]  }
0x3: {  	s1 =	rddreg [dreg:$0x2]  }
0x4: {  	s2 =	simm.s32 $0x0;
	s4 =	srdreg.scid;
	s10 =	stileid.u32  }
0x5: {  	s28 =	simm.s32 $0x2;
	s29 =	simm.s32 $0x5;
	s30 =	simm.s32 $0x3  }
0x6: {  	s31 =	simm.s32 $0x6;
	[smem:$0x7FF] =	sst s2;
	s5 =	sadd.s32 $0x2600, s0  }
0x7: {  	s4 =	sand.u32 $0x1, s4;
	s6 =	sadd.s32 $0x16000, s0;
	s7 =	smul.u32 $0xA000, s10  }
0x8: {  	s0 =	sadd.s32 $0x16600, s0;
	s12 =	smul.u32 $0x500, s10;
	s18 =	sshll.u32 s10, $0x6  }
0x9: {  	s14 =	smul.u32 $0x2710, s10;
	_ =	strace $0x80000047;
	[dreg:$0x4] =	wrdreg s6  }
0xa: {  	s16 =	sshll.u32 s4, $0x4;
	[dreg:$0x5] =	wrdreg s0;
	s11 =	smul.u32 $0x27100, s4  }
0xb: {  	s17 =	ssub.s32 $0x2, s4;
	s4 =	smul.u32 $0x5000, s4;
	s6 =	sor.u32 s10, s16  }
0xc: {  	s8 =	sshrl.u32 s17, $0x1;
	s7 =	sshrl.u32 s7, $0x2;
	s6 =	smul.u32 $0x2710, s6  }
0xd: {  	s0 =	ssub.s32 s17, s8;
	s15 =	sadd.s32 s14, s11;
	s4 =	sadd.s32 s12, s4  }
0xe: {  	s7 =	sadd.s32 s7, s1;
	s14 =	sadd.s32 $0x4E430, s15;
	s12 =	sadd.s32 s3, s4  }
0xf: {  	s23 =	sadd.s32 $0x4E3E0, s15;
	s24 =	sadd.s32 $0x4E390, s15;
	s25 =	sadd.s32 $0x4E340, s15  }
0x10: {  	s4 =	simm.s32 $0x8;
	s9 =	sshrl.u32 s6, $0x3;
	s6 =	sor.u32 $0x1C09, s18  }
0x11: {  	s22 =	sshrl.u32 s14, $0x3;
	s3 =	sshrl.u32 s24, $0x3;
	s26 =	sshrl.u32 s25, $0x3  }
0x12: {  	s18 =	sshrl.u32 s7, $0x3;
	s24 =	simm.s32 $0x1;
	s25 =	simm.s32 $0x50  }
0x13: {  	s13 =	sadd.s32 s5, s9;
	s14 =	sadd.s32 s22, s5;
	s16 =	sadd.s32 s3, s5  }
0x14: {  	s17 =	sadd.s32 s26, s5;
	s22 =	simm.s32 $0x2850;
	s26 =	simm.s32 $0x28F0  }
0x15: {  	s3 =	simm.s32 $0x7;
	s19 =	sadd.s32 $0x9C40, s13;
	s20 =	sadd.s32 $0x9C4A, s13  }
0x16: {  	s21 =	sadd.s32 $0x9C54, s13;
	s10 =	sadd.s32 $0x9C5E, s13;
	[dreg:$0x6] =	wrdreg s19  }
0x17: {  	s11 =	sadd.s32 $0xA118, s13;
	s13 =	smax.u32 s0, $0x1;
	[dreg:$0x7] =	wrdreg s20  }
0x18: {  	s0 =	sshrl.u32 s23, $0x3;
	s23 =	simm.s32 $0x28A0;
	[dreg:$0x8] =	wrdreg s21  }
0x19: {  	s15 =	sadd.s32 s0, s5;
	s19 =	simm.s32 $0x9;
	s20 =	simm.s32 $0x2940  }
0x1a: {  	s21 =	simm.s32 $0x2800;
	s0 =	simm.s32 $0x4;
	s5 =	simm.s32 $0x0  }
.LBB2_1:
0x1b: {  	s7 =	rddreg [dreg:$0x4]  }
0x1c: {  	[spmem:s18], [sflag:s6] =	dma.local [hbm:s7], $0x500  }
0x1d: {  	_ =	swait.ge [sflag:s19], $0x500  }
0x1e: {  	[sflag:s19] =	ssyncset.done $0x0  }
0x1f: {  	s8 =	rddreg [dreg:$0x5];
	[sflag:s19] =	ssyncadd.s32 $0xFFFFFB00  }
0x20: {  	[tilespmem:s20], [sflag:$0x9] =	stream.linear.gather [hbm4b:s8+s2], $0x500, $0x38;
	[tilespmem:$0x2E40] =	vst v63  }
0x21: {  	_ =	swait.ge [sflag:s19], $0x500  }
0x22: {  	[sflag:s19] =	ssyncset.done $0x0  }
0x23: {  	[sflag:s19] =	ssyncadd.s32 $0xFFFFFB00  }
0x24: {  	[bflag:$0x0] =	sbarrier.arrive $0xFFFF  }
0x25: {  	s9 =	rddreg [dreg:$0x6]  }
0x26: {  	[tilespmem:s21], [sflag:$0x1] =	stream.linear.gather [hbm4b:s9+s2], $0x50, $0x38;
	[tilespmem:$0x2E40] =	vst v63  }
0x27: {  	s8 =	rddreg [dreg:$0x7]  }
0x28: {  	[tilespmem:s22], [sflag:$0x2] =	stream.linear.gather [hbm4b:s8+s2], $0x50, $0x38;
	[tilespmem:$0x2E40] =	vst v63  }
0x29: {  	s9 =	rddreg [dreg:$0x8]  }
0x2a: {  	[tilespmem:s23], [sflag:$0x3] =	stream.linear.gather [hbm4b:s9+s2], $0x50, $0x38;
	[tilespmem:$0x2E40] =	vst v63  }
0x2b: {  	_ =	swait.ge [sflag:s24], $0x50  }
0x2c: {  	[sflag:s24] =	ssyncset.done $0x0  }
0x2d: {  	[sflag:s24] =	ssyncadd.s32 $0xFFFFFFB0  }
0x2e: {  	[spmem:s1] =	stream.indirect.scatter.add.f32 [tilespmem:s20], [sflag:$0x5], $0x10, s21, s25, $0xb8;
	[tilespmem:$0x2E40] =	vst v63  }
0x2f: {  	_ = 	snop  }
0x30: {  	[tilespmem:s26], [sflag:$0x4] =	stream.linear.gather [hbm4b:s10+s2], $0x50, $0x38;
	[tilespmem:$0x2E40] =	vst v63  }
0x31: {  	_ =	swait.ge [sflag:s28], $0x50  }
0x32: {  	[sflag:s28] =	ssyncset.done $0x0  }
0x33: {  	[sflag:s28] =	ssyncadd.s32 $0xFFFFFFB0  }
0x34: {  	[spmem:s1] =	stream.indirect.scatter.add.f32 [tilespmem:s20], [sflag:$0x6], $0x10, s22, s25, $0xb8;
	[tilespmem:$0x2E40] =	vst v63  }
0x35: {  	_ =	swait.ge [sflag:s29], $0x500  }
0x36: {  	[sflag:s29] =	ssyncset.done $0x0  }
0x37: {  	s8 =	sadd.s32 $0x0, s17;
	[sflag:s29] =	ssyncadd.s32 $0xFFFFFB00  }
0x38: {  	[tilespmem:s21], [sflag:$0x1] =	stream.linear.gather [hbm4b:s8+s2], $0x50, $0x38;
	[tilespmem:$0x2E40] =	vst v63  }
0x39: {  	_ =	swait.ge [sflag:s30], $0x50  }
0x3a: {  	[sflag:s30] =	ssyncset.done $0x0  }
0x3b: {  	[sflag:s30] =	ssyncadd.s32 $0xFFFFFFB0  }
0x3c: {  	[spmem:s1] =	stream.indirect.scatter.add.f32 [tilespmem:s20], [sflag:$0x7], $0x10, s23, s25, $0xb8;
	[tilespmem:$0x2E40] =	vst v63  }
0x3d: {  	_ =	swait.ge [sflag:s31], $0x500  }
0x3e: {  	[sflag:s31] =	ssyncset.done $0x0  }
0x3f: {  	s9 =	sadd.s32 $0x0, s16;
	[sflag:s31] =	ssyncadd.s32 $0xFFFFFB00  }
0x40: {  	[tilespmem:s22], [sflag:$0x2] =	stream.linear.gather [hbm4b:s9+s2], $0x50, $0x38;
	[tilespmem:$0x2E40] =	vst v63  }
0x41: {  	_ =	swait.ge [sflag:s0], $0x50  }
0x42: {  	[sflag:s0] =	ssyncset.done $0x0  }
0x43: {  	[sflag:s0] =	ssyncadd.s32 $0xFFFFFFB0  }
0x44: {  	[spmem:s1] =	stream.indirect.scatter.add.f32 [tilespmem:s20], [sflag:$0x8], $0x10, s26, s25, $0xb8;
	[tilespmem:$0x2E40] =	vst v63  }
0x45: {  	_ =	swait.ge [sflag:s3], $0x500  }
0x46: {  	[sflag:s3] =	ssyncset.done $0x0  }
0x47: {  	s8 =	sadd.s32 $0x0, s15;
	[sflag:s3] =	ssyncadd.s32 $0xFFFFFB00  }
0x48: {  	[tilespmem:s23], [sflag:$0x3] =	stream.linear.gather [hbm4b:s8+s2], $0x50, $0x38;
	[tilespmem:$0x2E40] =	vst v63  }
0x49: {  	_ =	swait.ge [sflag:s24], $0x50  }
0x4a: {  	[sflag:s24] =	ssyncset.done $0x0  }
0x4b: {  	[sflag:s24] =	ssyncadd.s32 $0xFFFFFFB0  }
0x4c: {  	[spmem:s1] =	stream.indirect.scatter.add.f32 [tilespmem:s20], [sflag:$0x5], $0x10, s21, s25, $0xb8;
	[tilespmem:$0x2E40] =	vst v63  }
0x4d: {  	_ =	swait.ge [sflag:s4], $0x500  }
0x4e: {  	[sflag:s4] =	ssyncset.done $0x0  }
0x4f: {  	s9 =	sadd.s32 $0x0, s14;
	[sflag:s4] =	ssyncadd.s32 $0xFFFFFB00  }
0x50: {  	[tilespmem:s26], [sflag:$0x4] =	stream.linear.gather [hbm4b:s9+s2], $0x50, $0x38;
	[tilespmem:$0x2E40] =	vst v63  }
0x51: {  	_ =	swait.ge [sflag:s28], $0x50  }
0x52: {  	[sflag:s28] =	ssyncset.done $0x0  }
0x53: {  	s7 =	simm.s32 $0x28;
	[sflag:s28] =	ssyncadd.s32 $0xFFFFFFB0  }
.LBB2_2:
0x54: {  	[spmem:s1] =	stream.indirect.scatter.add.f32 [tilespmem:s20], [sflag:$0x6], $0x10, s22, s25, $0xb8;
	[tilespmem:$0x2E40] =	vst v63  }
0x55: {  	s8 =	smov.u32 s7  }
0x56: {  	p0 =	sne.s32 s7, $0x488;
	s7 =	sadd.s32 $0x28, s7;
	_ =	swait.ge [sflag:s29], $0x500  }
0x57: {  	[sflag:s29] =	ssyncset.done $0x0  }
0x58: {  	s9 =	sadd.s32 s8, s17;
	[sflag:s29] =	ssyncadd.s32 $0xFFFFFB00  }
0x59: {  	[tilespmem:s21], [sflag:$0x1] =	stream.linear.gather [hbm4b:s9+s2], $0x50, $0x38;
	[tilespmem:$0x2E40] =	vst v63  }
0x5a: {  	_ =	swait.ge [sflag:s30], $0x50  }
0x5b: {  	[sflag:s30] =	ssyncset.done $0x0  }
0x5c: {  	[sflag:s30] =	ssyncadd.s32 $0xFFFFFFB0  }
0x5d: {  	[spmem:s1] =	stream.indirect.scatter.add.f32 [tilespmem:s20], [sflag:$0x7], $0x10, s23, s25, $0xb8;
	[tilespmem:$0x2E40] =	vst v63  }
0x5e: {  	_ =	swait.ge [sflag:s31], $0x500  }
0x5f: {  	[sflag:s31] =	ssyncset.done $0x0  }
0x60: {  	s9 =	sadd.s32 s8, s16;
	[sflag:s31] =	ssyncadd.s32 $0xFFFFFB00  }
0x61: {  	[tilespmem:s22], [sflag:$0x2] =	stream.linear.gather [hbm4b:s9+s2], $0x50, $0x38;
	[tilespmem:$0x2E40] =	vst v63  }
0x62: {  	_ =	swait.ge [sflag:s0], $0x50  }
0x63: {  	[sflag:s0] =	ssyncset.done $0x0  }
0x64: {  	[sflag:s0] =	ssyncadd.s32 $0xFFFFFFB0  }
0x65: {  	[spmem:s1] =	stream.indirect.scatter.add.f32 [tilespmem:s20], [sflag:$0x8], $0x10, s26, s25, $0xb8;
	[tilespmem:$0x2E40] =	vst v63  }
0x66: {  	_ =	swait.ge [sflag:s3], $0x500  }
0x67: {  	[sflag:s3] =	ssyncset.done $0x0  }
0x68: {  	s9 =	sadd.s32 s8, s15;
	[sflag:s3] =	ssyncadd.s32 $0xFFFFFB00  }
0x69: {  	[tilespmem:s23], [sflag:$0x3] =	stream.linear.gather [hbm4b:s9+s2], $0x50, $0x38;
	[tilespmem:$0x2E40] =	vst v63  }
0x6a: {  	_ =	swait.ge [sflag:s24], $0x50  }
0x6b: {  	[sflag:s24] =	ssyncset.done $0x0  }
0x6c: {  	[sflag:s24] =	ssyncadd.s32 $0xFFFFFFB0  }
0x6d: {  	[spmem:s1] =	stream.indirect.scatter.add.f32 [tilespmem:s20], [sflag:$0x5], $0x10, s21, s25, $0xb8;
	[tilespmem:$0x2E40] =	vst v63  }
0x6e: {  	_ =	swait.ge [sflag:s4], $0x500  }
0x6f: {  	[sflag:s4] =	ssyncset.done $0x0  }
.Ltmp0:
0x70: {  	s8 =	sadd.s32 s8, s14;
	[sflag:s4] =	ssyncadd.s32 $0xFFFFFB00;
	(pc) =	sbr.rel @p0 .LBB2_2-.Ltmp0, $4  }
0x71: {  	[tilespmem:s26], [sflag:$0x4] =	stream.linear.gather [hbm4b:s8+s2], $0x50, $0x38;
	[tilespmem:$0x2E40] =	vst v63  }
0x72: {  	_ =	swait.ge [sflag:s28], $0x50  }
0x73: {  	[sflag:s28] =	ssyncset.done $0x0  }
0x74: {  	[sflag:s28] =	ssyncadd.s32 $0xFFFFFFB0  }
0x75: {  	[spmem:s1] =	stream.indirect.scatter.add.f32 [tilespmem:s20], [sflag:$0x6], $0x10, s22, s25, $0xb8;
	[tilespmem:$0x2E40] =	vst v63  }
0x76: {  	_ =	swait.ge [sflag:s29], $0x500  }
0x77: {  	[sflag:s29] =	ssyncset.done $0x0  }
0x78: {  	[sflag:s29] =	ssyncadd.s32 $0xFFFFFB00  }
0x79: {  	[tilespmem:s21], [sflag:$0x1] =	stream.linear.gather [hbm4b:s11+s2], $0x50, $0x38;
	[tilespmem:$0x2E40] =	vst v63  }
0x7a: {  	_ =	swait.ge [sflag:s30], $0x50  }
0x7b: {  	[sflag:s30] =	ssyncset.done $0x0  }
0x7c: {  	[sflag:s30] =	ssyncadd.s32 $0xFFFFFFB0  }
0x7d: {  	[spmem:s1] =	stream.indirect.scatter.add.f32 [tilespmem:s20], [sflag:$0x7], $0x10, s23, s25, $0xb8;
	[tilespmem:$0x2E40] =	vst v63  }
0x7e: {  	_ =	swait.ge [sflag:s0], $0x50  }
0x7f: {  	[sflag:s0] =	ssyncset.done $0x0  }
0x80: {  	[sflag:s0] =	ssyncadd.s32 $0xFFFFFFB0  }
0x81: {  	[spmem:s1] =	stream.indirect.scatter.add.f32 [tilespmem:s20], [sflag:$0x8], $0x10, s26, s25, $0xb8;
	[tilespmem:$0x2E40] =	vst v63  }
0x82: {  	_ =	swait.ge [sflag:s24], $0x50  }
0x83: {  	[sflag:s24] =	ssyncset.done $0x0  }
0x84: {  	[sflag:s24] =	ssyncadd.s32 $0xFFFFFFB0  }
0x85: {  	[spmem:s1] =	stream.indirect.scatter.add.f32 [tilespmem:s20], [sflag:$0x5], $0x10, s21, s25, $0xb8;
	[tilespmem:$0x2E40] =	vst v63  }
0x86: {  	_ =	swait.ge [sflag:s29], $0x500  }
0x87: {  	[sflag:s29] =	ssyncset.done $0x0  }
0x88: {  	[sflag:s29] =	ssyncadd.s32 $0xFFFFFB00  }
0x89: {  	_ =	swait.ge [sflag:s31], $0x500  }
0x8a: {  	[sflag:s31] =	ssyncset.done $0x0  }
0x8b: {  	[sflag:s31] =	ssyncadd.s32 $0xFFFFFB00  }
0x8c: {  	_ =	swait.ge [sflag:s3], $0x500  }
0x8d: {  	[sflag:s3] =	ssyncset.done $0x0  }
0x8e: {  	[sflag:s3] =	ssyncadd.s32 $0xFFFFFB00  }
0x8f: {  	_ =	swait.ge [sflag:s4], $0x500  }
0x90: {  	s5 =	sadd.s32 $0x1, s5;
	[sflag:s4] =	ssyncset.done $0x0  }
0x91: {  	p0 =	sne.s32 s5, s13;
	[sflag:s4] =	ssyncadd.s32 $0xFFFFFB00  }
.Ltmp1:
0x92: {  	[bflag:$0x0] =	sbarrier.arrive $0xFFFF;
	(pc) =	sbr.rel @p0 .LBB2_1-.Ltmp1, $4  }
0x93: {  	[hbm:s12], [sflag:s6] =	dma.local [spmem:s18], $0x500  }
0x94: {  	_ =	swait.ge [sflag:s19], $0x500  }
0x95: {  	[sflag:s19] =	ssyncset.done $0x0  }
0x96: {  	[sflag:s19] =	ssyncadd.s32 $0xFFFFFB00  }
0x97: {  	_ =	sfence.sel $0x180000  }
0x98: {  	[bflag:$0x0] =	sbarrier.arrive $0xFFFF  }
0x99: {  	_ =	strace $0x90000047  }
0x9a: {  	s0 =	stileid.u32;
	[bflag:$0x2] =	sbarrier.arrive $0xFFFF  }
0x9b: {  	p0 =	sne.s32 s0, $0x0;
	s0 =	rddreg [dreg:$0x3]  }
0x9c: {  	s0 =	sadd.s32 @!p0 $0x100000, s0  }
0x9d: {  	[sflag:s0] =	ssyncadd.tile.s32 @!p0 $0x1;
	_ =	shalt  }
.Lfunc_end2:
_tile_overlayer_lowered:
.L_overlay_start_2:
0x9e: {  	(tag) =	ssettag $0x2  }
0x9f: {  	s0 =	rddreg [dreg:$0x0];
	s2 =	stileid.u32  }
0xa0: {  	s1 =	rddreg [dreg:$0x1];
	p0 =	sne.s32 s2, $0x0  }
0xa1: {  	s3 =	rddreg [dreg:$0x2];
	[bflag:$0x3] =	sbarrier.arrive $0xFFFF;
	s2 =	simm.s32 @!p0 $0x1C09  }
0xa2: {  	[timem:s3], [sflag:s2] =	dma.local @!p0 [hbm:s0], s1  }
0xa3: {  	s0 =	simm.s32 @!p0 $0x9  }
0xa4: {  	_ =	swait.ge @!p0 [sflag:s0], s1  }
0xa5: {  	s1 =	ssub.s32 @!p0 $0x0, s1;
	[sflag:s0] =	ssyncset.done @!p0 $0x0  }
0xa6: {  	[sflag:s0] =	ssyncadd.s32 @!p0 s1  }
0xa7: {  	[bflag:$0x3] =	sbarrier.arrive $0xFFFF  }
0xa8: {  	_ =	shalt  }

// kernel: kernel.13.cloned.1.call-start
scs
__scs_entry_jumppad:
0x0: {  	(pc) =	sbr.rel $0x88, $3  }
0x1: {  	(tag) =	ssettag $0x0;
	lr =	simm.s32 $0x1  }
0x2: {  	[smem:$0x3F99] =	sst lr;
	_ =	strace $0xD0000000  }
0x3: {  	_ = 	snop  }
0x4: {  	_ = 	snop  }
0x5: {  	_ = 	snop  }
0x6: {  	_ = 	snop  }
0x7: {  	_ = 	snop  }
__scs_overlays_trampoline_lowered:
0x8: {  	[smem:$0x3FA8] =	sst s0  }
0x9: {  	[smem:$0x3FA9] =	sst s1  }
0xa: {  	[smem:$0x3FAA] =	sst s2  }
0xb: {  	[smem:$0x3FAB] =	sst s3  }
0xc: {  	[smem:$0x3FAC] =	sst s4  }
0xd: {  	[smem:$0x3FAD] =	sst s5  }
0xe: {  	[smem:$0x3FAE] =	sst s6  }
0xf: {  	[smem:$0x3FAF] =	sst s7  }
0x10: {  	[smem:$0x3FB0] =	sst s8  }
0x11: {  	[smem:$0x3FB1] =	sst s9;
	s0 =	simm.s32 @!p0 $0x0  }
0x12: {  	s1 =	sld [smem:$0x3F97];
	s0 =	simm.s32 @p0 $0x1  }
0x13: {  	[smem:$0x3FB2] =	sst s0;
	s0 =	simm.s32 @!p1 $0x0  }
0x14: {  	s2 =	sld [smem:$0x3F96];
	s0 =	simm.s32 @p1 $0x1  }
0x15: {  	[smem:$0x3FB3] =	sst s0;
	s0 =	simm.s32 @!p2 $0x0  }
0x16: {  	s3 =	sld [smem:$0x3FDB];
	s0 =	simm.s32 @p2 $0x1  }
0x17: {  	s4 =	simm.s32 $0x1BF5;
	[smem:$0x3FB5] =	sst s0  }
0x18: {  	s0 =	sld [smem:$0x3F98];
	_ =	swait.ge [sflag:s4], $0x0  }
0x19: {  	s7 =	sld [smem:$0x3F99]  }
0x1a: {  	s8 =	sadd.s32 $0xFFFFE003, lr  }
0x1b: {  	s9 =	sadd.s32 $0xFFFFFEF7, lr;
	s5 =	simm.s32 $0xFFFFFFFF;
	p2 =	slt.u32 s8, $0xFFFFF086  }
0x1c: {  	p1 =	slt.u32 s9, $0xF7A;
	s5 =	simm.s32 @!p2 $0x0  }
0x1d: {  	s5 =	simm.s32 @p1 $0x1;
	p0 =	seq.s32 s7, s2  }
0x1e: {  	s7 =	smul.u32 @!p0 $0xF7A, s2;
	p2 =	seq.s32 @!p0 s5, $0x0  }
0x1f: {  	s9 =	smul.u32 $0xF7A, s1;
	s8 =	simm.s32 @!p0 $0x1BF5;
	p2 =	por !p2, p0  }
0x20: {  	[sflag:s8] =	ssyncset.s32 @!p0 $0xFFFFF086;
	s6 =	sadd.s32 @!p0 s3, s7;
	s7 =	simm.s32 @!p0 $0x108  }
0x21: {  	s3 =	sadd.s32 s3, s9;
	s6 =	sadd.s32 @!p0 $0x88, s6;
	s7 =	simm.s32 @p2 $0x1082  }
0x22: {  	[simem:s7], [sflag:s8] =	dma.local @!p0 [hbm:s6], $0xF7A  }
0x23: {  	s9 =	sor.u32 $0xD0000000, s2;
	s6 =	simm.s32 $0x108;
	_ =	swait.ge @!p0 [sflag:s8], $0x0  }
0x24: {  	s3 =	sadd.s32 $0x88, s3;
	s6 =	simm.s32 @!p1 $0x1082;
	[sflag:s4] =	ssyncset.s32 $0xFFFFF086  }
0x25: {  	[simem:s6], [sflag:s4] =	dma.local [hbm:s3], $0xF7A  }
0x26: {  	[smem:$0x3F99] =	sst s1;
	(tag) =	ssettag s2;
	_ =	strace s9  }
0x27: {  	s1 =	sld [smem:$0x3FA9]  }
0x28: {  	s2 =	sld [smem:$0x3FAA]  }
0x29: {  	s4 =	sld [smem:$0x3FAC]  }
0x2a: {  	p0 =	seq.s32 s5, $0x0;
	s5 =	sld [smem:$0x3FAD]  }
0x2b: {  	s6 =	sld [smem:$0x3FAE]  }
0x2c: {  	s7 =	sld [smem:$0x3FAF]  }
0x2d: {  	s3 =	simm.s32 $0x108;
	s8 =	sld [smem:$0x3FB0]  }
0x2e: {  	s3 =	simm.s32 @!p0 $0x1082;
	s9 =	sld [smem:$0x3FB1]  }
0x2f: {  	lr =	sadd.s32 s0, s3;
	s0 =	sld [smem:$0x3FA8]  }
0x30: {  	s3 =	sld [smem:$0x3FAB]  }
0x31: {  	[smem:$0x3FB4] =	sst s10  }
0x32: {  	s10 =	sld [smem:$0x3FB2];
	_ =	sdelay $0x3  }
0x33: {  	p0 =	seq.s32 s10, $0x1;
	s10 =	sld [smem:$0x3FB4];
	_ =	sdelay $0x3  }
0x34: {  	[smem:$0x3FB4] =	sst s10  }
0x35: {  	s10 =	sld [smem:$0x3FB3];
	_ =	sdelay $0x3  }
0x36: {  	p1 =	seq.s32 s10, $0x1;
	s10 =	sld [smem:$0x3FB4];
	_ =	sdelay $0x3  }
0x37: {  	[smem:$0x3FB4] =	sst s10  }
0x38: {  	s10 =	sld [smem:$0x3FB5]  }
0x39: {  	_ = 	snop;
	(pc) =	sbr.ind lr, $3  }
0x3a: {  	_ = 	snop  }
0x3b: {  	_ = 	snop  }
0x3c: {  	p2 =	seq.s32 s10, $0x1;
	s10 =	sld [smem:$0x3FB4]  }
0x3d: {  	_ =	shalt  }
0x3e: {  	_ =	shalt  }
0x3f: {  	_ =	shalt  }
0x40: {  	_ =	shalt  }
0x41: {  	_ =	shalt  }
0x42: {  	_ =	shalt  }
0x43: {  	_ =	shalt  }
0x44: {  	_ =	shalt  }
0x45: {  	_ =	shalt  }
0x46: {  	_ =	shalt  }
0x47: {  	_ =	shalt  }
0x48: {  	_ =	shalt  }
0x49: {  	_ =	shalt  }
0x4a: {  	_ =	shalt  }
0x4b: {  	_ =	shalt  }
0x4c: {  	_ =	shalt  }
0x4d: {  	_ =	shalt  }
0x4e: {  	_ =	shalt  }
0x4f: {  	_ =	shalt  }
0x50: {  	_ =	shalt  }
0x51: {  	_ =	shalt  }
0x52: {  	_ =	shalt  }
0x53: {  	_ =	shalt  }
0x54: {  	_ =	shalt  }
0x55: {  	_ =	shalt  }
0x56: {  	_ =	shalt  }
0x57: {  	_ =	shalt  }
0x58: {  	_ =	shalt  }
0x59: {  	_ =	shalt  }
0x5a: {  	_ =	shalt  }
0x5b: {  	_ =	shalt  }
0x5c: {  	_ =	shalt  }
0x5d: {  	_ =	shalt  }
0x5e: {  	_ =	shalt  }
0x5f: {  	_ =	shalt  }
0x60: {  	_ =	shalt  }
0x61: {  	_ =	shalt  }
0x62: {  	_ =	shalt  }
0x63: {  	_ =	shalt  }
0x64: {  	_ =	shalt  }
0x65: {  	_ =	shalt  }
0x66: {  	_ =	shalt  }
0x67: {  	_ =	shalt  }
0x68: {  	_ =	shalt  }
0x69: {  	_ =	shalt  }
0x6a: {  	_ =	shalt  }
0x6b: {  	_ =	shalt  }
0x6c: {  	_ =	shalt  }
0x6d: {  	_ =	shalt  }
0x6e: {  	_ =	shalt  }
0x6f: {  	_ =	shalt  }
0x70: {  	_ =	shalt  }
0x71: {  	_ =	shalt  }
0x72: {  	_ =	shalt  }
0x73: {  	_ =	shalt  }
0x74: {  	_ =	shalt  }
0x75: {  	_ =	shalt  }
0x76: {  	_ =	shalt  }
0x77: {  	_ =	shalt  }
0x78: {  	_ =	shalt  }
0x79: {  	_ =	shalt  }
0x7a: {  	_ =	shalt  }
0x7b: {  	_ =	shalt  }
0x7c: {  	_ =	shalt  }
0x7d: {  	_ =	shalt  }
0x7e: {  	_ =	shalt  }
0x7f: {  	_ =	shalt  }
0x80: {  	_ =	shalt  }
0x81: {  	_ =	shalt  }
0x82: {  	_ =	shalt  }
0x83: {  	_ =	shalt  }
0x84: {  	_ =	shalt  }
0x85: {  	_ =	shalt  }
0x86: {  	_ =	shalt  }
0x87: {  	_ =	shalt  }
.Lfunc_end0:
.L_simem_size_0:
called_computation.2_lowered:
.L_overlay_start_0:
0x88: {  	s2 =	sld [smem:$0x3FD9]  }
0x89: {  	s3 =	sld [smem:$0x3FFE];
	_ =	sdelay $0x1  }
0x8a: {  	s1 =	srdreg.scid  }
0x8b: {  	s0 =	sand.u32 $0x1, s1  }
0x8c: {  	s17 =	sshll.u32 s0, $0xA;
	s2 =	sadd.s32 s3, s2  }
0x8d: {  	s2 =	sadd.s32 s2, s17  }
0x8e: {  	[smem:$0x3FC0] =	sst s2  }
0x8f: {  	_ = 	snop  }
0x90: {  	s2 =	sld [smem:$0x3FD0];
	(tm) =	ssettm $0x1  }
0x91: {  	s18 =	sld [smem:$0x3FFB];
	_ =	sdelay $0x3  }
0x92: {  	_ =	strace s18  }
0x93: {  	s3 =	sld [smem:$0x3FFC];
	_ =	sdelay $0x3  }
0x94: {  	_ =	strace s3  }
0x95: {  	s3 =	sld [smem:$0x3FFD];
	_ =	sdelay $0x3  }
0x96: {  	_ =	strace s3  }
0x97: {  	_ =	strace $0x8FFFFFFF  }
0x98: {  	s19 =	sld [smem:$0x3FDB];
	_ =	sdelay $0x1  }
0x99: {  	s4 =	simm.s32 $_scs_section_size  }
0x9a: {  	s5 =	simm.s32 $_size__tile_overlayer_lowered;
	s6 =	simm.s32 $_tile_overlayer_lowered  }
0x9b: {  	s22 =	simm.s32 $0x1BFF;
	s21 =	sshll.u32 s6, $0x1;
	s3 =	sadd.s32 s4, s19  }
0x9c: {  	s7 =	simm.s32 $0x0;
	s20 =	sshll.u32 s5, $0x1;
	s5 =	sadd.s32 s21, s3  }
0x9d: {  	[timem:s7], [sflag:s22] =	dma.local [hbm:s5], s20  }
0x9e: {  	_ =	swait.ge [sflag:s22], s20  }
0x9f: {  	s4 =	ssub.s32 $0x0, s20;
	[sflag:s22] =	ssyncset.done $0x0  }
0xa0: {  	[sflag:s22] =	ssyncadd.s32 s4;
	_ =	sdelay $0x1  }
0xa1: {  	s23 =	simm.s32 $0x1B8B  }
0xa2: {  	_ =	swait.ge [sflag:s23], $0x1  }
0xa3: {  	[sflag:s23] =	ssyncset.done $0x0  }
0xa4: {  	s25 =	simm.s32 $0x1B8E;
	s24 =	sld [smem:$0x3FFE];
	[sflag:s23] =	ssyncadd.s32 $0xFFFFFFFF  }
0xa5: {  	s26 =	simm.s32 $execute0_lowered;
	[smem:$0x3FD2] =	sst s25  }
0xa6: {  	s5 =	sshll.u32 s26, $0x1;
	_ =	strace $0x8000004C;
	[dreg:$0x1] =	wrdreg $0xFFFFFFFF  }
0xa7: {  	s28 =	simm.s32 $_size_execute0_lowered;
	s3 =	sadd.s32 s3, s5;
	[dreg:$0x0] =	wrdreg $0x0  }
0xa8: {  	s5 =	sshll.u32 s28, $0x1;
	[dreg:$0x2] =	wrdreg s3  }
0xa9: {  	[dreg:$0x3] =	wrdreg s5  }
0xaa: {  	[dreg:$0x4] =	wrdreg $0xC0  }
0xab: {  	_ =	task [dreg:s7], $0x5FFFF  }
0xac: {  	[dreg:$0x1] =	wrdreg $0xFFFFFFFF  }
0xad: {  	[dreg:$0x0] =	wrdreg $0x60  }
0xae: {  	[dreg:$0x2] =	wrdreg s2  }
0xaf: {  	[dreg:$0x3] =	wrdreg s24  }
0xb0: {  	[dreg:$0x4] =	wrdreg $0x0  }
0xb1: {  	[dreg:$0x5] =	wrdreg $0x9  }
0xb2: {  	_ =	task.clear_ibuf [dreg:s7], $0x6FFFF;
	_ =	strace $0x9000004C  }
0xb3: {  	s29 =	simm.s32 $0x9;
	_ =	strace $0x8000004E  }
0xb4: {  	_ =	swait.ge [sflag:s29], $0x1  }
0xb5: {  	[sflag:s29] =	ssyncadd.s32 $0xFFFFFFFF  }
0xb6: {  	_ =	strace $0x9000004E  }
0xb7: {  	_ =	sfence  }
0xb8: {  	s30 =	sld [smem:$0x0];
	_ =	sdelay $0x2  }
0xb9: {  	s31 =	sshll.u32 s1, $0xD;
	s1 =	sshrl.u32 s1, $0x2  }
0xba: {  	s3 =	sand.u32 $0x4000, s31;
	s1 =	sadd.s32 s1, s30  }
0xbb: {  	s0 =	sor.u32 s3, s0;
	s1 =	sshll.u32 s1, $0x11  }
0xbc: {  	s0 =	sor.u32 s1, s0  }
0xbd: {  	s0 =	sadd.s32 $0x8F2B, s0  }
0xbe: {  	[sflag:s0] =	ssyncadd.remote.s32 $0x1  }
0xbf: {  	_ =	sfence.sel $0xFFFF  }
0xc0: {  	[dreg:$0x0] =	wrdreg $0xFFFFFFFF;
	(pc) =	sbr.abs _section_cstart, $3  }
0xc1: {  	[dreg:$0x1] =	wrdreg $0xFFFFFFFF  }
0xc2: {  	_ =	task.clear_ibuf [dreg:s7], $0x2FFFF;
	_ =	strace $0x9FFFFFFF  }
0xc3: {  	(tm) =	ssettm $0x7FFFFFFF  }
tec
execute0_lowered:
.L_overlay_start_1:
0x0: {  	(tag) =	ssettag $0x1  }
0x1: {  	s1 =	rddreg [dreg:$0x0]  }
0x2: {  	s0 =	rddreg [dreg:$0x1]  }
0x3: {  	s2 =	rddreg [dreg:$0x2];
	s4 =	simm.s32 $0x0  }
0x4: {  	s3 =	srdreg.scid;
	s11 =	stileid.u32;
	s28 =	simm.s32 $0x14050  }
0x5: {  	s29 =	simm.s32 $0x141E0;
	s30 =	simm.s32 $0x1BA80;
	s31 =	simm.s32 $0x2  }
0x6: {  	[smem:$0x7FF] =	sst s4;
	s5 =	sadd.s32 $0x2600, s0;
	s6 =	smul.u32 $0x2800, s11  }
0x7: {  	s3 =	sand.u32 $0x1, s3;
	s7 =	sadd.s32 $0x16800, s0;
	s10 =	smul.u32 $0x50000, s11  }
0x8: {  	s14 =	smul.u32 $0x2710, s11;
	s15 =	sshll.u32 s11, $0x6;
	_ =	strace $0x8000004D  }
0x9: {  	[dreg:$0x7] =	wrdreg s7;
	s25 =	smul.u32 $0x28000, s3;
	s8 =	sshll.u32 s3, $0x4  }
0xa: {  	s9 =	ssub.s32 $0x2, s3;
	s3 =	smul.u32 $0x27100, s3;
	s15 =	sor.u32 $0x1C09, s15  }
0xb: {  	s8 =	sor.u32 s11, s8;
	s26 =	sshrl.u32 s9, $0x1;
	s13 =	sshrl.u32 s10, $0x2  }
0xc: {  	s10 =	simm.s32 $0x6;
	s11 =	simm.s32 $0x4;
	[dreg:$0x9] =	wrdreg s15  }
0xd: {  	s6 =	sadd.s32 s6, s25;
	s8 =	smul.u32 $0x2710, s8;
	s12 =	ssub.s32 s9, s26  }
0xe: {  	s7 =	sadd.s32 s13, s2;
	s3 =	sadd.s32 s14, s3;
	s13 =	simm.s32 $0x7  }
0xf: {  	s14 =	simm.s32 $0x8;
	s0 =	sadd.s32 s6, s0;
	s19 =	sadd.s32 $0x230, s3  }
0x10: {  	s21 =	sadd.s32 $0x1E0, s3;
	s22 =	sadd.s32 $0x190, s3;
	s6 =	smax.u32 s12, $0x1  }
0x11: {  	s26 =	sadd.s32 $0x140, s3;
	s3 =	simm.s32 $0x5;
	s12 =	simm.s32 $0x14230  }
0x12: {  	s8 =	sshrl.u32 s8, $0x3;
	s9 =	sshrl.u32 s21, $0x3;
	[dreg:$0xf] =	wrdreg s6  }
0x13: {  	s24 =	sshrl.u32 s22, $0x3;
	s0 =	sadd.s32 $0x19000, s0;
	[dreg:$0x10] =	wrdreg s26  }
0x14: {  	s21 =	simm.s32 $0x14280;
	s22 =	simm.s32 $0x140A0;
	s26 =	simm.s32 $0x1  }
0x15: {  	s6 =	simm.s32 $0x3;
	s16 =	sadd.s32 s5, s8;
	[dreg:$0xe] =	wrdreg s0  }
0x16: {  	s23 =	sadd.s32 s9, s5;
	s25 =	sadd.s32 s24, s5;
	[dreg:$0x8] =	wrdreg s16  }
0x17: {  	s24 =	simm.s32 $0x14140;
	s0 =	simm.s32 $0x140F0;
	[dreg:$0x5] =	wrdreg s23  }
0x18: {  	s9 =	simm.s32 $0x14190;
	s8 =	sadd.s32 $0xA, s16;
	[dreg:$0x6] =	wrdreg s25  }
0x19: {  	s17 =	sadd.s32 $0x14, s16;
	s18 =	sadd.s32 $0x1E, s16;
	[dreg:$0xa] =	wrdreg s8  }
0x1a: {  	s20 =	sadd.s32 $0x4D8, s16;
	s23 =	simm.s32 $0x16A80;
	[dreg:$0xb] =	wrdreg s17  }
0x1b: {  	s25 =	simm.s32 $0x19280;
	[dreg:$0xc] =	wrdreg s18;
	s8 =	sshrl.u32 s19, $0x3  }
0x1c: {  	[dreg:$0xd] =	wrdreg s20;
	s17 =	simm.s32 $0x9;
	s8 =	sadd.s32 s8, s5  }
0x1d: {  	s18 =	simm.s32 $0x50;
	[dreg:$0x4] =	wrdreg s8;
	s8 =	sshrl.u32 s7, $0x3  }
0x1e: {  	s19 =	simm.s32 $0x4E200;
	s20 =	simm.s32 $0x14000;
	[dreg:$0x11] =	wrdreg s8  }
.LBB2_1:
0x1f: {  	s7 =	rddreg [dreg:$0x7]  }
0x20: {  	[spmem:s8], [sflag:s15] =	dma.local [hbm:s7], $0x2800  }
0x21: {  	_ =	swait.ge [sflag:s17], $0x2800  }
0x22: {  	[sflag:s17] =	ssyncset.done $0x0  }
0x23: {  	[sflag:s17] =	ssyncadd.s32 $0xFFFFD800  }
0x24: {  	[bflag:$0x0] =	sbarrier.arrive $0xFFFF  }
0x25: {  	s8 =	rddreg [dreg:$0x8]  }
0x26: {  	[tilespmem:s20], [sflag:$0x9] =	stream.strided.gather [hbm4b:s8+s18], $0xA0, s19, s18, $0x38;
	[tilespmem:$0x1E280] =	vst v63  }
0x27: {  	_ =	swait.ge [sflag:s17], $0xA0  }
0x28: {  	[sflag:s17] =	ssyncset.done $0x0  }
0x29: {  	[sflag:s17] =	ssyncadd.s32 $0xFFFFFF60  }
0x2a: {  	[tilespmem:s21], [sflag:$0x1] =	stream.indirect.gather [hbm4b:s1+s18], $0x80, s20, s18, $0xb8;
	[tilespmem:$0x1E280] =	vst v63  }
0x2b: {  	s15 =	rddreg [dreg:$0xa]  }
0x2c: {  	[tilespmem:s22], [sflag:$0x9] =	stream.strided.gather [hbm4b:s15+s18], $0xA0, s19, s18, $0x38;
	[tilespmem:$0x1E280] =	vst v63  }
0x2d: {  	_ =	swait.ge [sflag:s17], $0xA0  }
0x2e: {  	[sflag:s17] =	ssyncset.done $0x0  }
0x2f: {  	[sflag:s17] =	ssyncadd.s32 $0xFFFFFF60  }
0x30: {  	[tilespmem:s23], [sflag:$0x2] =	stream.indirect.gather [hbm4b:s1+s18], $0x80, s22, s18, $0xb8;
	[tilespmem:$0x1E280] =	vst v63  }
0x31: {  	s16 =	rddreg [dreg:$0xb]  }
0x32: {  	[tilespmem:s24], [sflag:$0x9] =	stream.strided.gather [hbm4b:s16+s18], $0xA0, s19, s18, $0x38;
	[tilespmem:$0x1E280] =	vst v63  }
0x33: {  	_ =	swait.ge [sflag:s17], $0xA0  }
0x34: {  	[sflag:s17] =	ssyncset.done $0x0  }
0x35: {  	[sflag:s17] =	ssyncadd.s32 $0xFFFFFF60  }
0x36: {  	[tilespmem:s25], [sflag:$0x3] =	stream.indirect.gather [hbm4b:s1+s18], $0x80, s24, s18, $0xb8;
	[tilespmem:$0x1E280] =	vst v63  }
0x37: {  	_ =	swait.ge [sflag:s26], $0x2800  }
0x38: {  	[sflag:s26] =	ssyncset.done $0x0  }
0x39: {  	[sflag:s26] =	ssyncadd.s32 $0xFFFFD800  }
0x3a: {  	[spmem:s2] =	stream.indirect.scatter.add.f32 [tilespmem:s21], [sflag:$0x5], $0x80, s28, s18, $0xb8;
	[tilespmem:$0x1E280] =	vst v63  }
0x3b: {  	s8 =	rddreg [dreg:$0xc]  }
0x3c: {  	[tilespmem:s29], [sflag:$0x9] =	stream.strided.gather [hbm4b:s8+s18], $0xA0, s19, s18, $0x38;
	[tilespmem:$0x1E280] =	vst v63  }
0x3d: {  	_ =	swait.ge [sflag:s17], $0xA0  }
0x3e: {  	[sflag:s17] =	ssyncset.done $0x0  }
0x3f: {  	[sflag:s17] =	ssyncadd.s32 $0xFFFFFF60  }
0x40: {  	[tilespmem:s30], [sflag:$0x4] =	stream.indirect.gather [hbm4b:s1+s18], $0x80, s29, s18, $0xb8;
	[tilespmem:$0x1E280] =	vst v63  }
0x41: {  	_ =	swait.ge [sflag:s31], $0x2800  }
0x42: {  	[sflag:s31] =	ssyncset.done $0x0  }
0x43: {  	[sflag:s31] =	ssyncadd.s32 $0xFFFFD800  }
0x44: {  	[spmem:s2] =	stream.indirect.scatter.add.f32 [tilespmem:s23], [sflag:$0x6], $0x80, s0, s18, $0xb8;
	[tilespmem:$0x1E280] =	vst v63  }
0x45: {  	_ =	swait.ge [sflag:s3], $0x2800  }
0x46: {  	s8 =	rddreg [dreg:$0x10]  }
0x47: {  	[sflag:s3] =	ssyncset.done $0x0;
	s15 =	sshrl.u32 s8, $0x3  }
0x48: {  	[sflag:s3] =	ssyncadd.s32 $0xFFFFD800;
	s7 =	sadd.s32 s5, s15  }
0x49: {  	[tilespmem:s20], [sflag:$0x9] =	stream.strided.gather [hbm4b:s7+s18], $0xA0, s19, s18, $0x38;
	[tilespmem:$0x1E280] =	vst v63  }
0x4a: {  	_ =	swait.ge [sflag:s17], $0xA0  }
0x4b: {  	[sflag:s17] =	ssyncset.done $0x0  }
0x4c: {  	[sflag:s17] =	ssyncadd.s32 $0xFFFFFF60  }
0x4d: {  	[tilespmem:s21], [sflag:$0x1] =	stream.indirect.gather [hbm4b:s1+s18], $0x80, s20, s18, $0xb8;
	[tilespmem:$0x1E280] =	vst v63  }
0x4e: {  	_ =	swait.ge [sflag:s6], $0x2800  }
0x4f: {  	[sflag:s6] =	ssyncset.done $0x0  }
0x50: {  	[sflag:s6] =	ssyncadd.s32 $0xFFFFD800  }
0x51: {  	[spmem:s2] =	stream.indirect.scatter.add.f32 [tilespmem:s25], [sflag:$0x7], $0x80, s9, s18, $0xb8;
	[tilespmem:$0x1E280] =	vst v63  }
0x52: {  	_ =	swait.ge [sflag:s10], $0x2800  }
0x53: {  	s16 =	rddreg [dreg:$0x6];
	[sflag:s10] =	ssyncset.done $0x0  }
0x54: {  	[sflag:s10] =	ssyncadd.s32 $0xFFFFD800;
	s7 =	sadd.s32 $0x0, s16  }
0x55: {  	[tilespmem:s22], [sflag:$0x9] =	stream.strided.gather [hbm4b:s7+s18], $0xA0, s19, s18, $0x38;
	[tilespmem:$0x1E280] =	vst v63  }
0x56: {  	_ =	swait.ge [sflag:s17], $0xA0  }
0x57: {  	[sflag:s17] =	ssyncset.done $0x0  }
0x58: {  	[sflag:s17] =	ssyncadd.s32 $0xFFFFFF60  }
0x59: {  	[tilespmem:s23], [sflag:$0x2] =	stream.indirect.gather [hbm4b:s1+s18], $0x80, s22, s18, $0xb8;
	[tilespmem:$0x1E280] =	vst v63  }
0x5a: {  	_ =	swait.ge [sflag:s11], $0x2800  }
0x5b: {  	[sflag:s11] =	ssyncset.done $0x0  }
0x5c: {  	[sflag:s11] =	ssyncadd.s32 $0xFFFFD800  }
0x5d: {  	[spmem:s2] =	stream.indirect.scatter.add.f32 [tilespmem:s30], [sflag:$0x8], $0x80, s12, s18, $0xb8;
	[tilespmem:$0x1E280] =	vst v63  }
0x5e: {  	_ =	swait.ge [sflag:s13], $0x2800  }
0x5f: {  	s15 =	rddreg [dreg:$0x5];
	[sflag:s13] =	ssyncset.done $0x0  }
0x60: {  	[sflag:s13] =	ssyncadd.s32 $0xFFFFD800;
	s7 =	sadd.s32 $0x0, s15  }
0x61: {  	[tilespmem:s24], [sflag:$0x9] =	stream.strided.gather [hbm4b:s7+s18], $0xA0, s19, s18, $0x38;
	[tilespmem:$0x1E280] =	vst v63  }
0x62: {  	_ =	swait.ge [sflag:s17], $0xA0  }
0x63: {  	[sflag:s17] =	ssyncset.done $0x0  }
0x64: {  	[sflag:s17] =	ssyncadd.s32 $0xFFFFFF60  }
0x65: {  	[tilespmem:s25], [sflag:$0x3] =	stream.indirect.gather [hbm4b:s1+s18], $0x80, s24, s18, $0xb8;
	[tilespmem:$0x1E280] =	vst v63  }
0x66: {  	_ =	swait.ge [sflag:s26], $0x2800  }
0x67: {  	[sflag:s26] =	ssyncset.done $0x0  }
0x68: {  	[sflag:s26] =	ssyncadd.s32 $0xFFFFD800  }
0x69: {  	[spmem:s2] =	stream.indirect.scatter.add.f32 [tilespmem:s21], [sflag:$0x5], $0x80, s28, s18, $0xb8;
	[tilespmem:$0x1E280] =	vst v63  }
0x6a: {  	_ =	swait.ge [sflag:s14], $0x2800  }
0x6b: {  	s16 =	rddreg [dreg:$0x4];
	[sflag:s14] =	ssyncset.done $0x0  }
0x6c: {  	[sflag:s14] =	ssyncadd.s32 $0xFFFFD800;
	s7 =	sadd.s32 $0x0, s16  }
0x6d: {  	[tilespmem:s29], [sflag:$0x9] =	stream.strided.gather [hbm4b:s7+s18], $0xA0, s19, s18, $0x38;
	[tilespmem:$0x1E280] =	vst v63  }
0x6e: {  	_ =	swait.ge [sflag:s17], $0xA0  }
0x6f: {  	[sflag:s17] =	ssyncset.done $0x0  }
0x70: {  	[sflag:s17] =	ssyncadd.s32 $0xFFFFFF60  }
0x71: {  	[tilespmem:s30], [sflag:$0x4] =	stream.indirect.gather [hbm4b:s1+s18], $0x80, s29, s18, $0xb8;
	[tilespmem:$0x1E280] =	vst v63  }
0x72: {  	_ =	swait.ge [sflag:s31], $0x2800  }
0x73: {  	[sflag:s31] =	ssyncset.done $0x0  }
0x74: {  	s8 =	sadd.s32 $0x140, s8;
	s7 =	simm.s32 $0x28;
	[sflag:s31] =	ssyncadd.s32 $0xFFFFD800  }
.LBB2_2:
0x75: {  	[spmem:s2] =	stream.indirect.scatter.add.f32 [tilespmem:s23], [sflag:$0x6], $0x80, s0, s18, $0xb8;
	[tilespmem:$0x1E280] =	vst v63  }
0x76: {  	_ =	swait.ge [sflag:s3], $0x2800  }
0x77: {  	s16 =	sshrl.u32 s8, $0x3;
	[sflag:s3] =	ssyncset.done $0x0  }
0x78: {  	s16 =	sadd.s32 s5, s16;
	[sflag:s3] =	ssyncadd.s32 $0xFFFFD800  }
0x79: {  	[tilespmem:s20], [sflag:$0x9] =	stream.strided.gather [hbm4b:s16+s18], $0xA0, s19, s18, $0x38;
	[tilespmem:$0x1E280] =	vst v63  }
0x7a: {  	_ =	swait.ge [sflag:s17], $0xA0  }
0x7b: {  	[sflag:s17] =	ssyncset.done $0x0  }
0x7c: {  	[sflag:s17] =	ssyncadd.s32 $0xFFFFFF60  }
0x7d: {  	[tilespmem:s21], [sflag:$0x1] =	stream.indirect.gather [hbm4b:s1+s18], $0x80, s20, s18, $0xb8;
	[tilespmem:$0x1E280] =	vst v63  }
0x7e: {  	_ =	swait.ge [sflag:s6], $0x2800  }
0x7f: {  	[sflag:s6] =	ssyncset.done $0x0  }
0x80: {  	[sflag:s6] =	ssyncadd.s32 $0xFFFFD800  }
0x81: {  	[spmem:s2] =	stream.indirect.scatter.add.f32 [tilespmem:s25], [sflag:$0x7], $0x80, s9, s18, $0xb8;
	[tilespmem:$0x1E280] =	vst v63  }
0x82: {  	_ =	swait.ge [sflag:s10], $0x2800  }
0x83: {  	s15 =	smov.u32 s7;
	s16 =	rddreg [dreg:$0x6];
	[sflag:s10] =	ssyncset.done $0x0  }
0x84: {  	[sflag:s10] =	ssyncadd.s32 $0xFFFFD800;
	s16 =	sadd.s32 s15, s16  }
0x85: {  	[tilespmem:s22], [sflag:$0x9] =	stream.strided.gather [hbm4b:s16+s18], $0xA0, s19, s18, $0x38;
	[tilespmem:$0x1E280] =	vst v63  }
0x86: {  	_ =	swait.ge [sflag:s17], $0xA0  }
0x87: {  	[sflag:s17] =	ssyncset.done $0x0  }
0x88: {  	[sflag:s17] =	ssyncadd.s32 $0xFFFFFF60  }
0x89: {  	[tilespmem:s23], [sflag:$0x2] =	stream.indirect.gather [hbm4b:s1+s18], $0x80, s22, s18, $0xb8;
	[tilespmem:$0x1E280] =	vst v63  }
0x8a: {  	_ =	swait.ge [sflag:s11], $0x2800  }
0x8b: {  	[sflag:s11] =	ssyncset.done $0x0  }
0x8c: {  	[sflag:s11] =	ssyncadd.s32 $0xFFFFD800  }
0x8d: {  	[spmem:s2] =	stream.indirect.scatter.add.f32 [tilespmem:s30], [sflag:$0x8], $0x80, s12, s18, $0xb8;
	[tilespmem:$0x1E280] =	vst v63  }
0x8e: {  	_ =	swait.ge [sflag:s13], $0x2800  }
0x8f: {  	s16 =	rddreg [dreg:$0x5];
	[sflag:s13] =	ssyncset.done $0x0  }
0x90: {  	[sflag:s13] =	ssyncadd.s32 $0xFFFFD800;
	s16 =	sadd.s32 s15, s16  }
0x91: {  	[tilespmem:s24], [sflag:$0x9] =	stream.strided.gather [hbm4b:s16+s18], $0xA0, s19, s18, $0x38;
	[tilespmem:$0x1E280] =	vst v63  }
0x92: {  	_ =	swait.ge [sflag:s17], $0xA0  }
0x93: {  	[sflag:s17] =	ssyncset.done $0x0  }
0x94: {  	[sflag:s17] =	ssyncadd.s32 $0xFFFFFF60  }
0x95: {  	[tilespmem:s25], [sflag:$0x3] =	stream.indirect.gather [hbm4b:s1+s18], $0x80, s24, s18, $0xb8;
	[tilespmem:$0x1E280] =	vst v63  }
0x96: {  	_ =	swait.ge [sflag:s26], $0x2800  }
0x97: {  	[sflag:s26] =	ssyncset.done $0x0  }
0x98: {  	[sflag:s26] =	ssyncadd.s32 $0xFFFFD800  }
0x99: {  	[spmem:s2] =	stream.indirect.scatter.add.f32 [tilespmem:s21], [sflag:$0x5], $0x80, s28, s18, $0xb8;
	[tilespmem:$0x1E280] =	vst v63  }
0x9a: {  	_ =	swait.ge [sflag:s14], $0x2800  }
0x9b: {  	s16 =	rddreg [dreg:$0x4];
	[sflag:s14] =	ssyncset.done $0x0  }
0x9c: {  	[sflag:s14] =	ssyncadd.s32 $0xFFFFD800;
	s15 =	sadd.s32 s15, s16  }
0x9d: {  	[tilespmem:s29], [sflag:$0x9] =	stream.strided.gather [hbm4b:s15+s18], $0xA0, s19, s18, $0x38;
	[tilespmem:$0x1E280] =	vst v63  }
0x9e: {  	_ =	swait.ge [sflag:s17], $0xA0  }
0x9f: {  	p0 =	sne.s32 s7, $0x488;
	[sflag:s17] =	ssyncset.done $0x0  }
.Ltmp0:
0xa0: {  	[sflag:s17] =	ssyncadd.s32 $0xFFFFFF60;
	(pc) =	sbr.rel @p0 .LBB2_2-.Ltmp0, $4  }
0xa1: {  	[tilespmem:s30], [sflag:$0x4] =	stream.indirect.gather [hbm4b:s1+s18], $0x80, s29, s18, $0xb8;
	[tilespmem:$0x1E280] =	vst v63  }
0xa2: {  	_ =	swait.ge [sflag:s31], $0x2800  }
0xa3: {  	[sflag:s31] =	ssyncset.done $0x0  }
0xa4: {  	s7 =	sadd.s32 $0x28, s7;
	s8 =	sadd.s32 $0x140, s8;
	[sflag:s31] =	ssyncadd.s32 $0xFFFFD800  }
0xa5: {  	[spmem:s2] =	stream.indirect.scatter.add.f32 [tilespmem:s23], [sflag:$0x6], $0x80, s0, s18, $0xb8;
	[tilespmem:$0x1E280] =	vst v63  }
0xa6: {  	_ =	swait.ge [sflag:s3], $0x2800  }
0xa7: {  	[sflag:s3] =	ssyncset.done $0x0  }
0xa8: {  	s7 =	rddreg [dreg:$0xd];
	[sflag:s3] =	ssyncadd.s32 $0xFFFFD800  }
0xa9: {  	[tilespmem:s20], [sflag:$0x9] =	stream.strided.gather [hbm4b:s7+s18], $0xA0, s19, s18, $0x38;
	[tilespmem:$0x1E280] =	vst v63  }
0xaa: {  	_ =	swait.ge [sflag:s17], $0xA0  }
0xab: {  	[sflag:s17] =	ssyncset.done $0x0  }
0xac: {  	[sflag:s17] =	ssyncadd.s32 $0xFFFFFF60  }
0xad: {  	[tilespmem:s21], [sflag:$0x1] =	stream.indirect.gather [hbm4b:s1+s18], $0x80, s20, s18, $0xb8;
	[tilespmem:$0x1E280] =	vst v63  }
0xae: {  	_ =	swait.ge [sflag:s6], $0x2800  }
0xaf: {  	[sflag:s6] =	ssyncset.done $0x0  }
0xb0: {  	[sflag:s6] =	ssyncadd.s32 $0xFFFFD800  }
0xb1: {  	[spmem:s2] =	stream.indirect.scatter.add.f32 [tilespmem:s25], [sflag:$0x7], $0x80, s9, s18, $0xb8;
	[tilespmem:$0x1E280] =	vst v63  }
0xb2: {  	_ =	swait.ge [sflag:s11], $0x2800  }
0xb3: {  	[sflag:s11] =	ssyncset.done $0x0  }
0xb4: {  	[sflag:s11] =	ssyncadd.s32 $0xFFFFD800  }
0xb5: {  	[spmem:s2] =	stream.indirect.scatter.add.f32 [tilespmem:s30], [sflag:$0x8], $0x80, s12, s18, $0xb8;
	[tilespmem:$0x1E280] =	vst v63  }
0xb6: {  	_ =	swait.ge [sflag:s26], $0x2800  }
0xb7: {  	[sflag:s26] =	ssyncset.done $0x0  }
0xb8: {  	[sflag:s26] =	ssyncadd.s32 $0xFFFFD800  }
0xb9: {  	[spmem:s2] =	stream.indirect.scatter.add.f32 [tilespmem:s21], [sflag:$0x5], $0x80, s28, s18, $0xb8;
	[tilespmem:$0x1E280] =	vst v63  }
0xba: {  	_ =	swait.ge [sflag:s3], $0x2800  }
0xbb: {  	[sflag:s3] =	ssyncset.done $0x0  }
0xbc: {  	[sflag:s3] =	ssyncadd.s32 $0xFFFFD800  }
0xbd: {  	_ =	swait.ge [sflag:s10], $0x2800  }
0xbe: {  	[sflag:s10] =	ssyncset.done $0x0  }
0xbf: {  	[sflag:s10] =	ssyncadd.s32 $0xFFFFD800  }
0xc0: {  	_ =	swait.ge [sflag:s13], $0x2800  }
0xc1: {  	[sflag:s13] =	ssyncset.done $0x0  }
0xc2: {  	[sflag:s13] =	ssyncadd.s32 $0xFFFFD800  }
0xc3: {  	_ =	swait.ge [sflag:s14], $0x2800  }
0xc4: {  	[sflag:s14] =	ssyncset.done $0x0  }
0xc5: {  	[sflag:s14] =	ssyncadd.s32 $0xFFFFD800  }
0xc6: {  	[bflag:$0x0] =	sbarrier.arrive $0xFFFF  }
0xc7: {  	s15 =	rddreg [dreg:$0x9]  }
0xc8: {  	s16 =	rddreg [dreg:$0xe]  }
0xc9: {  	s8 =	rddreg [dreg:$0x11]  }
0xca: {  	[hbm:s16], [sflag:s15] =	dma.local [spmem:s8], $0x2800  }
0xcb: {  	_ =	swait.ge [sflag:s17], $0x2800  }
0xcc: {  	s4 =	sadd.s32 $0x1, s4;
	s16 =	rddreg [dreg:$0xf]  }
0xcd: {  	p0 =	sne.s32 s4, s16  }
.Ltmp1:
0xce: {  	_ = 	snop;
	(pc) =	sbr.rel @p0 .LBB2_1-.Ltmp1, $3  }
0xcf: {  	_ =	sdelay $0x1  }
0xd0: {  	[sflag:s17] =	ssyncset.done $0x0  }
0xd1: {  	[sflag:s17] =	ssyncadd.s32 $0xFFFFD800  }
0xd2: {  	_ =	sfence.sel $0x180000  }
0xd3: {  	[bflag:$0x0] =	sbarrier.arrive $0xFFFF  }
0xd4: {  	_ =	strace $0x9000004D  }
0xd5: {  	s0 =	stileid.u32;
	[bflag:$0x2] =	sbarrier.arrive $0xFFFF  }
0xd6: {  	p0 =	sne.s32 s0, $0x0;
	s0 =	rddreg [dreg:$0x3]  }
0xd7: {  	s0 =	sadd.s32 @!p0 $0x100000, s0  }
0xd8: {  	[sflag:s0] =	ssyncadd.tile.s32 @!p0 $0x1;
	_ =	shalt  }
.Lfunc_end2:
_tile_overlayer_lowered:
.L_overlay_start_2:
0xd9: {  	(tag) =	ssettag $0x2  }
0xda: {  	s0 =	rddreg [dreg:$0x0];
	s2 =	stileid.u32  }
0xdb: {  	s1 =	rddreg [dreg:$0x1];
	p0 =	sne.s32 s2, $0x0  }
0xdc: {  	s3 =	rddreg [dreg:$0x2];
	[bflag:$0x3] =	sbarrier.arrive $0xFFFF;
	s2 =	simm.s32 @!p0 $0x1C09  }
0xdd: {  	[timem:s3], [sflag:s2] =	dma.local @!p0 [hbm:s0], s1  }
0xde: {  	s0 =	simm.s32 @!p0 $0x9  }
0xdf: {  	_ =	swait.ge @!p0 [sflag:s0], s1  }
0xe0: {  	s1 =	ssub.s32 @!p0 $0x0, s1;
	[sflag:s0] =	ssyncset.done @!p0 $0x0  }
0xe1: {  	[sflag:s0] =	ssyncadd.s32 @!p0 s1  }
0xe2: {  	[bflag:$0x3] =	sbarrier.arrive $0xFFFF  }
0xe3: {  	_ =	shalt  }

// kernel: kernel.7.cloned.1.call-start
scs
__scs_entry_jumppad:
0x0: {  	(pc) =	sbr.rel $0x88, $3  }
0x1: {  	(tag) =	ssettag $0x0;
	lr =	simm.s32 $0x1  }
0x2: {  	[smem:$0x3F99] =	sst lr;
	_ =	strace $0xD0000000  }
0x3: {  	_ = 	snop  }
0x4: {  	_ = 	snop  }
0x5: {  	_ = 	snop  }
0x6: {  	_ = 	snop  }
0x7: {  	_ = 	snop  }
__scs_overlays_trampoline_lowered:
0x8: {  	[smem:$0x3FA8] =	sst s0  }
0x9: {  	[smem:$0x3FA9] =	sst s1  }
0xa: {  	[smem:$0x3FAA] =	sst s2  }
0xb: {  	[smem:$0x3FAB] =	sst s3  }
0xc: {  	[smem:$0x3FAC] =	sst s4  }
0xd: {  	[smem:$0x3FAD] =	sst s5  }
0xe: {  	[smem:$0x3FAE] =	sst s6  }
0xf: {  	[smem:$0x3FAF] =	sst s7  }
0x10: {  	[smem:$0x3FB0] =	sst s8  }
0x11: {  	[smem:$0x3FB1] =	sst s9;
	s0 =	simm.s32 @!p0 $0x0  }
0x12: {  	s1 =	sld [smem:$0x3F97];
	s0 =	simm.s32 @p0 $0x1  }
0x13: {  	[smem:$0x3FB2] =	sst s0;
	s0 =	simm.s32 @!p1 $0x0  }
0x14: {  	s2 =	sld [smem:$0x3F96];
	s0 =	simm.s32 @p1 $0x1  }
0x15: {  	[smem:$0x3FB3] =	sst s0;
	s0 =	simm.s32 @!p2 $0x0  }
0x16: {  	s3 =	sld [smem:$0x3FDB];
	s0 =	simm.s32 @p2 $0x1  }
0x17: {  	s4 =	simm.s32 $0x1BF5;
	[smem:$0x3FB5] =	sst s0  }
0x18: {  	s0 =	sld [smem:$0x3F98];
	_ =	swait.ge [sflag:s4], $0x0  }
0x19: {  	s7 =	sld [smem:$0x3F99]  }
0x1a: {  	s8 =	sadd.s32 $0xFFFFE003, lr  }
0x1b: {  	s9 =	sadd.s32 $0xFFFFFEF7, lr;
	s5 =	simm.s32 $0xFFFFFFFF;
	p2 =	slt.u32 s8, $0xFFFFF086  }
0x1c: {  	p1 =	slt.u32 s9, $0xF7A;
	s5 =	simm.s32 @!p2 $0x0  }
0x1d: {  	s5 =	simm.s32 @p1 $0x1;
	p0 =	seq.s32 s7, s2  }
0x1e: {  	s7 =	smul.u32 @!p0 $0xF7A, s2;
	p2 =	seq.s32 @!p0 s5, $0x0  }
0x1f: {  	s9 =	smul.u32 $0xF7A, s1;
	s8 =	simm.s32 @!p0 $0x1BF5;
	p2 =	por !p2, p0  }
0x20: {  	[sflag:s8] =	ssyncset.s32 @!p0 $0xFFFFF086;
	s6 =	sadd.s32 @!p0 s3, s7;
	s7 =	simm.s32 @!p0 $0x108  }
0x21: {  	s3 =	sadd.s32 s3, s9;
	s6 =	sadd.s32 @!p0 $0x88, s6;
	s7 =	simm.s32 @p2 $0x1082  }
0x22: {  	[simem:s7], [sflag:s8] =	dma.local @!p0 [hbm:s6], $0xF7A  }
0x23: {  	s9 =	sor.u32 $0xD0000000, s2;
	s6 =	simm.s32 $0x108;
	_ =	swait.ge @!p0 [sflag:s8], $0x0  }
0x24: {  	s3 =	sadd.s32 $0x88, s3;
	s6 =	simm.s32 @!p1 $0x1082;
	[sflag:s4] =	ssyncset.s32 $0xFFFFF086  }
0x25: {  	[simem:s6], [sflag:s4] =	dma.local [hbm:s3], $0xF7A  }
0x26: {  	[smem:$0x3F99] =	sst s1;
	(tag) =	ssettag s2;
	_ =	strace s9  }
0x27: {  	s1 =	sld [smem:$0x3FA9]  }
0x28: {  	s2 =	sld [smem:$0x3FAA]  }
0x29: {  	s4 =	sld [smem:$0x3FAC]  }
0x2a: {  	p0 =	seq.s32 s5, $0x0;
	s5 =	sld [smem:$0x3FAD]  }
0x2b: {  	s6 =	sld [smem:$0x3FAE]  }
0x2c: {  	s7 =	sld [smem:$0x3FAF]  }
0x2d: {  	s3 =	simm.s32 $0x108;
	s8 =	sld [smem:$0x3FB0]  }
0x2e: {  	s3 =	simm.s32 @!p0 $0x1082;
	s9 =	sld [smem:$0x3FB1]  }
0x2f: {  	lr =	sadd.s32 s0, s3;
	s0 =	sld [smem:$0x3FA8]  }
0x30: {  	s3 =	sld [smem:$0x3FAB]  }
0x31: {  	[smem:$0x3FB4] =	sst s10  }
0x32: {  	s10 =	sld [smem:$0x3FB2];
	_ =	sdelay $0x3  }
0x33: {  	p0 =	seq.s32 s10, $0x1;
	s10 =	sld [smem:$0x3FB4];
	_ =	sdelay $0x3  }
0x34: {  	[smem:$0x3FB4] =	sst s10  }
0x35: {  	s10 =	sld [smem:$0x3FB3];
	_ =	sdelay $0x3  }
0x36: {  	p1 =	seq.s32 s10, $0x1;
	s10 =	sld [smem:$0x3FB4];
	_ =	sdelay $0x3  }
0x37: {  	[smem:$0x3FB4] =	sst s10  }
0x38: {  	s10 =	sld [smem:$0x3FB5]  }
0x39: {  	_ = 	snop;
	(pc) =	sbr.ind lr, $3  }
0x3a: {  	_ = 	snop  }
0x3b: {  	_ = 	snop  }
0x3c: {  	p2 =	seq.s32 s10, $0x1;
	s10 =	sld [smem:$0x3FB4]  }
0x3d: {  	_ =	shalt  }
0x3e: {  	_ =	shalt  }
0x3f: {  	_ =	shalt  }
0x40: {  	_ =	shalt  }
0x41: {  	_ =	shalt  }
0x42: {  	_ =	shalt  }
0x43: {  	_ =	shalt  }
0x44: {  	_ =	shalt  }
0x45: {  	_ =	shalt  }
0x46: {  	_ =	shalt  }
0x47: {  	_ =	shalt  }
0x48: {  	_ =	shalt  }
0x49: {  	_ =	shalt  }
0x4a: {  	_ =	shalt  }
0x4b: {  	_ =	shalt  }
0x4c: {  	_ =	shalt  }
0x4d: {  	_ =	shalt  }
0x4e: {  	_ =	shalt  }
0x4f: {  	_ =	shalt  }
0x50: {  	_ =	shalt  }
0x51: {  	_ =	shalt  }
0x52: {  	_ =	shalt  }
0x53: {  	_ =	shalt  }
0x54: {  	_ =	shalt  }
0x55: {  	_ =	shalt  }
0x56: {  	_ =	shalt  }
0x57: {  	_ =	shalt  }
0x58: {  	_ =	shalt  }
0x59: {  	_ =	shalt  }
0x5a: {  	_ =	shalt  }
0x5b: {  	_ =	shalt  }
0x5c: {  	_ =	shalt  }
0x5d: {  	_ =	shalt  }
0x5e: {  	_ =	shalt  }
0x5f: {  	_ =	shalt  }
0x60: {  	_ =	shalt  }
0x61: {  	_ =	shalt  }
0x62: {  	_ =	shalt  }
0x63: {  	_ =	shalt  }
0x64: {  	_ =	shalt  }
0x65: {  	_ =	shalt  }
0x66: {  	_ =	shalt  }
0x67: {  	_ =	shalt  }
0x68: {  	_ =	shalt  }
0x69: {  	_ =	shalt  }
0x6a: {  	_ =	shalt  }
0x6b: {  	_ =	shalt  }
0x6c: {  	_ =	shalt  }
0x6d: {  	_ =	shalt  }
0x6e: {  	_ =	shalt  }
0x6f: {  	_ =	shalt  }
0x70: {  	_ =	shalt  }
0x71: {  	_ =	shalt  }
0x72: {  	_ =	shalt  }
0x73: {  	_ =	shalt  }
0x74: {  	_ =	shalt  }
0x75: {  	_ =	shalt  }
0x76: {  	_ =	shalt  }
0x77: {  	_ =	shalt  }
0x78: {  	_ =	shalt  }
0x79: {  	_ =	shalt  }
0x7a: {  	_ =	shalt  }
0x7b: {  	_ =	shalt  }
0x7c: {  	_ =	shalt  }
0x7d: {  	_ =	shalt  }
0x7e: {  	_ =	shalt  }
0x7f: {  	_ =	shalt  }
0x80: {  	_ =	shalt  }
0x81: {  	_ =	shalt  }
0x82: {  	_ =	shalt  }
0x83: {  	_ =	shalt  }
0x84: {  	_ =	shalt  }
0x85: {  	_ =	shalt  }
0x86: {  	_ =	shalt  }
0x87: {  	_ =	shalt  }
.Lfunc_end0:
.L_simem_size_0:
called_computation_lowered:
.L_overlay_start_0:
0x88: {  	s2 =	sld [smem:$0x3FD9]  }
0x89: {  	s3 =	sld [smem:$0x3FFE];
	_ =	sdelay $0x1  }
0x8a: {  	s1 =	srdreg.scid  }
0x8b: {  	s0 =	sand.u32 $0x1, s1  }
0x8c: {  	s17 =	sshll.u32 s0, $0xA;
	s2 =	sadd.s32 s3, s2  }
0x8d: {  	s2 =	sadd.s32 s2, s17  }
0x8e: {  	[smem:$0x3FC0] =	sst s2  }
0x8f: {  	_ = 	snop  }
0x90: {  	s18 =	sld [smem:$0x3FC9];
	(tm) =	ssettm $0x1  }
0x91: {  	s19 =	sld [smem:$0x3FFB];
	_ =	sdelay $0x3  }
0x92: {  	_ =	strace s19  }
0x93: {  	s2 =	sld [smem:$0x3FFC];
	_ =	sdelay $0x3  }
0x94: {  	_ =	strace s2  }
0x95: {  	s2 =	sld [smem:$0x3FFD];
	_ =	sdelay $0x3  }
0x96: {  	_ =	strace s2  }
0x97: {  	_ =	strace $0x8FFFFFFF  }
0x98: {  	s20 =	sld [smem:$0x3FDB];
	_ =	sdelay $0x1  }
0x99: {  	s4 =	simm.s32 $_scs_section_size  }
0x9a: {  	s5 =	simm.s32 $_size__tile_overlayer_lowered;
	s6 =	simm.s32 $_tile_overlayer_lowered  }
0x9b: {  	s7 =	simm.s32 $0x1BFF;
	s21 =	sshll.u32 s6, $0x1;
	s4 =	sadd.s32 s4, s20  }
0x9c: {  	s22 =	simm.s32 $0x0;
	s5 =	sshll.u32 s5, $0x1;
	s6 =	sadd.s32 s21, s4  }
0x9d: {  	[timem:s22], [sflag:s7] =	dma.local [hbm:s6], s5  }
0x9e: {  	_ =	swait.ge [sflag:s7], s5  }
0x9f: {  	s5 =	ssub.s32 $0x0, s5;
	[sflag:s7] =	ssyncset.done $0x0  }
0xa0: {  	[sflag:s7] =	ssyncadd.s32 s5;
	_ =	sdelay $0x1  }
0xa1: {  	s23 =	simm.s32 $0x1B8B  }
0xa2: {  	_ =	swait.ge [sflag:s23], $0x1  }
0xa3: {  	[sflag:s23] =	ssyncset.done $0x0  }
0xa4: {  	[sflag:s23] =	ssyncadd.s32 $0xFFFFFFFF  }
0xa5: {  	s5 =	sld [smem:$0x0]  }
0xa6: {  	s6 =	sand.u32 $0xFFFFFFFE, s1  }
0xa7: {  	p0 =	sne.s32 s1, s6  }
0xa8: {  	s6 =	sshll.u32 @p0 s6, $0xE  }
0xa9: {  	s6 =	sadd.s32 @p0 $0x11B8D, s6;
	s7 =	sshll.u32 @p0 s5, $0x11  }
0xaa: {  	s6 =	sor.u32 @p0 s7, s6  }
0xab: {  	[sflag:s6] =	ssyncadd.remote.s32 @p0 $0x1;
	_ =	sdelay $0x1  }
0xac: {  	s6 =	simm.s32 @p0 $0x1B8D  }
0xad: {  	_ =	swait.eq @p0 [sflag:s6], $0x1  }
0xae: {  	[sflag:s6] =	ssyncadd.s32 @p0 $0xFFFFFFFF  }
0xaf: {  	s7 =	sshll.u32 @!p0 s1, $0xE  }
0xb0: {  	s7 =	sor.u32 @!p0 $0x4000, s7;
	s6 =	simm.s32 @!p0 $0x1B8D  }
0xb1: {  	s5 =	sshll.u32 @!p0 s5, $0x11;
	s7 =	sadd.s32 @!p0 $0x11B8D, s7;
	_ =	swait.eq @!p0 [sflag:s6], $0x1  }
0xb2: {  	s5 =	sor.u32 @!p0 s5, s7;
	[sflag:s6] =	ssyncadd.s32 @!p0 $0xFFFFFFFF  }
0xb3: {  	s25 =	simm.s32 $0x1B8E;
	s24 =	sld [smem:$0x3FFE];
	[sflag:s5] =	ssyncadd.remote.s32 @!p0 $0x1  }
0xb4: {  	s26 =	simm.s32 $execute0_lowered;
	[smem:$0x3FD2] =	sst s25  }
0xb5: {  	s6 =	sshll.u32 s26, $0x1;
	_ =	strace $0x80000049;
	[dreg:$0x1] =	wrdreg $0xFFFFFFFF  }
0xb6: {  	s28 =	simm.s32 $_size_execute0_lowered;
	s4 =	sadd.s32 s4, s6;
	[dreg:$0x0] =	wrdreg $0x0  }
0xb7: {  	s6 =	sshll.u32 s28, $0x1;
	[dreg:$0x2] =	wrdreg s4  }
0xb8: {  	[dreg:$0x3] =	wrdreg s6  }
0xb9: {  	[dreg:$0x4] =	wrdreg $0xC0  }
0xba: {  	_ =	task [dreg:s22], $0x5FFFF  }
0xbb: {  	[dreg:$0x1] =	wrdreg $0xFFFFFFFF  }
0xbc: {  	[dreg:$0x0] =	wrdreg $0x60  }
0xbd: {  	[dreg:$0x2] =	wrdreg s18  }
0xbe: {  	[dreg:$0x3] =	wrdreg s24  }
0xbf: {  	[dreg:$0x4] =	wrdreg $0x0  }
0xc0: {  	[dreg:$0x5] =	wrdreg $0x9  }
0xc1: {  	_ =	task.clear_ibuf [dreg:s22], $0x6FFFF;
	_ =	strace $0x90000049  }
0xc2: {  	s29 =	simm.s32 $0x9;
	_ =	strace $0x8000004B  }
0xc3: {  	_ =	swait.ge [sflag:s29], $0x1  }
0xc4: {  	[sflag:s29] =	ssyncadd.s32 $0xFFFFFFFF  }
0xc5: {  	_ =	strace $0x9000004B  }
0xc6: {  	_ =	sfence  }
0xc7: {  	s30 =	sld [smem:$0x0];
	_ =	sdelay $0x2  }
0xc8: {  	s31 =	sshll.u32 s1, $0xD;
	s1 =	sshrl.u32 s1, $0x2  }
0xc9: {  	s4 =	sand.u32 $0x4000, s31;
	s1 =	sadd.s32 s1, s30  }
0xca: {  	s0 =	sor.u32 s4, s0;
	s1 =	sshll.u32 s1, $0x11  }
0xcb: {  	s0 =	sor.u32 s1, s0  }
0xcc: {  	s0 =	sadd.s32 $0x8F2B, s0  }
0xcd: {  	[sflag:s0] =	ssyncadd.remote.s32 $0x1  }
0xce: {  	_ =	sfence.sel $0xFFFF  }
0xcf: {  	[dreg:$0x0] =	wrdreg $0xFFFFFFFF;
	(pc) =	sbr.abs _section_cstart, $3  }
0xd0: {  	[dreg:$0x1] =	wrdreg $0xFFFFFFFF  }
0xd1: {  	_ =	task.clear_ibuf [dreg:s22], $0x2FFFF;
	_ =	strace $0x9FFFFFFF  }
0xd2: {  	(tm) =	ssettm $0x7FFFFFFF  }
0xd3: {  	_ =	shalt  }
tec
execute0_lowered:
.L_overlay_start_1:
0x0: {  	(tag) =	ssettag $0x1  }
0x1: {  	s1 =	rddreg [dreg:$0x0]  }
0x2: {  	s0 =	rddreg [dreg:$0x1]  }
0x3: {  	s2 =	rddreg [dreg:$0x2];
	s4 =	simm.s32 $0x0  }
0x4: {  	s3 =	srdreg.scid;
	s11 =	stileid.u32;
	s28 =	simm.s32 $0x14050  }
0x5: {  	s29 =	simm.s32 $0x141E0;
	s30 =	simm.s32 $0x1BA80;
	s31 =	simm.s32 $0x2  }
0x6: {  	[smem:$0x7FF] =	sst s4;
	s5 =	sadd.s32 $0x2600, s0;
	s6 =	smul.u32 $0x2800, s11  }
0x7: {  	s3 =	sand.u32 $0x1, s3;
	s7 =	sadd.s32 $0x16800, s0;
	s10 =	smul.u32 $0x50000, s11  }
0x8: {  	s14 =	smul.u32 $0x2710, s11;
	s15 =	sshll.u32 s11, $0x6;
	_ =	strace $0x8000004A  }
0x9: {  	[dreg:$0x7] =	wrdreg s7;
	s25 =	smul.u32 $0x28000, s3;
	s8 =	sshll.u32 s3, $0x4  }
0xa: {  	s9 =	ssub.s32 $0x2, s3;
	s3 =	smul.u32 $0x27100, s3;
	s15 =	sor.u32 $0x1C09, s15  }
0xb: {  	s8 =	sor.u32 s11, s8;
	s26 =	sshrl.u32 s9, $0x1;
	s13 =	sshrl.u32 s10, $0x2  }
0xc: {  	s10 =	simm.s32 $0x6;
	s11 =	simm.s32 $0x4;
	[dreg:$0x9] =	wrdreg s15  }
0xd: {  	s6 =	sadd.s32 s6, s25;
	s8 =	smul.u32 $0x2710, s8;
	s12 =	ssub.s32 s9, s26  }
0xe: {  	s7 =	sadd.s32 s13, s2;
	s3 =	sadd.s32 s14, s3;
	s13 =	simm.s32 $0x7  }
0xf: {  	s14 =	simm.s32 $0x8;
	s0 =	sadd.s32 s6, s0;
	s19 =	sadd.s32 $0x230, s3  }
0x10: {  	s21 =	sadd.s32 $0x1E0, s3;
	s22 =	sadd.s32 $0x190, s3;
	s6 =	smax.u32 s12, $0x1  }
0x11: {  	s26 =	sadd.s32 $0x140, s3;
	s3 =	simm.s32 $0x5;
	s12 =	simm.s32 $0x14230  }
0x12: {  	s8 =	sshrl.u32 s8, $0x3;
	s9 =	sshrl.u32 s21, $0x3;
	[dreg:$0xf] =	wrdreg s6  }
0x13: {  	s24 =	sshrl.u32 s22, $0x3;
	s0 =	sadd.s32 $0x19000, s0;
	[dreg:$0x10] =	wrdreg s26  }
0x14: {  	s21 =	simm.s32 $0x14280;
	s22 =	simm.s32 $0x140A0;
	s26 =	simm.s32 $0x1  }
0x15: {  	s6 =	simm.s32 $0x3;
	s16 =	sadd.s32 s5, s8;
	[dreg:$0xe] =	wrdreg s0  }
0x16: {  	s23 =	sadd.s32 s9, s5;
	s25 =	sadd.s32 s24, s5;
	[dreg:$0x8] =	wrdreg s16  }
0x17: {  	s24 =	simm.s32 $0x14140;
	s0 =	simm.s32 $0x140F0;
	[dreg:$0x5] =	wrdreg s23  }
0x18: {  	s9 =	simm.s32 $0x14190;
	s8 =	sadd.s32 $0xA, s16;
	[dreg:$0x6] =	wrdreg s25  }
0x19: {  	s17 =	sadd.s32 $0x14, s16;
	s18 =	sadd.s32 $0x1E, s16;
	[dreg:$0xa] =	wrdreg s8  }
0x1a: {  	s20 =	sadd.s32 $0x4D8, s16;
	s23 =	simm.s32 $0x16A80;
	[dreg:$0xb] =	wrdreg s17  }
0x1b: {  	s25 =	simm.s32 $0x19280;
	[dreg:$0xc] =	wrdreg s18;
	s8 =	sshrl.u32 s19, $0x3  }
0x1c: {  	[dreg:$0xd] =	wrdreg s20;
	s17 =	simm.s32 $0x9;
	s8 =	sadd.s32 s8, s5  }
0x1d: {  	s18 =	simm.s32 $0x50;
	[dreg:$0x4] =	wrdreg s8;
	s8 =	sshrl.u32 s7, $0x3  }
0x1e: {  	s19 =	simm.s32 $0x4E200;
	s20 =	simm.s32 $0x14000;
	[dreg:$0x11] =	wrdreg s8  }
.LBB2_1:
0x1f: {  	s7 =	rddreg [dreg:$0x7]  }
0x20: {  	[spmem:s8], [sflag:s15] =	dma.local [hbm:s7], $0x2800  }
0x21: {  	_ =	swait.ge [sflag:s17], $0x2800  }
0x22: {  	[sflag:s17] =	ssyncset.done $0x0  }
0x23: {  	[sflag:s17] =	ssyncadd.s32 $0xFFFFD800  }
0x24: {  	[bflag:$0x0] =	sbarrier.arrive $0xFFFF  }
0x25: {  	s8 =	rddreg [dreg:$0x8]  }
0x26: {  	[tilespmem:s20], [sflag:$0x9] =	stream.strided.gather [hbm4b:s8+s18], $0xA0, s19, s18, $0x38;
	[tilespmem:$0x1E280] =	vst v63  }
0x27: {  	_ =	swait.ge [sflag:s17], $0xA0  }
0x28: {  	[sflag:s17] =	ssyncset.done $0x0  }
0x29: {  	[sflag:s17] =	ssyncadd.s32 $0xFFFFFF60  }
0x2a: {  	[tilespmem:s21], [sflag:$0x1] =	stream.indirect.gather [hbm4b:s1+s18], $0x80, s20, s18, $0xb8;
	[tilespmem:$0x1E280] =	vst v63  }
0x2b: {  	s15 =	rddreg [dreg:$0xa]  }
0x2c: {  	[tilespmem:s22], [sflag:$0x9] =	stream.strided.gather [hbm4b:s15+s18], $0xA0, s19, s18, $0x38;
	[tilespmem:$0x1E280] =	vst v63  }
0x2d: {  	_ =	swait.ge [sflag:s17], $0xA0  }
0x2e: {  	[sflag:s17] =	ssyncset.done $0x0  }
0x2f: {  	[sflag:s17] =	ssyncadd.s32 $0xFFFFFF60  }
0x30: {  	[tilespmem:s23], [sflag:$0x2] =	stream.indirect.gather [hbm4b:s1+s18], $0x80, s22, s18, $0xb8;
	[tilespmem:$0x1E280] =	vst v63  }
0x31: {  	s16 =	rddreg [dreg:$0xb]  }
0x32: {  	[tilespmem:s24], [sflag:$0x9] =	stream.strided.gather [hbm4b:s16+s18], $0xA0, s19, s18, $0x38;
	[tilespmem:$0x1E280] =	vst v63  }
0x33: {  	_ =	swait.ge [sflag:s17], $0xA0  }
0x34: {  	[sflag:s17] =	ssyncset.done $0x0  }
0x35: {  	[sflag:s17] =	ssyncadd.s32 $0xFFFFFF60  }
0x36: {  	[tilespmem:s25], [sflag:$0x3] =	stream.indirect.gather [hbm4b:s1+s18], $0x80, s24, s18, $0xb8;
	[tilespmem:$0x1E280] =	vst v63  }
0x37: {  	_ =	swait.ge [sflag:s26], $0x2800  }
0x38: {  	[sflag:s26] =	ssyncset.done $0x0  }
0x39: {  	[sflag:s26] =	ssyncadd.s32 $0xFFFFD800  }
0x3a: {  	[spmem:s2] =	stream.indirect.scatter.add.f32 [tilespmem:s21], [sflag:$0x5], $0x80, s28, s18, $0xb8;
	[tilespmem:$0x1E280] =	vst v63  }
0x3b: {  	s8 =	rddreg [dreg:$0xc]  }
0x3c: {  	[tilespmem:s29], [sflag:$0x9] =	stream.strided.gather [hbm4b:s8+s18], $0xA0, s19, s18, $0x38;
	[tilespmem:$0x1E280] =	vst v63  }
0x3d: {  	_ =	swait.ge [sflag:s17], $0xA0  }
0x3e: {  	[sflag:s17] =	ssyncset.done $0x0  }
0x3f: {  	[sflag:s17] =	ssyncadd.s32 $0xFFFFFF60  }
0x40: {  	[tilespmem:s30], [sflag:$0x4] =	stream.indirect.gather [hbm4b:s1+s18], $0x80, s29, s18, $0xb8;
	[tilespmem:$0x1E280] =	vst v63  }
0x41: {  	_ =	swait.ge [sflag:s31], $0x2800  }
0x42: {  	[sflag:s31] =	ssyncset.done $0x0  }
0x43: {  	[sflag:s31] =	ssyncadd.s32 $0xFFFFD800  }
0x44: {  	[spmem:s2] =	stream.indirect.scatter.add.f32 [tilespmem:s23], [sflag:$0x6], $0x80, s0, s18, $0xb8;
	[tilespmem:$0x1E280] =	vst v63  }
0x45: {  	_ =	swait.ge [sflag:s3], $0x2800  }
0x46: {  	s8 =	rddreg [dreg:$0x10]  }
0x47: {  	[sflag:s3] =	ssyncset.done $0x0;
	s15 =	sshrl.u32 s8, $0x3  }
0x48: {  	[sflag:s3] =	ssyncadd.s32 $0xFFFFD800;
	s7 =	sadd.s32 s5, s15  }
0x49: {  	[tilespmem:s20], [sflag:$0x9] =	stream.strided.gather [hbm4b:s7+s18], $0xA0, s19, s18, $0x38;
	[tilespmem:$0x1E280] =	vst v63  }
0x4a: {  	_ =	swait.ge [sflag:s17], $0xA0  }
0x4b: {  	[sflag:s17] =	ssyncset.done $0x0  }
0x4c: {  	[sflag:s17] =	ssyncadd.s32 $0xFFFFFF60  }
0x4d: {  	[tilespmem:s21], [sflag:$0x1] =	stream.indirect.gather [hbm4b:s1+s18], $0x80, s20, s18, $0xb8;
	[tilespmem:$0x1E280] =	vst v63  }
0x4e: {  	_ =	swait.ge [sflag:s6], $0x2800  }
0x4f: {  	[sflag:s6] =	ssyncset.done $0x0  }
0x50: {  	[sflag:s6] =	ssyncadd.s32 $0xFFFFD800  }
0x51: {  	[spmem:s2] =	stream.indirect.scatter.add.f32 [tilespmem:s25], [sflag:$0x7], $0x80, s9, s18, $0xb8;
	[tilespmem:$0x1E280] =	vst v63  }
0x52: {  	_ =	swait.ge [sflag:s10], $0x2800  }
0x53: {  	s16 =	rddreg [dreg:$0x6];
	[sflag:s10] =	ssyncset.done $0x0  }
0x54: {  	[sflag:s10] =	ssyncadd.s32 $0xFFFFD800;
	s7 =	sadd.s32 $0x0, s16  }
0x55: {  	[tilespmem:s22], [sflag:$0x9] =	stream.strided.gather [hbm4b:s7+s18], $0xA0, s19, s18, $0x38;
	[tilespmem:$0x1E280] =	vst v63  }
0x56: {  	_ =	swait.ge [sflag:s17], $0xA0  }
0x57: {  	[sflag:s17] =	ssyncset.done $0x0  }
0x58: {  	[sflag:s17] =	ssyncadd.s32 $0xFFFFFF60  }
0x59: {  	[tilespmem:s23], [sflag:$0x2] =	stream.indirect.gather [hbm4b:s1+s18], $0x80, s22, s18, $0xb8;
	[tilespmem:$0x1E280] =	vst v63  }
0x5a: {  	_ =	swait.ge [sflag:s11], $0x2800  }
0x5b: {  	[sflag:s11] =	ssyncset.done $0x0  }
0x5c: {  	[sflag:s11] =	ssyncadd.s32 $0xFFFFD800  }
0x5d: {  	[spmem:s2] =	stream.indirect.scatter.add.f32 [tilespmem:s30], [sflag:$0x8], $0x80, s12, s18, $0xb8;
	[tilespmem:$0x1E280] =	vst v63  }
0x5e: {  	_ =	swait.ge [sflag:s13], $0x2800  }
0x5f: {  	s15 =	rddreg [dreg:$0x5];
	[sflag:s13] =	ssyncset.done $0x0  }
0x60: {  	[sflag:s13] =	ssyncadd.s32 $0xFFFFD800;
	s7 =	sadd.s32 $0x0, s15  }
0x61: {  	[tilespmem:s24], [sflag:$0x9] =	stream.strided.gather [hbm4b:s7+s18], $0xA0, s19, s18, $0x38;
	[tilespmem:$0x1E280] =	vst v63  }
0x62: {  	_ =	swait.ge [sflag:s17], $0xA0  }
0x63: {  	[sflag:s17] =	ssyncset.done $0x0  }
0x64: {  	[sflag:s17] =	ssyncadd.s32 $0xFFFFFF60  }
0x65: {  	[tilespmem:s25], [sflag:$0x3] =	stream.indirect.gather [hbm4b:s1+s18], $0x80, s24, s18, $0xb8;
	[tilespmem:$0x1E280] =	vst v63  }
0x66: {  	_ =	swait.ge [sflag:s26], $0x2800  }
0x67: {  	[sflag:s26] =	ssyncset.done $0x0  }
0x68: {  	[sflag:s26] =	ssyncadd.s32 $0xFFFFD800  }
0x69: {  	[spmem:s2] =	stream.indirect.scatter.add.f32 [tilespmem:s21], [sflag:$0x5], $0x80, s28, s18, $0xb8;
	[tilespmem:$0x1E280] =	vst v63  }
0x6a: {  	_ =	swait.ge [sflag:s14], $0x2800  }
0x6b: {  	s16 =	rddreg [dreg:$0x4];
	[sflag:s14] =	ssyncset.done $0x0  }
0x6c: {  	[sflag:s14] =	ssyncadd.s32 $0xFFFFD800;
	s7 =	sadd.s32 $0x0, s16  }
0x6d: {  	[tilespmem:s29], [sflag:$0x9] =	stream.strided.gather [hbm4b:s7+s18], $0xA0, s19, s18, $0x38;
	[tilespmem:$0x1E280] =	vst v63  }
0x6e: {  	_ =	swait.ge [sflag:s17], $0xA0  }
0x6f: {  	[sflag:s17] =	ssyncset.done $0x0  }
0x70: {  	[sflag:s17] =	ssyncadd.s32 $0xFFFFFF60  }
0x71: {  	[tilespmem:s30], [sflag:$0x4] =	stream.indirect.gather [hbm4b:s1+s18], $0x80, s29, s18, $0xb8;
	[tilespmem:$0x1E280] =	vst v63  }
0x72: {  	_ =	swait.ge [sflag:s31], $0x2800  }
0x73: {  	[sflag:s31] =	ssyncset.done $0x0  }
0x74: {  	s8 =	sadd.s32 $0x140, s8;
	s7 =	simm.s32 $0x28;
	[sflag:s31] =	ssyncadd.s32 $0xFFFFD800  }
.LBB2_2:
0x75: {  	[spmem:s2] =	stream.indirect.scatter.add.f32 [tilespmem:s23], [sflag:$0x6], $0x80, s0, s18, $0xb8;
	[tilespmem:$0x1E280] =	vst v63  }
0x76: {  	_ =	swait.ge [sflag:s3], $0x2800  }
0x77: {  	s16 =	sshrl.u32 s8, $0x3;
	[sflag:s3] =	ssyncset.done $0x0  }
0x78: {  	s16 =	sadd.s32 s5, s16;
	[sflag:s3] =	ssyncadd.s32 $0xFFFFD800  }
0x79: {  	[tilespmem:s20], [sflag:$0x9] =	stream.strided.gather [hbm4b:s16+s18], $0xA0, s19, s18, $0x38;
	[tilespmem:$0x1E280] =	vst v63  }
0x7a: {  	_ =	swait.ge [sflag:s17], $0xA0  }
0x7b: {  	[sflag:s17] =	ssyncset.done $0x0  }
0x7c: {  	[sflag:s17] =	ssyncadd.s32 $0xFFFFFF60  }
0x7d: {  	[tilespmem:s21], [sflag:$0x1] =	stream.indirect.gather [hbm4b:s1+s18], $0x80, s20, s18, $0xb8;
	[tilespmem:$0x1E280] =	vst v63  }
0x7e: {  	_ =	swait.ge [sflag:s6], $0x2800  }
0x7f: {  	[sflag:s6] =	ssyncset.done $0x0  }
0x80: {  	[sflag:s6] =	ssyncadd.s32 $0xFFFFD800  }
0x81: {  	[spmem:s2] =	stream.indirect.scatter.add.f32 [tilespmem:s25], [sflag:$0x7], $0x80, s9, s18, $0xb8;
	[tilespmem:$0x1E280] =	vst v63  }
0x82: {  	_ =	swait.ge [sflag:s10], $0x2800  }
0x83: {  	s15 =	smov.u32 s7;
	s16 =	rddreg [dreg:$0x6];
	[sflag:s10] =	ssyncset.done $0x0  }
0x84: {  	[sflag:s10] =	ssyncadd.s32 $0xFFFFD800;
	s16 =	sadd.s32 s15, s16  }
0x85: {  	[tilespmem:s22], [sflag:$0x9] =	stream.strided.gather [hbm4b:s16+s18], $0xA0, s19, s18, $0x38;
	[tilespmem:$0x1E280] =	vst v63  }
0x86: {  	_ =	swait.ge [sflag:s17], $0xA0  }
0x87: {  	[sflag:s17] =	ssyncset.done $0x0  }
0x88: {  	[sflag:s17] =	ssyncadd.s32 $0xFFFFFF60  }
0x89: {  	[tilespmem:s23], [sflag:$0x2] =	stream.indirect.gather [hbm4b:s1+s18], $0x80, s22, s18, $0xb8;
	[tilespmem:$0x1E280] =	vst v63  }
0x8a: {  	_ =	swait.ge [sflag:s11], $0x2800  }
0x8b: {  	[sflag:s11] =	ssyncset.done $0x0  }
0x8c: {  	[sflag:s11] =	ssyncadd.s32 $0xFFFFD800  }
0x8d: {  	[spmem:s2] =	stream.indirect.scatter.add.f32 [tilespmem:s30], [sflag:$0x8], $0x80, s12, s18, $0xb8;
	[tilespmem:$0x1E280] =	vst v63  }
0x8e: {  	_ =	swait.ge [sflag:s13], $0x2800  }
0x8f: {  	s16 =	rddreg [dreg:$0x5];
	[sflag:s13] =	ssyncset.done $0x0  }
0x90: {  	[sflag:s13] =	ssyncadd.s32 $0xFFFFD800;
	s16 =	sadd.s32 s15, s16  }
0x91: {  	[tilespmem:s24], [sflag:$0x9] =	stream.strided.gather [hbm4b:s16+s18], $0xA0, s19, s18, $0x38;
	[tilespmem:$0x1E280] =	vst v63  }
0x92: {  	_ =	swait.ge [sflag:s17], $0xA0  }
0x93: {  	[sflag:s17] =	ssyncset.done $0x0  }
0x94: {  	[sflag:s17] =	ssyncadd.s32 $0xFFFFFF60  }
0x95: {  	[tilespmem:s25], [sflag:$0x3] =	stream.indirect.gather [hbm4b:s1+s18], $0x80, s24, s18, $0xb8;
	[tilespmem:$0x1E280] =	vst v63  }
0x96: {  	_ =	swait.ge [sflag:s26], $0x2800  }
0x97: {  	[sflag:s26] =	ssyncset.done $0x0  }
0x98: {  	[sflag:s26] =	ssyncadd.s32 $0xFFFFD800  }
0x99: {  	[spmem:s2] =	stream.indirect.scatter.add.f32 [tilespmem:s21], [sflag:$0x5], $0x80, s28, s18, $0xb8;
	[tilespmem:$0x1E280] =	vst v63  }
0x9a: {  	_ =	swait.ge [sflag:s14], $0x2800  }
0x9b: {  	s16 =	rddreg [dreg:$0x4];
	[sflag:s14] =	ssyncset.done $0x0  }
0x9c: {  	[sflag:s14] =	ssyncadd.s32 $0xFFFFD800;
	s15 =	sadd.s32 s15, s16  }
0x9d: {  	[tilespmem:s29], [sflag:$0x9] =	stream.strided.gather [hbm4b:s15+s18], $0xA0, s19, s18, $0x38;
	[tilespmem:$0x1E280] =	vst v63  }
0x9e: {  	_ =	swait.ge [sflag:s17], $0xA0  }
0x9f: {  	p0 =	sne.s32 s7, $0x488;
	[sflag:s17] =	ssyncset.done $0x0  }
.Ltmp0:
0xa0: {  	[sflag:s17] =	ssyncadd.s32 $0xFFFFFF60;
	(pc) =	sbr.rel @p0 .LBB2_2-.Ltmp0, $4  }
0xa1: {  	[tilespmem:s30], [sflag:$0x4] =	stream.indirect.gather [hbm4b:s1+s18], $0x80, s29, s18, $0xb8;
	[tilespmem:$0x1E280] =	vst v63  }
0xa2: {  	_ =	swait.ge [sflag:s31], $0x2800  }
0xa3: {  	[sflag:s31] =	ssyncset.done $0x0  }
0xa4: {  	s7 =	sadd.s32 $0x28, s7;
	s8 =	sadd.s32 $0x140, s8;
	[sflag:s31] =	ssyncadd.s32 $0xFFFFD800  }
0xa5: {  	[spmem:s2] =	stream.indirect.scatter.add.f32 [tilespmem:s23], [sflag:$0x6], $0x80, s0, s18, $0xb8;
	[tilespmem:$0x1E280] =	vst v63  }
0xa6: {  	_ =	swait.ge [sflag:s3], $0x2800  }
0xa7: {  	[sflag:s3] =	ssyncset.done $0x0  }
0xa8: {  	s7 =	rddreg [dreg:$0xd];
	[sflag:s3] =	ssyncadd.s32 $0xFFFFD800  }
0xa9: {  	[tilespmem:s20], [sflag:$0x9] =	stream.strided.gather [hbm4b:s7+s18], $0xA0, s19, s18, $0x38;
	[tilespmem:$0x1E280] =	vst v63  }
0xaa: {  	_ =	swait.ge [sflag:s17], $0xA0  }
0xab: {  	[sflag:s17] =	ssyncset.done $0x0  }
0xac: {  	[sflag:s17] =	ssyncadd.s32 $0xFFFFFF60  }
0xad: {  	[tilespmem:s21], [sflag:$0x1] =	stream.indirect.gather [hbm4b:s1+s18], $0x80, s20, s18, $0xb8;
	[tilespmem:$0x1E280] =	vst v63  }
0xae: {  	_ =	swait.ge [sflag:s6], $0x2800  }
0xaf: {  	[sflag:s6] =	ssyncset.done $0x0  }
0xb0: {  	[sflag:s6] =	ssyncadd.s32 $0xFFFFD800  }
0xb1: {  	[spmem:s2] =	stream.indirect.scatter.add.f32 [tilespmem:s25], [sflag:$0x7], $0x80, s9, s18, $0xb8;
	[tilespmem:$0x1E280] =	vst v63  }
0xb2: {  	_ =	swait.ge [sflag:s11], $0x2800  }
0xb3: {  	[sflag:s11] =	ssyncset.done $0x0  }
0xb4: {  	[sflag:s11] =	ssyncadd.s32 $0xFFFFD800  }
0xb5: {  	[spmem:s2] =	stream.indirect.scatter.add.f32 [tilespmem:s30], [sflag:$0x8], $0x80, s12, s18, $0xb8;
	[tilespmem:$0x1E280] =	vst v63  }
0xb6: {  	_ =	swait.ge [sflag:s26], $0x2800  }
0xb7: {  	[sflag:s26] =	ssyncset.done $0x0  }
0xb8: {  	[sflag:s26] =	ssyncadd.s32 $0xFFFFD800  }
0xb9: {  	[spmem:s2] =	stream.indirect.scatter.add.f32 [tilespmem:s21], [sflag:$0x5], $0x80, s28, s18, $0xb8;
	[tilespmem:$0x1E280] =	vst v63  }
0xba: {  	_ =	swait.ge [sflag:s3], $0x2800  }
0xbb: {  	[sflag:s3] =	ssyncset.done $0x0  }
0xbc: {  	[sflag:s3] =	ssyncadd.s32 $0xFFFFD800  }
0xbd: {  	_ =	swait.ge [sflag:s10], $0x2800  }
0xbe: {  	[sflag:s10] =	ssyncset.done $0x0  }
0xbf: {  	[sflag:s10] =	ssyncadd.s32 $0xFFFFD800  }
0xc0: {  	_ =	swait.ge [sflag:s13], $0x2800  }
0xc1: {  	[sflag:s13] =	ssyncset.done $0x0  }
0xc2: {  	[sflag:s13] =	ssyncadd.s32 $0xFFFFD800  }
0xc3: {  	_ =	swait.ge [sflag:s14], $0x2800  }
0xc4: {  	[sflag:s14] =	ssyncset.done $0x0  }
0xc5: {  	[sflag:s14] =	ssyncadd.s32 $0xFFFFD800  }
0xc6: {  	[bflag:$0x0] =	sbarrier.arrive $0xFFFF  }
0xc7: {  	s15 =	rddreg [dreg:$0x9]  }
0xc8: {  	s16 =	rddreg [dreg:$0xe]  }
0xc9: {  	s8 =	rddreg [dreg:$0x11]  }
0xca: {  	[hbm:s16], [sflag:s15] =	dma.local [spmem:s8], $0x2800  }
0xcb: {  	_ =	swait.ge [sflag:s17], $0x2800  }
0xcc: {  	s4 =	sadd.s32 $0x1, s4;
	s16 =	rddreg [dreg:$0xf]  }
0xcd: {  	p0 =	sne.s32 s4, s16  }
.Ltmp1:
0xce: {  	_ = 	snop;
	(pc) =	sbr.rel @p0 .LBB2_1-.Ltmp1, $3  }
0xcf: {  	_ =	sdelay $0x1  }
0xd0: {  	[sflag:s17] =	ssyncset.done $0x0  }
0xd1: {  	[sflag:s17] =	ssyncadd.s32 $0xFFFFD800  }
0xd2: {  	_ =	sfence.sel $0x180000  }
0xd3: {  	[bflag:$0x0] =	sbarrier.arrive $0xFFFF  }
0xd4: {  	_ =	strace $0x9000004A  }
0xd5: {  	s0 =	stileid.u32;
	[bflag:$0x2] =	sbarrier.arrive $0xFFFF  }
0xd6: {  	p0 =	sne.s32 s0, $0x0;
	s0 =	rddreg [dreg:$0x3]  }
0xd7: {  	s0 =	sadd.s32 @!p0 $0x100000, s0  }
0xd8: {  	[sflag:s0] =	ssyncadd.tile.s32 @!p0 $0x1;
	_ =	shalt  }
.Lfunc_end2:
_tile_overlayer_lowered:
.L_overlay_start_2:
0xd9: {  	(tag) =	ssettag $0x2  }
0xda: {  	s0 =	rddreg [dreg:$0x0];
	s2 =	stileid.u32  }
0xdb: {  	s1 =	rddreg [dreg:$0x1];
	p0 =	sne.s32 s2, $0x0  }
0xdc: {  	s3 =	rddreg [dreg:$0x2];
	[bflag:$0x3] =	sbarrier.arrive $0xFFFF;
	s2 =	simm.s32 @!p0 $0x1C09  }
0xdd: {  	[timem:s3], [sflag:s2] =	dma.local @!p0 [hbm:s0], s1  }
0xde: {  	s0 =	simm.s32 @!p0 $0x9  }
0xdf: {  	_ =	swait.ge @!p0 [sflag:s0], s1  }
0xe0: {  	s1 =	ssub.s32 @!p0 $0x0, s1;
	[sflag:s0] =	ssyncset.done @!p0 $0x0  }
0xe1: {  	[sflag:s0] =	ssyncadd.s32 @!p0 s1  }
0xe2: {  	[bflag:$0x3] =	sbarrier.arrive $0xFFFF  }
0xe3: {  	_ =	shalt  }

</sc_bundles>
